<compile_context>
chip_gen: v7x
topology: tpu7x:2x2x1
jax: 0.10.2.dev20260603
libtpu: 0.0.44.dev20260713+nightly
codegen_flags: <defaults>
</compile_context>

<pallas_src>
import functools

import jax
import jax.numpy as jnp
from jax import lax
from jax.experimental import pallas as pl
from jax.experimental.pallas import tpu as pltpu
from jax.experimental.pallas import tpu_sc as plsc

_LANES = 16


@functools.lru_cache(maxsize=None)
def _build(B, N, K, dtype_name):
    dtype = jnp.dtype(dtype_name)
    info = plsc.get_sparse_core_info()
    NC, NS = info.num_cores, info.num_subcores
    NW = NC * NS
    FLAT = B * N
    assert FLAT % NW == 0
    PER = FLAT // NW
    C = 16000
    NBUF = 5
    assert PER % C == 0
    NCH = PER // C
    assert NCH % NBUF == 0
    NG = NCH // NBUF
    TI = B * K
    NP = NG
    assert TI % NP == 0
    PK = TI // NP
    assert PK % _LANES == 0
    PV = PK // _LANES
    UNROLL = 4
    assert PV % UNROLL == 0
    CAPN = 12800
    CROWS = CAPN // 128
    TCB = B // 128

    mesh = plsc.VectorSubcoreMesh(core_axis_name="c", subcore_axis_name="s")

    @functools.partial(
        pl.kernel,
        out_type=jax.ShapeDtypeStruct((FLAT,), dtype),
        mesh=mesh,
        scratch_types=(
            [pltpu.VMEM_SHARED((NS, C), dtype)] * NBUF
            + [pltpu.VMEM((PK,), jnp.int32)] * 2
            + [pltpu.VMEM((PK,), dtype)] * 2
            + [
                pltpu.VMEM((CROWS, 128), jnp.int32),
                pltpu.VMEM((CROWS, 128), dtype),
            ]
            + [pltpu.SemaphoreType.DMA] * NBUF
            + [pltpu.SemaphoreType.DMA] * NBUF
            + [pltpu.SemaphoreType.DMA] * 2
            + [pltpu.SemaphoreType.DMA] * 2
            + [pltpu.SemaphoreType.DMA]
        ),
        compiler_params=pltpu.CompilerParams(
            needs_layout_passes=False,
            disable_bounds_checks=True,
        ),
    )
    def run(x_hbm, idx_hbm, src_hbm, out_hbm, *scratch):
        bufs = scratch[:NBUF]
        ibufs = scratch[NBUF:NBUF + 2]
        sbufs = scratch[NBUF + 2:NBUF + 4]
        wlp, wlv = scratch[NBUF + 4], scratch[NBUF + 5]
        rsem = scratch[NBUF + 6:2 * NBUF + 6]
        wsem = scratch[2 * NBUF + 6:3 * NBUF + 6]
        isem = scratch[3 * NBUF + 6:3 * NBUF + 8]
        ssem = scratch[3 * NBUF + 8:3 * NBUF + 10]
        csem = scratch[3 * NBUF + 10]
        sid = lax.axis_index("s")
        wid = sid * NC + lax.axis_index("c")
        lanes = lax.iota(jnp.int32, _LANES)
        F0 = wid * PER

        def start_read(b, t):
            pltpu.async_copy(x_hbm.at[pl.ds(F0 + t * C, C)], bufs[b].at[sid],
                             rsem[b])

        def wait_read(b):
            pltpu.make_async_copy(x_hbm.at[pl.ds(0, C)], bufs[b].at[sid],
                                  rsem[b]).wait()

        def start_write(b, t):
            pltpu.async_copy(bufs[b].at[sid], out_hbm.at[pl.ds(F0 + t * C, C)],
                             wsem[b])

        def wait_write(b):
            pltpu.make_async_copy(bufs[b].at[sid], out_hbm.at[pl.ds(0, C)],
                                  wsem[b]).wait()

        def start_piece(p, par):
            pltpu.async_copy(idx_hbm.at[pl.ds(p * PK, PK)], ibufs[par],
                             isem[par])
            pltpu.async_copy(src_hbm.at[pl.ds(p * PK, PK)], sbufs[par],
                             ssem[par])

        def wait_piece(par):
            pltpu.make_async_copy(idx_hbm.at[pl.ds(0, PK)], ibufs[par],
                                  isem[par]).wait()
            pltpu.make_async_copy(src_hbm.at[pl.ds(0, PK)], sbufs[par],
                                  ssem[par]).wait()

        def scan_piece(p, par, carry):
            ib, sb = ibufs[par], sbufs[par]
            pbase = p * PK

            def one(off, carry):
                cnt, lp, lv, lm = carry
                j = ib[pl.ds(off, _LANES)]
                s = sb[pl.ds(off, _LANES)]
                pos = (pbase + off) + lanes
                i = pos // K
                phys = ((j >> 3) * (TCB * 1024) + ((i >> 7) << 10)
                        + ((j & 7) << 7) + (i & 127))
                m = (phys >= F0) & (phys < F0 + PER)
                mi = m.astype(jnp.int32)
                pc = plsc.cumsum(mi)
                tot = jnp.sum(mi)
                slot = cnt + pc - 1
                keep = m & (slot < CAPN)
                slot = jnp.where(keep, slot, 0)
                plsc.store_scatter(wlp, [slot >> 7, slot & 127], phys,
                                   mask=keep)
                plsc.store_scatter(wlv, [slot >> 7, slot & 127], s,
                                   mask=keep)
                some = tot > 0
                return (cnt + tot,
                        jnp.where(some, phys, lp),
                        jnp.where(some, s, lv),
                        jnp.where(some, mi, lm))

            def vbody(u, carry):
                for q in range(UNROLL):
                    carry = one(u * (UNROLL * _LANES) + q * _LANES, carry)
                return carry

            return lax.fori_loop(0, PV // UNROLL, vbody, carry)

        for b in range(NBUF):
            start_read(b, b)
        start_piece(0, 0)

        def group(g, par, carry, prefetch):
            for b in range(NBUF):
                wait_read(b)
                start_write(b, g * NBUF + b)
            wait_piece(par)
            carry = scan_piece(g, par, carry)
            if prefetch:
                start_piece(g + 1, 1 - par)
                for b in range(NBUF):
                    wait_write(b)
                    start_read(b, (g + 1) * NBUF + b)
            return carry

        carry0 = (jnp.int32(0), jnp.zeros((_LANES,), jnp.int32),
                  jnp.zeros((_LANES,), dtype), jnp.zeros((_LANES,), jnp.int32))

        assert NG % 2 == 0

        def body(h, carry):
            g = h * 2
            carry = group(g, 0, carry, prefetch=True)
            carry = group(g + 1, 1, carry, prefetch=True)
            return carry

        carry = lax.fori_loop(0, NG // 2 - 1, body, carry0)
        carry = group(NG - 2, 0, carry, prefetch=True)
        cnt, lp_v, lv_v, lm_v = group(NG - 1, 1, carry, prefetch=False)
        for b in range(NBUF):
            wait_write(b)

        cl = jnp.minimum(cnt, CAPN)
        pcl = plsc.cumsum(lm_v)
        is_last = (lm_v > 0) & (pcl == jnp.sum(lm_v))
        lp = jnp.sum(jnp.where(is_last, lp_v, 0))
        lv = jnp.sum(jnp.where(is_last, lv_v, jnp.zeros((), dtype)))
        rnd = ((cl + 127) // 128) * 128
        for kpad in range(128 // _LANES):
            slotv = cl + kpad * _LANES + lanes
            mk = slotv < rnd
            slotv = jnp.where(mk, slotv, 0)
            plsc.store_scatter(wlp, [slotv >> 7, slotv & 127],
                               jnp.full((_LANES,), 1, jnp.int32) * lp,
                               mask=mk)
            plsc.store_scatter(wlv, [slotv >> 7, slotv & 127],
                               jnp.full((_LANES,), 1, dtype) * lv,
                               mask=mk)

        npieces = rnd // 128

        def fire(k, c):
            pltpu.async_copy(wlv.at[k], out_hbm.at[wlp.at[k]], csem)
            return c

        def drain(k, c):
            pltpu.make_async_copy(wlv.at[0], out_hbm.at[wlp.at[0]],
                                  csem).wait()
            return c

        lax.fori_loop(0, npieces, fire, 0)
        lax.fori_loop(0, npieces, drain, 0)

    return run


def kernel(x, indices, src):
    B, N = x.shape
    K = indices.shape[1]
    run = _build(B, N, K, jnp.dtype(x.dtype).name)
    xflat = (x.T.reshape(N // 8, 8, B // 128, 128)
             .transpose(0, 2, 1, 3).reshape(-1))
    outflat = run(
        xflat,
        indices.astype(jnp.int32).reshape(-1),
        src.astype(x.dtype).reshape(-1),
    )
    return (outflat.reshape(N // 8, B // 128, 8, 128)
            .transpose(0, 2, 1, 3).reshape(N, B).T)

# --- scband reference (transcript-rebuilt; emitter-appended) ---
"""Pipeline reference for scband-scatter-op-15994458210796 (READ-ONLY COPY).

The authoritative reference and input builder live on the scoring server;
editing this copy changes nothing except your own understanding.
"""

import jax, jax.numpy as jnp
import numpy as np


def setup_inputs(seed: int = 0) -> dict:
    key = jax.random.key(seed)
    k1, k2, k3 = jax.random.split(key, 3)
    x = jax.random.normal(k1, (1024, 100000), dtype=jnp.float32)
    indices = jax.random.randint(k2, (1024, 200), 0, 100000, dtype=jnp.int64)
    src = jax.random.normal(k3, (1024, 200), dtype=jnp.float32)
    return {"x": x, "indices": indices, "src": src}


def reference(x, indices, src):
    # torch.scatter(x, dim=1, index=indices, src=src):
    # out[i, indices[i, j]] = src[i, j]; all other positions copy x.
    B = x.shape[0]
    rows = jnp.arange(B, dtype=indices.dtype)[:, None]  # [B, 1] broadcast against [B, K]
    out = x.at[rows, indices].set(src)
    return out

if __name__ == "__main__":
    import jax
    _d = setup_inputs()
    print(jax.jit(kernel)(*tuple(_d.values())))

</pallas_src>

<mosaic_0001>
#map = affine_map<(d0, d1) -> (0)>
module attributes {stable_mosaic.version = 14 : i64} {
  func.func @run(%arg0: i32, %arg1: i32, %arg2: memref<102400000xf32, #tpu.memory_space<hbm>>, %arg3: memref<204800xi32, #tpu.memory_space<hbm>>, %arg4: memref<204800xf32, #tpu.memory_space<hbm>>, %arg5: memref<102400000xf32, #tpu.memory_space<hbm>>, %arg6: memref<16x16000xf32, #tpu.memory_space<vmem_shared>>, %arg7: memref<16x16000xf32, #tpu.memory_space<vmem_shared>>, %arg8: memref<16x16000xf32, #tpu.memory_space<vmem_shared>>, %arg9: memref<16x16000xf32, #tpu.memory_space<vmem_shared>>, %arg10: memref<16x16000xf32, #tpu.memory_space<vmem_shared>>, %arg11: memref<5120xi32, #tpu.memory_space<vmem>>, %arg12: memref<5120xi32, #tpu.memory_space<vmem>>, %arg13: memref<5120xf32, #tpu.memory_space<vmem>>, %arg14: memref<5120xf32, #tpu.memory_space<vmem>>, %arg15: memref<100x128xi32, #tpu.memory_space<vmem>>, %arg16: memref<100x128xf32, #tpu.memory_space<vmem>>, %arg17: memref<!tpu.dma_semaphore, #tpu.memory_space<semaphore_mem>>, %arg18: memref<!tpu.dma_semaphore, #tpu.memory_space<semaphore_mem>>, %arg19: memref<!tpu.dma_semaphore, #tpu.memory_space<semaphore_mem>>, %arg20: memref<!tpu.dma_semaphore, #tpu.memory_space<semaphore_mem>>, %arg21: memref<!tpu.dma_semaphore, #tpu.memory_space<semaphore_mem>>, %arg22: memref<!tpu.dma_semaphore, #tpu.memory_space<semaphore_mem>>, %arg23: memref<!tpu.dma_semaphore, #tpu.memory_space<semaphore_mem>>, %arg24: memref<!tpu.dma_semaphore, #tpu.memory_space<semaphore_mem>>, %arg25: memref<!tpu.dma_semaphore, #tpu.memory_space<semaphore_mem>>, %arg26: memref<!tpu.dma_semaphore, #tpu.memory_space<semaphore_mem>>, %arg27: memref<!tpu.dma_semaphore, #tpu.memory_space<semaphore_mem>>, %arg28: memref<!tpu.dma_semaphore, #tpu.memory_space<semaphore_mem>>, %arg29: memref<!tpu.dma_semaphore, #tpu.memory_space<semaphore_mem>>, %arg30: memref<!tpu.dma_semaphore, #tpu.memory_space<semaphore_mem>>, %arg31: memref<!tpu.dma_semaphore, #tpu.memory_space<semaphore_mem>>) attributes {dimension_semantics = [#tpu.dimension_semantics<core_parallel>, #tpu.dimension_semantics<subcore_parallel>], iteration_bounds = array<i64: 2, 16>, scalar_prefetch = 0 : i64, scratch_operands = 26 : i64, tpu.core_type = #tpu.core_type<sc_vector_subcore>, window_params = [{transform_indices = #map}, {transform_indices = #map}, {transform_indices = #map}, {transform_indices = #map}]} {
    %mul3A = arith.constant 2 : i32
    %mul3A_0 = arith.muli %arg1, %mul3A : i32
    %add3A = arith.addi %mul3A_0, %arg0 : i32
    %iota3A = tpu.iota {dimensions = array<i32: 0>} : vector<16xi32>
    %mul3A_1 = arith.constant 3200000 : i32
    %mul3A_2 = arith.muli %add3A, %mul3A_1 : i32
    %add3A_3 = arith.constant 0 : i32
    %add3A_4 = arith.addi %mul3A_2, %add3A_3 : i32
    %dma_start3A = arith.constant 0 : i32
    %dma_start3A_5 = tpu.memref_slice %arg6[%arg1, %dma_start3A] : memref<16x16000xf32, #tpu.memory_space<vmem_shared>> -> memref<1x16000xf32, #tpu.memory_space<vmem_shared>>
    %dma_start3A_6 = tpu.memref_squeeze %dma_start3A_5 : memref<1x16000xf32, #tpu.memory_space<vmem_shared>> -> memref<16000xf32, #tpu.memory_space<vmem_shared>>
    %dma_start3A_7 = tpu.memref_slice %arg2[%add3A_4] : memref<102400000xf32, #tpu.memory_space<hbm>> -> memref<16000xf32, #tpu.memory_space<hbm>>
    tpu.enqueue_dma source(%dma_start3A_7 : memref<16000xf32, #tpu.memory_space<hbm>>) target(%dma_start3A_6 : memref<16000xf32, #tpu.memory_space<vmem_shared>>) target_semaphore(%arg17 : memref<!tpu.dma_semaphore, #tpu.memory_space<semaphore_mem>>)
    %add3A_8 = arith.constant 16000 : i32
    %add3A_9 = arith.addi %mul3A_2, %add3A_8 : i32
    %dma_start3A_10 = arith.constant 0 : i32
    %dma_start3A_11 = tpu.memref_slice %arg7[%arg1, %dma_start3A_10] : memref<16x16000xf32, #tpu.memory_space<vmem_shared>> -> memref<1x16000xf32, #tpu.memory_space<vmem_shared>>
    %dma_start3A_12 = tpu.memref_squeeze %dma_start3A_11 : memref<1x16000xf32, #tpu.memory_space<vmem_shared>> -> memref<16000xf32, #tpu.memory_space<vmem_shared>>
    %dma_start3A_13 = tpu.memref_slice %arg2[%add3A_9] : memref<102400000xf32, #tpu.memory_space<hbm>> -> memref<16000xf32, #tpu.memory_space<hbm>>
    tpu.enqueue_dma source(%dma_start3A_13 : memref<16000xf32, #tpu.memory_space<hbm>>) target(%dma_start3A_12 : memref<16000xf32, #tpu.memory_space<vmem_shared>>) target_semaphore(%arg18 : memref<!tpu.dma_semaphore, #tpu.memory_space<semaphore_mem>>)
    %add3A_14 = arith.constant 32000 : i32
    %add3A_15 = arith.addi %mul3A_2, %add3A_14 : i32
    %dma_start3A_16 = arith.constant 0 : i32
    %dma_start3A_17 = tpu.memref_slice %arg8[%arg1, %dma_start3A_16] : memref<16x16000xf32, #tpu.memory_space<vmem_shared>> -> memref<1x16000xf32, #tpu.memory_space<vmem_shared>>
    %dma_start3A_18 = tpu.memref_squeeze %dma_start3A_17 : memref<1x16000xf32, #tpu.memory_space<vmem_shared>> -> memref<16000xf32, #tpu.memory_space<vmem_shared>>
    %dma_start3A_19 = tpu.memref_slice %arg2[%add3A_15] : memref<102400000xf32, #tpu.memory_space<hbm>> -> memref<16000xf32, #tpu.memory_space<hbm>>
    tpu.enqueue_dma source(%dma_start3A_19 : memref<16000xf32, #tpu.memory_space<hbm>>) target(%dma_start3A_18 : memref<16000xf32, #tpu.memory_space<vmem_shared>>) target_semaphore(%arg19 : memref<!tpu.dma_semaphore, #tpu.memory_space<semaphore_mem>>)
    %add3A_20 = arith.constant 48000 : i32
    %add3A_21 = arith.addi %mul3A_2, %add3A_20 : i32
    %dma_start3A_22 = arith.constant 0 : i32
    %dma_start3A_23 = tpu.memref_slice %arg9[%arg1, %dma_start3A_22] : memref<16x16000xf32, #tpu.memory_space<vmem_shared>> -> memref<1x16000xf32, #tpu.memory_space<vmem_shared>>
    %dma_start3A_24 = tpu.memref_squeeze %dma_start3A_23 : memref<1x16000xf32, #tpu.memory_space<vmem_shared>> -> memref<16000xf32, #tpu.memory_space<vmem_shared>>
    %dma_start3A_25 = tpu.memref_slice %arg2[%add3A_21] : memref<102400000xf32, #tpu.memory_space<hbm>> -> memref<16000xf32, #tpu.memory_space<hbm>>
    tpu.enqueue_dma source(%dma_start3A_25 : memref<16000xf32, #tpu.memory_space<hbm>>) target(%dma_start3A_24 : memref<16000xf32, #tpu.memory_space<vmem_shared>>) target_semaphore(%arg20 : memref<!tpu.dma_semaphore, #tpu.memory_space<semaphore_mem>>)
    %add3A_26 = arith.constant 64000 : i32
    %add3A_27 = arith.addi %mul3A_2, %add3A_26 : i32
    %dma_start3A_28 = arith.constant 0 : i32
    %dma_start3A_29 = tpu.memref_slice %arg10[%arg1, %dma_start3A_28] : memref<16x16000xf32, #tpu.memory_space<vmem_shared>> -> memref<1x16000xf32, #tpu.memory_space<vmem_shared>>
    %dma_start3A_30 = tpu.memref_squeeze %dma_start3A_29 : memref<1x16000xf32, #tpu.memory_space<vmem_shared>> -> memref<16000xf32, #tpu.memory_space<vmem_shared>>
    %dma_start3A_31 = tpu.memref_slice %arg2[%add3A_27] : memref<102400000xf32, #tpu.memory_space<hbm>> -> memref<16000xf32, #tpu.memory_space<hbm>>
    tpu.enqueue_dma source(%dma_start3A_31 : memref<16000xf32, #tpu.memory_space<hbm>>) target(%dma_start3A_30 : memref<16000xf32, #tpu.memory_space<vmem_shared>>) target_semaphore(%arg21 : memref<!tpu.dma_semaphore, #tpu.memory_space<semaphore_mem>>)
    %dma_start3A_32 = arith.constant 0 : i32
    %dma_start3A_33 = tpu.memref_slice %arg3[%dma_start3A_32] : memref<204800xi32, #tpu.memory_space<hbm>> -> memref<5120xi32, #tpu.memory_space<hbm>>
    %dma_start3A_34 = arith.constant 0 : i32
    %dma_start3A_35 = tpu.memref_slice %arg3[%dma_start3A_34] : memref<204800xi32, #tpu.memory_space<hbm>> -> memref<5120xi32, #tpu.memory_space<hbm>>
    tpu.enqueue_dma source(%dma_start3A_35 : memref<5120xi32, #tpu.memory_space<hbm>>) target(%arg11 : memref<5120xi32, #tpu.memory_space<vmem>>) target_semaphore(%arg27 : memref<!tpu.dma_semaphore, #tpu.memory_space<semaphore_mem>>)
    %dma_start3A_36 = arith.constant 0 : i32
    %dma_start3A_37 = tpu.memref_slice %arg4[%dma_start3A_36] : memref<204800xf32, #tpu.memory_space<hbm>> -> memref<5120xf32, #tpu.memory_space<hbm>>
    %dma_start3A_38 = arith.constant 0 : i32
    %dma_start3A_39 = tpu.memref_slice %arg4[%dma_start3A_38] : memref<204800xf32, #tpu.memory_space<hbm>> -> memref<5120xf32, #tpu.memory_space<hbm>>
    tpu.enqueue_dma source(%dma_start3A_39 : memref<5120xf32, #tpu.memory_space<hbm>>) target(%arg13 : memref<5120xf32, #tpu.memory_space<vmem>>) target_semaphore(%arg29 : memref<!tpu.dma_semaphore, #tpu.memory_space<semaphore_mem>>)
    %broadcast_in_dim3A = arith.constant 0 : i32
    %broadcast_in_dim3A_40 = vector.broadcast %broadcast_in_dim3A : i32 to vector<16xi32>
    %broadcast_in_dim3A_41 = arith.constant 0.000000e+00 : f32
    %broadcast_in_dim3A_42 = vector.broadcast %broadcast_in_dim3A_41 : f32 to vector<16xf32>
    %broadcast_in_dim3A_43 = arith.constant 0 : i32
    %broadcast_in_dim3A_44 = vector.broadcast %broadcast_in_dim3A_43 : i32 to vector<16xi32>
    %scan3A = arith.constant 0 : i32
    %scan3A_45 = arith.constant 0 : i32
    %scan3A_46 = arith.constant 19 : i32
    %scan3A_47 = arith.addi %scan3A_45, %scan3A_46 : i32
    %scan3A_48 = arith.constant 1 : i32
    %scan3A_49:4 = scf.for %scan3A_593 = %scan3A_45 to %scan3A_47 step %scan3A_48 iter_args(%scan3A_594 = %scan3A, %scan3A_595 = %broadcast_in_dim3A_40, %scan3A_596 = %broadcast_in_dim3A_42, %scan3A_597 = %broadcast_in_dim3A_44) -> (i32, vector<16xi32>, vector<16xf32>, vector<16xi32>)  : i32 {
      %mul3A_598 = arith.constant 2 : i32
      %mul3A_599 = arith.muli %scan3A_593, %mul3A_598 : i32
      %dma_wait3A_600 = arith.constant 0 : i32
      %dma_wait3A_601 = tpu.memref_slice %arg6[%arg1, %dma_wait3A_600] : memref<16x16000xf32, #tpu.memory_space<vmem_shared>> -> memref<1x16000xf32, #tpu.memory_space<vmem_shared>>
      %dma_wait3A_602 = tpu.memref_squeeze %dma_wait3A_601 : memref<1x16000xf32, #tpu.memory_space<vmem_shared>> -> memref<16000xf32, #tpu.memory_space<vmem_shared>>
      %dma_wait3A_603 = arith.constant 0 : i32
      %dma_wait3A_604 = tpu.memref_slice %arg2[%dma_wait3A_603] : memref<102400000xf32, #tpu.memory_space<hbm>> -> memref<16000xf32, #tpu.memory_space<hbm>>
      tpu.wait_dma2 semaphore(%arg17 : memref<!tpu.dma_semaphore, #tpu.memory_space<semaphore_mem>>) src(%dma_wait3A_604 : memref<16000xf32, #tpu.memory_space<hbm>>) dst(%dma_wait3A_602 : memref<16000xf32, #tpu.memory_space<vmem_shared>>)
      %mul3A_605 = arith.constant 5 : i32
      %mul3A_606 = arith.muli %mul3A_599, %mul3A_605 : i32
      %add3A_607 = arith.constant 0 : i32
      %add3A_608 = arith.addi %mul3A_606, %add3A_607 : i32
      %mul3A_609 = arith.constant 16000 : i32
      %mul3A_610 = arith.muli %add3A_608, %mul3A_609 : i32
      %add3A_611 = arith.addi %mul3A_2, %mul3A_610 : i32
      %dma_start3A_612 = tpu.memref_slice %arg5[%add3A_611] : memref<102400000xf32, #tpu.memory_space<hbm>> -> memref<16000xf32, #tpu.memory_space<hbm>>
      %dma_start3A_613 = arith.constant 0 : i32
      %dma_start3A_614 = tpu.memref_slice %arg6[%arg1, %dma_start3A_613] : memref<16x16000xf32, #tpu.memory_space<vmem_shared>> -> memref<1x16000xf32, #tpu.memory_space<vmem_shared>>
      %dma_start3A_615 = tpu.memref_squeeze %dma_start3A_614 : memref<1x16000xf32, #tpu.memory_space<vmem_shared>> -> memref<16000xf32, #tpu.memory_space<vmem_shared>>
      tpu.enqueue_dma source(%dma_start3A_615 : memref<16000xf32, #tpu.memory_space<vmem_shared>>) target(%dma_start3A_612 : memref<16000xf32, #tpu.memory_space<hbm>>) target_semaphore(%arg22 : memref<!tpu.dma_semaphore, #tpu.memory_space<semaphore_mem>>)
      %dma_wait3A_616 = arith.constant 0 : i32
      %dma_wait3A_617 = tpu.memref_slice %arg7[%arg1, %dma_wait3A_616] : memref<16x16000xf32, #tpu.memory_space<vmem_shared>> -> memref<1x16000xf32, #tpu.memory_space<vmem_shared>>
      %dma_wait3A_618 = tpu.memref_squeeze %dma_wait3A_617 : memref<1x16000xf32, #tpu.memory_space<vmem_shared>> -> memref<16000xf32, #tpu.memory_space<vmem_shared>>
      %dma_wait3A_619 = arith.constant 0 : i32
      %dma_wait3A_620 = tpu.memref_slice %arg2[%dma_wait3A_619] : memref<102400000xf32, #tpu.memory_space<hbm>> -> memref<16000xf32, #tpu.memory_space<hbm>>
      tpu.wait_dma2 semaphore(%arg18 : memref<!tpu.dma_semaphore, #tpu.memory_space<semaphore_mem>>) src(%dma_wait3A_620 : memref<16000xf32, #tpu.memory_space<hbm>>) dst(%dma_wait3A_618 : memref<16000xf32, #tpu.memory_space<vmem_shared>>)
      %mul3A_621 = arith.constant 5 : i32
      %mul3A_622 = arith.muli %mul3A_599, %mul3A_621 : i32
      %add3A_623 = arith.constant 1 : i32
      %add3A_624 = arith.addi %mul3A_622, %add3A_623 : i32
      %mul3A_625 = arith.constant 16000 : i32
      %mul3A_626 = arith.muli %add3A_624, %mul3A_625 : i32
      %add3A_627 = arith.addi %mul3A_2, %mul3A_626 : i32
      %dma_start3A_628 = tpu.memref_slice %arg5[%add3A_627] : memref<102400000xf32, #tpu.memory_space<hbm>> -> memref<16000xf32, #tpu.memory_space<hbm>>
      %dma_start3A_629 = arith.constant 0 : i32
      %dma_start3A_630 = tpu.memref_slice %arg7[%arg1, %dma_start3A_629] : memref<16x16000xf32, #tpu.memory_space<vmem_shared>> -> memref<1x16000xf32, #tpu.memory_space<vmem_shared>>
      %dma_start3A_631 = tpu.memref_squeeze %dma_start3A_630 : memref<1x16000xf32, #tpu.memory_space<vmem_shared>> -> memref<16000xf32, #tpu.memory_space<vmem_shared>>
      tpu.enqueue_dma source(%dma_start3A_631 : memref<16000xf32, #tpu.memory_space<vmem_shared>>) target(%dma_start3A_628 : memref<16000xf32, #tpu.memory_space<hbm>>) target_semaphore(%arg23 : memref<!tpu.dma_semaphore, #tpu.memory_space<semaphore_mem>>)
      %dma_wait3A_632 = arith.constant 0 : i32
      %dma_wait3A_633 = tpu.memref_slice %arg8[%arg1, %dma_wait3A_632] : memref<16x16000xf32, #tpu.memory_space<vmem_shared>> -> memref<1x16000xf32, #tpu.memory_space<vmem_shared>>
      %dma_wait3A_634 = tpu.memref_squeeze %dma_wait3A_633 : memref<1x16000xf32, #tpu.memory_space<vmem_shared>> -> memref<16000xf32, #tpu.memory_space<vmem_shared>>
      %dma_wait3A_635 = arith.constant 0 : i32
      %dma_wait3A_636 = tpu.memref_slice %arg2[%dma_wait3A_635] : memref<102400000xf32, #tpu.memory_space<hbm>> -> memref<16000xf32, #tpu.memory_space<hbm>>
      tpu.wait_dma2 semaphore(%arg19 : memref<!tpu.dma_semaphore, #tpu.memory_space<semaphore_mem>>) src(%dma_wait3A_636 : memref<16000xf32, #tpu.memory_space<hbm>>) dst(%dma_wait3A_634 : memref<16000xf32, #tpu.memory_space<vmem_shared>>)
      %mul3A_637 = arith.constant 5 : i32
      %mul3A_638 = arith.muli %mul3A_599, %mul3A_637 : i32
      %add3A_639 = arith.constant 2 : i32
      %add3A_640 = arith.addi %mul3A_638, %add3A_639 : i32
      %mul3A_641 = arith.constant 16000 : i32
      %mul3A_642 = arith.muli %add3A_640, %mul3A_641 : i32
      %add3A_643 = arith.addi %mul3A_2, %mul3A_642 : i32
      %dma_start3A_644 = tpu.memref_slice %arg5[%add3A_643] : memref<102400000xf32, #tpu.memory_space<hbm>> -> memref<16000xf32, #tpu.memory_space<hbm>>
      %dma_start3A_645 = arith.constant 0 : i32
      %dma_start3A_646 = tpu.memref_slice %arg8[%arg1, %dma_start3A_645] : memref<16x16000xf32, #tpu.memory_space<vmem_shared>> -> memref<1x16000xf32, #tpu.memory_space<vmem_shared>>
      %dma_start3A_647 = tpu.memref_squeeze %dma_start3A_646 : memref<1x16000xf32, #tpu.memory_space<vmem_shared>> -> memref<16000xf32, #tpu.memory_space<vmem_shared>>
      tpu.enqueue_dma source(%dma_start3A_647 : memref<16000xf32, #tpu.memory_space<vmem_shared>>) target(%dma_start3A_644 : memref<16000xf32, #tpu.memory_space<hbm>>) target_semaphore(%arg24 : memref<!tpu.dma_semaphore, #tpu.memory_space<semaphore_mem>>)
      %dma_wait3A_648 = arith.constant 0 : i32
      %dma_wait3A_649 = tpu.memref_slice %arg9[%arg1, %dma_wait3A_648] : memref<16x16000xf32, #tpu.memory_space<vmem_shared>> -> memref<1x16000xf32, #tpu.memory_space<vmem_shared>>
      %dma_wait3A_650 = tpu.memref_squeeze %dma_wait3A_649 : memref<1x16000xf32, #tpu.memory_space<vmem_shared>> -> memref<16000xf32, #tpu.memory_space<vmem_shared>>
      %dma_wait3A_651 = arith.constant 0 : i32
      %dma_wait3A_652 = tpu.memref_slice %arg2[%dma_wait3A_651] : memref<102400000xf32, #tpu.memory_space<hbm>> -> memref<16000xf32, #tpu.memory_space<hbm>>
      tpu.wait_dma2 semaphore(%arg20 : memref<!tpu.dma_semaphore, #tpu.memory_space<semaphore_mem>>) src(%dma_wait3A_652 : memref<16000xf32, #tpu.memory_space<hbm>>) dst(%dma_wait3A_650 : memref<16000xf32, #tpu.memory_space<vmem_shared>>)
      %mul3A_653 = arith.constant 5 : i32
      %mul3A_654 = arith.muli %mul3A_599, %mul3A_653 : i32
      %add3A_655 = arith.constant 3 : i32
      %add3A_656 = arith.addi %mul3A_654, %add3A_655 : i32
      %mul3A_657 = arith.constant 16000 : i32
      %mul3A_658 = arith.muli %add3A_656, %mul3A_657 : i32
      %add3A_659 = arith.addi %mul3A_2, %mul3A_658 : i32
      %dma_start3A_660 = tpu.memref_slice %arg5[%add3A_659] : memref<102400000xf32, #tpu.memory_space<hbm>> -> memref<16000xf32, #tpu.memory_space<hbm>>
      %dma_start3A_661 = arith.constant 0 : i32
      %dma_start3A_662 = tpu.memref_slice %arg9[%arg1, %dma_start3A_661] : memref<16x16000xf32, #tpu.memory_space<vmem_shared>> -> memref<1x16000xf32, #tpu.memory_space<vmem_shared>>
      %dma_start3A_663 = tpu.memref_squeeze %dma_start3A_662 : memref<1x16000xf32, #tpu.memory_space<vmem_shared>> -> memref<16000xf32, #tpu.memory_space<vmem_shared>>
      tpu.enqueue_dma source(%dma_start3A_663 : memref<16000xf32, #tpu.memory_space<vmem_shared>>) target(%dma_start3A_660 : memref<16000xf32, #tpu.memory_space<hbm>>) target_semaphore(%arg25 : memref<!tpu.dma_semaphore, #tpu.memory_space<semaphore_mem>>)
      %dma_wait3A_664 = arith.constant 0 : i32
      %dma_wait3A_665 = tpu.memref_slice %arg10[%arg1, %dma_wait3A_664] : memref<16x16000xf32, #tpu.memory_space<vmem_shared>> -> memref<1x16000xf32, #tpu.memory_space<vmem_shared>>
      %dma_wait3A_666 = tpu.memref_squeeze %dma_wait3A_665 : memref<1x16000xf32, #tpu.memory_space<vmem_shared>> -> memref<16000xf32, #tpu.memory_space<vmem_shared>>
      %dma_wait3A_667 = arith.constant 0 : i32
      %dma_wait3A_668 = tpu.memref_slice %arg2[%dma_wait3A_667] : memref<102400000xf32, #tpu.memory_space<hbm>> -> memref<16000xf32, #tpu.memory_space<hbm>>
      tpu.wait_dma2 semaphore(%arg21 : memref<!tpu.dma_semaphore, #tpu.memory_space<semaphore_mem>>) src(%dma_wait3A_668 : memref<16000xf32, #tpu.memory_space<hbm>>) dst(%dma_wait3A_666 : memref<16000xf32, #tpu.memory_space<vmem_shared>>)
      %mul3A_669 = arith.constant 5 : i32
      %mul3A_670 = arith.muli %mul3A_599, %mul3A_669 : i32
      %add3A_671 = arith.constant 4 : i32
      %add3A_672 = arith.addi %mul3A_670, %add3A_671 : i32
      %mul3A_673 = arith.constant 16000 : i32
      %mul3A_674 = arith.muli %add3A_672, %mul3A_673 : i32
      %add3A_675 = arith.addi %mul3A_2, %mul3A_674 : i32
      %dma_start3A_676 = tpu.memref_slice %arg5[%add3A_675] : memref<102400000xf32, #tpu.memory_space<hbm>> -> memref<16000xf32, #tpu.memory_space<hbm>>
      %dma_start3A_677 = arith.constant 0 : i32
      %dma_start3A_678 = tpu.memref_slice %arg10[%arg1, %dma_start3A_677] : memref<16x16000xf32, #tpu.memory_space<vmem_shared>> -> memref<1x16000xf32, #tpu.memory_space<vmem_shared>>
      %dma_start3A_679 = tpu.memref_squeeze %dma_start3A_678 : memref<1x16000xf32, #tpu.memory_space<vmem_shared>> -> memref<16000xf32, #tpu.memory_space<vmem_shared>>
      tpu.enqueue_dma source(%dma_start3A_679 : memref<16000xf32, #tpu.memory_space<vmem_shared>>) target(%dma_start3A_676 : memref<16000xf32, #tpu.memory_space<hbm>>) target_semaphore(%arg26 : memref<!tpu.dma_semaphore, #tpu.memory_space<semaphore_mem>>)
      %dma_wait3A_680 = arith.constant 0 : i32
      %dma_wait3A_681 = tpu.memref_slice %arg3[%dma_wait3A_680] : memref<204800xi32, #tpu.memory_space<hbm>> -> memref<5120xi32, #tpu.memory_space<hbm>>
      %dma_wait3A_682 = arith.constant 0 : i32
      %dma_wait3A_683 = tpu.memref_slice %arg3[%dma_wait3A_682] : memref<204800xi32, #tpu.memory_space<hbm>> -> memref<5120xi32, #tpu.memory_space<hbm>>
      tpu.wait_dma2 semaphore(%arg27 : memref<!tpu.dma_semaphore, #tpu.memory_space<semaphore_mem>>) src(%dma_wait3A_683 : memref<5120xi32, #tpu.memory_space<hbm>>) dst(%arg11 : memref<5120xi32, #tpu.memory_space<vmem>>)
      %dma_wait3A_684 = arith.constant 0 : i32
      %dma_wait3A_685 = tpu.memref_slice %arg4[%dma_wait3A_684] : memref<204800xf32, #tpu.memory_space<hbm>> -> memref<5120xf32, #tpu.memory_space<hbm>>
      %dma_wait3A_686 = arith.constant 0 : i32
      %dma_wait3A_687 = tpu.memref_slice %arg4[%dma_wait3A_686] : memref<204800xf32, #tpu.memory_space<hbm>> -> memref<5120xf32, #tpu.memory_space<hbm>>
      tpu.wait_dma2 semaphore(%arg29 : memref<!tpu.dma_semaphore, #tpu.memory_space<semaphore_mem>>) src(%dma_wait3A_687 : memref<5120xf32, #tpu.memory_space<hbm>>) dst(%arg13 : memref<5120xf32, #tpu.memory_space<vmem>>)
      %mul3A_688 = arith.constant 5120 : i32
      %mul3A_689 = arith.muli %mul3A_599, %mul3A_688 : i32
      %scan3A_690 = arith.constant 0 : i32
      %scan3A_691 = arith.constant 80 : i32
      %scan3A_692 = arith.addi %scan3A_690, %scan3A_691 : i32
      %scan3A_693 = arith.constant 1 : i32
      %scan3A_694:4 = scf.for %scan3A_994 = %scan3A_690 to %scan3A_692 step %scan3A_693 iter_args(%scan3A_995 = %scan3A_594, %scan3A_996 = %scan3A_595, %scan3A_997 = %scan3A_596, %scan3A_998 = %scan3A_597) -> (i32, vector<16xi32>, vector<16xf32>, vector<16xi32>)  : i32 {
        %mul3A_999 = arith.constant 64 : i32
        %mul3A_1000 = arith.muli %scan3A_994, %mul3A_999 : i32
        %add3A_1001 = arith.constant 0 : i32
        %add3A_1002 = arith.addi %mul3A_1000, %add3A_1001 : i32
        %get3A = arith.index_cast %add3A_1002 : i32 to index
        %get3A_1003 = tpu.vector_load %arg11[%get3A] {strides = array<i32>} : memref<5120xi32, #tpu.memory_space<vmem>>, vector<16xi32>,
        %get3A_1004 = arith.index_cast %add3A_1002 : i32 to index
        %get3A_1005 = tpu.vector_load %arg13[%get3A_1004] {strides = array<i32>} : memref<5120xf32, #tpu.memory_space<vmem>>, vector<16xf32>,
        %add3A_1006 = arith.addi %mul3A_689, %add3A_1002 : i32
        %add3A_1007 = vector.broadcast %add3A_1006 : i32 to vector<16xi32>
        %add3A_1008 = arith.addi %add3A_1007, %iota3A : vector<16xi32>
        %jit3A_1009 = arith.constant 200 : i32
        %div3A_1010 = vector.broadcast %jit3A_1009 : i32 to vector<16xi32>
        %div3A_1011 = arith.divsi %add3A_1008, %div3A_1010 : vector<16xi32>
        %sign3A_1012 = arith.constant 0 : i32
        %sign3A_1013 = vector.broadcast %sign3A_1012 : i32 to vector<16xi32>
        %sign3A_1014 = arith.cmpi sgt, %add3A_1008, %sign3A_1013 : vector<16xi32>
        %sign3A_1015 = arith.extui %sign3A_1014 : vector<16xi1> to vector<16xi32>
        %sign3A_1016 = arith.constant 0 : i32
        %sign3A_1017 = vector.broadcast %sign3A_1016 : i32 to vector<16xi32>
        %sign3A_1018 = arith.cmpi slt, %add3A_1008, %sign3A_1017 : vector<16xi32>
        %sign3A_1019 = arith.extui %sign3A_1018 : vector<16xi1> to vector<16xi32>
        %sign3A_1020 = arith.subi %sign3A_1015, %sign3A_1019 : vector<16xi32>
        %sign3A_1021 = arith.constant 0 : i32
        %sign3A_1022 = arith.cmpi sgt, %jit3A_1009, %sign3A_1021 : i32
        %sign3A_1023 = arith.extui %sign3A_1022 : i1 to i32
        %sign3A_1024 = arith.constant 0 : i32
        %sign3A_1025 = arith.cmpi slt, %jit3A_1009, %sign3A_1024 : i32
        %sign3A_1026 = arith.extui %sign3A_1025 : i1 to i32
        %sign3A_1027 = arith.subi %sign3A_1023, %sign3A_1026 : i32
        %ne3A_1028 = vector.broadcast %sign3A_1027 : i32 to vector<16xi32>
        %ne3A_1029 = arith.cmpi ne, %sign3A_1020, %ne3A_1028 : vector<16xi32>
        %rem3A_1030 = vector.broadcast %jit3A_1009 : i32 to vector<16xi32>
        %rem3A_1031 = arith.remsi %add3A_1008, %rem3A_1030 : vector<16xi32>
        %ne3A_1032 = arith.constant 0 : i32
        %ne3A_1033 = vector.broadcast %ne3A_1032 : i32 to vector<16xi32>
        %ne3A_1034 = arith.cmpi ne, %rem3A_1031, %ne3A_1033 : vector<16xi32>
        %and3A_1035 = arith.andi %ne3A_1029, %ne3A_1034 : vector<16xi1>
        %sub3A_1036 = arith.constant 1 : i32
        %sub3A_1037 = vector.broadcast %sub3A_1036 : i32 to vector<16xi32>
        %sub3A_1038 = arith.subi %div3A_1011, %sub3A_1037 : vector<16xi32>
        %select_n3A_1039 = arith.select %and3A_1035, %sub3A_1038, %div3A_1011 : vector<16xi1>, vector<16xi32>
        %shift_right_arithmetic3A_1040 = arith.constant 3 : i32
        %shift_right_arithmetic3A_1041 = vector.broadcast %shift_right_arithmetic3A_1040 : i32 to vector<16xi32>
        %shift_right_arithmetic3A_1042 = arith.shrsi %get3A_1003, %shift_right_arithmetic3A_1041 : vector<16xi32>
        %mul3A_1043 = arith.constant 8192 : i32
        %mul3A_1044 = vector.broadcast %mul3A_1043 : i32 to vector<16xi32>
        %mul3A_1045 = arith.muli %shift_right_arithmetic3A_1042, %mul3A_1044 : vector<16xi32>
        %shift_right_arithmetic3A_1046 = arith.constant 7 : i32
        %shift_right_arithmetic3A_1047 = vector.broadcast %shift_right_arithmetic3A_1046 : i32 to vector<16xi32>
        %shift_right_arithmetic3A_1048 = arith.shrsi %select_n3A_1039, %shift_right_arithmetic3A_1047 : vector<16xi32>
        %shift_left3A = arith.constant 10 : i32
        %shift_left3A_1049 = vector.broadcast %shift_left3A : i32 to vector<16xi32>
        %shift_left3A_1050 = arith.shli %shift_right_arithmetic3A_1048, %shift_left3A_1049 : vector<16xi32>
        %add3A_1051 = arith.addi %mul3A_1045, %shift_left3A_1050 : vector<16xi32>
        %and3A_1052 = arith.constant 7 : i32
        %and3A_1053 = vector.broadcast %and3A_1052 : i32 to vector<16xi32>
        %and3A_1054 = arith.andi %get3A_1003, %and3A_1053 : vector<16xi32>
        %shift_left3A_1055 = arith.constant 7 : i32
        %shift_left3A_1056 = vector.broadcast %shift_left3A_1055 : i32 to vector<16xi32>
        %shift_left3A_1057 = arith.shli %and3A_1054, %shift_left3A_1056 : vector<16xi32>
        %add3A_1058 = arith.addi %add3A_1051, %shift_left3A_1057 : vector<16xi32>
        %and3A_1059 = arith.constant 127 : i32
        %and3A_1060 = vector.broadcast %and3A_1059 : i32 to vector<16xi32>
        %and3A_1061 = arith.andi %select_n3A_1039, %and3A_1060 : vector<16xi32>
        %add3A_1062 = arith.addi %add3A_1058, %and3A_1061 : vector<16xi32>
        %ge3A = vector.broadcast %mul3A_2 : i32 to vector<16xi32>
        %ge3A_1063 = arith.cmpi sge, %add3A_1062, %ge3A : vector<16xi32>
        %add3A_1064 = arith.constant 3200000 : i32
        %add3A_1065 = arith.addi %mul3A_2, %add3A_1064 : i32
        %lt3A_1066 = vector.broadcast %add3A_1065 : i32 to vector<16xi32>
        %lt3A_1067 = arith.cmpi slt, %add3A_1062, %lt3A_1066 : vector<16xi32>
        %and3A_1068 = arith.andi %ge3A_1063, %lt3A_1067 : vector<16xi1>
        %convert_element_type3A = arith.extui %and3A_1068 : vector<16xi1> to vector<16xi32>
        %broadcast_in_dim3A_1069 = arith.constant true
        %broadcast_in_dim3A_1070 = vector.broadcast %broadcast_in_dim3A_1069 : i1 to vector<16xi1>
        %masked_cumsum3A_1071 = tpu.scan <sum>, %convert_element_type3A masked %broadcast_in_dim3A_1070 : vector<16xi32>, vector<16xi1> -> vector<16xi32>
        %reduce_sum3A_1072 = arith.constant true
        %reduce_sum3A_1073 = vector.broadcast %reduce_sum3A_1072 : i1 to vector<16xi1>
        %reduce_sum3A_1074 = tpu.scan <sum>, %convert_element_type3A masked %reduce_sum3A_1073 : vector<16xi32>, vector<16xi1> -> vector<16xi32>
        %reduce_sum3A_1075 = vector.extract %reduce_sum3A_1074[15] : i32 from vector<16xi32>
        %add3A_1076 = vector.broadcast %scan3A_995 : i32 to vector<16xi32>
        %add3A_1077 = arith.addi %add3A_1076, %masked_cumsum3A_1071 : vector<16xi32>
        %sub3A_1078 = arith.constant 1 : i32
        %sub3A_1079 = vector.broadcast %sub3A_1078 : i32 to vector<16xi32>
        %sub3A_1080 = arith.subi %add3A_1077, %sub3A_1079 : vector<16xi32>
        %lt3A_1081 = arith.constant 12800 : i32
        %lt3A_1082 = vector.broadcast %lt3A_1081 : i32 to vector<16xi32>
        %lt3A_1083 = arith.cmpi slt, %sub3A_1080, %lt3A_1082 : vector<16xi32>
        %and3A_1084 = arith.andi %and3A_1068, %lt3A_1083 : vector<16xi1>
        %jit3A_1085 = arith.constant 0 : i32
        %broadcast_in_dim3A_1086 = vector.broadcast %jit3A_1085 : i32 to vector<16xi32>
        %select_n3A_1087 = arith.select %and3A_1084, %sub3A_1080, %broadcast_in_dim3A_1086 : vector<16xi1>, vector<16xi32>
        %shift_right_arithmetic3A_1088 = arith.constant 7 : i32
        %shift_right_arithmetic3A_1089 = vector.broadcast %shift_right_arithmetic3A_1088 : i32 to vector<16xi32>
        %shift_right_arithmetic3A_1090 = arith.shrsi %select_n3A_1087, %shift_right_arithmetic3A_1089 : vector<16xi32>
        %and3A_1091 = arith.constant 127 : i32
        %and3A_1092 = vector.broadcast %and3A_1091 : i32 to vector<16xi32>
        %and3A_1093 = arith.andi %select_n3A_1087, %and3A_1092 : vector<16xi32>
        tpu.vector_store_idx %arg15[%shift_right_arithmetic3A_1090, %and3A_1093], %add3A_1062 masked %and3A_1084 : memref<100x128xi32, #tpu.memory_space<vmem>>[vector<16xi32>, vector<16xi32>], vector<16xi32>, vector<16xi1>
        %shift_right_arithmetic3A_1094 = arith.constant 7 : i32
        %shift_right_arithmetic3A_1095 = vector.broadcast %shift_right_arithmetic3A_1094 : i32 to vector<16xi32>
        %shift_right_arithmetic3A_1096 = arith.shrsi %select_n3A_1087, %shift_right_arithmetic3A_1095 : vector<16xi32>
        %and3A_1097 = arith.constant 127 : i32
        %and3A_1098 = vector.broadcast %and3A_1097 : i32 to vector<16xi32>
        %and3A_1099 = arith.andi %select_n3A_1087, %and3A_1098 : vector<16xi32>
        tpu.vector_store_idx %arg16[%shift_right_arithmetic3A_1096, %and3A_1099], %get3A_1005 masked %and3A_1084 : memref<100x128xf32, #tpu.memory_space<vmem>>[vector<16xi32>, vector<16xi32>], vector<16xf32>, vector<16xi1>
        %gt3A_1100 = arith.constant 0 : i32
        %gt3A_1101 = arith.cmpi sgt, %reduce_sum3A_1075, %gt3A_1100 : i32
        %add3A_1102 = arith.addi %scan3A_995, %reduce_sum3A_1075 : i32
        %select_n3A_1103 = arith.select %gt3A_1101, %add3A_1062, %scan3A_996 : vector<16xi32>
        %select_n3A_1104 = arith.select %gt3A_1101, %get3A_1005, %scan3A_997 : vector<16xf32>
        %select_n3A_1105 = arith.select %gt3A_1101, %convert_element_type3A, %scan3A_998 : vector<16xi32>
        %mul3A_1106 = arith.constant 64 : i32
        %mul3A_1107 = arith.muli %scan3A_994, %mul3A_1106 : i32
        %add3A_1108 = arith.constant 16 : i32
        %add3A_1109 = arith.addi %mul3A_1107, %add3A_1108 : i32
        %get3A_1110 = arith.index_cast %add3A_1109 : i32 to index
        %get3A_1111 = tpu.vector_load %arg11[%get3A_1110] {strides = array<i32>} : memref<5120xi32, #tpu.memory_space<vmem>>, vector<16xi32>,
        %get3A_1112 = arith.index_cast %add3A_1109 : i32 to index
        %get3A_1113 = tpu.vector_load %arg13[%get3A_1112] {strides = array<i32>} : memref<5120xf32, #tpu.memory_space<vmem>>, vector<16xf32>,
        %add3A_1114 = arith.addi %mul3A_689, %add3A_1109 : i32
        %add3A_1115 = vector.broadcast %add3A_1114 : i32 to vector<16xi32>
        %add3A_1116 = arith.addi %add3A_1115, %iota3A : vector<16xi32>
        %jit3A_1117 = arith.constant 200 : i32
        %div3A_1118 = vector.broadcast %jit3A_1117 : i32 to vector<16xi32>
        %div3A_1119 = arith.divsi %add3A_1116, %div3A_1118 : vector<16xi32>
        %sign3A_1120 = arith.constant 0 : i32
        %sign3A_1121 = vector.broadcast %sign3A_1120 : i32 to vector<16xi32>
        %sign3A_1122 = arith.cmpi sgt, %add3A_1116, %sign3A_1121 : vector<16xi32>
        %sign3A_1123 = arith.extui %sign3A_1122 : vector<16xi1> to vector<16xi32>
        %sign3A_1124 = arith.constant 0 : i32
        %sign3A_1125 = vector.broadcast %sign3A_1124 : i32 to vector<16xi32>
        %sign3A_1126 = arith.cmpi slt, %add3A_1116, %sign3A_1125 : vector<16xi32>
        %sign3A_1127 = arith.extui %sign3A_1126 : vector<16xi1> to vector<16xi32>
        %sign3A_1128 = arith.subi %sign3A_1123, %sign3A_1127 : vector<16xi32>
        %sign3A_1129 = arith.constant 0 : i32
        %sign3A_1130 = arith.cmpi sgt, %jit3A_1117, %sign3A_1129 : i32
        %sign3A_1131 = arith.extui %sign3A_1130 : i1 to i32
        %sign3A_1132 = arith.constant 0 : i32
        %sign3A_1133 = arith.cmpi slt, %jit3A_1117, %sign3A_1132 : i32
        %sign3A_1134 = arith.extui %sign3A_1133 : i1 to i32
        %sign3A_1135 = arith.subi %sign3A_1131, %sign3A_1134 : i32
        %ne3A_1136 = vector.broadcast %sign3A_1135 : i32 to vector<16xi32>
        %ne3A_1137 = arith.cmpi ne, %sign3A_1128, %ne3A_1136 : vector<16xi32>
        %rem3A_1138 = vector.broadcast %jit3A_1117 : i32 to vector<16xi32>
        %rem3A_1139 = arith.remsi %add3A_1116, %rem3A_1138 : vector<16xi32>
        %ne3A_1140 = arith.constant 0 : i32
        %ne3A_1141 = vector.broadcast %ne3A_1140 : i32 to vector<16xi32>
        %ne3A_1142 = arith.cmpi ne, %rem3A_1139, %ne3A_1141 : vector<16xi32>
        %and3A_1143 = arith.andi %ne3A_1137, %ne3A_1142 : vector<16xi1>
        %sub3A_1144 = arith.constant 1 : i32
        %sub3A_1145 = vector.broadcast %sub3A_1144 : i32 to vector<16xi32>
        %sub3A_1146 = arith.subi %div3A_1119, %sub3A_1145 : vector<16xi32>
        %select_n3A_1147 = arith.select %and3A_1143, %sub3A_1146, %div3A_1119 : vector<16xi1>, vector<16xi32>
        %shift_right_arithmetic3A_1148 = arith.constant 3 : i32
        %shift_right_arithmetic3A_1149 = vector.broadcast %shift_right_arithmetic3A_1148 : i32 to vector<16xi32>
        %shift_right_arithmetic3A_1150 = arith.shrsi %get3A_1111, %shift_right_arithmetic3A_1149 : vector<16xi32>
        %mul3A_1151 = arith.constant 8192 : i32
        %mul3A_1152 = vector.broadcast %mul3A_1151 : i32 to vector<16xi32>
        %mul3A_1153 = arith.muli %shift_right_arithmetic3A_1150, %mul3A_1152 : vector<16xi32>
        %shift_right_arithmetic3A_1154 = arith.constant 7 : i32
        %shift_right_arithmetic3A_1155 = vector.broadcast %shift_right_arithmetic3A_1154 : i32 to vector<16xi32>
        %shift_right_arithmetic3A_1156 = arith.shrsi %select_n3A_1147, %shift_right_arithmetic3A_1155 : vector<16xi32>
        %shift_left3A_1157 = arith.constant 10 : i32
        %shift_left3A_1158 = vector.broadcast %shift_left3A_1157 : i32 to vector<16xi32>
        %shift_left3A_1159 = arith.shli %shift_right_arithmetic3A_1156, %shift_left3A_1158 : vector<16xi32>
        %add3A_1160 = arith.addi %mul3A_1153, %shift_left3A_1159 : vector<16xi32>
        %and3A_1161 = arith.constant 7 : i32
        %and3A_1162 = vector.broadcast %and3A_1161 : i32 to vector<16xi32>
        %and3A_1163 = arith.andi %get3A_1111, %and3A_1162 : vector<16xi32>
        %shift_left3A_1164 = arith.constant 7 : i32
        %shift_left3A_1165 = vector.broadcast %shift_left3A_1164 : i32 to vector<16xi32>
        %shift_left3A_1166 = arith.shli %and3A_1163, %shift_left3A_1165 : vector<16xi32>
        %add3A_1167 = arith.addi %add3A_1160, %shift_left3A_1166 : vector<16xi32>
        %and3A_1168 = arith.constant 127 : i32
        %and3A_1169 = vector.broadcast %and3A_1168 : i32 to vector<16xi32>
        %and3A_1170 = arith.andi %select_n3A_1147, %and3A_1169 : vector<16xi32>
        %add3A_1171 = arith.addi %add3A_1167, %and3A_1170 : vector<16xi32>
        %ge3A_1172 = vector.broadcast %mul3A_2 : i32 to vector<16xi32>
        %ge3A_1173 = arith.cmpi sge, %add3A_1171, %ge3A_1172 : vector<16xi32>
        %add3A_1174 = arith.constant 3200000 : i32
        %add3A_1175 = arith.addi %mul3A_2, %add3A_1174 : i32
        %lt3A_1176 = vector.broadcast %add3A_1175 : i32 to vector<16xi32>
        %lt3A_1177 = arith.cmpi slt, %add3A_1171, %lt3A_1176 : vector<16xi32>
        %and3A_1178 = arith.andi %ge3A_1173, %lt3A_1177 : vector<16xi1>
        %convert_element_type3A_1179 = arith.extui %and3A_1178 : vector<16xi1> to vector<16xi32>
        %broadcast_in_dim3A_1180 = arith.constant true
        %broadcast_in_dim3A_1181 = vector.broadcast %broadcast_in_dim3A_1180 : i1 to vector<16xi1>
        %masked_cumsum3A_1182 = tpu.scan <sum>, %convert_element_type3A_1179 masked %broadcast_in_dim3A_1181 : vector<16xi32>, vector<16xi1> -> vector<16xi32>
        %reduce_sum3A_1183 = arith.constant true
        %reduce_sum3A_1184 = vector.broadcast %reduce_sum3A_1183 : i1 to vector<16xi1>
        %reduce_sum3A_1185 = tpu.scan <sum>, %convert_element_type3A_1179 masked %reduce_sum3A_1184 : vector<16xi32>, vector<16xi1> -> vector<16xi32>
        %reduce_sum3A_1186 = vector.extract %reduce_sum3A_1185[15] : i32 from vector<16xi32>
        %add3A_1187 = vector.broadcast %add3A_1102 : i32 to vector<16xi32>
        %add3A_1188 = arith.addi %add3A_1187, %masked_cumsum3A_1182 : vector<16xi32>
        %sub3A_1189 = arith.constant 1 : i32
        %sub3A_1190 = vector.broadcast %sub3A_1189 : i32 to vector<16xi32>
        %sub3A_1191 = arith.subi %add3A_1188, %sub3A_1190 : vector<16xi32>
        %lt3A_1192 = arith.constant 12800 : i32
        %lt3A_1193 = vector.broadcast %lt3A_1192 : i32 to vector<16xi32>
        %lt3A_1194 = arith.cmpi slt, %sub3A_1191, %lt3A_1193 : vector<16xi32>
        %and3A_1195 = arith.andi %and3A_1178, %lt3A_1194 : vector<16xi1>
        %jit3A_1196 = arith.constant 0 : i32
        %broadcast_in_dim3A_1197 = vector.broadcast %jit3A_1196 : i32 to vector<16xi32>
        %select_n3A_1198 = arith.select %and3A_1195, %sub3A_1191, %broadcast_in_dim3A_1197 : vector<16xi1>, vector<16xi32>
        %shift_right_arithmetic3A_1199 = arith.constant 7 : i32
        %shift_right_arithmetic3A_1200 = vector.broadcast %shift_right_arithmetic3A_1199 : i32 to vector<16xi32>
        %shift_right_arithmetic3A_1201 = arith.shrsi %select_n3A_1198, %shift_right_arithmetic3A_1200 : vector<16xi32>
        %and3A_1202 = arith.constant 127 : i32
        %and3A_1203 = vector.broadcast %and3A_1202 : i32 to vector<16xi32>
        %and3A_1204 = arith.andi %select_n3A_1198, %and3A_1203 : vector<16xi32>
        tpu.vector_store_idx %arg15[%shift_right_arithmetic3A_1201, %and3A_1204], %add3A_1171 masked %and3A_1195 : memref<100x128xi32, #tpu.memory_space<vmem>>[vector<16xi32>, vector<16xi32>], vector<16xi32>, vector<16xi1>
        %shift_right_arithmetic3A_1205 = arith.constant 7 : i32
        %shift_right_arithmetic3A_1206 = vector.broadcast %shift_right_arithmetic3A_1205 : i32 to vector<16xi32>
        %shift_right_arithmetic3A_1207 = arith.shrsi %select_n3A_1198, %shift_right_arithmetic3A_1206 : vector<16xi32>
        %and3A_1208 = arith.constant 127 : i32
        %and3A_1209 = vector.broadcast %and3A_1208 : i32 to vector<16xi32>
        %and3A_1210 = arith.andi %select_n3A_1198, %and3A_1209 : vector<16xi32>
        tpu.vector_store_idx %arg16[%shift_right_arithmetic3A_1207, %and3A_1210], %get3A_1113 masked %and3A_1195 : memref<100x128xf32, #tpu.memory_space<vmem>>[vector<16xi32>, vector<16xi32>], vector<16xf32>, vector<16xi1>
        %gt3A_1211 = arith.constant 0 : i32
        %gt3A_1212 = arith.cmpi sgt, %reduce_sum3A_1186, %gt3A_1211 : i32
        %add3A_1213 = arith.addi %add3A_1102, %reduce_sum3A_1186 : i32
        %select_n3A_1214 = arith.select %gt3A_1212, %add3A_1171, %select_n3A_1103 : vector<16xi32>
        %select_n3A_1215 = arith.select %gt3A_1212, %get3A_1113, %select_n3A_1104 : vector<16xf32>
        %select_n3A_1216 = arith.select %gt3A_1212, %convert_element_type3A_1179, %select_n3A_1105 : vector<16xi32>
        %mul3A_1217 = arith.constant 64 : i32
        %mul3A_1218 = arith.muli %scan3A_994, %mul3A_1217 : i32
        %add3A_1219 = arith.constant 32 : i32
        %add3A_1220 = arith.addi %mul3A_1218, %add3A_1219 : i32
        %get3A_1221 = arith.index_cast %add3A_1220 : i32 to index
        %get3A_1222 = tpu.vector_load %arg11[%get3A_1221] {strides = array<i32>} : memref<5120xi32, #tpu.memory_space<vmem>>, vector<16xi32>,
        %get3A_1223 = arith.index_cast %add3A_1220 : i32 to index
        %get3A_1224 = tpu.vector_load %arg13[%get3A_1223] {strides = array<i32>} : memref<5120xf32, #tpu.memory_space<vmem>>, vector<16xf32>,
        %add3A_1225 = arith.addi %mul3A_689, %add3A_1220 : i32
        %add3A_1226 = vector.broadcast %add3A_1225 : i32 to vector<16xi32>
        %add3A_1227 = arith.addi %add3A_1226, %iota3A : vector<16xi32>
        %jit3A_1228 = arith.constant 200 : i32
        %div3A_1229 = vector.broadcast %jit3A_1228 : i32 to vector<16xi32>
        %div3A_1230 = arith.divsi %add3A_1227, %div3A_1229 : vector<16xi32>
        %sign3A_1231 = arith.constant 0 : i32
        %sign3A_1232 = vector.broadcast %sign3A_1231 : i32 to vector<16xi32>
        %sign3A_1233 = arith.cmpi sgt, %add3A_1227, %sign3A_1232 : vector<16xi32>
        %sign3A_1234 = arith.extui %sign3A_1233 : vector<16xi1> to vector<16xi32>
        %sign3A_1235 = arith.constant 0 : i32
        %sign3A_1236 = vector.broadcast %sign3A_1235 : i32 to vector<16xi32>
        %sign3A_1237 = arith.cmpi slt, %add3A_1227, %sign3A_1236 : vector<16xi32>
        %sign3A_1238 = arith.extui %sign3A_1237 : vector<16xi1> to vector<16xi32>
        %sign3A_1239 = arith.subi %sign3A_1234, %sign3A_1238 : vector<16xi32>
        %sign3A_1240 = arith.constant 0 : i32
        %sign3A_1241 = arith.cmpi sgt, %jit3A_1228, %sign3A_1240 : i32
        %sign3A_1242 = arith.extui %sign3A_1241 : i1 to i32
        %sign3A_1243 = arith.constant 0 : i32
        %sign3A_1244 = arith.cmpi slt, %jit3A_1228, %sign3A_1243 : i32
        %sign3A_1245 = arith.extui %sign3A_1244 : i1 to i32
        %sign3A_1246 = arith.subi %sign3A_1242, %sign3A_1245 : i32
        %ne3A_1247 = vector.broadcast %sign3A_1246 : i32 to vector<16xi32>
        %ne3A_1248 = arith.cmpi ne, %sign3A_1239, %ne3A_1247 : vector<16xi32>
        %rem3A_1249 = vector.broadcast %jit3A_1228 : i32 to vector<16xi32>
        %rem3A_1250 = arith.remsi %add3A_1227, %rem3A_1249 : vector<16xi32>
        %ne3A_1251 = arith.constant 0 : i32
        %ne3A_1252 = vector.broadcast %ne3A_1251 : i32 to vector<16xi32>
        %ne3A_1253 = arith.cmpi ne, %rem3A_1250, %ne3A_1252 : vector<16xi32>
        %and3A_1254 = arith.andi %ne3A_1248, %ne3A_1253 : vector<16xi1>
        %sub3A_1255 = arith.constant 1 : i32
        %sub3A_1256 = vector.broadcast %sub3A_1255 : i32 to vector<16xi32>
        %sub3A_1257 = arith.subi %div3A_1230, %sub3A_1256 : vector<16xi32>
        %select_n3A_1258 = arith.select %and3A_1254, %sub3A_1257, %div3A_1230 : vector<16xi1>, vector<16xi32>
        %shift_right_arithmetic3A_1259 = arith.constant 3 : i32
        %shift_right_arithmetic3A_1260 = vector.broadcast %shift_right_arithmetic3A_1259 : i32 to vector<16xi32>
        %shift_right_arithmetic3A_1261 = arith.shrsi %get3A_1222, %shift_right_arithmetic3A_1260 : vector<16xi32>
        %mul3A_1262 = arith.constant 8192 : i32
        %mul3A_1263 = vector.broadcast %mul3A_1262 : i32 to vector<16xi32>
        %mul3A_1264 = arith.muli %shift_right_arithmetic3A_1261, %mul3A_1263 : vector<16xi32>
        %shift_right_arithmetic3A_1265 = arith.constant 7 : i32
        %shift_right_arithmetic3A_1266 = vector.broadcast %shift_right_arithmetic3A_1265 : i32 to vector<16xi32>
        %shift_right_arithmetic3A_1267 = arith.shrsi %select_n3A_1258, %shift_right_arithmetic3A_1266 : vector<16xi32>
        %shift_left3A_1268 = arith.constant 10 : i32
        %shift_left3A_1269 = vector.broadcast %shift_left3A_1268 : i32 to vector<16xi32>
        %shift_left3A_1270 = arith.shli %shift_right_arithmetic3A_1267, %shift_left3A_1269 : vector<16xi32>
        %add3A_1271 = arith.addi %mul3A_1264, %shift_left3A_1270 : vector<16xi32>
        %and3A_1272 = arith.constant 7 : i32
        %and3A_1273 = vector.broadcast %and3A_1272 : i32 to vector<16xi32>
        %and3A_1274 = arith.andi %get3A_1222, %and3A_1273 : vector<16xi32>
        %shift_left3A_1275 = arith.constant 7 : i32
        %shift_left3A_1276 = vector.broadcast %shift_left3A_1275 : i32 to vector<16xi32>
        %shift_left3A_1277 = arith.shli %and3A_1274, %shift_left3A_1276 : vector<16xi32>
        %add3A_1278 = arith.addi %add3A_1271, %shift_left3A_1277 : vector<16xi32>
        %and3A_1279 = arith.constant 127 : i32
        %and3A_1280 = vector.broadcast %and3A_1279 : i32 to vector<16xi32>
        %and3A_1281 = arith.andi %select_n3A_1258, %and3A_1280 : vector<16xi32>
        %add3A_1282 = arith.addi %add3A_1278, %and3A_1281 : vector<16xi32>
        %ge3A_1283 = vector.broadcast %mul3A_2 : i32 to vector<16xi32>
        %ge3A_1284 = arith.cmpi sge, %add3A_1282, %ge3A_1283 : vector<16xi32>
        %add3A_1285 = arith.constant 3200000 : i32
        %add3A_1286 = arith.addi %mul3A_2, %add3A_1285 : i32
        %lt3A_1287 = vector.broadcast %add3A_1286 : i32 to vector<16xi32>
        %lt3A_1288 = arith.cmpi slt, %add3A_1282, %lt3A_1287 : vector<16xi32>
        %and3A_1289 = arith.andi %ge3A_1284, %lt3A_1288 : vector<16xi1>
        %convert_element_type3A_1290 = arith.extui %and3A_1289 : vector<16xi1> to vector<16xi32>
        %broadcast_in_dim3A_1291 = arith.constant true
        %broadcast_in_dim3A_1292 = vector.broadcast %broadcast_in_dim3A_1291 : i1 to vector<16xi1>
        %masked_cumsum3A_1293 = tpu.scan <sum>, %convert_element_type3A_1290 masked %broadcast_in_dim3A_1292 : vector<16xi32>, vector<16xi1> -> vector<16xi32>
        %reduce_sum3A_1294 = arith.constant true
        %reduce_sum3A_1295 = vector.broadcast %reduce_sum3A_1294 : i1 to vector<16xi1>
        %reduce_sum3A_1296 = tpu.scan <sum>, %convert_element_type3A_1290 masked %reduce_sum3A_1295 : vector<16xi32>, vector<16xi1> -> vector<16xi32>
        %reduce_sum3A_1297 = vector.extract %reduce_sum3A_1296[15] : i32 from vector<16xi32>
        %add3A_1298 = vector.broadcast %add3A_1213 : i32 to vector<16xi32>
        %add3A_1299 = arith.addi %add3A_1298, %masked_cumsum3A_1293 : vector<16xi32>
        %sub3A_1300 = arith.constant 1 : i32
        %sub3A_1301 = vector.broadcast %sub3A_1300 : i32 to vector<16xi32>
        %sub3A_1302 = arith.subi %add3A_1299, %sub3A_1301 : vector<16xi32>
        %lt3A_1303 = arith.constant 12800 : i32
        %lt3A_1304 = vector.broadcast %lt3A_1303 : i32 to vector<16xi32>
        %lt3A_1305 = arith.cmpi slt, %sub3A_1302, %lt3A_1304 : vector<16xi32>
        %and3A_1306 = arith.andi %and3A_1289, %lt3A_1305 : vector<16xi1>
        %jit3A_1307 = arith.constant 0 : i32
        %broadcast_in_dim3A_1308 = vector.broadcast %jit3A_1307 : i32 to vector<16xi32>
        %select_n3A_1309 = arith.select %and3A_1306, %sub3A_1302, %broadcast_in_dim3A_1308 : vector<16xi1>, vector<16xi32>
        %shift_right_arithmetic3A_1310 = arith.constant 7 : i32
        %shift_right_arithmetic3A_1311 = vector.broadcast %shift_right_arithmetic3A_1310 : i32 to vector<16xi32>
        %shift_right_arithmetic3A_1312 = arith.shrsi %select_n3A_1309, %shift_right_arithmetic3A_1311 : vector<16xi32>
        %and3A_1313 = arith.constant 127 : i32
        %and3A_1314 = vector.broadcast %and3A_1313 : i32 to vector<16xi32>
        %and3A_1315 = arith.andi %select_n3A_1309, %and3A_1314 : vector<16xi32>
        tpu.vector_store_idx %arg15[%shift_right_arithmetic3A_1312, %and3A_1315], %add3A_1282 masked %and3A_1306 : memref<100x128xi32, #tpu.memory_space<vmem>>[vector<16xi32>, vector<16xi32>], vector<16xi32>, vector<16xi1>
        %shift_right_arithmetic3A_1316 = arith.constant 7 : i32
        %shift_right_arithmetic3A_1317 = vector.broadcast %shift_right_arithmetic3A_1316 : i32 to vector<16xi32>
        %shift_right_arithmetic3A_1318 = arith.shrsi %select_n3A_1309, %shift_right_arithmetic3A_1317 : vector<16xi32>
        %and3A_1319 = arith.constant 127 : i32
        %and3A_1320 = vector.broadcast %and3A_1319 : i32 to vector<16xi32>
        %and3A_1321 = arith.andi %select_n3A_1309, %and3A_1320 : vector<16xi32>
        tpu.vector_store_idx %arg16[%shift_right_arithmetic3A_1318, %and3A_1321], %get3A_1224 masked %and3A_1306 : memref<100x128xf32, #tpu.memory_space<vmem>>[vector<16xi32>, vector<16xi32>], vector<16xf32>, vector<16xi1>
        %gt3A_1322 = arith.constant 0 : i32
        %gt3A_1323 = arith.cmpi sgt, %reduce_sum3A_1297, %gt3A_1322 : i32
        %add3A_1324 = arith.addi %add3A_1213, %reduce_sum3A_1297 : i32
        %select_n3A_1325 = arith.select %gt3A_1323, %add3A_1282, %select_n3A_1214 : vector<16xi32>
        %select_n3A_1326 = arith.select %gt3A_1323, %get3A_1224, %select_n3A_1215 : vector<16xf32>
        %select_n3A_1327 = arith.select %gt3A_1323, %convert_element_type3A_1290, %select_n3A_1216 : vector<16xi32>
        %mul3A_1328 = arith.constant 64 : i32
        %mul3A_1329 = arith.muli %scan3A_994, %mul3A_1328 : i32
        %add3A_1330 = arith.constant 48 : i32
        %add3A_1331 = arith.addi %mul3A_1329, %add3A_1330 : i32
        %get3A_1332 = arith.index_cast %add3A_1331 : i32 to index
        %get3A_1333 = tpu.vector_load %arg11[%get3A_1332] {strides = array<i32>} : memref<5120xi32, #tpu.memory_space<vmem>>, vector<16xi32>,
        %get3A_1334 = arith.index_cast %add3A_1331 : i32 to index
        %get3A_1335 = tpu.vector_load %arg13[%get3A_1334] {strides = array<i32>} : memref<5120xf32, #tpu.memory_space<vmem>>, vector<16xf32>,
        %add3A_1336 = arith.addi %mul3A_689, %add3A_1331 : i32
        %add3A_1337 = vector.broadcast %add3A_1336 : i32 to vector<16xi32>
        %add3A_1338 = arith.addi %add3A_1337, %iota3A : vector<16xi32>
        %jit3A_1339 = arith.constant 200 : i32
        %div3A_1340 = vector.broadcast %jit3A_1339 : i32 to vector<16xi32>
        %div3A_1341 = arith.divsi %add3A_1338, %div3A_1340 : vector<16xi32>
        %sign3A_1342 = arith.constant 0 : i32
        %sign3A_1343 = vector.broadcast %sign3A_1342 : i32 to vector<16xi32>
        %sign3A_1344 = arith.cmpi sgt, %add3A_1338, %sign3A_1343 : vector<16xi32>
        %sign3A_1345 = arith.extui %sign3A_1344 : vector<16xi1> to vector<16xi32>
        %sign3A_1346 = arith.constant 0 : i32
        %sign3A_1347 = vector.broadcast %sign3A_1346 : i32 to vector<16xi32>
        %sign3A_1348 = arith.cmpi slt, %add3A_1338, %sign3A_1347 : vector<16xi32>
        %sign3A_1349 = arith.extui %sign3A_1348 : vector<16xi1> to vector<16xi32>
        %sign3A_1350 = arith.subi %sign3A_1345, %sign3A_1349 : vector<16xi32>
        %sign3A_1351 = arith.constant 0 : i32
        %sign3A_1352 = arith.cmpi sgt, %jit3A_1339, %sign3A_1351 : i32
        %sign3A_1353 = arith.extui %sign3A_1352 : i1 to i32
        %sign3A_1354 = arith.constant 0 : i32
        %sign3A_1355 = arith.cmpi slt, %jit3A_1339, %sign3A_1354 : i32
        %sign3A_1356 = arith.extui %sign3A_1355 : i1 to i32
        %sign3A_1357 = arith.subi %sign3A_1353, %sign3A_1356 : i32
        %ne3A_1358 = vector.broadcast %sign3A_1357 : i32 to vector<16xi32>
        %ne3A_1359 = arith.cmpi ne, %sign3A_1350, %ne3A_1358 : vector<16xi32>
        %rem3A_1360 = vector.broadcast %jit3A_1339 : i32 to vector<16xi32>
        %rem3A_1361 = arith.remsi %add3A_1338, %rem3A_1360 : vector<16xi32>
        %ne3A_1362 = arith.constant 0 : i32
        %ne3A_1363 = vector.broadcast %ne3A_1362 : i32 to vector<16xi32>
        %ne3A_1364 = arith.cmpi ne, %rem3A_1361, %ne3A_1363 : vector<16xi32>
        %and3A_1365 = arith.andi %ne3A_1359, %ne3A_1364 : vector<16xi1>
        %sub3A_1366 = arith.constant 1 : i32
        %sub3A_1367 = vector.broadcast %sub3A_1366 : i32 to vector<16xi32>
        %sub3A_1368 = arith.subi %div3A_1341, %sub3A_1367 : vector<16xi32>
        %select_n3A_1369 = arith.select %and3A_1365, %sub3A_1368, %div3A_1341 : vector<16xi1>, vector<16xi32>
        %shift_right_arithmetic3A_1370 = arith.constant 3 : i32
        %shift_right_arithmetic3A_1371 = vector.broadcast %shift_right_arithmetic3A_1370 : i32 to vector<16xi32>
        %shift_right_arithmetic3A_1372 = arith.shrsi %get3A_1333, %shift_right_arithmetic3A_1371 : vector<16xi32>
        %mul3A_1373 = arith.constant 8192 : i32
        %mul3A_1374 = vector.broadcast %mul3A_1373 : i32 to vector<16xi32>
        %mul3A_1375 = arith.muli %shift_right_arithmetic3A_1372, %mul3A_1374 : vector<16xi32>
        %shift_right_arithmetic3A_1376 = arith.constant 7 : i32
        %shift_right_arithmetic3A_1377 = vector.broadcast %shift_right_arithmetic3A_1376 : i32 to vector<16xi32>
        %shift_right_arithmetic3A_1378 = arith.shrsi %select_n3A_1369, %shift_right_arithmetic3A_1377 : vector<16xi32>
        %shift_left3A_1379 = arith.constant 10 : i32
        %shift_left3A_1380 = vector.broadcast %shift_left3A_1379 : i32 to vector<16xi32>
        %shift_left3A_1381 = arith.shli %shift_right_arithmetic3A_1378, %shift_left3A_1380 : vector<16xi32>
        %add3A_1382 = arith.addi %mul3A_1375, %shift_left3A_1381 : vector<16xi32>
        %and3A_1383 = arith.constant 7 : i32
        %and3A_1384 = vector.broadcast %and3A_1383 : i32 to vector<16xi32>
        %and3A_1385 = arith.andi %get3A_1333, %and3A_1384 : vector<16xi32>
        %shift_left3A_1386 = arith.constant 7 : i32
        %shift_left3A_1387 = vector.broadcast %shift_left3A_1386 : i32 to vector<16xi32>
        %shift_left3A_1388 = arith.shli %and3A_1385, %shift_left3A_1387 : vector<16xi32>
        %add3A_1389 = arith.addi %add3A_1382, %shift_left3A_1388 : vector<16xi32>
        %and3A_1390 = arith.constant 127 : i32
        %and3A_1391 = vector.broadcast %and3A_1390 : i32 to vector<16xi32>
        %and3A_1392 = arith.andi %select_n3A_1369, %and3A_1391 : vector<16xi32>
        %add3A_1393 = arith.addi %add3A_1389, %and3A_1392 : vector<16xi32>
        %ge3A_1394 = vector.broadcast %mul3A_2 : i32 to vector<16xi32>
        %ge3A_1395 = arith.cmpi sge, %add3A_1393, %ge3A_1394 : vector<16xi32>
        %add3A_1396 = arith.constant 3200000 : i32
        %add3A_1397 = arith.addi %mul3A_2, %add3A_1396 : i32
        %lt3A_1398 = vector.broadcast %add3A_1397 : i32 to vector<16xi32>
        %lt3A_1399 = arith.cmpi slt, %add3A_1393, %lt3A_1398 : vector<16xi32>
        %and3A_1400 = arith.andi %ge3A_1395, %lt3A_1399 : vector<16xi1>
        %convert_element_type3A_1401 = arith.extui %and3A_1400 : vector<16xi1> to vector<16xi32>
        %broadcast_in_dim3A_1402 = arith.constant true
        %broadcast_in_dim3A_1403 = vector.broadcast %broadcast_in_dim3A_1402 : i1 to vector<16xi1>
        %masked_cumsum3A_1404 = tpu.scan <sum>, %convert_element_type3A_1401 masked %broadcast_in_dim3A_1403 : vector<16xi32>, vector<16xi1> -> vector<16xi32>
        %reduce_sum3A_1405 = arith.constant true
        %reduce_sum3A_1406 = vector.broadcast %reduce_sum3A_1405 : i1 to vector<16xi1>
        %reduce_sum3A_1407 = tpu.scan <sum>, %convert_element_type3A_1401 masked %reduce_sum3A_1406 : vector<16xi32>, vector<16xi1> -> vector<16xi32>
        %reduce_sum3A_1408 = vector.extract %reduce_sum3A_1407[15] : i32 from vector<16xi32>
        %add3A_1409 = vector.broadcast %add3A_1324 : i32 to vector<16xi32>
        %add3A_1410 = arith.addi %add3A_1409, %masked_cumsum3A_1404 : vector<16xi32>
        %sub3A_1411 = arith.constant 1 : i32
        %sub3A_1412 = vector.broadcast %sub3A_1411 : i32 to vector<16xi32>
        %sub3A_1413 = arith.subi %add3A_1410, %sub3A_1412 : vector<16xi32>
        %lt3A_1414 = arith.constant 12800 : i32
        %lt3A_1415 = vector.broadcast %lt3A_1414 : i32 to vector<16xi32>
        %lt3A_1416 = arith.cmpi slt, %sub3A_1413, %lt3A_1415 : vector<16xi32>
        %and3A_1417 = arith.andi %and3A_1400, %lt3A_1416 : vector<16xi1>
        %jit3A_1418 = arith.constant 0 : i32
        %broadcast_in_dim3A_1419 = vector.broadcast %jit3A_1418 : i32 to vector<16xi32>
        %select_n3A_1420 = arith.select %and3A_1417, %sub3A_1413, %broadcast_in_dim3A_1419 : vector<16xi1>, vector<16xi32>
        %shift_right_arithmetic3A_1421 = arith.constant 7 : i32
        %shift_right_arithmetic3A_1422 = vector.broadcast %shift_right_arithmetic3A_1421 : i32 to vector<16xi32>
        %shift_right_arithmetic3A_1423 = arith.shrsi %select_n3A_1420, %shift_right_arithmetic3A_1422 : vector<16xi32>
        %and3A_1424 = arith.constant 127 : i32
        %and3A_1425 = vector.broadcast %and3A_1424 : i32 to vector<16xi32>
        %and3A_1426 = arith.andi %select_n3A_1420, %and3A_1425 : vector<16xi32>
        tpu.vector_store_idx %arg15[%shift_right_arithmetic3A_1423, %and3A_1426], %add3A_1393 masked %and3A_1417 : memref<100x128xi32, #tpu.memory_space<vmem>>[vector<16xi32>, vector<16xi32>], vector<16xi32>, vector<16xi1>
        %shift_right_arithmetic3A_1427 = arith.constant 7 : i32
        %shift_right_arithmetic3A_1428 = vector.broadcast %shift_right_arithmetic3A_1427 : i32 to vector<16xi32>
        %shift_right_arithmetic3A_1429 = arith.shrsi %select_n3A_1420, %shift_right_arithmetic3A_1428 : vector<16xi32>
        %and3A_1430 = arith.constant 127 : i32
        %and3A_1431 = vector.broadcast %and3A_1430 : i32 to vector<16xi32>
        %and3A_1432 = arith.andi %select_n3A_1420, %and3A_1431 : vector<16xi32>
        tpu.vector_store_idx %arg16[%shift_right_arithmetic3A_1429, %and3A_1432], %get3A_1335 masked %and3A_1417 : memref<100x128xf32, #tpu.memory_space<vmem>>[vector<16xi32>, vector<16xi32>], vector<16xf32>, vector<16xi1>
        %gt3A_1433 = arith.constant 0 : i32
        %gt3A_1434 = arith.cmpi sgt, %reduce_sum3A_1408, %gt3A_1433 : i32
        %add3A_1435 = arith.addi %add3A_1324, %reduce_sum3A_1408 : i32
        %select_n3A_1436 = arith.select %gt3A_1434, %add3A_1393, %select_n3A_1325 : vector<16xi32>
        %select_n3A_1437 = arith.select %gt3A_1434, %get3A_1335, %select_n3A_1326 : vector<16xf32>
        %select_n3A_1438 = arith.select %gt3A_1434, %convert_element_type3A_1401, %select_n3A_1327 : vector<16xi32>
        scf.yield %add3A_1435, %select_n3A_1436, %select_n3A_1437, %select_n3A_1438 : i32, vector<16xi32>, vector<16xf32>, vector<16xi32>
      }
      %scan3A_695 = arith.constant 80 : i32
      %add3A_696 = arith.constant 1 : i32
      %add3A_697 = arith.addi %mul3A_599, %add3A_696 : i32
      %mul3A_698 = arith.constant 5120 : i32
      %mul3A_699 = arith.muli %add3A_697, %mul3A_698 : i32
      %dma_start3A_700 = tpu.memref_slice %arg3[%mul3A_699] : memref<204800xi32, #tpu.memory_space<hbm>> -> memref<5120xi32, #tpu.memory_space<hbm>>
      %dma_start3A_701 = tpu.memref_slice %arg3[%mul3A_699] : memref<204800xi32, #tpu.memory_space<hbm>> -> memref<5120xi32, #tpu.memory_space<hbm>>
      tpu.enqueue_dma source(%dma_start3A_701 : memref<5120xi32, #tpu.memory_space<hbm>>) target(%arg12 : memref<5120xi32, #tpu.memory_space<vmem>>) target_semaphore(%arg28 : memref<!tpu.dma_semaphore, #tpu.memory_space<semaphore_mem>>)
      %mul3A_702 = arith.constant 5120 : i32
      %mul3A_703 = arith.muli %add3A_697, %mul3A_702 : i32
      %dma_start3A_704 = tpu.memref_slice %arg4[%mul3A_703] : memref<204800xf32, #tpu.memory_space<hbm>> -> memref<5120xf32, #tpu.memory_space<hbm>>
      %dma_start3A_705 = tpu.memref_slice %arg4[%mul3A_703] : memref<204800xf32, #tpu.memory_space<hbm>> -> memref<5120xf32, #tpu.memory_space<hbm>>
      tpu.enqueue_dma source(%dma_start3A_705 : memref<5120xf32, #tpu.memory_space<hbm>>) target(%arg14 : memref<5120xf32, #tpu.memory_space<vmem>>) target_semaphore(%arg30 : memref<!tpu.dma_semaphore, #tpu.memory_space<semaphore_mem>>)
      %dma_wait3A_706 = arith.constant 0 : i32
      %dma_wait3A_707 = tpu.memref_slice %arg5[%dma_wait3A_706] : memref<102400000xf32, #tpu.memory_space<hbm>> -> memref<16000xf32, #tpu.memory_space<hbm>>
      %dma_wait3A_708 = arith.constant 0 : i32
      %dma_wait3A_709 = tpu.memref_slice %arg6[%arg1, %dma_wait3A_708] : memref<16x16000xf32, #tpu.memory_space<vmem_shared>> -> memref<1x16000xf32, #tpu.memory_space<vmem_shared>>
      %dma_wait3A_710 = tpu.memref_squeeze %dma_wait3A_709 : memref<1x16000xf32, #tpu.memory_space<vmem_shared>> -> memref<16000xf32, #tpu.memory_space<vmem_shared>>
      tpu.wait_dma2 semaphore(%arg22 : memref<!tpu.dma_semaphore, #tpu.memory_space<semaphore_mem>>) src(%dma_wait3A_710 : memref<16000xf32, #tpu.memory_space<vmem_shared>>) dst(%dma_wait3A_707 : memref<16000xf32, #tpu.memory_space<hbm>>)
      %add3A_711 = arith.constant 1 : i32
      %add3A_712 = arith.addi %mul3A_599, %add3A_711 : i32
      %mul3A_713 = arith.constant 5 : i32
      %mul3A_714 = arith.muli %add3A_712, %mul3A_713 : i32
      %add3A_715 = arith.constant 0 : i32
      %add3A_716 = arith.addi %mul3A_714, %add3A_715 : i32
      %mul3A_717 = arith.constant 16000 : i32
      %mul3A_718 = arith.muli %add3A_716, %mul3A_717 : i32
      %add3A_719 = arith.addi %mul3A_2, %mul3A_718 : i32
      %dma_start3A_720 = arith.constant 0 : i32
      %dma_start3A_721 = tpu.memref_slice %arg6[%arg1, %dma_start3A_720] : memref<16x16000xf32, #tpu.memory_space<vmem_shared>> -> memref<1x16000xf32, #tpu.memory_space<vmem_shared>>
      %dma_start3A_722 = tpu.memref_squeeze %dma_start3A_721 : memref<1x16000xf32, #tpu.memory_space<vmem_shared>> -> memref<16000xf32, #tpu.memory_space<vmem_shared>>
      %dma_start3A_723 = tpu.memref_slice %arg2[%add3A_719] : memref<102400000xf32, #tpu.memory_space<hbm>> -> memref<16000xf32, #tpu.memory_space<hbm>>
      tpu.enqueue_dma source(%dma_start3A_723 : memref<16000xf32, #tpu.memory_space<hbm>>) target(%dma_start3A_722 : memref<16000xf32, #tpu.memory_space<vmem_shared>>) target_semaphore(%arg17 : memref<!tpu.dma_semaphore, #tpu.memory_space<semaphore_mem>>)
      %dma_wait3A_724 = arith.constant 0 : i32
      %dma_wait3A_725 = tpu.memref_slice %arg5[%dma_wait3A_724] : memref<102400000xf32, #tpu.memory_space<hbm>> -> memref<16000xf32, #tpu.memory_space<hbm>>
      %dma_wait3A_726 = arith.constant 0 : i32
      %dma_wait3A_727 = tpu.memref_slice %arg7[%arg1, %dma_wait3A_726] : memref<16x16000xf32, #tpu.memory_space<vmem_shared>> -> memref<1x16000xf32, #tpu.memory_space<vmem_shared>>
      %dma_wait3A_728 = tpu.memref_squeeze %dma_wait3A_727 : memref<1x16000xf32, #tpu.memory_space<vmem_shared>> -> memref<16000xf32, #tpu.memory_space<vmem_shared>>
      tpu.wait_dma2 semaphore(%arg23 : memref<!tpu.dma_semaphore, #tpu.memory_space<semaphore_mem>>) src(%dma_wait3A_728 : memref<16000xf32, #tpu.memory_space<vmem_shared>>) dst(%dma_wait3A_725 : memref<16000xf32, #tpu.memory_space<hbm>>)
      %add3A_729 = arith.constant 1 : i32
      %add3A_730 = arith.addi %mul3A_599, %add3A_729 : i32
      %mul3A_731 = arith.constant 5 : i32
      %mul3A_732 = arith.muli %add3A_730, %mul3A_731 : i32
      %add3A_733 = arith.constant 1 : i32
      %add3A_734 = arith.addi %mul3A_732, %add3A_733 : i32
      %mul3A_735 = arith.constant 16000 : i32
      %mul3A_736 = arith.muli %add3A_734, %mul3A_735 : i32
      %add3A_737 = arith.addi %mul3A_2, %mul3A_736 : i32
      %dma_start3A_738 = arith.constant 0 : i32
      %dma_start3A_739 = tpu.memref_slice %arg7[%arg1, %dma_start3A_738] : memref<16x16000xf32, #tpu.memory_space<vmem_shared>> -> memref<1x16000xf32, #tpu.memory_space<vmem_shared>>
      %dma_start3A_740 = tpu.memref_squeeze %dma_start3A_739 : memref<1x16000xf32, #tpu.memory_space<vmem_shared>> -> memref<16000xf32, #tpu.memory_space<vmem_shared>>
      %dma_start3A_741 = tpu.memref_slice %arg2[%add3A_737] : memref<102400000xf32, #tpu.memory_space<hbm>> -> memref<16000xf32, #tpu.memory_space<hbm>>
      tpu.enqueue_dma source(%dma_start3A_741 : memref<16000xf32, #tpu.memory_space<hbm>>) target(%dma_start3A_740 : memref<16000xf32, #tpu.memory_space<vmem_shared>>) target_semaphore(%arg18 : memref<!tpu.dma_semaphore, #tpu.memory_space<semaphore_mem>>)
      %dma_wait3A_742 = arith.constant 0 : i32
      %dma_wait3A_743 = tpu.memref_slice %arg5[%dma_wait3A_742] : memref<102400000xf32, #tpu.memory_space<hbm>> -> memref<16000xf32, #tpu.memory_space<hbm>>
      %dma_wait3A_744 = arith.constant 0 : i32
      %dma_wait3A_745 = tpu.memref_slice %arg8[%arg1, %dma_wait3A_744] : memref<16x16000xf32, #tpu.memory_space<vmem_shared>> -> memref<1x16000xf32, #tpu.memory_space<vmem_shared>>
      %dma_wait3A_746 = tpu.memref_squeeze %dma_wait3A_745 : memref<1x16000xf32, #tpu.memory_space<vmem_shared>> -> memref<16000xf32, #tpu.memory_space<vmem_shared>>
      tpu.wait_dma2 semaphore(%arg24 : memref<!tpu.dma_semaphore, #tpu.memory_space<semaphore_mem>>) src(%dma_wait3A_746 : memref<16000xf32, #tpu.memory_space<vmem_shared>>) dst(%dma_wait3A_743 : memref<16000xf32, #tpu.memory_space<hbm>>)
      %add3A_747 = arith.constant 1 : i32
      %add3A_748 = arith.addi %mul3A_599, %add3A_747 : i32
      %mul3A_749 = arith.constant 5 : i32
      %mul3A_750 = arith.muli %add3A_748, %mul3A_749 : i32
      %add3A_751 = arith.constant 2 : i32
      %add3A_752 = arith.addi %mul3A_750, %add3A_751 : i32
      %mul3A_753 = arith.constant 16000 : i32
      %mul3A_754 = arith.muli %add3A_752, %mul3A_753 : i32
      %add3A_755 = arith.addi %mul3A_2, %mul3A_754 : i32
      %dma_start3A_756 = arith.constant 0 : i32
      %dma_start3A_757 = tpu.memref_slice %arg8[%arg1, %dma_start3A_756] : memref<16x16000xf32, #tpu.memory_space<vmem_shared>> -> memref<1x16000xf32, #tpu.memory_space<vmem_shared>>
      %dma_start3A_758 = tpu.memref_squeeze %dma_start3A_757 : memref<1x16000xf32, #tpu.memory_space<vmem_shared>> -> memref<16000xf32, #tpu.memory_space<vmem_shared>>
      %dma_start3A_759 = tpu.memref_slice %arg2[%add3A_755] : memref<102400000xf32, #tpu.memory_space<hbm>> -> memref<16000xf32, #tpu.memory_space<hbm>>
      tpu.enqueue_dma source(%dma_start3A_759 : memref<16000xf32, #tpu.memory_space<hbm>>) target(%dma_start3A_758 : memref<16000xf32, #tpu.memory_space<vmem_shared>>) target_semaphore(%arg19 : memref<!tpu.dma_semaphore, #tpu.memory_space<semaphore_mem>>)
      %dma_wait3A_760 = arith.constant 0 : i32
      %dma_wait3A_761 = tpu.memref_slice %arg5[%dma_wait3A_760] : memref<102400000xf32, #tpu.memory_space<hbm>> -> memref<16000xf32, #tpu.memory_space<hbm>>
      %dma_wait3A_762 = arith.constant 0 : i32
      %dma_wait3A_763 = tpu.memref_slice %arg9[%arg1, %dma_wait3A_762] : memref<16x16000xf32, #tpu.memory_space<vmem_shared>> -> memref<1x16000xf32, #tpu.memory_space<vmem_shared>>
      %dma_wait3A_764 = tpu.memref_squeeze %dma_wait3A_763 : memref<1x16000xf32, #tpu.memory_space<vmem_shared>> -> memref<16000xf32, #tpu.memory_space<vmem_shared>>
      tpu.wait_dma2 semaphore(%arg25 : memref<!tpu.dma_semaphore, #tpu.memory_space<semaphore_mem>>) src(%dma_wait3A_764 : memref<16000xf32, #tpu.memory_space<vmem_shared>>) dst(%dma_wait3A_761 : memref<16000xf32, #tpu.memory_space<hbm>>)
      %add3A_765 = arith.constant 1 : i32
      %add3A_766 = arith.addi %mul3A_599, %add3A_765 : i32
      %mul3A_767 = arith.constant 5 : i32
      %mul3A_768 = arith.muli %add3A_766, %mul3A_767 : i32
      %add3A_769 = arith.constant 3 : i32
      %add3A_770 = arith.addi %mul3A_768, %add3A_769 : i32
      %mul3A_771 = arith.constant 16000 : i32
      %mul3A_772 = arith.muli %add3A_770, %mul3A_771 : i32
      %add3A_773 = arith.addi %mul3A_2, %mul3A_772 : i32
      %dma_start3A_774 = arith.constant 0 : i32
      %dma_start3A_775 = tpu.memref_slice %arg9[%arg1, %dma_start3A_774] : memref<16x16000xf32, #tpu.memory_space<vmem_shared>> -> memref<1x16000xf32, #tpu.memory_space<vmem_shared>>
      %dma_start3A_776 = tpu.memref_squeeze %dma_start3A_775 : memref<1x16000xf32, #tpu.memory_space<vmem_shared>> -> memref<16000xf32, #tpu.memory_space<vmem_shared>>
      %dma_start3A_777 = tpu.memref_slice %arg2[%add3A_773] : memref<102400000xf32, #tpu.memory_space<hbm>> -> memref<16000xf32, #tpu.memory_space<hbm>>
      tpu.enqueue_dma source(%dma_start3A_777 : memref<16000xf32, #tpu.memory_space<hbm>>) target(%dma_start3A_776 : memref<16000xf32, #tpu.memory_space<vmem_shared>>) target_semaphore(%arg20 : memref<!tpu.dma_semaphore, #tpu.memory_space<semaphore_mem>>)
      %dma_wait3A_778 = arith.constant 0 : i32
      %dma_wait3A_779 = tpu.memref_slice %arg5[%dma_wait3A_778] : memref<102400000xf32, #tpu.memory_space<hbm>> -> memref<16000xf32, #tpu.memory_space<hbm>>
      %dma_wait3A_780 = arith.constant 0 : i32
      %dma_wait3A_781 = tpu.memref_slice %arg10[%arg1, %dma_wait3A_780] : memref<16x16000xf32, #tpu.memory_space<vmem_shared>> -> memref<1x16000xf32, #tpu.memory_space<vmem_shared>>
      %dma_wait3A_782 = tpu.memref_squeeze %dma_wait3A_781 : memref<1x16000xf32, #tpu.memory_space<vmem_shared>> -> memref<16000xf32, #tpu.memory_space<vmem_shared>>
      tpu.wait_dma2 semaphore(%arg26 : memref<!tpu.dma_semaphore, #tpu.memory_space<semaphore_mem>>) src(%dma_wait3A_782 : memref<16000xf32, #tpu.memory_space<vmem_shared>>) dst(%dma_wait3A_779 : memref<16000xf32, #tpu.memory_space<hbm>>)
      %add3A_783 = arith.constant 1 : i32
      %add3A_784 = arith.addi %mul3A_599, %add3A_783 : i32
      %mul3A_785 = arith.constant 5 : i32
      %mul3A_786 = arith.muli %add3A_784, %mul3A_785 : i32
      %add3A_787 = arith.constant 4 : i32
      %add3A_788 = arith.addi %mul3A_786, %add3A_787 : i32
      %mul3A_789 = arith.constant 16000 : i32
      %mul3A_790 = arith.muli %add3A_788, %mul3A_789 : i32
      %add3A_791 = arith.addi %mul3A_2, %mul3A_790 : i32
      %dma_start3A_792 = arith.constant 0 : i32
      %dma_start3A_793 = tpu.memref_slice %arg10[%arg1, %dma_start3A_792] : memref<16x16000xf32, #tpu.memory_space<vmem_shared>> -> memref<1x16000xf32, #tpu.memory_space<vmem_shared>>
      %dma_start3A_794 = tpu.memref_squeeze %dma_start3A_793 : memref<1x16000xf32, #tpu.memory_space<vmem_shared>> -> memref<16000xf32, #tpu.memory_space<vmem_shared>>
      %dma_start3A_795 = tpu.memref_slice %arg2[%add3A_791] : memref<102400000xf32, #tpu.memory_space<hbm>> -> memref<16000xf32, #tpu.memory_space<hbm>>
      tpu.enqueue_dma source(%dma_start3A_795 : memref<16000xf32, #tpu.memory_space<hbm>>) target(%dma_start3A_794 : memref<16000xf32, #tpu.memory_space<vmem_shared>>) target_semaphore(%arg21 : memref<!tpu.dma_semaphore, #tpu.memory_space<semaphore_mem>>)
      %add3A_796 = arith.constant 1 : i32
      %add3A_797 = arith.addi %mul3A_599, %add3A_796 : i32
      %dma_wait3A_798 = arith.constant 0 : i32
      %dma_wait3A_799 = tpu.memref_slice %arg6[%arg1, %dma_wait3A_798] : memref<16x16000xf32, #tpu.memory_space<vmem_shared>> -> memref<1x16000xf32, #tpu.memory_space<vmem_shared>>
      %dma_wait3A_800 = tpu.memref_squeeze %dma_wait3A_799 : memref<1x16000xf32, #tpu.memory_space<vmem_shared>> -> memref<16000xf32, #tpu.memory_space<vmem_shared>>
      %dma_wait3A_801 = arith.constant 0 : i32
      %dma_wait3A_802 = tpu.memref_slice %arg2[%dma_wait3A_801] : memref<102400000xf32, #tpu.memory_space<hbm>> -> memref<16000xf32, #tpu.memory_space<hbm>>
      tpu.wait_dma2 semaphore(%arg17 : memref<!tpu.dma_semaphore, #tpu.memory_space<semaphore_mem>>) src(%dma_wait3A_802 : memref<16000xf32, #tpu.memory_space<hbm>>) dst(%dma_wait3A_800 : memref<16000xf32, #tpu.memory_space<vmem_shared>>)
      %mul3A_803 = arith.constant 5 : i32
      %mul3A_804 = arith.muli %add3A_797, %mul3A_803 : i32
      %add3A_805 = arith.constant 0 : i32
      %add3A_806 = arith.addi %mul3A_804, %add3A_805 : i32
      %mul3A_807 = arith.constant 16000 : i32
      %mul3A_808 = arith.muli %add3A_806, %mul3A_807 : i32
      %add3A_809 = arith.addi %mul3A_2, %mul3A_808 : i32
      %dma_start3A_810 = tpu.memref_slice %arg5[%add3A_809] : memref<102400000xf32, #tpu.memory_space<hbm>> -> memref<16000xf32, #tpu.memory_space<hbm>>
      %dma_start3A_811 = arith.constant 0 : i32
      %dma_start3A_812 = tpu.memref_slice %arg6[%arg1, %dma_start3A_811] : memref<16x16000xf32, #tpu.memory_space<vmem_shared>> -> memref<1x16000xf32, #tpu.memory_space<vmem_shared>>
      %dma_start3A_813 = tpu.memref_squeeze %dma_start3A_812 : memref<1x16000xf32, #tpu.memory_space<vmem_shared>> -> memref<16000xf32, #tpu.memory_space<vmem_shared>>
      tpu.enqueue_dma source(%dma_start3A_813 : memref<16000xf32, #tpu.memory_space<vmem_shared>>) target(%dma_start3A_810 : memref<16000xf32, #tpu.memory_space<hbm>>) target_semaphore(%arg22 : memref<!tpu.dma_semaphore, #tpu.memory_space<semaphore_mem>>)
      %dma_wait3A_814 = arith.constant 0 : i32
      %dma_wait3A_815 = tpu.memref_slice %arg7[%arg1, %dma_wait3A_814] : memref<16x16000xf32, #tpu.memory_space<vmem_shared>> -> memref<1x16000xf32, #tpu.memory_space<vmem_shared>>
      %dma_wait3A_816 = tpu.memref_squeeze %dma_wait3A_815 : memref<1x16000xf32, #tpu.memory_space<vmem_shared>> -> memref<16000xf32, #tpu.memory_space<vmem_shared>>
      %dma_wait3A_817 = arith.constant 0 : i32
      %dma_wait3A_818 = tpu.memref_slice %arg2[%dma_wait3A_817] : memref<102400000xf32, #tpu.memory_space<hbm>> -> memref<16000xf32, #tpu.memory_space<hbm>>
      tpu.wait_dma2 semaphore(%arg18 : memref<!tpu.dma_semaphore, #tpu.memory_space<semaphore_mem>>) src(%dma_wait3A_818 : memref<16000xf32, #tpu.memory_space<hbm>>) dst(%dma_wait3A_816 : memref<16000xf32, #tpu.memory_space<vmem_shared>>)
      %mul3A_819 = arith.constant 5 : i32
      %mul3A_820 = arith.muli %add3A_797, %mul3A_819 : i32
      %add3A_821 = arith.constant 1 : i32
      %add3A_822 = arith.addi %mul3A_820, %add3A_821 : i32
      %mul3A_823 = arith.constant 16000 : i32
      %mul3A_824 = arith.muli %add3A_822, %mul3A_823 : i32
      %add3A_825 = arith.addi %mul3A_2, %mul3A_824 : i32
      %dma_start3A_826 = tpu.memref_slice %arg5[%add3A_825] : memref<102400000xf32, #tpu.memory_space<hbm>> -> memref<16000xf32, #tpu.memory_space<hbm>>
      %dma_start3A_827 = arith.constant 0 : i32
      %dma_start3A_828 = tpu.memref_slice %arg7[%arg1, %dma_start3A_827] : memref<16x16000xf32, #tpu.memory_space<vmem_shared>> -> memref<1x16000xf32, #tpu.memory_space<vmem_shared>>
      %dma_start3A_829 = tpu.memref_squeeze %dma_start3A_828 : memref<1x16000xf32, #tpu.memory_space<vmem_shared>> -> memref<16000xf32, #tpu.memory_space<vmem_shared>>
      tpu.enqueue_dma source(%dma_start3A_829 : memref<16000xf32, #tpu.memory_space<vmem_shared>>) target(%dma_start3A_826 : memref<16000xf32, #tpu.memory_space<hbm>>) target_semaphore(%arg23 : memref<!tpu.dma_semaphore, #tpu.memory_space<semaphore_mem>>)
      %dma_wait3A_830 = arith.constant 0 : i32
      %dma_wait3A_831 = tpu.memref_slice %arg8[%arg1, %dma_wait3A_830] : memref<16x16000xf32, #tpu.memory_space<vmem_shared>> -> memref<1x16000xf32, #tpu.memory_space<vmem_shared>>
      %dma_wait3A_832 = tpu.memref_squeeze %dma_wait3A_831 : memref<1x16000xf32, #tpu.memory_space<vmem_shared>> -> memref<16000xf32, #tpu.memory_space<vmem_shared>>
      %dma_wait3A_833 = arith.constant 0 : i32
      %dma_wait3A_834 = tpu.memref_slice %arg2[%dma_wait3A_833] : memref<102400000xf32, #tpu.memory_space<hbm>> -> memref<16000xf32, #tpu.memory_space<hbm>>
      tpu.wait_dma2 semaphore(%arg19 : memref<!tpu.dma_semaphore, #tpu.memory_space<semaphore_mem>>) src(%dma_wait3A_834 : memref<16000xf32, #tpu.memory_space<hbm>>) dst(%dma_wait3A_832 : memref<16000xf32, #tpu.memory_space<vmem_shared>>)
      %mul3A_835 = arith.constant 5 : i32
      %mul3A_836 = arith.muli %add3A_797, %mul3A_835 : i32
      %add3A_837 = arith.constant 2 : i32
      %add3A_838 = arith.addi %mul3A_836, %add3A_837 : i32
      %mul3A_839 = arith.constant 16000 : i32
      %mul3A_840 = arith.muli %add3A_838, %mul3A_839 : i32
      %add3A_841 = arith.addi %mul3A_2, %mul3A_840 : i32
      %dma_start3A_842 = tpu.memref_slice %arg5[%add3A_841] : memref<102400000xf32, #tpu.memory_space<hbm>> -> memref<16000xf32, #tpu.memory_space<hbm>>
      %dma_start3A_843 = arith.constant 0 : i32
      %dma_start3A_844 = tpu.memref_slice %arg8[%arg1, %dma_start3A_843] : memref<16x16000xf32, #tpu.memory_space<vmem_shared>> -> memref<1x16000xf32, #tpu.memory_space<vmem_shared>>
      %dma_start3A_845 = tpu.memref_squeeze %dma_start3A_844 : memref<1x16000xf32, #tpu.memory_space<vmem_shared>> -> memref<16000xf32, #tpu.memory_space<vmem_shared>>
      tpu.enqueue_dma source(%dma_start3A_845 : memref<16000xf32, #tpu.memory_space<vmem_shared>>) target(%dma_start3A_842 : memref<16000xf32, #tpu.memory_space<hbm>>) target_semaphore(%arg24 : memref<!tpu.dma_semaphore, #tpu.memory_space<semaphore_mem>>)
      %dma_wait3A_846 = arith.constant 0 : i32
      %dma_wait3A_847 = tpu.memref_slice %arg9[%arg1, %dma_wait3A_846] : memref<16x16000xf32, #tpu.memory_space<vmem_shared>> -> memref<1x16000xf32, #tpu.memory_space<vmem_shared>>
      %dma_wait3A_848 = tpu.memref_squeeze %dma_wait3A_847 : memref<1x16000xf32, #tpu.memory_space<vmem_shared>> -> memref<16000xf32, #tpu.memory_space<vmem_shared>>
      %dma_wait3A_849 = arith.constant 0 : i32
      %dma_wait3A_850 = tpu.memref_slice %arg2[%dma_wait3A_849] : memref<102400000xf32, #tpu.memory_space<hbm>> -> memref<16000xf32, #tpu.memory_space<hbm>>
      tpu.wait_dma2 semaphore(%arg20 : memref<!tpu.dma_semaphore, #tpu.memory_space<semaphore_mem>>) src(%dma_wait3A_850 : memref<16000xf32, #tpu.memory_space<hbm>>) dst(%dma_wait3A_848 : memref<16000xf32, #tpu.memory_space<vmem_shared>>)
      %mul3A_851 = arith.constant 5 : i32
      %mul3A_852 = arith.muli %add3A_797, %mul3A_851 : i32
      %add3A_853 = arith.constant 3 : i32
      %add3A_854 = arith.addi %mul3A_852, %add3A_853 : i32
      %mul3A_855 = arith.constant 16000 : i32
      %mul3A_856 = arith.muli %add3A_854, %mul3A_855 : i32
      %add3A_857 = arith.addi %mul3A_2, %mul3A_856 : i32
      %dma_start3A_858 = tpu.memref_slice %arg5[%add3A_857] : memref<102400000xf32, #tpu.memory_space<hbm>> -> memref<16000xf32, #tpu.memory_space<hbm>>
      %dma_start3A_859 = arith.constant 0 : i32
      %dma_start3A_860 = tpu.memref_slice %arg9[%arg1, %dma_start3A_859] : memref<16x16000xf32, #tpu.memory_space<vmem_shared>> -> memref<1x16000xf32, #tpu.memory_space<vmem_shared>>
      %dma_start3A_861 = tpu.memref_squeeze %dma_start3A_860 : memref<1x16000xf32, #tpu.memory_space<vmem_shared>> -> memref<16000xf32, #tpu.memory_space<vmem_shared>>
      tpu.enqueue_dma source(%dma_start3A_861 : memref<16000xf32, #tpu.memory_space<vmem_shared>>) target(%dma_start3A_858 : memref<16000xf32, #tpu.memory_space<hbm>>) target_semaphore(%arg25 : memref<!tpu.dma_semaphore, #tpu.memory_space<semaphore_mem>>)
      %dma_wait3A_862 = arith.constant 0 : i32
      %dma_wait3A_863 = tpu.memref_slice %arg10[%arg1, %dma_wait3A_862] : memref<16x16000xf32, #tpu.memory_space<vmem_shared>> -> memref<1x16000xf32, #tpu.memory_space<vmem_shared>>
      %dma_wait3A_864 = tpu.memref_squeeze %dma_wait3A_863 : memref<1x16000xf32, #tpu.memory_space<vmem_shared>> -> memref<16000xf32, #tpu.memory_space<vmem_shared>>
      %dma_wait3A_865 = arith.constant 0 : i32
      %dma_wait3A_866 = tpu.memref_slice %arg2[%dma_wait3A_865] : memref<102400000xf32, #tpu.memory_space<hbm>> -> memref<16000xf32, #tpu.memory_space<hbm>>
      tpu.wait_dma2 semaphore(%arg21 : memref<!tpu.dma_semaphore, #tpu.memory_space<semaphore_mem>>) src(%dma_wait3A_866 : memref<16000xf32, #tpu.memory_space<hbm>>) dst(%dma_wait3A_864 : memref<16000xf32, #tpu.memory_space<vmem_shared>>)
      %mul3A_867 = arith.constant 5 : i32
      %mul3A_868 = arith.muli %add3A_797, %mul3A_867 : i32
      %add3A_869 = arith.constant 4 : i32
      %add3A_870 = arith.addi %mul3A_868, %add3A_869 : i32
      %mul3A_871 = arith.constant 16000 : i32
      %mul3A_872 = arith.muli %add3A_870, %mul3A_871 : i32
      %add3A_873 = arith.addi %mul3A_2, %mul3A_872 : i32
      %dma_start3A_874 = tpu.memref_slice %arg5[%add3A_873] : memref<102400000xf32, #tpu.memory_space<hbm>> -> memref<16000xf32, #tpu.memory_space<hbm>>
      %dma_start3A_875 = arith.constant 0 : i32
      %dma_start3A_876 = tpu.memref_slice %arg10[%arg1, %dma_start3A_875] : memref<16x16000xf32, #tpu.memory_space<vmem_shared>> -> memref<1x16000xf32, #tpu.memory_space<vmem_shared>>
      %dma_start3A_877 = tpu.memref_squeeze %dma_start3A_876 : memref<1x16000xf32, #tpu.memory_space<vmem_shared>> -> memref<16000xf32, #tpu.memory_space<vmem_shared>>
      tpu.enqueue_dma source(%dma_start3A_877 : memref<16000xf32, #tpu.memory_space<vmem_shared>>) target(%dma_start3A_874 : memref<16000xf32, #tpu.memory_space<hbm>>) target_semaphore(%arg26 : memref<!tpu.dma_semaphore, #tpu.memory_space<semaphore_mem>>)
      %dma_wait3A_878 = arith.constant 0 : i32
      %dma_wait3A_879 = tpu.memref_slice %arg3[%dma_wait3A_878] : memref<204800xi32, #tpu.memory_space<hbm>> -> memref<5120xi32, #tpu.memory_space<hbm>>
      %dma_wait3A_880 = arith.constant 0 : i32
      %dma_wait3A_881 = tpu.memref_slice %arg3[%dma_wait3A_880] : memref<204800xi32, #tpu.memory_space<hbm>> -> memref<5120xi32, #tpu.memory_space<hbm>>
      tpu.wait_dma2 semaphore(%arg28 : memref<!tpu.dma_semaphore, #tpu.memory_space<semaphore_mem>>) src(%dma_wait3A_881 : memref<5120xi32, #tpu.memory_space<hbm>>) dst(%arg12 : memref<5120xi32, #tpu.memory_space<vmem>>)
      %dma_wait3A_882 = arith.constant 0 : i32
      %dma_wait3A_883 = tpu.memref_slice %arg4[%dma_wait3A_882] : memref<204800xf32, #tpu.memory_space<hbm>> -> memref<5120xf32, #tpu.memory_space<hbm>>
      %dma_wait3A_884 = arith.constant 0 : i32
      %dma_wait3A_885 = tpu.memref_slice %arg4[%dma_wait3A_884] : memref<204800xf32, #tpu.memory_space<hbm>> -> memref<5120xf32, #tpu.memory_space<hbm>>
      tpu.wait_dma2 semaphore(%arg30 : memref<!tpu.dma_semaphore, #tpu.memory_space<semaphore_mem>>) src(%dma_wait3A_885 : memref<5120xf32, #tpu.memory_space<hbm>>) dst(%arg14 : memref<5120xf32, #tpu.memory_space<vmem>>)
      %mul3A_886 = arith.constant 5120 : i32
      %mul3A_887 = arith.muli %add3A_797, %mul3A_886 : i32
      %scan3A_888 = arith.constant 0 : i32
      %scan3A_889 = arith.constant 80 : i32
      %scan3A_890 = arith.addi %scan3A_888, %scan3A_889 : i32
      %scan3A_891 = arith.constant 1 : i32
      %scan3A_892:4 = scf.for %scan3A_994 = %scan3A_888 to %scan3A_890 step %scan3A_891 iter_args(%scan3A_995 = %scan3A_694#0, %scan3A_996 = %scan3A_694#1, %scan3A_997 = %scan3A_694#2, %scan3A_998 = %scan3A_694#3) -> (i32, vector<16xi32>, vector<16xf32>, vector<16xi32>)  : i32 {
        %mul3A_999 = arith.constant 64 : i32
        %mul3A_1000 = arith.muli %scan3A_994, %mul3A_999 : i32
        %add3A_1001 = arith.constant 0 : i32
        %add3A_1002 = arith.addi %mul3A_1000, %add3A_1001 : i32
        %get3A = arith.index_cast %add3A_1002 : i32 to index
        %get3A_1003 = tpu.vector_load %arg12[%get3A] {strides = array<i32>} : memref<5120xi32, #tpu.memory_space<vmem>>, vector<16xi32>,
        %get3A_1004 = arith.index_cast %add3A_1002 : i32 to index
        %get3A_1005 = tpu.vector_load %arg14[%get3A_1004] {strides = array<i32>} : memref<5120xf32, #tpu.memory_space<vmem>>, vector<16xf32>,
        %add3A_1006 = arith.addi %mul3A_887, %add3A_1002 : i32
        %add3A_1007 = vector.broadcast %add3A_1006 : i32 to vector<16xi32>
        %add3A_1008 = arith.addi %add3A_1007, %iota3A : vector<16xi32>
        %jit3A_1009 = arith.constant 200 : i32
        %div3A_1010 = vector.broadcast %jit3A_1009 : i32 to vector<16xi32>
        %div3A_1011 = arith.divsi %add3A_1008, %div3A_1010 : vector<16xi32>
        %sign3A_1012 = arith.constant 0 : i32
        %sign3A_1013 = vector.broadcast %sign3A_1012 : i32 to vector<16xi32>
        %sign3A_1014 = arith.cmpi sgt, %add3A_1008, %sign3A_1013 : vector<16xi32>
        %sign3A_1015 = arith.extui %sign3A_1014 : vector<16xi1> to vector<16xi32>
        %sign3A_1016 = arith.constant 0 : i32
        %sign3A_1017 = vector.broadcast %sign3A_1016 : i32 to vector<16xi32>
        %sign3A_1018 = arith.cmpi slt, %add3A_1008, %sign3A_1017 : vector<16xi32>
        %sign3A_1019 = arith.extui %sign3A_1018 : vector<16xi1> to vector<16xi32>
        %sign3A_1020 = arith.subi %sign3A_1015, %sign3A_1019 : vector<16xi32>
        %sign3A_1021 = arith.constant 0 : i32
        %sign3A_1022 = arith.cmpi sgt, %jit3A_1009, %sign3A_1021 : i32
        %sign3A_1023 = arith.extui %sign3A_1022 : i1 to i32
        %sign3A_1024 = arith.constant 0 : i32
        %sign3A_1025 = arith.cmpi slt, %jit3A_1009, %sign3A_1024 : i32
        %sign3A_1026 = arith.extui %sign3A_1025 : i1 to i32
        %sign3A_1027 = arith.subi %sign3A_1023, %sign3A_1026 : i32
        %ne3A_1028 = vector.broadcast %sign3A_1027 : i32 to vector<16xi32>
        %ne3A_1029 = arith.cmpi ne, %sign3A_1020, %ne3A_1028 : vector<16xi32>
        %rem3A_1030 = vector.broadcast %jit3A_1009 : i32 to vector<16xi32>
        %rem3A_1031 = arith.remsi %add3A_1008, %rem3A_1030 : vector<16xi32>
        %ne3A_1032 = arith.constant 0 : i32
        %ne3A_1033 = vector.broadcast %ne3A_1032 : i32 to vector<16xi32>
        %ne3A_1034 = arith.cmpi ne, %rem3A_1031, %ne3A_1033 : vector<16xi32>
        %and3A_1035 = arith.andi %ne3A_1029, %ne3A_1034 : vector<16xi1>
        %sub3A_1036 = arith.constant 1 : i32
        %sub3A_1037 = vector.broadcast %sub3A_1036 : i32 to vector<16xi32>
        %sub3A_1038 = arith.subi %div3A_1011, %sub3A_1037 : vector<16xi32>
        %select_n3A_1039 = arith.select %and3A_1035, %sub3A_1038, %div3A_1011 : vector<16xi1>, vector<16xi32>
        %shift_right_arithmetic3A_1040 = arith.constant 3 : i32
        %shift_right_arithmetic3A_1041 = vector.broadcast %shift_right_arithmetic3A_1040 : i32 to vector<16xi32>
        %shift_right_arithmetic3A_1042 = arith.shrsi %get3A_1003, %shift_right_arithmetic3A_1041 : vector<16xi32>
        %mul3A_1043 = arith.constant 8192 : i32
        %mul3A_1044 = vector.broadcast %mul3A_1043 : i32 to vector<16xi32>
        %mul3A_1045 = arith.muli %shift_right_arithmetic3A_1042, %mul3A_1044 : vector<16xi32>
        %shift_right_arithmetic3A_1046 = arith.constant 7 : i32
        %shift_right_arithmetic3A_1047 = vector.broadcast %shift_right_arithmetic3A_1046 : i32 to vector<16xi32>
        %shift_right_arithmetic3A_1048 = arith.shrsi %select_n3A_1039, %shift_right_arithmetic3A_1047 : vector<16xi32>
        %shift_left3A = arith.constant 10 : i32
        %shift_left3A_1049 = vector.broadcast %shift_left3A : i32 to vector<16xi32>
        %shift_left3A_1050 = arith.shli %shift_right_arithmetic3A_1048, %shift_left3A_1049 : vector<16xi32>
        %add3A_1051 = arith.addi %mul3A_1045, %shift_left3A_1050 : vector<16xi32>
        %and3A_1052 = arith.constant 7 : i32
        %and3A_1053 = vector.broadcast %and3A_1052 : i32 to vector<16xi32>
        %and3A_1054 = arith.andi %get3A_1003, %and3A_1053 : vector<16xi32>
        %shift_left3A_1055 = arith.constant 7 : i32
        %shift_left3A_1056 = vector.broadcast %shift_left3A_1055 : i32 to vector<16xi32>
        %shift_left3A_1057 = arith.shli %and3A_1054, %shift_left3A_1056 : vector<16xi32>
        %add3A_1058 = arith.addi %add3A_1051, %shift_left3A_1057 : vector<16xi32>
        %and3A_1059 = arith.constant 127 : i32
        %and3A_1060 = vector.broadcast %and3A_1059 : i32 to vector<16xi32>
        %and3A_1061 = arith.andi %select_n3A_1039, %and3A_1060 : vector<16xi32>
        %add3A_1062 = arith.addi %add3A_1058, %and3A_1061 : vector<16xi32>
        %ge3A = vector.broadcast %mul3A_2 : i32 to vector<16xi32>
        %ge3A_1063 = arith.cmpi sge, %add3A_1062, %ge3A : vector<16xi32>
        %add3A_1064 = arith.constant 3200000 : i32
        %add3A_1065 = arith.addi %mul3A_2, %add3A_1064 : i32
        %lt3A_1066 = vector.broadcast %add3A_1065 : i32 to vector<16xi32>
        %lt3A_1067 = arith.cmpi slt, %add3A_1062, %lt3A_1066 : vector<16xi32>
        %and3A_1068 = arith.andi %ge3A_1063, %lt3A_1067 : vector<16xi1>
        %convert_element_type3A = arith.extui %and3A_1068 : vector<16xi1> to vector<16xi32>
        %broadcast_in_dim3A_1069 = arith.constant true
        %broadcast_in_dim3A_1070 = vector.broadcast %broadcast_in_dim3A_1069 : i1 to vector<16xi1>
        %masked_cumsum3A_1071 = tpu.scan <sum>, %convert_element_type3A masked %broadcast_in_dim3A_1070 : vector<16xi32>, vector<16xi1> -> vector<16xi32>
        %reduce_sum3A_1072 = arith.constant true
        %reduce_sum3A_1073 = vector.broadcast %reduce_sum3A_1072 : i1 to vector<16xi1>
        %reduce_sum3A_1074 = tpu.scan <sum>, %convert_element_type3A masked %reduce_sum3A_1073 : vector<16xi32>, vector<16xi1> -> vector<16xi32>
        %reduce_sum3A_1075 = vector.extract %reduce_sum3A_1074[15] : i32 from vector<16xi32>
        %add3A_1076 = vector.broadcast %scan3A_995 : i32 to vector<16xi32>
        %add3A_1077 = arith.addi %add3A_1076, %masked_cumsum3A_1071 : vector<16xi32>
        %sub3A_1078 = arith.constant 1 : i32
        %sub3A_1079 = vector.broadcast %sub3A_1078 : i32 to vector<16xi32>
        %sub3A_1080 = arith.subi %add3A_1077, %sub3A_1079 : vector<16xi32>
        %lt3A_1081 = arith.constant 12800 : i32
        %lt3A_1082 = vector.broadcast %lt3A_1081 : i32 to vector<16xi32>
        %lt3A_1083 = arith.cmpi slt, %sub3A_1080, %lt3A_1082 : vector<16xi32>
        %and3A_1084 = arith.andi %and3A_1068, %lt3A_1083 : vector<16xi1>
        %jit3A_1085 = arith.constant 0 : i32
        %broadcast_in_dim3A_1086 = vector.broadcast %jit3A_1085 : i32 to vector<16xi32>
        %select_n3A_1087 = arith.select %and3A_1084, %sub3A_1080, %broadcast_in_dim3A_1086 : vector<16xi1>, vector<16xi32>
        %shift_right_arithmetic3A_1088 = arith.constant 7 : i32
        %shift_right_arithmetic3A_1089 = vector.broadcast %shift_right_arithmetic3A_1088 : i32 to vector<16xi32>
        %shift_right_arithmetic3A_1090 = arith.shrsi %select_n3A_1087, %shift_right_arithmetic3A_1089 : vector<16xi32>
        %and3A_1091 = arith.constant 127 : i32
        %and3A_1092 = vector.broadcast %and3A_1091 : i32 to vector<16xi32>
        %and3A_1093 = arith.andi %select_n3A_1087, %and3A_1092 : vector<16xi32>
        tpu.vector_store_idx %arg15[%shift_right_arithmetic3A_1090, %and3A_1093], %add3A_1062 masked %and3A_1084 : memref<100x128xi32, #tpu.memory_space<vmem>>[vector<16xi32>, vector<16xi32>], vector<16xi32>, vector<16xi1>
        %shift_right_arithmetic3A_1094 = arith.constant 7 : i32
        %shift_right_arithmetic3A_1095 = vector.broadcast %shift_right_arithmetic3A_1094 : i32 to vector<16xi32>
        %shift_right_arithmetic3A_1096 = arith.shrsi %select_n3A_1087, %shift_right_arithmetic3A_1095 : vector<16xi32>
        %and3A_1097 = arith.constant 127 : i32
        %and3A_1098 = vector.broadcast %and3A_1097 : i32 to vector<16xi32>
        %and3A_1099 = arith.andi %select_n3A_1087, %and3A_1098 : vector<16xi32>
        tpu.vector_store_idx %arg16[%shift_right_arithmetic3A_1096, %and3A_1099], %get3A_1005 masked %and3A_1084 : memref<100x128xf32, #tpu.memory_space<vmem>>[vector<16xi32>, vector<16xi32>], vector<16xf32>, vector<16xi1>
        %gt3A_1100 = arith.constant 0 : i32
        %gt3A_1101 = arith.cmpi sgt, %reduce_sum3A_1075, %gt3A_1100 : i32
        %add3A_1102 = arith.addi %scan3A_995, %reduce_sum3A_1075 : i32
        %select_n3A_1103 = arith.select %gt3A_1101, %add3A_1062, %scan3A_996 : vector<16xi32>
        %select_n3A_1104 = arith.select %gt3A_1101, %get3A_1005, %scan3A_997 : vector<16xf32>
        %select_n3A_1105 = arith.select %gt3A_1101, %convert_element_type3A, %scan3A_998 : vector<16xi32>
        %mul3A_1106 = arith.constant 64 : i32
        %mul3A_1107 = arith.muli %scan3A_994, %mul3A_1106 : i32
        %add3A_1108 = arith.constant 16 : i32
        %add3A_1109 = arith.addi %mul3A_1107, %add3A_1108 : i32
        %get3A_1110 = arith.index_cast %add3A_1109 : i32 to index
        %get3A_1111 = tpu.vector_load %arg12[%get3A_1110] {strides = array<i32>} : memref<5120xi32, #tpu.memory_space<vmem>>, vector<16xi32>,
        %get3A_1112 = arith.index_cast %add3A_1109 : i32 to index
        %get3A_1113 = tpu.vector_load %arg14[%get3A_1112] {strides = array<i32>} : memref<5120xf32, #tpu.memory_space<vmem>>, vector<16xf32>,
        %add3A_1114 = arith.addi %mul3A_887, %add3A_1109 : i32
        %add3A_1115 = vector.broadcast %add3A_1114 : i32 to vector<16xi32>
        %add3A_1116 = arith.addi %add3A_1115, %iota3A : vector<16xi32>
        %jit3A_1117 = arith.constant 200 : i32
        %div3A_1118 = vector.broadcast %jit3A_1117 : i32 to vector<16xi32>
        %div3A_1119 = arith.divsi %add3A_1116, %div3A_1118 : vector<16xi32>
        %sign3A_1120 = arith.constant 0 : i32
        %sign3A_1121 = vector.broadcast %sign3A_1120 : i32 to vector<16xi32>
        %sign3A_1122 = arith.cmpi sgt, %add3A_1116, %sign3A_1121 : vector<16xi32>
        %sign3A_1123 = arith.extui %sign3A_1122 : vector<16xi1> to vector<16xi32>
        %sign3A_1124 = arith.constant 0 : i32
        %sign3A_1125 = vector.broadcast %sign3A_1124 : i32 to vector<16xi32>
        %sign3A_1126 = arith.cmpi slt, %add3A_1116, %sign3A_1125 : vector<16xi32>
        %sign3A_1127 = arith.extui %sign3A_1126 : vector<16xi1> to vector<16xi32>
        %sign3A_1128 = arith.subi %sign3A_1123, %sign3A_1127 : vector<16xi32>
        %sign3A_1129 = arith.constant 0 : i32
        %sign3A_1130 = arith.cmpi sgt, %jit3A_1117, %sign3A_1129 : i32
        %sign3A_1131 = arith.extui %sign3A_1130 : i1 to i32
        %sign3A_1132 = arith.constant 0 : i32
        %sign3A_1133 = arith.cmpi slt, %jit3A_1117, %sign3A_1132 : i32
        %sign3A_1134 = arith.extui %sign3A_1133 : i1 to i32
        %sign3A_1135 = arith.subi %sign3A_1131, %sign3A_1134 : i32
        %ne3A_1136 = vector.broadcast %sign3A_1135 : i32 to vector<16xi32>
        %ne3A_1137 = arith.cmpi ne, %sign3A_1128, %ne3A_1136 : vector<16xi32>
        %rem3A_1138 = vector.broadcast %jit3A_1117 : i32 to vector<16xi32>
        %rem3A_1139 = arith.remsi %add3A_1116, %rem3A_1138 : vector<16xi32>
        %ne3A_1140 = arith.constant 0 : i32
        %ne3A_1141 = vector.broadcast %ne3A_1140 : i32 to vector<16xi32>
        %ne3A_1142 = arith.cmpi ne, %rem3A_1139, %ne3A_1141 : vector<16xi32>
        %and3A_1143 = arith.andi %ne3A_1137, %ne3A_1142 : vector<16xi1>
        %sub3A_1144 = arith.constant 1 : i32
        %sub3A_1145 = vector.broadcast %sub3A_1144 : i32 to vector<16xi32>
        %sub3A_1146 = arith.subi %div3A_1119, %sub3A_1145 : vector<16xi32>
        %select_n3A_1147 = arith.select %and3A_1143, %sub3A_1146, %div3A_1119 : vector<16xi1>, vector<16xi32>
        %shift_right_arithmetic3A_1148 = arith.constant 3 : i32
        %shift_right_arithmetic3A_1149 = vector.broadcast %shift_right_arithmetic3A_1148 : i32 to vector<16xi32>
        %shift_right_arithmetic3A_1150 = arith.shrsi %get3A_1111, %shift_right_arithmetic3A_1149 : vector<16xi32>
        %mul3A_1151 = arith.constant 8192 : i32
        %mul3A_1152 = vector.broadcast %mul3A_1151 : i32 to vector<16xi32>
        %mul3A_1153 = arith.muli %shift_right_arithmetic3A_1150, %mul3A_1152 : vector<16xi32>
        %shift_right_arithmetic3A_1154 = arith.constant 7 : i32
        %shift_right_arithmetic3A_1155 = vector.broadcast %shift_right_arithmetic3A_1154 : i32 to vector<16xi32>
        %shift_right_arithmetic3A_1156 = arith.shrsi %select_n3A_1147, %shift_right_arithmetic3A_1155 : vector<16xi32>
        %shift_left3A_1157 = arith.constant 10 : i32
        %shift_left3A_1158 = vector.broadcast %shift_left3A_1157 : i32 to vector<16xi32>
        %shift_left3A_1159 = arith.shli %shift_right_arithmetic3A_1156, %shift_left3A_1158 : vector<16xi32>
        %add3A_1160 = arith.addi %mul3A_1153, %shift_left3A_1159 : vector<16xi32>
        %and3A_1161 = arith.constant 7 : i32
        %and3A_1162 = vector.broadcast %and3A_1161 : i32 to vector<16xi32>
        %and3A_1163 = arith.andi %get3A_1111, %and3A_1162 : vector<16xi32>
        %shift_left3A_1164 = arith.constant 7 : i32
        %shift_left3A_1165 = vector.broadcast %shift_left3A_1164 : i32 to vector<16xi32>
        %shift_left3A_1166 = arith.shli %and3A_1163, %shift_left3A_1165 : vector<16xi32>
        %add3A_1167 = arith.addi %add3A_1160, %shift_left3A_1166 : vector<16xi32>
        %and3A_1168 = arith.constant 127 : i32
        %and3A_1169 = vector.broadcast %and3A_1168 : i32 to vector<16xi32>
        %and3A_1170 = arith.andi %select_n3A_1147, %and3A_1169 : vector<16xi32>
        %add3A_1171 = arith.addi %add3A_1167, %and3A_1170 : vector<16xi32>
        %ge3A_1172 = vector.broadcast %mul3A_2 : i32 to vector<16xi32>
        %ge3A_1173 = arith.cmpi sge, %add3A_1171, %ge3A_1172 : vector<16xi32>
        %add3A_1174 = arith.constant 3200000 : i32
        %add3A_1175 = arith.addi %mul3A_2, %add3A_1174 : i32
        %lt3A_1176 = vector.broadcast %add3A_1175 : i32 to vector<16xi32>
        %lt3A_1177 = arith.cmpi slt, %add3A_1171, %lt3A_1176 : vector<16xi32>
        %and3A_1178 = arith.andi %ge3A_1173, %lt3A_1177 : vector<16xi1>
        %convert_element_type3A_1179 = arith.extui %and3A_1178 : vector<16xi1> to vector<16xi32>
        %broadcast_in_dim3A_1180 = arith.constant true
        %broadcast_in_dim3A_1181 = vector.broadcast %broadcast_in_dim3A_1180 : i1 to vector<16xi1>
        %masked_cumsum3A_1182 = tpu.scan <sum>, %convert_element_type3A_1179 masked %broadcast_in_dim3A_1181 : vector<16xi32>, vector<16xi1> -> vector<16xi32>
        %reduce_sum3A_1183 = arith.constant true
        %reduce_sum3A_1184 = vector.broadcast %reduce_sum3A_1183 : i1 to vector<16xi1>
        %reduce_sum3A_1185 = tpu.scan <sum>, %convert_element_type3A_1179 masked %reduce_sum3A_1184 : vector<16xi32>, vector<16xi1> -> vector<16xi32>
        %reduce_sum3A_1186 = vector.extract %reduce_sum3A_1185[15] : i32 from vector<16xi32>
        %add3A_1187 = vector.broadcast %add3A_1102 : i32 to vector<16xi32>
        %add3A_1188 = arith.addi %add3A_1187, %masked_cumsum3A_1182 : vector<16xi32>
        %sub3A_1189 = arith.constant 1 : i32
        %sub3A_1190 = vector.broadcast %sub3A_1189 : i32 to vector<16xi32>
        %sub3A_1191 = arith.subi %add3A_1188, %sub3A_1190 : vector<16xi32>
        %lt3A_1192 = arith.constant 12800 : i32
        %lt3A_1193 = vector.broadcast %lt3A_1192 : i32 to vector<16xi32>
        %lt3A_1194 = arith.cmpi slt, %sub3A_1191, %lt3A_1193 : vector<16xi32>
        %and3A_1195 = arith.andi %and3A_1178, %lt3A_1194 : vector<16xi1>
        %jit3A_1196 = arith.constant 0 : i32
        %broadcast_in_dim3A_1197 = vector.broadcast %jit3A_1196 : i32 to vector<16xi32>
        %select_n3A_1198 = arith.select %and3A_1195, %sub3A_1191, %broadcast_in_dim3A_1197 : vector<16xi1>, vector<16xi32>
        %shift_right_arithmetic3A_1199 = arith.constant 7 : i32
        %shift_right_arithmetic3A_1200 = vector.broadcast %shift_right_arithmetic3A_1199 : i32 to vector<16xi32>
        %shift_right_arithmetic3A_1201 = arith.shrsi %select_n3A_1198, %shift_right_arithmetic3A_1200 : vector<16xi32>
        %and3A_1202 = arith.constant 127 : i32
        %and3A_1203 = vector.broadcast %and3A_1202 : i32 to vector<16xi32>
        %and3A_1204 = arith.andi %select_n3A_1198, %and3A_1203 : vector<16xi32>
        tpu.vector_store_idx %arg15[%shift_right_arithmetic3A_1201, %and3A_1204], %add3A_1171 masked %and3A_1195 : memref<100x128xi32, #tpu.memory_space<vmem>>[vector<16xi32>, vector<16xi32>], vector<16xi32>, vector<16xi1>
        %shift_right_arithmetic3A_1205 = arith.constant 7 : i32
        %shift_right_arithmetic3A_1206 = vector.broadcast %shift_right_arithmetic3A_1205 : i32 to vector<16xi32>
        %shift_right_arithmetic3A_1207 = arith.shrsi %select_n3A_1198, %shift_right_arithmetic3A_1206 : vector<16xi32>
        %and3A_1208 = arith.constant 127 : i32
        %and3A_1209 = vector.broadcast %and3A_1208 : i32 to vector<16xi32>
        %and3A_1210 = arith.andi %select_n3A_1198, %and3A_1209 : vector<16xi32>
        tpu.vector_store_idx %arg16[%shift_right_arithmetic3A_1207, %and3A_1210], %get3A_1113 masked %and3A_1195 : memref<100x128xf32, #tpu.memory_space<vmem>>[vector<16xi32>, vector<16xi32>], vector<16xf32>, vector<16xi1>
        %gt3A_1211 = arith.constant 0 : i32
        %gt3A_1212 = arith.cmpi sgt, %reduce_sum3A_1186, %gt3A_1211 : i32
        %add3A_1213 = arith.addi %add3A_1102, %reduce_sum3A_1186 : i32
        %select_n3A_1214 = arith.select %gt3A_1212, %add3A_1171, %select_n3A_1103 : vector<16xi32>
        %select_n3A_1215 = arith.select %gt3A_1212, %get3A_1113, %select_n3A_1104 : vector<16xf32>
        %select_n3A_1216 = arith.select %gt3A_1212, %convert_element_type3A_1179, %select_n3A_1105 : vector<16xi32>
        %mul3A_1217 = arith.constant 64 : i32
        %mul3A_1218 = arith.muli %scan3A_994, %mul3A_1217 : i32
        %add3A_1219 = arith.constant 32 : i32
        %add3A_1220 = arith.addi %mul3A_1218, %add3A_1219 : i32
        %get3A_1221 = arith.index_cast %add3A_1220 : i32 to index
        %get3A_1222 = tpu.vector_load %arg12[%get3A_1221] {strides = array<i32>} : memref<5120xi32, #tpu.memory_space<vmem>>, vector<16xi32>,
        %get3A_1223 = arith.index_cast %add3A_1220 : i32 to index
        %get3A_1224 = tpu.vector_load %arg14[%get3A_1223] {strides = array<i32>} : memref<5120xf32, #tpu.memory_space<vmem>>, vector<16xf32>,
        %add3A_1225 = arith.addi %mul3A_887, %add3A_1220 : i32
        %add3A_1226 = vector.broadcast %add3A_1225 : i32 to vector<16xi32>
        %add3A_1227 = arith.addi %add3A_1226, %iota3A : vector<16xi32>
        %jit3A_1228 = arith.constant 200 : i32
        %div3A_1229 = vector.broadcast %jit3A_1228 : i32 to vector<16xi32>
        %div3A_1230 = arith.divsi %add3A_1227, %div3A_1229 : vector<16xi32>
        %sign3A_1231 = arith.constant 0 : i32
        %sign3A_1232 = vector.broadcast %sign3A_1231 : i32 to vector<16xi32>
        %sign3A_1233 = arith.cmpi sgt, %add3A_1227, %sign3A_1232 : vector<16xi32>
        %sign3A_1234 = arith.extui %sign3A_1233 : vector<16xi1> to vector<16xi32>
        %sign3A_1235 = arith.constant 0 : i32
        %sign3A_1236 = vector.broadcast %sign3A_1235 : i32 to vector<16xi32>
        %sign3A_1237 = arith.cmpi slt, %add3A_1227, %sign3A_1236 : vector<16xi32>
        %sign3A_1238 = arith.extui %sign3A_1237 : vector<16xi1> to vector<16xi32>
        %sign3A_1239 = arith.subi %sign3A_1234, %sign3A_1238 : vector<16xi32>
        %sign3A_1240 = arith.constant 0 : i32
        %sign3A_1241 = arith.cmpi sgt, %jit3A_1228, %sign3A_1240 : i32
        %sign3A_1242 = arith.extui %sign3A_1241 : i1 to i32
        %sign3A_1243 = arith.constant 0 : i32
        %sign3A_1244 = arith.cmpi slt, %jit3A_1228, %sign3A_1243 : i32
        %sign3A_1245 = arith.extui %sign3A_1244 : i1 to i32
        %sign3A_1246 = arith.subi %sign3A_1242, %sign3A_1245 : i32
        %ne3A_1247 = vector.broadcast %sign3A_1246 : i32 to vector<16xi32>
        %ne3A_1248 = arith.cmpi ne, %sign3A_1239, %ne3A_1247 : vector<16xi32>
        %rem3A_1249 = vector.broadcast %jit3A_1228 : i32 to vector<16xi32>
        %rem3A_1250 = arith.remsi %add3A_1227, %rem3A_1249 : vector<16xi32>
        %ne3A_1251 = arith.constant 0 : i32
        %ne3A_1252 = vector.broadcast %ne3A_1251 : i32 to vector<16xi32>
        %ne3A_1253 = arith.cmpi ne, %rem3A_1250, %ne3A_1252 : vector<16xi32>
        %and3A_1254 = arith.andi %ne3A_1248, %ne3A_1253 : vector<16xi1>
        %sub3A_1255 = arith.constant 1 : i32
        %sub3A_1256 = vector.broadcast %sub3A_1255 : i32 to vector<16xi32>
        %sub3A_1257 = arith.subi %div3A_1230, %sub3A_1256 : vector<16xi32>
        %select_n3A_1258 = arith.select %and3A_1254, %sub3A_1257, %div3A_1230 : vector<16xi1>, vector<16xi32>
        %shift_right_arithmetic3A_1259 = arith.constant 3 : i32
        %shift_right_arithmetic3A_1260 = vector.broadcast %shift_right_arithmetic3A_1259 : i32 to vector<16xi32>
        %shift_right_arithmetic3A_1261 = arith.shrsi %get3A_1222, %shift_right_arithmetic3A_1260 : vector<16xi32>
        %mul3A_1262 = arith.constant 8192 : i32
        %mul3A_1263 = vector.broadcast %mul3A_1262 : i32 to vector<16xi32>
        %mul3A_1264 = arith.muli %shift_right_arithmetic3A_1261, %mul3A_1263 : vector<16xi32>
        %shift_right_arithmetic3A_1265 = arith.constant 7 : i32
        %shift_right_arithmetic3A_1266 = vector.broadcast %shift_right_arithmetic3A_1265 : i32 to vector<16xi32>
        %shift_right_arithmetic3A_1267 = arith.shrsi %select_n3A_1258, %shift_right_arithmetic3A_1266 : vector<16xi32>
        %shift_left3A_1268 = arith.constant 10 : i32
        %shift_left3A_1269 = vector.broadcast %shift_left3A_1268 : i32 to vector<16xi32>
        %shift_left3A_1270 = arith.shli %shift_right_arithmetic3A_1267, %shift_left3A_1269 : vector<16xi32>
        %add3A_1271 = arith.addi %mul3A_1264, %shift_left3A_1270 : vector<16xi32>
        %and3A_1272 = arith.constant 7 : i32
        %and3A_1273 = vector.broadcast %and3A_1272 : i32 to vector<16xi32>
        %and3A_1274 = arith.andi %get3A_1222, %and3A_1273 : vector<16xi32>
        %shift_left3A_1275 = arith.constant 7 : i32
        %shift_left3A_1276 = vector.broadcast %shift_left3A_1275 : i32 to vector<16xi32>
        %shift_left3A_1277 = arith.shli %and3A_1274, %shift_left3A_1276 : vector<16xi32>
        %add3A_1278 = arith.addi %add3A_1271, %shift_left3A_1277 : vector<16xi32>
        %and3A_1279 = arith.constant 127 : i32
        %and3A_1280 = vector.broadcast %and3A_1279 : i32 to vector<16xi32>
        %and3A_1281 = arith.andi %select_n3A_1258, %and3A_1280 : vector<16xi32>
        %add3A_1282 = arith.addi %add3A_1278, %and3A_1281 : vector<16xi32>
        %ge3A_1283 = vector.broadcast %mul3A_2 : i32 to vector<16xi32>
        %ge3A_1284 = arith.cmpi sge, %add3A_1282, %ge3A_1283 : vector<16xi32>
        %add3A_1285 = arith.constant 3200000 : i32
        %add3A_1286 = arith.addi %mul3A_2, %add3A_1285 : i32
        %lt3A_1287 = vector.broadcast %add3A_1286 : i32 to vector<16xi32>
        %lt3A_1288 = arith.cmpi slt, %add3A_1282, %lt3A_1287 : vector<16xi32>
        %and3A_1289 = arith.andi %ge3A_1284, %lt3A_1288 : vector<16xi1>
        %convert_element_type3A_1290 = arith.extui %and3A_1289 : vector<16xi1> to vector<16xi32>
        %broadcast_in_dim3A_1291 = arith.constant true
        %broadcast_in_dim3A_1292 = vector.broadcast %broadcast_in_dim3A_1291 : i1 to vector<16xi1>
        %masked_cumsum3A_1293 = tpu.scan <sum>, %convert_element_type3A_1290 masked %broadcast_in_dim3A_1292 : vector<16xi32>, vector<16xi1> -> vector<16xi32>
        %reduce_sum3A_1294 = arith.constant true
        %reduce_sum3A_1295 = vector.broadcast %reduce_sum3A_1294 : i1 to vector<16xi1>
        %reduce_sum3A_1296 = tpu.scan <sum>, %convert_element_type3A_1290 masked %reduce_sum3A_1295 : vector<16xi32>, vector<16xi1> -> vector<16xi32>
        %reduce_sum3A_1297 = vector.extract %reduce_sum3A_1296[15] : i32 from vector<16xi32>
        %add3A_1298 = vector.broadcast %add3A_1213 : i32 to vector<16xi32>
        %add3A_1299 = arith.addi %add3A_1298, %masked_cumsum3A_1293 : vector<16xi32>
        %sub3A_1300 = arith.constant 1 : i32
        %sub3A_1301 = vector.broadcast %sub3A_1300 : i32 to vector<16xi32>
        %sub3A_1302 = arith.subi %add3A_1299, %sub3A_1301 : vector<16xi32>
        %lt3A_1303 = arith.constant 12800 : i32
        %lt3A_1304 = vector.broadcast %lt3A_1303 : i32 to vector<16xi32>
        %lt3A_1305 = arith.cmpi slt, %sub3A_1302, %lt3A_1304 : vector<16xi32>
        %and3A_1306 = arith.andi %and3A_1289, %lt3A_1305 : vector<16xi1>
        %jit3A_1307 = arith.constant 0 : i32
        %broadcast_in_dim3A_1308 = vector.broadcast %jit3A_1307 : i32 to vector<16xi32>
        %select_n3A_1309 = arith.select %and3A_1306, %sub3A_1302, %broadcast_in_dim3A_1308 : vector<16xi1>, vector<16xi32>
        %shift_right_arithmetic3A_1310 = arith.constant 7 : i32
        %shift_right_arithmetic3A_1311 = vector.broadcast %shift_right_arithmetic3A_1310 : i32 to vector<16xi32>
        %shift_right_arithmetic3A_1312 = arith.shrsi %select_n3A_1309, %shift_right_arithmetic3A_1311 : vector<16xi32>
        %and3A_1313 = arith.constant 127 : i32
        %and3A_1314 = vector.broadcast %and3A_1313 : i32 to vector<16xi32>
        %and3A_1315 = arith.andi %select_n3A_1309, %and3A_1314 : vector<16xi32>
        tpu.vector_store_idx %arg15[%shift_right_arithmetic3A_1312, %and3A_1315], %add3A_1282 masked %and3A_1306 : memref<100x128xi32, #tpu.memory_space<vmem>>[vector<16xi32>, vector<16xi32>], vector<16xi32>, vector<16xi1>
        %shift_right_arithmetic3A_1316 = arith.constant 7 : i32
        %shift_right_arithmetic3A_1317 = vector.broadcast %shift_right_arithmetic3A_1316 : i32 to vector<16xi32>
        %shift_right_arithmetic3A_1318 = arith.shrsi %select_n3A_1309, %shift_right_arithmetic3A_1317 : vector<16xi32>
        %and3A_1319 = arith.constant 127 : i32
        %and3A_1320 = vector.broadcast %and3A_1319 : i32 to vector<16xi32>
        %and3A_1321 = arith.andi %select_n3A_1309, %and3A_1320 : vector<16xi32>
        tpu.vector_store_idx %arg16[%shift_right_arithmetic3A_1318, %and3A_1321], %get3A_1224 masked %and3A_1306 : memref<100x128xf32, #tpu.memory_space<vmem>>[vector<16xi32>, vector<16xi32>], vector<16xf32>, vector<16xi1>
        %gt3A_1322 = arith.constant 0 : i32
        %gt3A_1323 = arith.cmpi sgt, %reduce_sum3A_1297, %gt3A_1322 : i32
        %add3A_1324 = arith.addi %add3A_1213, %reduce_sum3A_1297 : i32
        %select_n3A_1325 = arith.select %gt3A_1323, %add3A_1282, %select_n3A_1214 : vector<16xi32>
        %select_n3A_1326 = arith.select %gt3A_1323, %get3A_1224, %select_n3A_1215 : vector<16xf32>
        %select_n3A_1327 = arith.select %gt3A_1323, %convert_element_type3A_1290, %select_n3A_1216 : vector<16xi32>
        %mul3A_1328 = arith.constant 64 : i32
        %mul3A_1329 = arith.muli %scan3A_994, %mul3A_1328 : i32
        %add3A_1330 = arith.constant 48 : i32
        %add3A_1331 = arith.addi %mul3A_1329, %add3A_1330 : i32
        %get3A_1332 = arith.index_cast %add3A_1331 : i32 to index
        %get3A_1333 = tpu.vector_load %arg12[%get3A_1332] {strides = array<i32>} : memref<5120xi32, #tpu.memory_space<vmem>>, vector<16xi32>,
        %get3A_1334 = arith.index_cast %add3A_1331 : i32 to index
        %get3A_1335 = tpu.vector_load %arg14[%get3A_1334] {strides = array<i32>} : memref<5120xf32, #tpu.memory_space<vmem>>, vector<16xf32>,
        %add3A_1336 = arith.addi %mul3A_887, %add3A_1331 : i32
        %add3A_1337 = vector.broadcast %add3A_1336 : i32 to vector<16xi32>
        %add3A_1338 = arith.addi %add3A_1337, %iota3A : vector<16xi32>
        %jit3A_1339 = arith.constant 200 : i32
        %div3A_1340 = vector.broadcast %jit3A_1339 : i32 to vector<16xi32>
        %div3A_1341 = arith.divsi %add3A_1338, %div3A_1340 : vector<16xi32>
        %sign3A_1342 = arith.constant 0 : i32
        %sign3A_1343 = vector.broadcast %sign3A_1342 : i32 to vector<16xi32>
        %sign3A_1344 = arith.cmpi sgt, %add3A_1338, %sign3A_1343 : vector<16xi32>
        %sign3A_1345 = arith.extui %sign3A_1344 : vector<16xi1> to vector<16xi32>
        %sign3A_1346 = arith.constant 0 : i32
        %sign3A_1347 = vector.broadcast %sign3A_1346 : i32 to vector<16xi32>
        %sign3A_1348 = arith.cmpi slt, %add3A_1338, %sign3A_1347 : vector<16xi32>
        %sign3A_1349 = arith.extui %sign3A_1348 : vector<16xi1> to vector<16xi32>
        %sign3A_1350 = arith.subi %sign3A_1345, %sign3A_1349 : vector<16xi32>
        %sign3A_1351 = arith.constant 0 : i32
        %sign3A_1352 = arith.cmpi sgt, %jit3A_1339, %sign3A_1351 : i32
        %sign3A_1353 = arith.extui %sign3A_1352 : i1 to i32
        %sign3A_1354 = arith.constant 0 : i32
        %sign3A_1355 = arith.cmpi slt, %jit3A_1339, %sign3A_1354 : i32
        %sign3A_1356 = arith.extui %sign3A_1355 : i1 to i32
        %sign3A_1357 = arith.subi %sign3A_1353, %sign3A_1356 : i32
        %ne3A_1358 = vector.broadcast %sign3A_1357 : i32 to vector<16xi32>
        %ne3A_1359 = arith.cmpi ne, %sign3A_1350, %ne3A_1358 : vector<16xi32>
        %rem3A_1360 = vector.broadcast %jit3A_1339 : i32 to vector<16xi32>
        %rem3A_1361 = arith.remsi %add3A_1338, %rem3A_1360 : vector<16xi32>
        %ne3A_1362 = arith.constant 0 : i32
        %ne3A_1363 = vector.broadcast %ne3A_1362 : i32 to vector<16xi32>
        %ne3A_1364 = arith.cmpi ne, %rem3A_1361, %ne3A_1363 : vector<16xi32>
        %and3A_1365 = arith.andi %ne3A_1359, %ne3A_1364 : vector<16xi1>
        %sub3A_1366 = arith.constant 1 : i32
        %sub3A_1367 = vector.broadcast %sub3A_1366 : i32 to vector<16xi32>
        %sub3A_1368 = arith.subi %div3A_1341, %sub3A_1367 : vector<16xi32>
        %select_n3A_1369 = arith.select %and3A_1365, %sub3A_1368, %div3A_1341 : vector<16xi1>, vector<16xi32>
        %shift_right_arithmetic3A_1370 = arith.constant 3 : i32
        %shift_right_arithmetic3A_1371 = vector.broadcast %shift_right_arithmetic3A_1370 : i32 to vector<16xi32>
        %shift_right_arithmetic3A_1372 = arith.shrsi %get3A_1333, %shift_right_arithmetic3A_1371 : vector<16xi32>
        %mul3A_1373 = arith.constant 8192 : i32
        %mul3A_1374 = vector.broadcast %mul3A_1373 : i32 to vector<16xi32>
        %mul3A_1375 = arith.muli %shift_right_arithmetic3A_1372, %mul3A_1374 : vector<16xi32>
        %shift_right_arithmetic3A_1376 = arith.constant 7 : i32
        %shift_right_arithmetic3A_1377 = vector.broadcast %shift_right_arithmetic3A_1376 : i32 to vector<16xi32>
        %shift_right_arithmetic3A_1378 = arith.shrsi %select_n3A_1369, %shift_right_arithmetic3A_1377 : vector<16xi32>
        %shift_left3A_1379 = arith.constant 10 : i32
        %shift_left3A_1380 = vector.broadcast %shift_left3A_1379 : i32 to vector<16xi32>
        %shift_left3A_1381 = arith.shli %shift_right_arithmetic3A_1378, %shift_left3A_1380 : vector<16xi32>
        %add3A_1382 = arith.addi %mul3A_1375, %shift_left3A_1381 : vector<16xi32>
        %and3A_1383 = arith.constant 7 : i32
        %and3A_1384 = vector.broadcast %and3A_1383 : i32 to vector<16xi32>
        %and3A_1385 = arith.andi %get3A_1333, %and3A_1384 : vector<16xi32>
        %shift_left3A_1386 = arith.constant 7 : i32
        %shift_left3A_1387 = vector.broadcast %shift_left3A_1386 : i32 to vector<16xi32>
        %shift_left3A_1388 = arith.shli %and3A_1385, %shift_left3A_1387 : vector<16xi32>
        %add3A_1389 = arith.addi %add3A_1382, %shift_left3A_1388 : vector<16xi32>
        %and3A_1390 = arith.constant 127 : i32
        %and3A_1391 = vector.broadcast %and3A_1390 : i32 to vector<16xi32>
        %and3A_1392 = arith.andi %select_n3A_1369, %and3A_1391 : vector<16xi32>
        %add3A_1393 = arith.addi %add3A_1389, %and3A_1392 : vector<16xi32>
        %ge3A_1394 = vector.broadcast %mul3A_2 : i32 to vector<16xi32>
        %ge3A_1395 = arith.cmpi sge, %add3A_1393, %ge3A_1394 : vector<16xi32>
        %add3A_1396 = arith.constant 3200000 : i32
        %add3A_1397 = arith.addi %mul3A_2, %add3A_1396 : i32
        %lt3A_1398 = vector.broadcast %add3A_1397 : i32 to vector<16xi32>
        %lt3A_1399 = arith.cmpi slt, %add3A_1393, %lt3A_1398 : vector<16xi32>
        %and3A_1400 = arith.andi %ge3A_1395, %lt3A_1399 : vector<16xi1>
        %convert_element_type3A_1401 = arith.extui %and3A_1400 : vector<16xi1> to vector<16xi32>
        %broadcast_in_dim3A_1402 = arith.constant true
        %broadcast_in_dim3A_1403 = vector.broadcast %broadcast_in_dim3A_1402 : i1 to vector<16xi1>
        %masked_cumsum3A_1404 = tpu.scan <sum>, %convert_element_type3A_1401 masked %broadcast_in_dim3A_1403 : vector<16xi32>, vector<16xi1> -> vector<16xi32>
        %reduce_sum3A_1405 = arith.constant true
        %reduce_sum3A_1406 = vector.broadcast %reduce_sum3A_1405 : i1 to vector<16xi1>
        %reduce_sum3A_1407 = tpu.scan <sum>, %convert_element_type3A_1401 masked %reduce_sum3A_1406 : vector<16xi32>, vector<16xi1> -> vector<16xi32>
        %reduce_sum3A_1408 = vector.extract %reduce_sum3A_1407[15] : i32 from vector<16xi32>
        %add3A_1409 = vector.broadcast %add3A_1324 : i32 to vector<16xi32>
        %add3A_1410 = arith.addi %add3A_1409, %masked_cumsum3A_1404 : vector<16xi32>
        %sub3A_1411 = arith.constant 1 : i32
        %sub3A_1412 = vector.broadcast %sub3A_1411 : i32 to vector<16xi32>
        %sub3A_1413 = arith.subi %add3A_1410, %sub3A_1412 : vector<16xi32>
        %lt3A_1414 = arith.constant 12800 : i32
        %lt3A_1415 = vector.broadcast %lt3A_1414 : i32 to vector<16xi32>
        %lt3A_1416 = arith.cmpi slt, %sub3A_1413, %lt3A_1415 : vector<16xi32>
        %and3A_1417 = arith.andi %and3A_1400, %lt3A_1416 : vector<16xi1>
        %jit3A_1418 = arith.constant 0 : i32
        %broadcast_in_dim3A_1419 = vector.broadcast %jit3A_1418 : i32 to vector<16xi32>
        %select_n3A_1420 = arith.select %and3A_1417, %sub3A_1413, %broadcast_in_dim3A_1419 : vector<16xi1>, vector<16xi32>
        %shift_right_arithmetic3A_1421 = arith.constant 7 : i32
        %shift_right_arithmetic3A_1422 = vector.broadcast %shift_right_arithmetic3A_1421 : i32 to vector<16xi32>
        %shift_right_arithmetic3A_1423 = arith.shrsi %select_n3A_1420, %shift_right_arithmetic3A_1422 : vector<16xi32>
        %and3A_1424 = arith.constant 127 : i32
        %and3A_1425 = vector.broadcast %and3A_1424 : i32 to vector<16xi32>
        %and3A_1426 = arith.andi %select_n3A_1420, %and3A_1425 : vector<16xi32>
        tpu.vector_store_idx %arg15[%shift_right_arithmetic3A_1423, %and3A_1426], %add3A_1393 masked %and3A_1417 : memref<100x128xi32, #tpu.memory_space<vmem>>[vector<16xi32>, vector<16xi32>], vector<16xi32>, vector<16xi1>
        %shift_right_arithmetic3A_1427 = arith.constant 7 : i32
        %shift_right_arithmetic3A_1428 = vector.broadcast %shift_right_arithmetic3A_1427 : i32 to vector<16xi32>
        %shift_right_arithmetic3A_1429 = arith.shrsi %select_n3A_1420, %shift_right_arithmetic3A_1428 : vector<16xi32>
        %and3A_1430 = arith.constant 127 : i32
        %and3A_1431 = vector.broadcast %and3A_1430 : i32 to vector<16xi32>
        %and3A_1432 = arith.andi %select_n3A_1420, %and3A_1431 : vector<16xi32>
        tpu.vector_store_idx %arg16[%shift_right_arithmetic3A_1429, %and3A_1432], %get3A_1335 masked %and3A_1417 : memref<100x128xf32, #tpu.memory_space<vmem>>[vector<16xi32>, vector<16xi32>], vector<16xf32>, vector<16xi1>
        %gt3A_1433 = arith.constant 0 : i32
        %gt3A_1434 = arith.cmpi sgt, %reduce_sum3A_1408, %gt3A_1433 : i32
        %add3A_1435 = arith.addi %add3A_1324, %reduce_sum3A_1408 : i32
        %select_n3A_1436 = arith.select %gt3A_1434, %add3A_1393, %select_n3A_1325 : vector<16xi32>
        %select_n3A_1437 = arith.select %gt3A_1434, %get3A_1335, %select_n3A_1326 : vector<16xf32>
        %select_n3A_1438 = arith.select %gt3A_1434, %convert_element_type3A_1401, %select_n3A_1327 : vector<16xi32>
        scf.yield %add3A_1435, %select_n3A_1436, %select_n3A_1437, %select_n3A_1438 : i32, vector<16xi32>, vector<16xf32>, vector<16xi32>
      }
      %scan3A_893 = arith.constant 80 : i32
      %add3A_894 = arith.constant 1 : i32
      %add3A_895 = arith.addi %add3A_797, %add3A_894 : i32
      %mul3A_896 = arith.constant 5120 : i32
      %mul3A_897 = arith.muli %add3A_895, %mul3A_896 : i32
      %dma_start3A_898 = tpu.memref_slice %arg3[%mul3A_897] : memref<204800xi32, #tpu.memory_space<hbm>> -> memref<5120xi32, #tpu.memory_space<hbm>>
      %dma_start3A_899 = tpu.memref_slice %arg3[%mul3A_897] : memref<204800xi32, #tpu.memory_space<hbm>> -> memref<5120xi32, #tpu.memory_space<hbm>>
      tpu.enqueue_dma source(%dma_start3A_899 : memref<5120xi32, #tpu.memory_space<hbm>>) target(%arg11 : memref<5120xi32, #tpu.memory_space<vmem>>) target_semaphore(%arg27 : memref<!tpu.dma_semaphore, #tpu.memory_space<semaphore_mem>>)
      %mul3A_900 = arith.constant 5120 : i32
      %mul3A_901 = arith.muli %add3A_895, %mul3A_900 : i32
      %dma_start3A_902 = tpu.memref_slice %arg4[%mul3A_901] : memref<204800xf32, #tpu.memory_space<hbm>> -> memref<5120xf32, #tpu.memory_space<hbm>>
      %dma_start3A_903 = tpu.memref_slice %arg4[%mul3A_901] : memref<204800xf32, #tpu.memory_space<hbm>> -> memref<5120xf32, #tpu.memory_space<hbm>>
      tpu.enqueue_dma source(%dma_start3A_903 : memref<5120xf32, #tpu.memory_space<hbm>>) target(%arg13 : memref<5120xf32, #tpu.memory_space<vmem>>) target_semaphore(%arg29 : memref<!tpu.dma_semaphore, #tpu.memory_space<semaphore_mem>>)
      %dma_wait3A_904 = arith.constant 0 : i32
      %dma_wait3A_905 = tpu.memref_slice %arg5[%dma_wait3A_904] : memref<102400000xf32, #tpu.memory_space<hbm>> -> memref<16000xf32, #tpu.memory_space<hbm>>
      %dma_wait3A_906 = arith.constant 0 : i32
      %dma_wait3A_907 = tpu.memref_slice %arg6[%arg1, %dma_wait3A_906] : memref<16x16000xf32, #tpu.memory_space<vmem_shared>> -> memref<1x16000xf32, #tpu.memory_space<vmem_shared>>
      %dma_wait3A_908 = tpu.memref_squeeze %dma_wait3A_907 : memref<1x16000xf32, #tpu.memory_space<vmem_shared>> -> memref<16000xf32, #tpu.memory_space<vmem_shared>>
      tpu.wait_dma2 semaphore(%arg22 : memref<!tpu.dma_semaphore, #tpu.memory_space<semaphore_mem>>) src(%dma_wait3A_908 : memref<16000xf32, #tpu.memory_space<vmem_shared>>) dst(%dma_wait3A_905 : memref<16000xf32, #tpu.memory_space<hbm>>)
      %add3A_909 = arith.constant 1 : i32
      %add3A_910 = arith.addi %add3A_797, %add3A_909 : i32
      %mul3A_911 = arith.constant 5 : i32
      %mul3A_912 = arith.muli %add3A_910, %mul3A_911 : i32
      %add3A_913 = arith.constant 0 : i32
      %add3A_914 = arith.addi %mul3A_912, %add3A_913 : i32
      %mul3A_915 = arith.constant 16000 : i32
      %mul3A_916 = arith.muli %add3A_914, %mul3A_915 : i32
      %add3A_917 = arith.addi %mul3A_2, %mul3A_916 : i32
      %dma_start3A_918 = arith.constant 0 : i32
      %dma_start3A_919 = tpu.memref_slice %arg6[%arg1, %dma_start3A_918] : memref<16x16000xf32, #tpu.memory_space<vmem_shared>> -> memref<1x16000xf32, #tpu.memory_space<vmem_shared>>
      %dma_start3A_920 = tpu.memref_squeeze %dma_start3A_919 : memref<1x16000xf32, #tpu.memory_space<vmem_shared>> -> memref<16000xf32, #tpu.memory_space<vmem_shared>>
      %dma_start3A_921 = tpu.memref_slice %arg2[%add3A_917] : memref<102400000xf32, #tpu.memory_space<hbm>> -> memref<16000xf32, #tpu.memory_space<hbm>>
      tpu.enqueue_dma source(%dma_start3A_921 : memref<16000xf32, #tpu.memory_space<hbm>>) target(%dma_start3A_920 : memref<16000xf32, #tpu.memory_space<vmem_shared>>) target_semaphore(%arg17 : memref<!tpu.dma_semaphore, #tpu.memory_space<semaphore_mem>>)
      %dma_wait3A_922 = arith.constant 0 : i32
      %dma_wait3A_923 = tpu.memref_slice %arg5[%dma_wait3A_922] : memref<102400000xf32, #tpu.memory_space<hbm>> -> memref<16000xf32, #tpu.memory_space<hbm>>
      %dma_wait3A_924 = arith.constant 0 : i32
      %dma_wait3A_925 = tpu.memref_slice %arg7[%arg1, %dma_wait3A_924] : memref<16x16000xf32, #tpu.memory_space<vmem_shared>> -> memref<1x16000xf32, #tpu.memory_space<vmem_shared>>
      %dma_wait3A_926 = tpu.memref_squeeze %dma_wait3A_925 : memref<1x16000xf32, #tpu.memory_space<vmem_shared>> -> memref<16000xf32, #tpu.memory_space<vmem_shared>>
      tpu.wait_dma2 semaphore(%arg23 : memref<!tpu.dma_semaphore, #tpu.memory_space<semaphore_mem>>) src(%dma_wait3A_926 : memref<16000xf32, #tpu.memory_space<vmem_shared>>) dst(%dma_wait3A_923 : memref<16000xf32, #tpu.memory_space<hbm>>)
      %add3A_927 = arith.constant 1 : i32
      %add3A_928 = arith.addi %add3A_797, %add3A_927 : i32
      %mul3A_929 = arith.constant 5 : i32
      %mul3A_930 = arith.muli %add3A_928, %mul3A_929 : i32
      %add3A_931 = arith.constant 1 : i32
      %add3A_932 = arith.addi %mul3A_930, %add3A_931 : i32
      %mul3A_933 = arith.constant 16000 : i32
      %mul3A_934 = arith.muli %add3A_932, %mul3A_933 : i32
      %add3A_935 = arith.addi %mul3A_2, %mul3A_934 : i32
      %dma_start3A_936 = arith.constant 0 : i32
      %dma_start3A_937 = tpu.memref_slice %arg7[%arg1, %dma_start3A_936] : memref<16x16000xf32, #tpu.memory_space<vmem_shared>> -> memref<1x16000xf32, #tpu.memory_space<vmem_shared>>
      %dma_start3A_938 = tpu.memref_squeeze %dma_start3A_937 : memref<1x16000xf32, #tpu.memory_space<vmem_shared>> -> memref<16000xf32, #tpu.memory_space<vmem_shared>>
      %dma_start3A_939 = tpu.memref_slice %arg2[%add3A_935] : memref<102400000xf32, #tpu.memory_space<hbm>> -> memref<16000xf32, #tpu.memory_space<hbm>>
      tpu.enqueue_dma source(%dma_start3A_939 : memref<16000xf32, #tpu.memory_space<hbm>>) target(%dma_start3A_938 : memref<16000xf32, #tpu.memory_space<vmem_shared>>) target_semaphore(%arg18 : memref<!tpu.dma_semaphore, #tpu.memory_space<semaphore_mem>>)
      %dma_wait3A_940 = arith.constant 0 : i32
      %dma_wait3A_941 = tpu.memref_slice %arg5[%dma_wait3A_940] : memref<102400000xf32, #tpu.memory_space<hbm>> -> memref<16000xf32, #tpu.memory_space<hbm>>
      %dma_wait3A_942 = arith.constant 0 : i32
      %dma_wait3A_943 = tpu.memref_slice %arg8[%arg1, %dma_wait3A_942] : memref<16x16000xf32, #tpu.memory_space<vmem_shared>> -> memref<1x16000xf32, #tpu.memory_space<vmem_shared>>
      %dma_wait3A_944 = tpu.memref_squeeze %dma_wait3A_943 : memref<1x16000xf32, #tpu.memory_space<vmem_shared>> -> memref<16000xf32, #tpu.memory_space<vmem_shared>>
      tpu.wait_dma2 semaphore(%arg24 : memref<!tpu.dma_semaphore, #tpu.memory_space<semaphore_mem>>) src(%dma_wait3A_944 : memref<16000xf32, #tpu.memory_space<vmem_shared>>) dst(%dma_wait3A_941 : memref<16000xf32, #tpu.memory_space<hbm>>)
      %add3A_945 = arith.constant 1 : i32
      %add3A_946 = arith.addi %add3A_797, %add3A_945 : i32
      %mul3A_947 = arith.constant 5 : i32
      %mul3A_948 = arith.muli %add3A_946, %mul3A_947 : i32
      %add3A_949 = arith.constant 2 : i32
      %add3A_950 = arith.addi %mul3A_948, %add3A_949 : i32
      %mul3A_951 = arith.constant 16000 : i32
      %mul3A_952 = arith.muli %add3A_950, %mul3A_951 : i32
      %add3A_953 = arith.addi %mul3A_2, %mul3A_952 : i32
      %dma_start3A_954 = arith.constant 0 : i32
      %dma_start3A_955 = tpu.memref_slice %arg8[%arg1, %dma_start3A_954] : memref<16x16000xf32, #tpu.memory_space<vmem_shared>> -> memref<1x16000xf32, #tpu.memory_space<vmem_shared>>
      %dma_start3A_956 = tpu.memref_squeeze %dma_start3A_955 : memref<1x16000xf32, #tpu.memory_space<vmem_shared>> -> memref<16000xf32, #tpu.memory_space<vmem_shared>>
      %dma_start3A_957 = tpu.memref_slice %arg2[%add3A_953] : memref<102400000xf32, #tpu.memory_space<hbm>> -> memref<16000xf32, #tpu.memory_space<hbm>>
      tpu.enqueue_dma source(%dma_start3A_957 : memref<16000xf32, #tpu.memory_space<hbm>>) target(%dma_start3A_956 : memref<16000xf32, #tpu.memory_space<vmem_shared>>) target_semaphore(%arg19 : memref<!tpu.dma_semaphore, #tpu.memory_space<semaphore_mem>>)
      %dma_wait3A_958 = arith.constant 0 : i32
      %dma_wait3A_959 = tpu.memref_slice %arg5[%dma_wait3A_958] : memref<102400000xf32, #tpu.memory_space<hbm>> -> memref<16000xf32, #tpu.memory_space<hbm>>
      %dma_wait3A_960 = arith.constant 0 : i32
      %dma_wait3A_961 = tpu.memref_slice %arg9[%arg1, %dma_wait3A_960] : memref<16x16000xf32, #tpu.memory_space<vmem_shared>> -> memref<1x16000xf32, #tpu.memory_space<vmem_shared>>
      %dma_wait3A_962 = tpu.memref_squeeze %dma_wait3A_961 : memref<1x16000xf32, #tpu.memory_space<vmem_shared>> -> memref<16000xf32, #tpu.memory_space<vmem_shared>>
      tpu.wait_dma2 semaphore(%arg25 : memref<!tpu.dma_semaphore, #tpu.memory_space<semaphore_mem>>) src(%dma_wait3A_962 : memref<16000xf32, #tpu.memory_space<vmem_shared>>) dst(%dma_wait3A_959 : memref<16000xf32, #tpu.memory_space<hbm>>)
      %add3A_963 = arith.constant 1 : i32
      %add3A_964 = arith.addi %add3A_797, %add3A_963 : i32
      %mul3A_965 = arith.constant 5 : i32
      %mul3A_966 = arith.muli %add3A_964, %mul3A_965 : i32
      %add3A_967 = arith.constant 3 : i32
      %add3A_968 = arith.addi %mul3A_966, %add3A_967 : i32
      %mul3A_969 = arith.constant 16000 : i32
      %mul3A_970 = arith.muli %add3A_968, %mul3A_969 : i32
      %add3A_971 = arith.addi %mul3A_2, %mul3A_970 : i32
      %dma_start3A_972 = arith.constant 0 : i32
      %dma_start3A_973 = tpu.memref_slice %arg9[%arg1, %dma_start3A_972] : memref<16x16000xf32, #tpu.memory_space<vmem_shared>> -> memref<1x16000xf32, #tpu.memory_space<vmem_shared>>
      %dma_start3A_974 = tpu.memref_squeeze %dma_start3A_973 : memref<1x16000xf32, #tpu.memory_space<vmem_shared>> -> memref<16000xf32, #tpu.memory_space<vmem_shared>>
      %dma_start3A_975 = tpu.memref_slice %arg2[%add3A_971] : memref<102400000xf32, #tpu.memory_space<hbm>> -> memref<16000xf32, #tpu.memory_space<hbm>>
      tpu.enqueue_dma source(%dma_start3A_975 : memref<16000xf32, #tpu.memory_space<hbm>>) target(%dma_start3A_974 : memref<16000xf32, #tpu.memory_space<vmem_shared>>) target_semaphore(%arg20 : memref<!tpu.dma_semaphore, #tpu.memory_space<semaphore_mem>>)
      %dma_wait3A_976 = arith.constant 0 : i32
      %dma_wait3A_977 = tpu.memref_slice %arg5[%dma_wait3A_976] : memref<102400000xf32, #tpu.memory_space<hbm>> -> memref<16000xf32, #tpu.memory_space<hbm>>
      %dma_wait3A_978 = arith.constant 0 : i32
      %dma_wait3A_979 = tpu.memref_slice %arg10[%arg1, %dma_wait3A_978] : memref<16x16000xf32, #tpu.memory_space<vmem_shared>> -> memref<1x16000xf32, #tpu.memory_space<vmem_shared>>
      %dma_wait3A_980 = tpu.memref_squeeze %dma_wait3A_979 : memref<1x16000xf32, #tpu.memory_space<vmem_shared>> -> memref<16000xf32, #tpu.memory_space<vmem_shared>>
      tpu.wait_dma2 semaphore(%arg26 : memref<!tpu.dma_semaphore, #tpu.memory_space<semaphore_mem>>) src(%dma_wait3A_980 : memref<16000xf32, #tpu.memory_space<vmem_shared>>) dst(%dma_wait3A_977 : memref<16000xf32, #tpu.memory_space<hbm>>)
      %add3A_981 = arith.constant 1 : i32
      %add3A_982 = arith.addi %add3A_797, %add3A_981 : i32
      %mul3A_983 = arith.constant 5 : i32
      %mul3A_984 = arith.muli %add3A_982, %mul3A_983 : i32
      %add3A_985 = arith.constant 4 : i32
      %add3A_986 = arith.addi %mul3A_984, %add3A_985 : i32
      %mul3A_987 = arith.constant 16000 : i32
      %mul3A_988 = arith.muli %add3A_986, %mul3A_987 : i32
      %add3A_989 = arith.addi %mul3A_2, %mul3A_988 : i32
      %dma_start3A_990 = arith.constant 0 : i32
      %dma_start3A_991 = tpu.memref_slice %arg10[%arg1, %dma_start3A_990] : memref<16x16000xf32, #tpu.memory_space<vmem_shared>> -> memref<1x16000xf32, #tpu.memory_space<vmem_shared>>
      %dma_start3A_992 = tpu.memref_squeeze %dma_start3A_991 : memref<1x16000xf32, #tpu.memory_space<vmem_shared>> -> memref<16000xf32, #tpu.memory_space<vmem_shared>>
      %dma_start3A_993 = tpu.memref_slice %arg2[%add3A_989] : memref<102400000xf32, #tpu.memory_space<hbm>> -> memref<16000xf32, #tpu.memory_space<hbm>>
      tpu.enqueue_dma source(%dma_start3A_993 : memref<16000xf32, #tpu.memory_space<hbm>>) target(%dma_start3A_992 : memref<16000xf32, #tpu.memory_space<vmem_shared>>) target_semaphore(%arg21 : memref<!tpu.dma_semaphore, #tpu.memory_space<semaphore_mem>>)
      scf.yield %scan3A_892#0, %scan3A_892#1, %scan3A_892#2, %scan3A_892#3 : i32, vector<16xi32>, vector<16xf32>, vector<16xi32>
    }
    %scan3A_50 = arith.constant 19 : i32
    %dma_wait3A = arith.constant 0 : i32
    %dma_wait3A_51 = tpu.memref_slice %arg6[%arg1, %dma_wait3A] : memref<16x16000xf32, #tpu.memory_space<vmem_shared>> -> memref<1x16000xf32, #tpu.memory_space<vmem_shared>>
    %dma_wait3A_52 = tpu.memref_squeeze %dma_wait3A_51 : memref<1x16000xf32, #tpu.memory_space<vmem_shared>> -> memref<16000xf32, #tpu.memory_space<vmem_shared>>
    %dma_wait3A_53 = arith.constant 0 : i32
    %dma_wait3A_54 = tpu.memref_slice %arg2[%dma_wait3A_53] : memref<102400000xf32, #tpu.memory_space<hbm>> -> memref<16000xf32, #tpu.memory_space<hbm>>
    tpu.wait_dma2 semaphore(%arg17 : memref<!tpu.dma_semaphore, #tpu.memory_space<semaphore_mem>>) src(%dma_wait3A_54 : memref<16000xf32, #tpu.memory_space<hbm>>) dst(%dma_wait3A_52 : memref<16000xf32, #tpu.memory_space<vmem_shared>>)
    %add3A_55 = arith.constant 3040000 : i32
    %add3A_56 = arith.addi %mul3A_2, %add3A_55 : i32
    %dma_start3A_57 = tpu.memref_slice %arg5[%add3A_56] : memref<102400000xf32, #tpu.memory_space<hbm>> -> memref<16000xf32, #tpu.memory_space<hbm>>
    %dma_start3A_58 = arith.constant 0 : i32
    %dma_start3A_59 = tpu.memref_slice %arg6[%arg1, %dma_start3A_58] : memref<16x16000xf32, #tpu.memory_space<vmem_shared>> -> memref<1x16000xf32, #tpu.memory_space<vmem_shared>>
    %dma_start3A_60 = tpu.memref_squeeze %dma_start3A_59 : memref<1x16000xf32, #tpu.memory_space<vmem_shared>> -> memref<16000xf32, #tpu.memory_space<vmem_shared>>
    tpu.enqueue_dma source(%dma_start3A_60 : memref<16000xf32, #tpu.memory_space<vmem_shared>>) target(%dma_start3A_57 : memref<16000xf32, #tpu.memory_space<hbm>>) target_semaphore(%arg22 : memref<!tpu.dma_semaphore, #tpu.memory_space<semaphore_mem>>)
    %dma_wait3A_61 = arith.constant 0 : i32
    %dma_wait3A_62 = tpu.memref_slice %arg7[%arg1, %dma_wait3A_61] : memref<16x16000xf32, #tpu.memory_space<vmem_shared>> -> memref<1x16000xf32, #tpu.memory_space<vmem_shared>>
    %dma_wait3A_63 = tpu.memref_squeeze %dma_wait3A_62 : memref<1x16000xf32, #tpu.memory_space<vmem_shared>> -> memref<16000xf32, #tpu.memory_space<vmem_shared>>
    %dma_wait3A_64 = arith.constant 0 : i32
    %dma_wait3A_65 = tpu.memref_slice %arg2[%dma_wait3A_64] : memref<102400000xf32, #tpu.memory_space<hbm>> -> memref<16000xf32, #tpu.memory_space<hbm>>
    tpu.wait_dma2 semaphore(%arg18 : memref<!tpu.dma_semaphore, #tpu.memory_space<semaphore_mem>>) src(%dma_wait3A_65 : memref<16000xf32, #tpu.memory_space<hbm>>) dst(%dma_wait3A_63 : memref<16000xf32, #tpu.memory_space<vmem_shared>>)
    %add3A_66 = arith.constant 3056000 : i32
    %add3A_67 = arith.addi %mul3A_2, %add3A_66 : i32
    %dma_start3A_68 = tpu.memref_slice %arg5[%add3A_67] : memref<102400000xf32, #tpu.memory_space<hbm>> -> memref<16000xf32, #tpu.memory_space<hbm>>
    %dma_start3A_69 = arith.constant 0 : i32
    %dma_start3A_70 = tpu.memref_slice %arg7[%arg1, %dma_start3A_69] : memref<16x16000xf32, #tpu.memory_space<vmem_shared>> -> memref<1x16000xf32, #tpu.memory_space<vmem_shared>>
    %dma_start3A_71 = tpu.memref_squeeze %dma_start3A_70 : memref<1x16000xf32, #tpu.memory_space<vmem_shared>> -> memref<16000xf32, #tpu.memory_space<vmem_shared>>
    tpu.enqueue_dma source(%dma_start3A_71 : memref<16000xf32, #tpu.memory_space<vmem_shared>>) target(%dma_start3A_68 : memref<16000xf32, #tpu.memory_space<hbm>>) target_semaphore(%arg23 : memref<!tpu.dma_semaphore, #tpu.memory_space<semaphore_mem>>)
    %dma_wait3A_72 = arith.constant 0 : i32
    %dma_wait3A_73 = tpu.memref_slice %arg8[%arg1, %dma_wait3A_72] : memref<16x16000xf32, #tpu.memory_space<vmem_shared>> -> memref<1x16000xf32, #tpu.memory_space<vmem_shared>>
    %dma_wait3A_74 = tpu.memref_squeeze %dma_wait3A_73 : memref<1x16000xf32, #tpu.memory_space<vmem_shared>> -> memref<16000xf32, #tpu.memory_space<vmem_shared>>
    %dma_wait3A_75 = arith.constant 0 : i32
    %dma_wait3A_76 = tpu.memref_slice %arg2[%dma_wait3A_75] : memref<102400000xf32, #tpu.memory_space<hbm>> -> memref<16000xf32, #tpu.memory_space<hbm>>
    tpu.wait_dma2 semaphore(%arg19 : memref<!tpu.dma_semaphore, #tpu.memory_space<semaphore_mem>>) src(%dma_wait3A_76 : memref<16000xf32, #tpu.memory_space<hbm>>) dst(%dma_wait3A_74 : memref<16000xf32, #tpu.memory_space<vmem_shared>>)
    %add3A_77 = arith.constant 3072000 : i32
    %add3A_78 = arith.addi %mul3A_2, %add3A_77 : i32
    %dma_start3A_79 = tpu.memref_slice %arg5[%add3A_78] : memref<102400000xf32, #tpu.memory_space<hbm>> -> memref<16000xf32, #tpu.memory_space<hbm>>
    %dma_start3A_80 = arith.constant 0 : i32
    %dma_start3A_81 = tpu.memref_slice %arg8[%arg1, %dma_start3A_80] : memref<16x16000xf32, #tpu.memory_space<vmem_shared>> -> memref<1x16000xf32, #tpu.memory_space<vmem_shared>>
    %dma_start3A_82 = tpu.memref_squeeze %dma_start3A_81 : memref<1x16000xf32, #tpu.memory_space<vmem_shared>> -> memref<16000xf32, #tpu.memory_space<vmem_shared>>
    tpu.enqueue_dma source(%dma_start3A_82 : memref<16000xf32, #tpu.memory_space<vmem_shared>>) target(%dma_start3A_79 : memref<16000xf32, #tpu.memory_space<hbm>>) target_semaphore(%arg24 : memref<!tpu.dma_semaphore, #tpu.memory_space<semaphore_mem>>)
    %dma_wait3A_83 = arith.constant 0 : i32
    %dma_wait3A_84 = tpu.memref_slice %arg9[%arg1, %dma_wait3A_83] : memref<16x16000xf32, #tpu.memory_space<vmem_shared>> -> memref<1x16000xf32, #tpu.memory_space<vmem_shared>>
    %dma_wait3A_85 = tpu.memref_squeeze %dma_wait3A_84 : memref<1x16000xf32, #tpu.memory_space<vmem_shared>> -> memref<16000xf32, #tpu.memory_space<vmem_shared>>
    %dma_wait3A_86 = arith.constant 0 : i32
    %dma_wait3A_87 = tpu.memref_slice %arg2[%dma_wait3A_86] : memref<102400000xf32, #tpu.memory_space<hbm>> -> memref<16000xf32, #tpu.memory_space<hbm>>
    tpu.wait_dma2 semaphore(%arg20 : memref<!tpu.dma_semaphore, #tpu.memory_space<semaphore_mem>>) src(%dma_wait3A_87 : memref<16000xf32, #tpu.memory_space<hbm>>) dst(%dma_wait3A_85 : memref<16000xf32, #tpu.memory_space<vmem_shared>>)
    %add3A_88 = arith.constant 3088000 : i32
    %add3A_89 = arith.addi %mul3A_2, %add3A_88 : i32
    %dma_start3A_90 = tpu.memref_slice %arg5[%add3A_89] : memref<102400000xf32, #tpu.memory_space<hbm>> -> memref<16000xf32, #tpu.memory_space<hbm>>
    %dma_start3A_91 = arith.constant 0 : i32
    %dma_start3A_92 = tpu.memref_slice %arg9[%arg1, %dma_start3A_91] : memref<16x16000xf32, #tpu.memory_space<vmem_shared>> -> memref<1x16000xf32, #tpu.memory_space<vmem_shared>>
    %dma_start3A_93 = tpu.memref_squeeze %dma_start3A_92 : memref<1x16000xf32, #tpu.memory_space<vmem_shared>> -> memref<16000xf32, #tpu.memory_space<vmem_shared>>
    tpu.enqueue_dma source(%dma_start3A_93 : memref<16000xf32, #tpu.memory_space<vmem_shared>>) target(%dma_start3A_90 : memref<16000xf32, #tpu.memory_space<hbm>>) target_semaphore(%arg25 : memref<!tpu.dma_semaphore, #tpu.memory_space<semaphore_mem>>)
    %dma_wait3A_94 = arith.constant 0 : i32
    %dma_wait3A_95 = tpu.memref_slice %arg10[%arg1, %dma_wait3A_94] : memref<16x16000xf32, #tpu.memory_space<vmem_shared>> -> memref<1x16000xf32, #tpu.memory_space<vmem_shared>>
    %dma_wait3A_96 = tpu.memref_squeeze %dma_wait3A_95 : memref<1x16000xf32, #tpu.memory_space<vmem_shared>> -> memref<16000xf32, #tpu.memory_space<vmem_shared>>
    %dma_wait3A_97 = arith.constant 0 : i32
    %dma_wait3A_98 = tpu.memref_slice %arg2[%dma_wait3A_97] : memref<102400000xf32, #tpu.memory_space<hbm>> -> memref<16000xf32, #tpu.memory_space<hbm>>
    tpu.wait_dma2 semaphore(%arg21 : memref<!tpu.dma_semaphore, #tpu.memory_space<semaphore_mem>>) src(%dma_wait3A_98 : memref<16000xf32, #tpu.memory_space<hbm>>) dst(%dma_wait3A_96 : memref<16000xf32, #tpu.memory_space<vmem_shared>>)
    %add3A_99 = arith.constant 3104000 : i32
    %add3A_100 = arith.addi %mul3A_2, %add3A_99 : i32
    %dma_start3A_101 = tpu.memref_slice %arg5[%add3A_100] : memref<102400000xf32, #tpu.memory_space<hbm>> -> memref<16000xf32, #tpu.memory_space<hbm>>
    %dma_start3A_102 = arith.constant 0 : i32
    %dma_start3A_103 = tpu.memref_slice %arg10[%arg1, %dma_start3A_102] : memref<16x16000xf32, #tpu.memory_space<vmem_shared>> -> memref<1x16000xf32, #tpu.memory_space<vmem_shared>>
    %dma_start3A_104 = tpu.memref_squeeze %dma_start3A_103 : memref<1x16000xf32, #tpu.memory_space<vmem_shared>> -> memref<16000xf32, #tpu.memory_space<vmem_shared>>
    tpu.enqueue_dma source(%dma_start3A_104 : memref<16000xf32, #tpu.memory_space<vmem_shared>>) target(%dma_start3A_101 : memref<16000xf32, #tpu.memory_space<hbm>>) target_semaphore(%arg26 : memref<!tpu.dma_semaphore, #tpu.memory_space<semaphore_mem>>)
    %dma_wait3A_105 = arith.constant 0 : i32
    %dma_wait3A_106 = tpu.memref_slice %arg3[%dma_wait3A_105] : memref<204800xi32, #tpu.memory_space<hbm>> -> memref<5120xi32, #tpu.memory_space<hbm>>
    %dma_wait3A_107 = arith.constant 0 : i32
    %dma_wait3A_108 = tpu.memref_slice %arg3[%dma_wait3A_107] : memref<204800xi32, #tpu.memory_space<hbm>> -> memref<5120xi32, #tpu.memory_space<hbm>>
    tpu.wait_dma2 semaphore(%arg27 : memref<!tpu.dma_semaphore, #tpu.memory_space<semaphore_mem>>) src(%dma_wait3A_108 : memref<5120xi32, #tpu.memory_space<hbm>>) dst(%arg11 : memref<5120xi32, #tpu.memory_space<vmem>>)
    %dma_wait3A_109 = arith.constant 0 : i32
    %dma_wait3A_110 = tpu.memref_slice %arg4[%dma_wait3A_109] : memref<204800xf32, #tpu.memory_space<hbm>> -> memref<5120xf32, #tpu.memory_space<hbm>>
    %dma_wait3A_111 = arith.constant 0 : i32
    %dma_wait3A_112 = tpu.memref_slice %arg4[%dma_wait3A_111] : memref<204800xf32, #tpu.memory_space<hbm>> -> memref<5120xf32, #tpu.memory_space<hbm>>
    tpu.wait_dma2 semaphore(%arg29 : memref<!tpu.dma_semaphore, #tpu.memory_space<semaphore_mem>>) src(%dma_wait3A_112 : memref<5120xf32, #tpu.memory_space<hbm>>) dst(%arg13 : memref<5120xf32, #tpu.memory_space<vmem>>)
    %scan3A_113 = arith.constant 0 : i32
    %scan3A_114 = arith.constant 80 : i32
    %scan3A_115 = arith.addi %scan3A_113, %scan3A_114 : i32
    %scan3A_116 = arith.constant 1 : i32
    %scan3A_117:4 = scf.for %scan3A_593 = %scan3A_113 to %scan3A_115 step %scan3A_116 iter_args(%scan3A_594 = %scan3A_49#0, %scan3A_595 = %scan3A_49#1, %scan3A_596 = %scan3A_49#2, %scan3A_597 = %scan3A_49#3) -> (i32, vector<16xi32>, vector<16xf32>, vector<16xi32>)  : i32 {
      %mul3A_598 = arith.constant 64 : i32
      %mul3A_599 = arith.muli %scan3A_593, %mul3A_598 : i32
      %add3A_600 = arith.constant 0 : i32
      %add3A_601 = arith.addi %mul3A_599, %add3A_600 : i32
      %get3A = arith.index_cast %add3A_601 : i32 to index
      %get3A_602 = tpu.vector_load %arg11[%get3A] {strides = array<i32>} : memref<5120xi32, #tpu.memory_space<vmem>>, vector<16xi32>,
      %get3A_603 = arith.index_cast %add3A_601 : i32 to index
      %get3A_604 = tpu.vector_load %arg13[%get3A_603] {strides = array<i32>} : memref<5120xf32, #tpu.memory_space<vmem>>, vector<16xf32>,
      %add3A_605 = arith.constant 194560 : i32
      %add3A_606 = arith.addi %add3A_605, %add3A_601 : i32
      %add3A_607 = vector.broadcast %add3A_606 : i32 to vector<16xi32>
      %add3A_608 = arith.addi %add3A_607, %iota3A : vector<16xi32>
      %jit3A_609 = arith.constant 200 : i32
      %div3A_610 = vector.broadcast %jit3A_609 : i32 to vector<16xi32>
      %div3A_611 = arith.divsi %add3A_608, %div3A_610 : vector<16xi32>
      %sign3A_612 = arith.constant 0 : i32
      %sign3A_613 = vector.broadcast %sign3A_612 : i32 to vector<16xi32>
      %sign3A_614 = arith.cmpi sgt, %add3A_608, %sign3A_613 : vector<16xi32>
      %sign3A_615 = arith.extui %sign3A_614 : vector<16xi1> to vector<16xi32>
      %sign3A_616 = arith.constant 0 : i32
      %sign3A_617 = vector.broadcast %sign3A_616 : i32 to vector<16xi32>
      %sign3A_618 = arith.cmpi slt, %add3A_608, %sign3A_617 : vector<16xi32>
      %sign3A_619 = arith.extui %sign3A_618 : vector<16xi1> to vector<16xi32>
      %sign3A_620 = arith.subi %sign3A_615, %sign3A_619 : vector<16xi32>
      %sign3A_621 = arith.constant 0 : i32
      %sign3A_622 = arith.cmpi sgt, %jit3A_609, %sign3A_621 : i32
      %sign3A_623 = arith.extui %sign3A_622 : i1 to i32
      %sign3A_624 = arith.constant 0 : i32
      %sign3A_625 = arith.cmpi slt, %jit3A_609, %sign3A_624 : i32
      %sign3A_626 = arith.extui %sign3A_625 : i1 to i32
      %sign3A_627 = arith.subi %sign3A_623, %sign3A_626 : i32
      %ne3A_628 = vector.broadcast %sign3A_627 : i32 to vector<16xi32>
      %ne3A_629 = arith.cmpi ne, %sign3A_620, %ne3A_628 : vector<16xi32>
      %rem3A_630 = vector.broadcast %jit3A_609 : i32 to vector<16xi32>
      %rem3A_631 = arith.remsi %add3A_608, %rem3A_630 : vector<16xi32>
      %ne3A_632 = arith.constant 0 : i32
      %ne3A_633 = vector.broadcast %ne3A_632 : i32 to vector<16xi32>
      %ne3A_634 = arith.cmpi ne, %rem3A_631, %ne3A_633 : vector<16xi32>
      %and3A_635 = arith.andi %ne3A_629, %ne3A_634 : vector<16xi1>
      %sub3A_636 = arith.constant 1 : i32
      %sub3A_637 = vector.broadcast %sub3A_636 : i32 to vector<16xi32>
      %sub3A_638 = arith.subi %div3A_611, %sub3A_637 : vector<16xi32>
      %select_n3A_639 = arith.select %and3A_635, %sub3A_638, %div3A_611 : vector<16xi1>, vector<16xi32>
      %shift_right_arithmetic3A_640 = arith.constant 3 : i32
      %shift_right_arithmetic3A_641 = vector.broadcast %shift_right_arithmetic3A_640 : i32 to vector<16xi32>
      %shift_right_arithmetic3A_642 = arith.shrsi %get3A_602, %shift_right_arithmetic3A_641 : vector<16xi32>
      %mul3A_643 = arith.constant 8192 : i32
      %mul3A_644 = vector.broadcast %mul3A_643 : i32 to vector<16xi32>
      %mul3A_645 = arith.muli %shift_right_arithmetic3A_642, %mul3A_644 : vector<16xi32>
      %shift_right_arithmetic3A_646 = arith.constant 7 : i32
      %shift_right_arithmetic3A_647 = vector.broadcast %shift_right_arithmetic3A_646 : i32 to vector<16xi32>
      %shift_right_arithmetic3A_648 = arith.shrsi %select_n3A_639, %shift_right_arithmetic3A_647 : vector<16xi32>
      %shift_left3A = arith.constant 10 : i32
      %shift_left3A_649 = vector.broadcast %shift_left3A : i32 to vector<16xi32>
      %shift_left3A_650 = arith.shli %shift_right_arithmetic3A_648, %shift_left3A_649 : vector<16xi32>
      %add3A_651 = arith.addi %mul3A_645, %shift_left3A_650 : vector<16xi32>
      %and3A_652 = arith.constant 7 : i32
      %and3A_653 = vector.broadcast %and3A_652 : i32 to vector<16xi32>
      %and3A_654 = arith.andi %get3A_602, %and3A_653 : vector<16xi32>
      %shift_left3A_655 = arith.constant 7 : i32
      %shift_left3A_656 = vector.broadcast %shift_left3A_655 : i32 to vector<16xi32>
      %shift_left3A_657 = arith.shli %and3A_654, %shift_left3A_656 : vector<16xi32>
      %add3A_658 = arith.addi %add3A_651, %shift_left3A_657 : vector<16xi32>
      %and3A_659 = arith.constant 127 : i32
      %and3A_660 = vector.broadcast %and3A_659 : i32 to vector<16xi32>
      %and3A_661 = arith.andi %select_n3A_639, %and3A_660 : vector<16xi32>
      %add3A_662 = arith.addi %add3A_658, %and3A_661 : vector<16xi32>
      %ge3A = vector.broadcast %mul3A_2 : i32 to vector<16xi32>
      %ge3A_663 = arith.cmpi sge, %add3A_662, %ge3A : vector<16xi32>
      %add3A_664 = arith.constant 3200000 : i32
      %add3A_665 = arith.addi %mul3A_2, %add3A_664 : i32
      %lt3A_666 = vector.broadcast %add3A_665 : i32 to vector<16xi32>
      %lt3A_667 = arith.cmpi slt, %add3A_662, %lt3A_666 : vector<16xi32>
      %and3A_668 = arith.andi %ge3A_663, %lt3A_667 : vector<16xi1>
      %convert_element_type3A = arith.extui %and3A_668 : vector<16xi1> to vector<16xi32>
      %broadcast_in_dim3A_669 = arith.constant true
      %broadcast_in_dim3A_670 = vector.broadcast %broadcast_in_dim3A_669 : i1 to vector<16xi1>
      %masked_cumsum3A_671 = tpu.scan <sum>, %convert_element_type3A masked %broadcast_in_dim3A_670 : vector<16xi32>, vector<16xi1> -> vector<16xi32>
      %reduce_sum3A_672 = arith.constant true
      %reduce_sum3A_673 = vector.broadcast %reduce_sum3A_672 : i1 to vector<16xi1>
      %reduce_sum3A_674 = tpu.scan <sum>, %convert_element_type3A masked %reduce_sum3A_673 : vector<16xi32>, vector<16xi1> -> vector<16xi32>
      %reduce_sum3A_675 = vector.extract %reduce_sum3A_674[15] : i32 from vector<16xi32>
      %add3A_676 = vector.broadcast %scan3A_594 : i32 to vector<16xi32>
      %add3A_677 = arith.addi %add3A_676, %masked_cumsum3A_671 : vector<16xi32>
      %sub3A_678 = arith.constant 1 : i32
      %sub3A_679 = vector.broadcast %sub3A_678 : i32 to vector<16xi32>
      %sub3A_680 = arith.subi %add3A_677, %sub3A_679 : vector<16xi32>
      %lt3A_681 = arith.constant 12800 : i32
      %lt3A_682 = vector.broadcast %lt3A_681 : i32 to vector<16xi32>
      %lt3A_683 = arith.cmpi slt, %sub3A_680, %lt3A_682 : vector<16xi32>
      %and3A_684 = arith.andi %and3A_668, %lt3A_683 : vector<16xi1>
      %jit3A_685 = arith.constant 0 : i32
      %broadcast_in_dim3A_686 = vector.broadcast %jit3A_685 : i32 to vector<16xi32>
      %select_n3A_687 = arith.select %and3A_684, %sub3A_680, %broadcast_in_dim3A_686 : vector<16xi1>, vector<16xi32>
      %shift_right_arithmetic3A_688 = arith.constant 7 : i32
      %shift_right_arithmetic3A_689 = vector.broadcast %shift_right_arithmetic3A_688 : i32 to vector<16xi32>
      %shift_right_arithmetic3A_690 = arith.shrsi %select_n3A_687, %shift_right_arithmetic3A_689 : vector<16xi32>
      %and3A_691 = arith.constant 127 : i32
      %and3A_692 = vector.broadcast %and3A_691 : i32 to vector<16xi32>
      %and3A_693 = arith.andi %select_n3A_687, %and3A_692 : vector<16xi32>
      tpu.vector_store_idx %arg15[%shift_right_arithmetic3A_690, %and3A_693], %add3A_662 masked %and3A_684 : memref<100x128xi32, #tpu.memory_space<vmem>>[vector<16xi32>, vector<16xi32>], vector<16xi32>, vector<16xi1>
      %shift_right_arithmetic3A_694 = arith.constant 7 : i32
      %shift_right_arithmetic3A_695 = vector.broadcast %shift_right_arithmetic3A_694 : i32 to vector<16xi32>
      %shift_right_arithmetic3A_696 = arith.shrsi %select_n3A_687, %shift_right_arithmetic3A_695 : vector<16xi32>
      %and3A_697 = arith.constant 127 : i32
      %and3A_698 = vector.broadcast %and3A_697 : i32 to vector<16xi32>
      %and3A_699 = arith.andi %select_n3A_687, %and3A_698 : vector<16xi32>
      tpu.vector_store_idx %arg16[%shift_right_arithmetic3A_696, %and3A_699], %get3A_604 masked %and3A_684 : memref<100x128xf32, #tpu.memory_space<vmem>>[vector<16xi32>, vector<16xi32>], vector<16xf32>, vector<16xi1>
      %gt3A_700 = arith.constant 0 : i32
      %gt3A_701 = arith.cmpi sgt, %reduce_sum3A_675, %gt3A_700 : i32
      %add3A_702 = arith.addi %scan3A_594, %reduce_sum3A_675 : i32
      %select_n3A_703 = arith.select %gt3A_701, %add3A_662, %scan3A_595 : vector<16xi32>
      %select_n3A_704 = arith.select %gt3A_701, %get3A_604, %scan3A_596 : vector<16xf32>
      %select_n3A_705 = arith.select %gt3A_701, %convert_element_type3A, %scan3A_597 : vector<16xi32>
      %mul3A_706 = arith.constant 64 : i32
      %mul3A_707 = arith.muli %scan3A_593, %mul3A_706 : i32
      %add3A_708 = arith.constant 16 : i32
      %add3A_709 = arith.addi %mul3A_707, %add3A_708 : i32
      %get3A_710 = arith.index_cast %add3A_709 : i32 to index
      %get3A_711 = tpu.vector_load %arg11[%get3A_710] {strides = array<i32>} : memref<5120xi32, #tpu.memory_space<vmem>>, vector<16xi32>,
      %get3A_712 = arith.index_cast %add3A_709 : i32 to index
      %get3A_713 = tpu.vector_load %arg13[%get3A_712] {strides = array<i32>} : memref<5120xf32, #tpu.memory_space<vmem>>, vector<16xf32>,
      %add3A_714 = arith.constant 194560 : i32
      %add3A_715 = arith.addi %add3A_714, %add3A_709 : i32
      %add3A_716 = vector.broadcast %add3A_715 : i32 to vector<16xi32>
      %add3A_717 = arith.addi %add3A_716, %iota3A : vector<16xi32>
      %jit3A_718 = arith.constant 200 : i32
      %div3A_719 = vector.broadcast %jit3A_718 : i32 to vector<16xi32>
      %div3A_720 = arith.divsi %add3A_717, %div3A_719 : vector<16xi32>
      %sign3A_721 = arith.constant 0 : i32
      %sign3A_722 = vector.broadcast %sign3A_721 : i32 to vector<16xi32>
      %sign3A_723 = arith.cmpi sgt, %add3A_717, %sign3A_722 : vector<16xi32>
      %sign3A_724 = arith.extui %sign3A_723 : vector<16xi1> to vector<16xi32>
      %sign3A_725 = arith.constant 0 : i32
      %sign3A_726 = vector.broadcast %sign3A_725 : i32 to vector<16xi32>
      %sign3A_727 = arith.cmpi slt, %add3A_717, %sign3A_726 : vector<16xi32>
      %sign3A_728 = arith.extui %sign3A_727 : vector<16xi1> to vector<16xi32>
      %sign3A_729 = arith.subi %sign3A_724, %sign3A_728 : vector<16xi32>
      %sign3A_730 = arith.constant 0 : i32
      %sign3A_731 = arith.cmpi sgt, %jit3A_718, %sign3A_730 : i32
      %sign3A_732 = arith.extui %sign3A_731 : i1 to i32
      %sign3A_733 = arith.constant 0 : i32
      %sign3A_734 = arith.cmpi slt, %jit3A_718, %sign3A_733 : i32
      %sign3A_735 = arith.extui %sign3A_734 : i1 to i32
      %sign3A_736 = arith.subi %sign3A_732, %sign3A_735 : i32
      %ne3A_737 = vector.broadcast %sign3A_736 : i32 to vector<16xi32>
      %ne3A_738 = arith.cmpi ne, %sign3A_729, %ne3A_737 : vector<16xi32>
      %rem3A_739 = vector.broadcast %jit3A_718 : i32 to vector<16xi32>
      %rem3A_740 = arith.remsi %add3A_717, %rem3A_739 : vector<16xi32>
      %ne3A_741 = arith.constant 0 : i32
      %ne3A_742 = vector.broadcast %ne3A_741 : i32 to vector<16xi32>
      %ne3A_743 = arith.cmpi ne, %rem3A_740, %ne3A_742 : vector<16xi32>
      %and3A_744 = arith.andi %ne3A_738, %ne3A_743 : vector<16xi1>
      %sub3A_745 = arith.constant 1 : i32
      %sub3A_746 = vector.broadcast %sub3A_745 : i32 to vector<16xi32>
      %sub3A_747 = arith.subi %div3A_720, %sub3A_746 : vector<16xi32>
      %select_n3A_748 = arith.select %and3A_744, %sub3A_747, %div3A_720 : vector<16xi1>, vector<16xi32>
      %shift_right_arithmetic3A_749 = arith.constant 3 : i32
      %shift_right_arithmetic3A_750 = vector.broadcast %shift_right_arithmetic3A_749 : i32 to vector<16xi32>
      %shift_right_arithmetic3A_751 = arith.shrsi %get3A_711, %shift_right_arithmetic3A_750 : vector<16xi32>
      %mul3A_752 = arith.constant 8192 : i32
      %mul3A_753 = vector.broadcast %mul3A_752 : i32 to vector<16xi32>
      %mul3A_754 = arith.muli %shift_right_arithmetic3A_751, %mul3A_753 : vector<16xi32>
      %shift_right_arithmetic3A_755 = arith.constant 7 : i32
      %shift_right_arithmetic3A_756 = vector.broadcast %shift_right_arithmetic3A_755 : i32 to vector<16xi32>
      %shift_right_arithmetic3A_757 = arith.shrsi %select_n3A_748, %shift_right_arithmetic3A_756 : vector<16xi32>
      %shift_left3A_758 = arith.constant 10 : i32
      %shift_left3A_759 = vector.broadcast %shift_left3A_758 : i32 to vector<16xi32>
      %shift_left3A_760 = arith.shli %shift_right_arithmetic3A_757, %shift_left3A_759 : vector<16xi32>
      %add3A_761 = arith.addi %mul3A_754, %shift_left3A_760 : vector<16xi32>
      %and3A_762 = arith.constant 7 : i32
      %and3A_763 = vector.broadcast %and3A_762 : i32 to vector<16xi32>
      %and3A_764 = arith.andi %get3A_711, %and3A_763 : vector<16xi32>
      %shift_left3A_765 = arith.constant 7 : i32
      %shift_left3A_766 = vector.broadcast %shift_left3A_765 : i32 to vector<16xi32>
      %shift_left3A_767 = arith.shli %and3A_764, %shift_left3A_766 : vector<16xi32>
      %add3A_768 = arith.addi %add3A_761, %shift_left3A_767 : vector<16xi32>
      %and3A_769 = arith.constant 127 : i32
      %and3A_770 = vector.broadcast %and3A_769 : i32 to vector<16xi32>
      %and3A_771 = arith.andi %select_n3A_748, %and3A_770 : vector<16xi32>
      %add3A_772 = arith.addi %add3A_768, %and3A_771 : vector<16xi32>
      %ge3A_773 = vector.broadcast %mul3A_2 : i32 to vector<16xi32>
      %ge3A_774 = arith.cmpi sge, %add3A_772, %ge3A_773 : vector<16xi32>
      %add3A_775 = arith.constant 3200000 : i32
      %add3A_776 = arith.addi %mul3A_2, %add3A_775 : i32
      %lt3A_777 = vector.broadcast %add3A_776 : i32 to vector<16xi32>
      %lt3A_778 = arith.cmpi slt, %add3A_772, %lt3A_777 : vector<16xi32>
      %and3A_779 = arith.andi %ge3A_774, %lt3A_778 : vector<16xi1>
      %convert_element_type3A_780 = arith.extui %and3A_779 : vector<16xi1> to vector<16xi32>
      %broadcast_in_dim3A_781 = arith.constant true
      %broadcast_in_dim3A_782 = vector.broadcast %broadcast_in_dim3A_781 : i1 to vector<16xi1>
      %masked_cumsum3A_783 = tpu.scan <sum>, %convert_element_type3A_780 masked %broadcast_in_dim3A_782 : vector<16xi32>, vector<16xi1> -> vector<16xi32>
      %reduce_sum3A_784 = arith.constant true
      %reduce_sum3A_785 = vector.broadcast %reduce_sum3A_784 : i1 to vector<16xi1>
      %reduce_sum3A_786 = tpu.scan <sum>, %convert_element_type3A_780 masked %reduce_sum3A_785 : vector<16xi32>, vector<16xi1> -> vector<16xi32>
      %reduce_sum3A_787 = vector.extract %reduce_sum3A_786[15] : i32 from vector<16xi32>
      %add3A_788 = vector.broadcast %add3A_702 : i32 to vector<16xi32>
      %add3A_789 = arith.addi %add3A_788, %masked_cumsum3A_783 : vector<16xi32>
      %sub3A_790 = arith.constant 1 : i32
      %sub3A_791 = vector.broadcast %sub3A_790 : i32 to vector<16xi32>
      %sub3A_792 = arith.subi %add3A_789, %sub3A_791 : vector<16xi32>
      %lt3A_793 = arith.constant 12800 : i32
      %lt3A_794 = vector.broadcast %lt3A_793 : i32 to vector<16xi32>
      %lt3A_795 = arith.cmpi slt, %sub3A_792, %lt3A_794 : vector<16xi32>
      %and3A_796 = arith.andi %and3A_779, %lt3A_795 : vector<16xi1>
      %jit3A_797 = arith.constant 0 : i32
      %broadcast_in_dim3A_798 = vector.broadcast %jit3A_797 : i32 to vector<16xi32>
      %select_n3A_799 = arith.select %and3A_796, %sub3A_792, %broadcast_in_dim3A_798 : vector<16xi1>, vector<16xi32>
      %shift_right_arithmetic3A_800 = arith.constant 7 : i32
      %shift_right_arithmetic3A_801 = vector.broadcast %shift_right_arithmetic3A_800 : i32 to vector<16xi32>
      %shift_right_arithmetic3A_802 = arith.shrsi %select_n3A_799, %shift_right_arithmetic3A_801 : vector<16xi32>
      %and3A_803 = arith.constant 127 : i32
      %and3A_804 = vector.broadcast %and3A_803 : i32 to vector<16xi32>
      %and3A_805 = arith.andi %select_n3A_799, %and3A_804 : vector<16xi32>
      tpu.vector_store_idx %arg15[%shift_right_arithmetic3A_802, %and3A_805], %add3A_772 masked %and3A_796 : memref<100x128xi32, #tpu.memory_space<vmem>>[vector<16xi32>, vector<16xi32>], vector<16xi32>, vector<16xi1>
      %shift_right_arithmetic3A_806 = arith.constant 7 : i32
      %shift_right_arithmetic3A_807 = vector.broadcast %shift_right_arithmetic3A_806 : i32 to vector<16xi32>
      %shift_right_arithmetic3A_808 = arith.shrsi %select_n3A_799, %shift_right_arithmetic3A_807 : vector<16xi32>
      %and3A_809 = arith.constant 127 : i32
      %and3A_810 = vector.broadcast %and3A_809 : i32 to vector<16xi32>
      %and3A_811 = arith.andi %select_n3A_799, %and3A_810 : vector<16xi32>
      tpu.vector_store_idx %arg16[%shift_right_arithmetic3A_808, %and3A_811], %get3A_713 masked %and3A_796 : memref<100x128xf32, #tpu.memory_space<vmem>>[vector<16xi32>, vector<16xi32>], vector<16xf32>, vector<16xi1>
      %gt3A_812 = arith.constant 0 : i32
      %gt3A_813 = arith.cmpi sgt, %reduce_sum3A_787, %gt3A_812 : i32
      %add3A_814 = arith.addi %add3A_702, %reduce_sum3A_787 : i32
      %select_n3A_815 = arith.select %gt3A_813, %add3A_772, %select_n3A_703 : vector<16xi32>
      %select_n3A_816 = arith.select %gt3A_813, %get3A_713, %select_n3A_704 : vector<16xf32>
      %select_n3A_817 = arith.select %gt3A_813, %convert_element_type3A_780, %select_n3A_705 : vector<16xi32>
      %mul3A_818 = arith.constant 64 : i32
      %mul3A_819 = arith.muli %scan3A_593, %mul3A_818 : i32
      %add3A_820 = arith.constant 32 : i32
      %add3A_821 = arith.addi %mul3A_819, %add3A_820 : i32
      %get3A_822 = arith.index_cast %add3A_821 : i32 to index
      %get3A_823 = tpu.vector_load %arg11[%get3A_822] {strides = array<i32>} : memref<5120xi32, #tpu.memory_space<vmem>>, vector<16xi32>,
      %get3A_824 = arith.index_cast %add3A_821 : i32 to index
      %get3A_825 = tpu.vector_load %arg13[%get3A_824] {strides = array<i32>} : memref<5120xf32, #tpu.memory_space<vmem>>, vector<16xf32>,
      %add3A_826 = arith.constant 194560 : i32
      %add3A_827 = arith.addi %add3A_826, %add3A_821 : i32
      %add3A_828 = vector.broadcast %add3A_827 : i32 to vector<16xi32>
      %add3A_829 = arith.addi %add3A_828, %iota3A : vector<16xi32>
      %jit3A_830 = arith.constant 200 : i32
      %div3A_831 = vector.broadcast %jit3A_830 : i32 to vector<16xi32>
      %div3A_832 = arith.divsi %add3A_829, %div3A_831 : vector<16xi32>
      %sign3A_833 = arith.constant 0 : i32
      %sign3A_834 = vector.broadcast %sign3A_833 : i32 to vector<16xi32>
      %sign3A_835 = arith.cmpi sgt, %add3A_829, %sign3A_834 : vector<16xi32>
      %sign3A_836 = arith.extui %sign3A_835 : vector<16xi1> to vector<16xi32>
      %sign3A_837 = arith.constant 0 : i32
      %sign3A_838 = vector.broadcast %sign3A_837 : i32 to vector<16xi32>
      %sign3A_839 = arith.cmpi slt, %add3A_829, %sign3A_838 : vector<16xi32>
      %sign3A_840 = arith.extui %sign3A_839 : vector<16xi1> to vector<16xi32>
      %sign3A_841 = arith.subi %sign3A_836, %sign3A_840 : vector<16xi32>
      %sign3A_842 = arith.constant 0 : i32
      %sign3A_843 = arith.cmpi sgt, %jit3A_830, %sign3A_842 : i32
      %sign3A_844 = arith.extui %sign3A_843 : i1 to i32
      %sign3A_845 = arith.constant 0 : i32
      %sign3A_846 = arith.cmpi slt, %jit3A_830, %sign3A_845 : i32
      %sign3A_847 = arith.extui %sign3A_846 : i1 to i32
      %sign3A_848 = arith.subi %sign3A_844, %sign3A_847 : i32
      %ne3A_849 = vector.broadcast %sign3A_848 : i32 to vector<16xi32>
      %ne3A_850 = arith.cmpi ne, %sign3A_841, %ne3A_849 : vector<16xi32>
      %rem3A_851 = vector.broadcast %jit3A_830 : i32 to vector<16xi32>
      %rem3A_852 = arith.remsi %add3A_829, %rem3A_851 : vector<16xi32>
      %ne3A_853 = arith.constant 0 : i32
      %ne3A_854 = vector.broadcast %ne3A_853 : i32 to vector<16xi32>
      %ne3A_855 = arith.cmpi ne, %rem3A_852, %ne3A_854 : vector<16xi32>
      %and3A_856 = arith.andi %ne3A_850, %ne3A_855 : vector<16xi1>
      %sub3A_857 = arith.constant 1 : i32
      %sub3A_858 = vector.broadcast %sub3A_857 : i32 to vector<16xi32>
      %sub3A_859 = arith.subi %div3A_832, %sub3A_858 : vector<16xi32>
      %select_n3A_860 = arith.select %and3A_856, %sub3A_859, %div3A_832 : vector<16xi1>, vector<16xi32>
      %shift_right_arithmetic3A_861 = arith.constant 3 : i32
      %shift_right_arithmetic3A_862 = vector.broadcast %shift_right_arithmetic3A_861 : i32 to vector<16xi32>
      %shift_right_arithmetic3A_863 = arith.shrsi %get3A_823, %shift_right_arithmetic3A_862 : vector<16xi32>
      %mul3A_864 = arith.constant 8192 : i32
      %mul3A_865 = vector.broadcast %mul3A_864 : i32 to vector<16xi32>
      %mul3A_866 = arith.muli %shift_right_arithmetic3A_863, %mul3A_865 : vector<16xi32>
      %shift_right_arithmetic3A_867 = arith.constant 7 : i32
      %shift_right_arithmetic3A_868 = vector.broadcast %shift_right_arithmetic3A_867 : i32 to vector<16xi32>
      %shift_right_arithmetic3A_869 = arith.shrsi %select_n3A_860, %shift_right_arithmetic3A_868 : vector<16xi32>
      %shift_left3A_870 = arith.constant 10 : i32
      %shift_left3A_871 = vector.broadcast %shift_left3A_870 : i32 to vector<16xi32>
      %shift_left3A_872 = arith.shli %shift_right_arithmetic3A_869, %shift_left3A_871 : vector<16xi32>
      %add3A_873 = arith.addi %mul3A_866, %shift_left3A_872 : vector<16xi32>
      %and3A_874 = arith.constant 7 : i32
      %and3A_875 = vector.broadcast %and3A_874 : i32 to vector<16xi32>
      %and3A_876 = arith.andi %get3A_823, %and3A_875 : vector<16xi32>
      %shift_left3A_877 = arith.constant 7 : i32
      %shift_left3A_878 = vector.broadcast %shift_left3A_877 : i32 to vector<16xi32>
      %shift_left3A_879 = arith.shli %and3A_876, %shift_left3A_878 : vector<16xi32>
      %add3A_880 = arith.addi %add3A_873, %shift_left3A_879 : vector<16xi32>
      %and3A_881 = arith.constant 127 : i32
      %and3A_882 = vector.broadcast %and3A_881 : i32 to vector<16xi32>
      %and3A_883 = arith.andi %select_n3A_860, %and3A_882 : vector<16xi32>
      %add3A_884 = arith.addi %add3A_880, %and3A_883 : vector<16xi32>
      %ge3A_885 = vector.broadcast %mul3A_2 : i32 to vector<16xi32>
      %ge3A_886 = arith.cmpi sge, %add3A_884, %ge3A_885 : vector<16xi32>
      %add3A_887 = arith.constant 3200000 : i32
      %add3A_888 = arith.addi %mul3A_2, %add3A_887 : i32
      %lt3A_889 = vector.broadcast %add3A_888 : i32 to vector<16xi32>
      %lt3A_890 = arith.cmpi slt, %add3A_884, %lt3A_889 : vector<16xi32>
      %and3A_891 = arith.andi %ge3A_886, %lt3A_890 : vector<16xi1>
      %convert_element_type3A_892 = arith.extui %and3A_891 : vector<16xi1> to vector<16xi32>
      %broadcast_in_dim3A_893 = arith.constant true
      %broadcast_in_dim3A_894 = vector.broadcast %broadcast_in_dim3A_893 : i1 to vector<16xi1>
      %masked_cumsum3A_895 = tpu.scan <sum>, %convert_element_type3A_892 masked %broadcast_in_dim3A_894 : vector<16xi32>, vector<16xi1> -> vector<16xi32>
      %reduce_sum3A_896 = arith.constant true
      %reduce_sum3A_897 = vector.broadcast %reduce_sum3A_896 : i1 to vector<16xi1>
      %reduce_sum3A_898 = tpu.scan <sum>, %convert_element_type3A_892 masked %reduce_sum3A_897 : vector<16xi32>, vector<16xi1> -> vector<16xi32>
      %reduce_sum3A_899 = vector.extract %reduce_sum3A_898[15] : i32 from vector<16xi32>
      %add3A_900 = vector.broadcast %add3A_814 : i32 to vector<16xi32>
      %add3A_901 = arith.addi %add3A_900, %masked_cumsum3A_895 : vector<16xi32>
      %sub3A_902 = arith.constant 1 : i32
      %sub3A_903 = vector.broadcast %sub3A_902 : i32 to vector<16xi32>
      %sub3A_904 = arith.subi %add3A_901, %sub3A_903 : vector<16xi32>
      %lt3A_905 = arith.constant 12800 : i32
      %lt3A_906 = vector.broadcast %lt3A_905 : i32 to vector<16xi32>
      %lt3A_907 = arith.cmpi slt, %sub3A_904, %lt3A_906 : vector<16xi32>
      %and3A_908 = arith.andi %and3A_891, %lt3A_907 : vector<16xi1>
      %jit3A_909 = arith.constant 0 : i32
      %broadcast_in_dim3A_910 = vector.broadcast %jit3A_909 : i32 to vector<16xi32>
      %select_n3A_911 = arith.select %and3A_908, %sub3A_904, %broadcast_in_dim3A_910 : vector<16xi1>, vector<16xi32>
      %shift_right_arithmetic3A_912 = arith.constant 7 : i32
      %shift_right_arithmetic3A_913 = vector.broadcast %shift_right_arithmetic3A_912 : i32 to vector<16xi32>
      %shift_right_arithmetic3A_914 = arith.shrsi %select_n3A_911, %shift_right_arithmetic3A_913 : vector<16xi32>
      %and3A_915 = arith.constant 127 : i32
      %and3A_916 = vector.broadcast %and3A_915 : i32 to vector<16xi32>
      %and3A_917 = arith.andi %select_n3A_911, %and3A_916 : vector<16xi32>
      tpu.vector_store_idx %arg15[%shift_right_arithmetic3A_914, %and3A_917], %add3A_884 masked %and3A_908 : memref<100x128xi32, #tpu.memory_space<vmem>>[vector<16xi32>, vector<16xi32>], vector<16xi32>, vector<16xi1>
      %shift_right_arithmetic3A_918 = arith.constant 7 : i32
      %shift_right_arithmetic3A_919 = vector.broadcast %shift_right_arithmetic3A_918 : i32 to vector<16xi32>
      %shift_right_arithmetic3A_920 = arith.shrsi %select_n3A_911, %shift_right_arithmetic3A_919 : vector<16xi32>
      %and3A_921 = arith.constant 127 : i32
      %and3A_922 = vector.broadcast %and3A_921 : i32 to vector<16xi32>
      %and3A_923 = arith.andi %select_n3A_911, %and3A_922 : vector<16xi32>
      tpu.vector_store_idx %arg16[%shift_right_arithmetic3A_920, %and3A_923], %get3A_825 masked %and3A_908 : memref<100x128xf32, #tpu.memory_space<vmem>>[vector<16xi32>, vector<16xi32>], vector<16xf32>, vector<16xi1>
      %gt3A_924 = arith.constant 0 : i32
      %gt3A_925 = arith.cmpi sgt, %reduce_sum3A_899, %gt3A_924 : i32
      %add3A_926 = arith.addi %add3A_814, %reduce_sum3A_899 : i32
      %select_n3A_927 = arith.select %gt3A_925, %add3A_884, %select_n3A_815 : vector<16xi32>
      %select_n3A_928 = arith.select %gt3A_925, %get3A_825, %select_n3A_816 : vector<16xf32>
      %select_n3A_929 = arith.select %gt3A_925, %convert_element_type3A_892, %select_n3A_817 : vector<16xi32>
      %mul3A_930 = arith.constant 64 : i32
      %mul3A_931 = arith.muli %scan3A_593, %mul3A_930 : i32
      %add3A_932 = arith.constant 48 : i32
      %add3A_933 = arith.addi %mul3A_931, %add3A_932 : i32
      %get3A_934 = arith.index_cast %add3A_933 : i32 to index
      %get3A_935 = tpu.vector_load %arg11[%get3A_934] {strides = array<i32>} : memref<5120xi32, #tpu.memory_space<vmem>>, vector<16xi32>,
      %get3A_936 = arith.index_cast %add3A_933 : i32 to index
      %get3A_937 = tpu.vector_load %arg13[%get3A_936] {strides = array<i32>} : memref<5120xf32, #tpu.memory_space<vmem>>, vector<16xf32>,
      %add3A_938 = arith.constant 194560 : i32
      %add3A_939 = arith.addi %add3A_938, %add3A_933 : i32
      %add3A_940 = vector.broadcast %add3A_939 : i32 to vector<16xi32>
      %add3A_941 = arith.addi %add3A_940, %iota3A : vector<16xi32>
      %jit3A_942 = arith.constant 200 : i32
      %div3A_943 = vector.broadcast %jit3A_942 : i32 to vector<16xi32>
      %div3A_944 = arith.divsi %add3A_941, %div3A_943 : vector<16xi32>
      %sign3A_945 = arith.constant 0 : i32
      %sign3A_946 = vector.broadcast %sign3A_945 : i32 to vector<16xi32>
      %sign3A_947 = arith.cmpi sgt, %add3A_941, %sign3A_946 : vector<16xi32>
      %sign3A_948 = arith.extui %sign3A_947 : vector<16xi1> to vector<16xi32>
      %sign3A_949 = arith.constant 0 : i32
      %sign3A_950 = vector.broadcast %sign3A_949 : i32 to vector<16xi32>
      %sign3A_951 = arith.cmpi slt, %add3A_941, %sign3A_950 : vector<16xi32>
      %sign3A_952 = arith.extui %sign3A_951 : vector<16xi1> to vector<16xi32>
      %sign3A_953 = arith.subi %sign3A_948, %sign3A_952 : vector<16xi32>
      %sign3A_954 = arith.constant 0 : i32
      %sign3A_955 = arith.cmpi sgt, %jit3A_942, %sign3A_954 : i32
      %sign3A_956 = arith.extui %sign3A_955 : i1 to i32
      %sign3A_957 = arith.constant 0 : i32
      %sign3A_958 = arith.cmpi slt, %jit3A_942, %sign3A_957 : i32
      %sign3A_959 = arith.extui %sign3A_958 : i1 to i32
      %sign3A_960 = arith.subi %sign3A_956, %sign3A_959 : i32
      %ne3A_961 = vector.broadcast %sign3A_960 : i32 to vector<16xi32>
      %ne3A_962 = arith.cmpi ne, %sign3A_953, %ne3A_961 : vector<16xi32>
      %rem3A_963 = vector.broadcast %jit3A_942 : i32 to vector<16xi32>
      %rem3A_964 = arith.remsi %add3A_941, %rem3A_963 : vector<16xi32>
      %ne3A_965 = arith.constant 0 : i32
      %ne3A_966 = vector.broadcast %ne3A_965 : i32 to vector<16xi32>
      %ne3A_967 = arith.cmpi ne, %rem3A_964, %ne3A_966 : vector<16xi32>
      %and3A_968 = arith.andi %ne3A_962, %ne3A_967 : vector<16xi1>
      %sub3A_969 = arith.constant 1 : i32
      %sub3A_970 = vector.broadcast %sub3A_969 : i32 to vector<16xi32>
      %sub3A_971 = arith.subi %div3A_944, %sub3A_970 : vector<16xi32>
      %select_n3A_972 = arith.select %and3A_968, %sub3A_971, %div3A_944 : vector<16xi1>, vector<16xi32>
      %shift_right_arithmetic3A_973 = arith.constant 3 : i32
      %shift_right_arithmetic3A_974 = vector.broadcast %shift_right_arithmetic3A_973 : i32 to vector<16xi32>
      %shift_right_arithmetic3A_975 = arith.shrsi %get3A_935, %shift_right_arithmetic3A_974 : vector<16xi32>
      %mul3A_976 = arith.constant 8192 : i32
      %mul3A_977 = vector.broadcast %mul3A_976 : i32 to vector<16xi32>
      %mul3A_978 = arith.muli %shift_right_arithmetic3A_975, %mul3A_977 : vector<16xi32>
      %shift_right_arithmetic3A_979 = arith.constant 7 : i32
      %shift_right_arithmetic3A_980 = vector.broadcast %shift_right_arithmetic3A_979 : i32 to vector<16xi32>
      %shift_right_arithmetic3A_981 = arith.shrsi %select_n3A_972, %shift_right_arithmetic3A_980 : vector<16xi32>
      %shift_left3A_982 = arith.constant 10 : i32
      %shift_left3A_983 = vector.broadcast %shift_left3A_982 : i32 to vector<16xi32>
      %shift_left3A_984 = arith.shli %shift_right_arithmetic3A_981, %shift_left3A_983 : vector<16xi32>
      %add3A_985 = arith.addi %mul3A_978, %shift_left3A_984 : vector<16xi32>
      %and3A_986 = arith.constant 7 : i32
      %and3A_987 = vector.broadcast %and3A_986 : i32 to vector<16xi32>
      %and3A_988 = arith.andi %get3A_935, %and3A_987 : vector<16xi32>
      %shift_left3A_989 = arith.constant 7 : i32
      %shift_left3A_990 = vector.broadcast %shift_left3A_989 : i32 to vector<16xi32>
      %shift_left3A_991 = arith.shli %and3A_988, %shift_left3A_990 : vector<16xi32>
      %add3A_992 = arith.addi %add3A_985, %shift_left3A_991 : vector<16xi32>
      %and3A_993 = arith.constant 127 : i32
      %and3A_994 = vector.broadcast %and3A_993 : i32 to vector<16xi32>
      %and3A_995 = arith.andi %select_n3A_972, %and3A_994 : vector<16xi32>
      %add3A_996 = arith.addi %add3A_992, %and3A_995 : vector<16xi32>
      %ge3A_997 = vector.broadcast %mul3A_2 : i32 to vector<16xi32>
      %ge3A_998 = arith.cmpi sge, %add3A_996, %ge3A_997 : vector<16xi32>
      %add3A_999 = arith.constant 3200000 : i32
      %add3A_1000 = arith.addi %mul3A_2, %add3A_999 : i32
      %lt3A_1001 = vector.broadcast %add3A_1000 : i32 to vector<16xi32>
      %lt3A_1002 = arith.cmpi slt, %add3A_996, %lt3A_1001 : vector<16xi32>
      %and3A_1003 = arith.andi %ge3A_998, %lt3A_1002 : vector<16xi1>
      %convert_element_type3A_1004 = arith.extui %and3A_1003 : vector<16xi1> to vector<16xi32>
      %broadcast_in_dim3A_1005 = arith.constant true
      %broadcast_in_dim3A_1006 = vector.broadcast %broadcast_in_dim3A_1005 : i1 to vector<16xi1>
      %masked_cumsum3A_1007 = tpu.scan <sum>, %convert_element_type3A_1004 masked %broadcast_in_dim3A_1006 : vector<16xi32>, vector<16xi1> -> vector<16xi32>
      %reduce_sum3A_1008 = arith.constant true
      %reduce_sum3A_1009 = vector.broadcast %reduce_sum3A_1008 : i1 to vector<16xi1>
      %reduce_sum3A_1010 = tpu.scan <sum>, %convert_element_type3A_1004 masked %reduce_sum3A_1009 : vector<16xi32>, vector<16xi1> -> vector<16xi32>
      %reduce_sum3A_1011 = vector.extract %reduce_sum3A_1010[15] : i32 from vector<16xi32>
      %add3A_1012 = vector.broadcast %add3A_926 : i32 to vector<16xi32>
      %add3A_1013 = arith.addi %add3A_1012, %masked_cumsum3A_1007 : vector<16xi32>
      %sub3A_1014 = arith.constant 1 : i32
      %sub3A_1015 = vector.broadcast %sub3A_1014 : i32 to vector<16xi32>
      %sub3A_1016 = arith.subi %add3A_1013, %sub3A_1015 : vector<16xi32>
      %lt3A_1017 = arith.constant 12800 : i32
      %lt3A_1018 = vector.broadcast %lt3A_1017 : i32 to vector<16xi32>
      %lt3A_1019 = arith.cmpi slt, %sub3A_1016, %lt3A_1018 : vector<16xi32>
      %and3A_1020 = arith.andi %and3A_1003, %lt3A_1019 : vector<16xi1>
      %jit3A_1021 = arith.constant 0 : i32
      %broadcast_in_dim3A_1022 = vector.broadcast %jit3A_1021 : i32 to vector<16xi32>
      %select_n3A_1023 = arith.select %and3A_1020, %sub3A_1016, %broadcast_in_dim3A_1022 : vector<16xi1>, vector<16xi32>
      %shift_right_arithmetic3A_1024 = arith.constant 7 : i32
      %shift_right_arithmetic3A_1025 = vector.broadcast %shift_right_arithmetic3A_1024 : i32 to vector<16xi32>
      %shift_right_arithmetic3A_1026 = arith.shrsi %select_n3A_1023, %shift_right_arithmetic3A_1025 : vector<16xi32>
      %and3A_1027 = arith.constant 127 : i32
      %and3A_1028 = vector.broadcast %and3A_1027 : i32 to vector<16xi32>
      %and3A_1029 = arith.andi %select_n3A_1023, %and3A_1028 : vector<16xi32>
      tpu.vector_store_idx %arg15[%shift_right_arithmetic3A_1026, %and3A_1029], %add3A_996 masked %and3A_1020 : memref<100x128xi32, #tpu.memory_space<vmem>>[vector<16xi32>, vector<16xi32>], vector<16xi32>, vector<16xi1>
      %shift_right_arithmetic3A_1030 = arith.constant 7 : i32
      %shift_right_arithmetic3A_1031 = vector.broadcast %shift_right_arithmetic3A_1030 : i32 to vector<16xi32>
      %shift_right_arithmetic3A_1032 = arith.shrsi %select_n3A_1023, %shift_right_arithmetic3A_1031 : vector<16xi32>
      %and3A_1033 = arith.constant 127 : i32
      %and3A_1034 = vector.broadcast %and3A_1033 : i32 to vector<16xi32>
      %and3A_1035 = arith.andi %select_n3A_1023, %and3A_1034 : vector<16xi32>
      tpu.vector_store_idx %arg16[%shift_right_arithmetic3A_1032, %and3A_1035], %get3A_937 masked %and3A_1020 : memref<100x128xf32, #tpu.memory_space<vmem>>[vector<16xi32>, vector<16xi32>], vector<16xf32>, vector<16xi1>
      %gt3A_1036 = arith.constant 0 : i32
      %gt3A_1037 = arith.cmpi sgt, %reduce_sum3A_1011, %gt3A_1036 : i32
      %add3A_1038 = arith.addi %add3A_926, %reduce_sum3A_1011 : i32
      %select_n3A_1039 = arith.select %gt3A_1037, %add3A_996, %select_n3A_927 : vector<16xi32>
      %select_n3A_1040 = arith.select %gt3A_1037, %get3A_937, %select_n3A_928 : vector<16xf32>
      %select_n3A_1041 = arith.select %gt3A_1037, %convert_element_type3A_1004, %select_n3A_929 : vector<16xi32>
      scf.yield %add3A_1038, %select_n3A_1039, %select_n3A_1040, %select_n3A_1041 : i32, vector<16xi32>, vector<16xf32>, vector<16xi32>
    }
    %scan3A_118 = arith.constant 80 : i32
    %dma_start3A_119 = arith.constant 199680 : i32
    %dma_start3A_120 = tpu.memref_slice %arg3[%dma_start3A_119] : memref<204800xi32, #tpu.memory_space<hbm>> -> memref<5120xi32, #tpu.memory_space<hbm>>
    %dma_start3A_121 = arith.constant 199680 : i32
    %dma_start3A_122 = tpu.memref_slice %arg3[%dma_start3A_121] : memref<204800xi32, #tpu.memory_space<hbm>> -> memref<5120xi32, #tpu.memory_space<hbm>>
    tpu.enqueue_dma source(%dma_start3A_122 : memref<5120xi32, #tpu.memory_space<hbm>>) target(%arg12 : memref<5120xi32, #tpu.memory_space<vmem>>) target_semaphore(%arg28 : memref<!tpu.dma_semaphore, #tpu.memory_space<semaphore_mem>>)
    %dma_start3A_123 = arith.constant 199680 : i32
    %dma_start3A_124 = tpu.memref_slice %arg4[%dma_start3A_123] : memref<204800xf32, #tpu.memory_space<hbm>> -> memref<5120xf32, #tpu.memory_space<hbm>>
    %dma_start3A_125 = arith.constant 199680 : i32
    %dma_start3A_126 = tpu.memref_slice %arg4[%dma_start3A_125] : memref<204800xf32, #tpu.memory_space<hbm>> -> memref<5120xf32, #tpu.memory_space<hbm>>
    tpu.enqueue_dma source(%dma_start3A_126 : memref<5120xf32, #tpu.memory_space<hbm>>) target(%arg14 : memref<5120xf32, #tpu.memory_space<vmem>>) target_semaphore(%arg30 : memref<!tpu.dma_semaphore, #tpu.memory_space<semaphore_mem>>)
    %dma_wait3A_127 = arith.constant 0 : i32
    %dma_wait3A_128 = tpu.memref_slice %arg5[%dma_wait3A_127] : memref<102400000xf32, #tpu.memory_space<hbm>> -> memref<16000xf32, #tpu.memory_space<hbm>>
    %dma_wait3A_129 = arith.constant 0 : i32
    %dma_wait3A_130 = tpu.memref_slice %arg6[%arg1, %dma_wait3A_129] : memref<16x16000xf32, #tpu.memory_space<vmem_shared>> -> memref<1x16000xf32, #tpu.memory_space<vmem_shared>>
    %dma_wait3A_131 = tpu.memref_squeeze %dma_wait3A_130 : memref<1x16000xf32, #tpu.memory_space<vmem_shared>> -> memref<16000xf32, #tpu.memory_space<vmem_shared>>
    tpu.wait_dma2 semaphore(%arg22 : memref<!tpu.dma_semaphore, #tpu.memory_space<semaphore_mem>>) src(%dma_wait3A_131 : memref<16000xf32, #tpu.memory_space<vmem_shared>>) dst(%dma_wait3A_128 : memref<16000xf32, #tpu.memory_space<hbm>>)
    %add3A_132 = arith.constant 3120000 : i32
    %add3A_133 = arith.addi %mul3A_2, %add3A_132 : i32
    %dma_start3A_134 = arith.constant 0 : i32
    %dma_start3A_135 = tpu.memref_slice %arg6[%arg1, %dma_start3A_134] : memref<16x16000xf32, #tpu.memory_space<vmem_shared>> -> memref<1x16000xf32, #tpu.memory_space<vmem_shared>>
    %dma_start3A_136 = tpu.memref_squeeze %dma_start3A_135 : memref<1x16000xf32, #tpu.memory_space<vmem_shared>> -> memref<16000xf32, #tpu.memory_space<vmem_shared>>
    %dma_start3A_137 = tpu.memref_slice %arg2[%add3A_133] : memref<102400000xf32, #tpu.memory_space<hbm>> -> memref<16000xf32, #tpu.memory_space<hbm>>
    tpu.enqueue_dma source(%dma_start3A_137 : memref<16000xf32, #tpu.memory_space<hbm>>) target(%dma_start3A_136 : memref<16000xf32, #tpu.memory_space<vmem_shared>>) target_semaphore(%arg17 : memref<!tpu.dma_semaphore, #tpu.memory_space<semaphore_mem>>)
    %dma_wait3A_138 = arith.constant 0 : i32
    %dma_wait3A_139 = tpu.memref_slice %arg5[%dma_wait3A_138] : memref<102400000xf32, #tpu.memory_space<hbm>> -> memref<16000xf32, #tpu.memory_space<hbm>>
    %dma_wait3A_140 = arith.constant 0 : i32
    %dma_wait3A_141 = tpu.memref_slice %arg7[%arg1, %dma_wait3A_140] : memref<16x16000xf32, #tpu.memory_space<vmem_shared>> -> memref<1x16000xf32, #tpu.memory_space<vmem_shared>>
    %dma_wait3A_142 = tpu.memref_squeeze %dma_wait3A_141 : memref<1x16000xf32, #tpu.memory_space<vmem_shared>> -> memref<16000xf32, #tpu.memory_space<vmem_shared>>
    tpu.wait_dma2 semaphore(%arg23 : memref<!tpu.dma_semaphore, #tpu.memory_space<semaphore_mem>>) src(%dma_wait3A_142 : memref<16000xf32, #tpu.memory_space<vmem_shared>>) dst(%dma_wait3A_139 : memref<16000xf32, #tpu.memory_space<hbm>>)
    %add3A_143 = arith.constant 3136000 : i32
    %add3A_144 = arith.addi %mul3A_2, %add3A_143 : i32
    %dma_start3A_145 = arith.constant 0 : i32
    %dma_start3A_146 = tpu.memref_slice %arg7[%arg1, %dma_start3A_145] : memref<16x16000xf32, #tpu.memory_space<vmem_shared>> -> memref<1x16000xf32, #tpu.memory_space<vmem_shared>>
    %dma_start3A_147 = tpu.memref_squeeze %dma_start3A_146 : memref<1x16000xf32, #tpu.memory_space<vmem_shared>> -> memref<16000xf32, #tpu.memory_space<vmem_shared>>
    %dma_start3A_148 = tpu.memref_slice %arg2[%add3A_144] : memref<102400000xf32, #tpu.memory_space<hbm>> -> memref<16000xf32, #tpu.memory_space<hbm>>
    tpu.enqueue_dma source(%dma_start3A_148 : memref<16000xf32, #tpu.memory_space<hbm>>) target(%dma_start3A_147 : memref<16000xf32, #tpu.memory_space<vmem_shared>>) target_semaphore(%arg18 : memref<!tpu.dma_semaphore, #tpu.memory_space<semaphore_mem>>)
    %dma_wait3A_149 = arith.constant 0 : i32
    %dma_wait3A_150 = tpu.memref_slice %arg5[%dma_wait3A_149] : memref<102400000xf32, #tpu.memory_space<hbm>> -> memref<16000xf32, #tpu.memory_space<hbm>>
    %dma_wait3A_151 = arith.constant 0 : i32
    %dma_wait3A_152 = tpu.memref_slice %arg8[%arg1, %dma_wait3A_151] : memref<16x16000xf32, #tpu.memory_space<vmem_shared>> -> memref<1x16000xf32, #tpu.memory_space<vmem_shared>>
    %dma_wait3A_153 = tpu.memref_squeeze %dma_wait3A_152 : memref<1x16000xf32, #tpu.memory_space<vmem_shared>> -> memref<16000xf32, #tpu.memory_space<vmem_shared>>
    tpu.wait_dma2 semaphore(%arg24 : memref<!tpu.dma_semaphore, #tpu.memory_space<semaphore_mem>>) src(%dma_wait3A_153 : memref<16000xf32, #tpu.memory_space<vmem_shared>>) dst(%dma_wait3A_150 : memref<16000xf32, #tpu.memory_space<hbm>>)
    %add3A_154 = arith.constant 3152000 : i32
    %add3A_155 = arith.addi %mul3A_2, %add3A_154 : i32
    %dma_start3A_156 = arith.constant 0 : i32
    %dma_start3A_157 = tpu.memref_slice %arg8[%arg1, %dma_start3A_156] : memref<16x16000xf32, #tpu.memory_space<vmem_shared>> -> memref<1x16000xf32, #tpu.memory_space<vmem_shared>>
    %dma_start3A_158 = tpu.memref_squeeze %dma_start3A_157 : memref<1x16000xf32, #tpu.memory_space<vmem_shared>> -> memref<16000xf32, #tpu.memory_space<vmem_shared>>
    %dma_start3A_159 = tpu.memref_slice %arg2[%add3A_155] : memref<102400000xf32, #tpu.memory_space<hbm>> -> memref<16000xf32, #tpu.memory_space<hbm>>
    tpu.enqueue_dma source(%dma_start3A_159 : memref<16000xf32, #tpu.memory_space<hbm>>) target(%dma_start3A_158 : memref<16000xf32, #tpu.memory_space<vmem_shared>>) target_semaphore(%arg19 : memref<!tpu.dma_semaphore, #tpu.memory_space<semaphore_mem>>)
    %dma_wait3A_160 = arith.constant 0 : i32
    %dma_wait3A_161 = tpu.memref_slice %arg5[%dma_wait3A_160] : memref<102400000xf32, #tpu.memory_space<hbm>> -> memref<16000xf32, #tpu.memory_space<hbm>>
    %dma_wait3A_162 = arith.constant 0 : i32
    %dma_wait3A_163 = tpu.memref_slice %arg9[%arg1, %dma_wait3A_162] : memref<16x16000xf32, #tpu.memory_space<vmem_shared>> -> memref<1x16000xf32, #tpu.memory_space<vmem_shared>>
    %dma_wait3A_164 = tpu.memref_squeeze %dma_wait3A_163 : memref<1x16000xf32, #tpu.memory_space<vmem_shared>> -> memref<16000xf32, #tpu.memory_space<vmem_shared>>
    tpu.wait_dma2 semaphore(%arg25 : memref<!tpu.dma_semaphore, #tpu.memory_space<semaphore_mem>>) src(%dma_wait3A_164 : memref<16000xf32, #tpu.memory_space<vmem_shared>>) dst(%dma_wait3A_161 : memref<16000xf32, #tpu.memory_space<hbm>>)
    %add3A_165 = arith.constant 3168000 : i32
    %add3A_166 = arith.addi %mul3A_2, %add3A_165 : i32
    %dma_start3A_167 = arith.constant 0 : i32
    %dma_start3A_168 = tpu.memref_slice %arg9[%arg1, %dma_start3A_167] : memref<16x16000xf32, #tpu.memory_space<vmem_shared>> -> memref<1x16000xf32, #tpu.memory_space<vmem_shared>>
    %dma_start3A_169 = tpu.memref_squeeze %dma_start3A_168 : memref<1x16000xf32, #tpu.memory_space<vmem_shared>> -> memref<16000xf32, #tpu.memory_space<vmem_shared>>
    %dma_start3A_170 = tpu.memref_slice %arg2[%add3A_166] : memref<102400000xf32, #tpu.memory_space<hbm>> -> memref<16000xf32, #tpu.memory_space<hbm>>
    tpu.enqueue_dma source(%dma_start3A_170 : memref<16000xf32, #tpu.memory_space<hbm>>) target(%dma_start3A_169 : memref<16000xf32, #tpu.memory_space<vmem_shared>>) target_semaphore(%arg20 : memref<!tpu.dma_semaphore, #tpu.memory_space<semaphore_mem>>)
    %dma_wait3A_171 = arith.constant 0 : i32
    %dma_wait3A_172 = tpu.memref_slice %arg5[%dma_wait3A_171] : memref<102400000xf32, #tpu.memory_space<hbm>> -> memref<16000xf32, #tpu.memory_space<hbm>>
    %dma_wait3A_173 = arith.constant 0 : i32
    %dma_wait3A_174 = tpu.memref_slice %arg10[%arg1, %dma_wait3A_173] : memref<16x16000xf32, #tpu.memory_space<vmem_shared>> -> memref<1x16000xf32, #tpu.memory_space<vmem_shared>>
    %dma_wait3A_175 = tpu.memref_squeeze %dma_wait3A_174 : memref<1x16000xf32, #tpu.memory_space<vmem_shared>> -> memref<16000xf32, #tpu.memory_space<vmem_shared>>
    tpu.wait_dma2 semaphore(%arg26 : memref<!tpu.dma_semaphore, #tpu.memory_space<semaphore_mem>>) src(%dma_wait3A_175 : memref<16000xf32, #tpu.memory_space<vmem_shared>>) dst(%dma_wait3A_172 : memref<16000xf32, #tpu.memory_space<hbm>>)
    %add3A_176 = arith.constant 3184000 : i32
    %add3A_177 = arith.addi %mul3A_2, %add3A_176 : i32
    %dma_start3A_178 = arith.constant 0 : i32
    %dma_start3A_179 = tpu.memref_slice %arg10[%arg1, %dma_start3A_178] : memref<16x16000xf32, #tpu.memory_space<vmem_shared>> -> memref<1x16000xf32, #tpu.memory_space<vmem_shared>>
    %dma_start3A_180 = tpu.memref_squeeze %dma_start3A_179 : memref<1x16000xf32, #tpu.memory_space<vmem_shared>> -> memref<16000xf32, #tpu.memory_space<vmem_shared>>
    %dma_start3A_181 = tpu.memref_slice %arg2[%add3A_177] : memref<102400000xf32, #tpu.memory_space<hbm>> -> memref<16000xf32, #tpu.memory_space<hbm>>
    tpu.enqueue_dma source(%dma_start3A_181 : memref<16000xf32, #tpu.memory_space<hbm>>) target(%dma_start3A_180 : memref<16000xf32, #tpu.memory_space<vmem_shared>>) target_semaphore(%arg21 : memref<!tpu.dma_semaphore, #tpu.memory_space<semaphore_mem>>)
    %dma_wait3A_182 = arith.constant 0 : i32
    %dma_wait3A_183 = tpu.memref_slice %arg6[%arg1, %dma_wait3A_182] : memref<16x16000xf32, #tpu.memory_space<vmem_shared>> -> memref<1x16000xf32, #tpu.memory_space<vmem_shared>>
    %dma_wait3A_184 = tpu.memref_squeeze %dma_wait3A_183 : memref<1x16000xf32, #tpu.memory_space<vmem_shared>> -> memref<16000xf32, #tpu.memory_space<vmem_shared>>
    %dma_wait3A_185 = arith.constant 0 : i32
    %dma_wait3A_186 = tpu.memref_slice %arg2[%dma_wait3A_185] : memref<102400000xf32, #tpu.memory_space<hbm>> -> memref<16000xf32, #tpu.memory_space<hbm>>
    tpu.wait_dma2 semaphore(%arg17 : memref<!tpu.dma_semaphore, #tpu.memory_space<semaphore_mem>>) src(%dma_wait3A_186 : memref<16000xf32, #tpu.memory_space<hbm>>) dst(%dma_wait3A_184 : memref<16000xf32, #tpu.memory_space<vmem_shared>>)
    %add3A_187 = arith.constant 3120000 : i32
    %add3A_188 = arith.addi %mul3A_2, %add3A_187 : i32
    %dma_start3A_189 = tpu.memref_slice %arg5[%add3A_188] : memref<102400000xf32, #tpu.memory_space<hbm>> -> memref<16000xf32, #tpu.memory_space<hbm>>
    %dma_start3A_190 = arith.constant 0 : i32
    %dma_start3A_191 = tpu.memref_slice %arg6[%arg1, %dma_start3A_190] : memref<16x16000xf32, #tpu.memory_space<vmem_shared>> -> memref<1x16000xf32, #tpu.memory_space<vmem_shared>>
    %dma_start3A_192 = tpu.memref_squeeze %dma_start3A_191 : memref<1x16000xf32, #tpu.memory_space<vmem_shared>> -> memref<16000xf32, #tpu.memory_space<vmem_shared>>
    tpu.enqueue_dma source(%dma_start3A_192 : memref<16000xf32, #tpu.memory_space<vmem_shared>>) target(%dma_start3A_189 : memref<16000xf32, #tpu.memory_space<hbm>>) target_semaphore(%arg22 : memref<!tpu.dma_semaphore, #tpu.memory_space<semaphore_mem>>)
    %dma_wait3A_193 = arith.constant 0 : i32
    %dma_wait3A_194 = tpu.memref_slice %arg7[%arg1, %dma_wait3A_193] : memref<16x16000xf32, #tpu.memory_space<vmem_shared>> -> memref<1x16000xf32, #tpu.memory_space<vmem_shared>>
    %dma_wait3A_195 = tpu.memref_squeeze %dma_wait3A_194 : memref<1x16000xf32, #tpu.memory_space<vmem_shared>> -> memref<16000xf32, #tpu.memory_space<vmem_shared>>
    %dma_wait3A_196 = arith.constant 0 : i32
    %dma_wait3A_197 = tpu.memref_slice %arg2[%dma_wait3A_196] : memref<102400000xf32, #tpu.memory_space<hbm>> -> memref<16000xf32, #tpu.memory_space<hbm>>
    tpu.wait_dma2 semaphore(%arg18 : memref<!tpu.dma_semaphore, #tpu.memory_space<semaphore_mem>>) src(%dma_wait3A_197 : memref<16000xf32, #tpu.memory_space<hbm>>) dst(%dma_wait3A_195 : memref<16000xf32, #tpu.memory_space<vmem_shared>>)
    %add3A_198 = arith.constant 3136000 : i32
    %add3A_199 = arith.addi %mul3A_2, %add3A_198 : i32
    %dma_start3A_200 = tpu.memref_slice %arg5[%add3A_199] : memref<102400000xf32, #tpu.memory_space<hbm>> -> memref<16000xf32, #tpu.memory_space<hbm>>
    %dma_start3A_201 = arith.constant 0 : i32
    %dma_start3A_202 = tpu.memref_slice %arg7[%arg1, %dma_start3A_201] : memref<16x16000xf32, #tpu.memory_space<vmem_shared>> -> memref<1x16000xf32, #tpu.memory_space<vmem_shared>>
    %dma_start3A_203 = tpu.memref_squeeze %dma_start3A_202 : memref<1x16000xf32, #tpu.memory_space<vmem_shared>> -> memref<16000xf32, #tpu.memory_space<vmem_shared>>
    tpu.enqueue_dma source(%dma_start3A_203 : memref<16000xf32, #tpu.memory_space<vmem_shared>>) target(%dma_start3A_200 : memref<16000xf32, #tpu.memory_space<hbm>>) target_semaphore(%arg23 : memref<!tpu.dma_semaphore, #tpu.memory_space<semaphore_mem>>)
    %dma_wait3A_204 = arith.constant 0 : i32
    %dma_wait3A_205 = tpu.memref_slice %arg8[%arg1, %dma_wait3A_204] : memref<16x16000xf32, #tpu.memory_space<vmem_shared>> -> memref<1x16000xf32, #tpu.memory_space<vmem_shared>>
    %dma_wait3A_206 = tpu.memref_squeeze %dma_wait3A_205 : memref<1x16000xf32, #tpu.memory_space<vmem_shared>> -> memref<16000xf32, #tpu.memory_space<vmem_shared>>
    %dma_wait3A_207 = arith.constant 0 : i32
    %dma_wait3A_208 = tpu.memref_slice %arg2[%dma_wait3A_207] : memref<102400000xf32, #tpu.memory_space<hbm>> -> memref<16000xf32, #tpu.memory_space<hbm>>
    tpu.wait_dma2 semaphore(%arg19 : memref<!tpu.dma_semaphore, #tpu.memory_space<semaphore_mem>>) src(%dma_wait3A_208 : memref<16000xf32, #tpu.memory_space<hbm>>) dst(%dma_wait3A_206 : memref<16000xf32, #tpu.memory_space<vmem_shared>>)
    %add3A_209 = arith.constant 3152000 : i32
    %add3A_210 = arith.addi %mul3A_2, %add3A_209 : i32
    %dma_start3A_211 = tpu.memref_slice %arg5[%add3A_210] : memref<102400000xf32, #tpu.memory_space<hbm>> -> memref<16000xf32, #tpu.memory_space<hbm>>
    %dma_start3A_212 = arith.constant 0 : i32
    %dma_start3A_213 = tpu.memref_slice %arg8[%arg1, %dma_start3A_212] : memref<16x16000xf32, #tpu.memory_space<vmem_shared>> -> memref<1x16000xf32, #tpu.memory_space<vmem_shared>>
    %dma_start3A_214 = tpu.memref_squeeze %dma_start3A_213 : memref<1x16000xf32, #tpu.memory_space<vmem_shared>> -> memref<16000xf32, #tpu.memory_space<vmem_shared>>
    tpu.enqueue_dma source(%dma_start3A_214 : memref<16000xf32, #tpu.memory_space<vmem_shared>>) target(%dma_start3A_211 : memref<16000xf32, #tpu.memory_space<hbm>>) target_semaphore(%arg24 : memref<!tpu.dma_semaphore, #tpu.memory_space<semaphore_mem>>)
    %dma_wait3A_215 = arith.constant 0 : i32
    %dma_wait3A_216 = tpu.memref_slice %arg9[%arg1, %dma_wait3A_215] : memref<16x16000xf32, #tpu.memory_space<vmem_shared>> -> memref<1x16000xf32, #tpu.memory_space<vmem_shared>>
    %dma_wait3A_217 = tpu.memref_squeeze %dma_wait3A_216 : memref<1x16000xf32, #tpu.memory_space<vmem_shared>> -> memref<16000xf32, #tpu.memory_space<vmem_shared>>
    %dma_wait3A_218 = arith.constant 0 : i32
    %dma_wait3A_219 = tpu.memref_slice %arg2[%dma_wait3A_218] : memref<102400000xf32, #tpu.memory_space<hbm>> -> memref<16000xf32, #tpu.memory_space<hbm>>
    tpu.wait_dma2 semaphore(%arg20 : memref<!tpu.dma_semaphore, #tpu.memory_space<semaphore_mem>>) src(%dma_wait3A_219 : memref<16000xf32, #tpu.memory_space<hbm>>) dst(%dma_wait3A_217 : memref<16000xf32, #tpu.memory_space<vmem_shared>>)
    %add3A_220 = arith.constant 3168000 : i32
    %add3A_221 = arith.addi %mul3A_2, %add3A_220 : i32
    %dma_start3A_222 = tpu.memref_slice %arg5[%add3A_221] : memref<102400000xf32, #tpu.memory_space<hbm>> -> memref<16000xf32, #tpu.memory_space<hbm>>
    %dma_start3A_223 = arith.constant 0 : i32
    %dma_start3A_224 = tpu.memref_slice %arg9[%arg1, %dma_start3A_223] : memref<16x16000xf32, #tpu.memory_space<vmem_shared>> -> memref<1x16000xf32, #tpu.memory_space<vmem_shared>>
    %dma_start3A_225 = tpu.memref_squeeze %dma_start3A_224 : memref<1x16000xf32, #tpu.memory_space<vmem_shared>> -> memref<16000xf32, #tpu.memory_space<vmem_shared>>
    tpu.enqueue_dma source(%dma_start3A_225 : memref<16000xf32, #tpu.memory_space<vmem_shared>>) target(%dma_start3A_222 : memref<16000xf32, #tpu.memory_space<hbm>>) target_semaphore(%arg25 : memref<!tpu.dma_semaphore, #tpu.memory_space<semaphore_mem>>)
    %dma_wait3A_226 = arith.constant 0 : i32
    %dma_wait3A_227 = tpu.memref_slice %arg10[%arg1, %dma_wait3A_226] : memref<16x16000xf32, #tpu.memory_space<vmem_shared>> -> memref<1x16000xf32, #tpu.memory_space<vmem_shared>>
    %dma_wait3A_228 = tpu.memref_squeeze %dma_wait3A_227 : memref<1x16000xf32, #tpu.memory_space<vmem_shared>> -> memref<16000xf32, #tpu.memory_space<vmem_shared>>
    %dma_wait3A_229 = arith.constant 0 : i32
    %dma_wait3A_230 = tpu.memref_slice %arg2[%dma_wait3A_229] : memref<102400000xf32, #tpu.memory_space<hbm>> -> memref<16000xf32, #tpu.memory_space<hbm>>
    tpu.wait_dma2 semaphore(%arg21 : memref<!tpu.dma_semaphore, #tpu.memory_space<semaphore_mem>>) src(%dma_wait3A_230 : memref<16000xf32, #tpu.memory_space<hbm>>) dst(%dma_wait3A_228 : memref<16000xf32, #tpu.memory_space<vmem_shared>>)
    %add3A_231 = arith.constant 3184000 : i32
    %add3A_232 = arith.addi %mul3A_2, %add3A_231 : i32
    %dma_start3A_233 = tpu.memref_slice %arg5[%add3A_232] : memref<102400000xf32, #tpu.memory_space<hbm>> -> memref<16000xf32, #tpu.memory_space<hbm>>
    %dma_start3A_234 = arith.constant 0 : i32
    %dma_start3A_235 = tpu.memref_slice %arg10[%arg1, %dma_start3A_234] : memref<16x16000xf32, #tpu.memory_space<vmem_shared>> -> memref<1x16000xf32, #tpu.memory_space<vmem_shared>>
    %dma_start3A_236 = tpu.memref_squeeze %dma_start3A_235 : memref<1x16000xf32, #tpu.memory_space<vmem_shared>> -> memref<16000xf32, #tpu.memory_space<vmem_shared>>
    tpu.enqueue_dma source(%dma_start3A_236 : memref<16000xf32, #tpu.memory_space<vmem_shared>>) target(%dma_start3A_233 : memref<16000xf32, #tpu.memory_space<hbm>>) target_semaphore(%arg26 : memref<!tpu.dma_semaphore, #tpu.memory_space<semaphore_mem>>)
    %dma_wait3A_237 = arith.constant 0 : i32
    %dma_wait3A_238 = tpu.memref_slice %arg3[%dma_wait3A_237] : memref<204800xi32, #tpu.memory_space<hbm>> -> memref<5120xi32, #tpu.memory_space<hbm>>
    %dma_wait3A_239 = arith.constant 0 : i32
    %dma_wait3A_240 = tpu.memref_slice %arg3[%dma_wait3A_239] : memref<204800xi32, #tpu.memory_space<hbm>> -> memref<5120xi32, #tpu.memory_space<hbm>>
    tpu.wait_dma2 semaphore(%arg28 : memref<!tpu.dma_semaphore, #tpu.memory_space<semaphore_mem>>) src(%dma_wait3A_240 : memref<5120xi32, #tpu.memory_space<hbm>>) dst(%arg12 : memref<5120xi32, #tpu.memory_space<vmem>>)
    %dma_wait3A_241 = arith.constant 0 : i32
    %dma_wait3A_242 = tpu.memref_slice %arg4[%dma_wait3A_241] : memref<204800xf32, #tpu.memory_space<hbm>> -> memref<5120xf32, #tpu.memory_space<hbm>>
    %dma_wait3A_243 = arith.constant 0 : i32
    %dma_wait3A_244 = tpu.memref_slice %arg4[%dma_wait3A_243] : memref<204800xf32, #tpu.memory_space<hbm>> -> memref<5120xf32, #tpu.memory_space<hbm>>
    tpu.wait_dma2 semaphore(%arg30 : memref<!tpu.dma_semaphore, #tpu.memory_space<semaphore_mem>>) src(%dma_wait3A_244 : memref<5120xf32, #tpu.memory_space<hbm>>) dst(%arg14 : memref<5120xf32, #tpu.memory_space<vmem>>)
    %scan3A_245 = arith.constant 0 : i32
    %scan3A_246 = arith.constant 80 : i32
    %scan3A_247 = arith.addi %scan3A_245, %scan3A_246 : i32
    %scan3A_248 = arith.constant 1 : i32
    %scan3A_249:4 = scf.for %scan3A_593 = %scan3A_245 to %scan3A_247 step %scan3A_248 iter_args(%scan3A_594 = %scan3A_117#0, %scan3A_595 = %scan3A_117#1, %scan3A_596 = %scan3A_117#2, %scan3A_597 = %scan3A_117#3) -> (i32, vector<16xi32>, vector<16xf32>, vector<16xi32>)  : i32 {
      %mul3A_598 = arith.constant 64 : i32
      %mul3A_599 = arith.muli %scan3A_593, %mul3A_598 : i32
      %add3A_600 = arith.constant 0 : i32
      %add3A_601 = arith.addi %mul3A_599, %add3A_600 : i32
      %get3A = arith.index_cast %add3A_601 : i32 to index
      %get3A_602 = tpu.vector_load %arg12[%get3A] {strides = array<i32>} : memref<5120xi32, #tpu.memory_space<vmem>>, vector<16xi32>,
      %get3A_603 = arith.index_cast %add3A_601 : i32 to index
      %get3A_604 = tpu.vector_load %arg14[%get3A_603] {strides = array<i32>} : memref<5120xf32, #tpu.memory_space<vmem>>, vector<16xf32>,
      %add3A_605 = arith.constant 199680 : i32
      %add3A_606 = arith.addi %add3A_605, %add3A_601 : i32
      %add3A_607 = vector.broadcast %add3A_606 : i32 to vector<16xi32>
      %add3A_608 = arith.addi %add3A_607, %iota3A : vector<16xi32>
      %jit3A_609 = arith.constant 200 : i32
      %div3A_610 = vector.broadcast %jit3A_609 : i32 to vector<16xi32>
      %div3A_611 = arith.divsi %add3A_608, %div3A_610 : vector<16xi32>
      %sign3A_612 = arith.constant 0 : i32
      %sign3A_613 = vector.broadcast %sign3A_612 : i32 to vector<16xi32>
      %sign3A_614 = arith.cmpi sgt, %add3A_608, %sign3A_613 : vector<16xi32>
      %sign3A_615 = arith.extui %sign3A_614 : vector<16xi1> to vector<16xi32>
      %sign3A_616 = arith.constant 0 : i32
      %sign3A_617 = vector.broadcast %sign3A_616 : i32 to vector<16xi32>
      %sign3A_618 = arith.cmpi slt, %add3A_608, %sign3A_617 : vector<16xi32>
      %sign3A_619 = arith.extui %sign3A_618 : vector<16xi1> to vector<16xi32>
      %sign3A_620 = arith.subi %sign3A_615, %sign3A_619 : vector<16xi32>
      %sign3A_621 = arith.constant 0 : i32
      %sign3A_622 = arith.cmpi sgt, %jit3A_609, %sign3A_621 : i32
      %sign3A_623 = arith.extui %sign3A_622 : i1 to i32
      %sign3A_624 = arith.constant 0 : i32
      %sign3A_625 = arith.cmpi slt, %jit3A_609, %sign3A_624 : i32
      %sign3A_626 = arith.extui %sign3A_625 : i1 to i32
      %sign3A_627 = arith.subi %sign3A_623, %sign3A_626 : i32
      %ne3A_628 = vector.broadcast %sign3A_627 : i32 to vector<16xi32>
      %ne3A_629 = arith.cmpi ne, %sign3A_620, %ne3A_628 : vector<16xi32>
      %rem3A_630 = vector.broadcast %jit3A_609 : i32 to vector<16xi32>
      %rem3A_631 = arith.remsi %add3A_608, %rem3A_630 : vector<16xi32>
      %ne3A_632 = arith.constant 0 : i32
      %ne3A_633 = vector.broadcast %ne3A_632 : i32 to vector<16xi32>
      %ne3A_634 = arith.cmpi ne, %rem3A_631, %ne3A_633 : vector<16xi32>
      %and3A_635 = arith.andi %ne3A_629, %ne3A_634 : vector<16xi1>
      %sub3A_636 = arith.constant 1 : i32
      %sub3A_637 = vector.broadcast %sub3A_636 : i32 to vector<16xi32>
      %sub3A_638 = arith.subi %div3A_611, %sub3A_637 : vector<16xi32>
      %select_n3A_639 = arith.select %and3A_635, %sub3A_638, %div3A_611 : vector<16xi1>, vector<16xi32>
      %shift_right_arithmetic3A_640 = arith.constant 3 : i32
      %shift_right_arithmetic3A_641 = vector.broadcast %shift_right_arithmetic3A_640 : i32 to vector<16xi32>
      %shift_right_arithmetic3A_642 = arith.shrsi %get3A_602, %shift_right_arithmetic3A_641 : vector<16xi32>
      %mul3A_643 = arith.constant 8192 : i32
      %mul3A_644 = vector.broadcast %mul3A_643 : i32 to vector<16xi32>
      %mul3A_645 = arith.muli %shift_right_arithmetic3A_642, %mul3A_644 : vector<16xi32>
      %shift_right_arithmetic3A_646 = arith.constant 7 : i32
      %shift_right_arithmetic3A_647 = vector.broadcast %shift_right_arithmetic3A_646 : i32 to vector<16xi32>
      %shift_right_arithmetic3A_648 = arith.shrsi %select_n3A_639, %shift_right_arithmetic3A_647 : vector<16xi32>
      %shift_left3A = arith.constant 10 : i32
      %shift_left3A_649 = vector.broadcast %shift_left3A : i32 to vector<16xi32>
      %shift_left3A_650 = arith.shli %shift_right_arithmetic3A_648, %shift_left3A_649 : vector<16xi32>
      %add3A_651 = arith.addi %mul3A_645, %shift_left3A_650 : vector<16xi32>
      %and3A_652 = arith.constant 7 : i32
      %and3A_653 = vector.broadcast %and3A_652 : i32 to vector<16xi32>
      %and3A_654 = arith.andi %get3A_602, %and3A_653 : vector<16xi32>
      %shift_left3A_655 = arith.constant 7 : i32
      %shift_left3A_656 = vector.broadcast %shift_left3A_655 : i32 to vector<16xi32>
      %shift_left3A_657 = arith.shli %and3A_654, %shift_left3A_656 : vector<16xi32>
      %add3A_658 = arith.addi %add3A_651, %shift_left3A_657 : vector<16xi32>
      %and3A_659 = arith.constant 127 : i32
      %and3A_660 = vector.broadcast %and3A_659 : i32 to vector<16xi32>
      %and3A_661 = arith.andi %select_n3A_639, %and3A_660 : vector<16xi32>
      %add3A_662 = arith.addi %add3A_658, %and3A_661 : vector<16xi32>
      %ge3A = vector.broadcast %mul3A_2 : i32 to vector<16xi32>
      %ge3A_663 = arith.cmpi sge, %add3A_662, %ge3A : vector<16xi32>
      %add3A_664 = arith.constant 3200000 : i32
      %add3A_665 = arith.addi %mul3A_2, %add3A_664 : i32
      %lt3A_666 = vector.broadcast %add3A_665 : i32 to vector<16xi32>
      %lt3A_667 = arith.cmpi slt, %add3A_662, %lt3A_666 : vector<16xi32>
      %and3A_668 = arith.andi %ge3A_663, %lt3A_667 : vector<16xi1>
      %convert_element_type3A = arith.extui %and3A_668 : vector<16xi1> to vector<16xi32>
      %broadcast_in_dim3A_669 = arith.constant true
      %broadcast_in_dim3A_670 = vector.broadcast %broadcast_in_dim3A_669 : i1 to vector<16xi1>
      %masked_cumsum3A_671 = tpu.scan <sum>, %convert_element_type3A masked %broadcast_in_dim3A_670 : vector<16xi32>, vector<16xi1> -> vector<16xi32>
      %reduce_sum3A_672 = arith.constant true
      %reduce_sum3A_673 = vector.broadcast %reduce_sum3A_672 : i1 to vector<16xi1>
      %reduce_sum3A_674 = tpu.scan <sum>, %convert_element_type3A masked %reduce_sum3A_673 : vector<16xi32>, vector<16xi1> -> vector<16xi32>
      %reduce_sum3A_675 = vector.extract %reduce_sum3A_674[15] : i32 from vector<16xi32>
      %add3A_676 = vector.broadcast %scan3A_594 : i32 to vector<16xi32>
      %add3A_677 = arith.addi %add3A_676, %masked_cumsum3A_671 : vector<16xi32>
      %sub3A_678 = arith.constant 1 : i32
      %sub3A_679 = vector.broadcast %sub3A_678 : i32 to vector<16xi32>
      %sub3A_680 = arith.subi %add3A_677, %sub3A_679 : vector<16xi32>
      %lt3A_681 = arith.constant 12800 : i32
      %lt3A_682 = vector.broadcast %lt3A_681 : i32 to vector<16xi32>
      %lt3A_683 = arith.cmpi slt, %sub3A_680, %lt3A_682 : vector<16xi32>
      %and3A_684 = arith.andi %and3A_668, %lt3A_683 : vector<16xi1>
      %jit3A_685 = arith.constant 0 : i32
      %broadcast_in_dim3A_686 = vector.broadcast %jit3A_685 : i32 to vector<16xi32>
      %select_n3A_687 = arith.select %and3A_684, %sub3A_680, %broadcast_in_dim3A_686 : vector<16xi1>, vector<16xi32>
      %shift_right_arithmetic3A_688 = arith.constant 7 : i32
      %shift_right_arithmetic3A_689 = vector.broadcast %shift_right_arithmetic3A_688 : i32 to vector<16xi32>
      %shift_right_arithmetic3A_690 = arith.shrsi %select_n3A_687, %shift_right_arithmetic3A_689 : vector<16xi32>
      %and3A_691 = arith.constant 127 : i32
      %and3A_692 = vector.broadcast %and3A_691 : i32 to vector<16xi32>
      %and3A_693 = arith.andi %select_n3A_687, %and3A_692 : vector<16xi32>
      tpu.vector_store_idx %arg15[%shift_right_arithmetic3A_690, %and3A_693], %add3A_662 masked %and3A_684 : memref<100x128xi32, #tpu.memory_space<vmem>>[vector<16xi32>, vector<16xi32>], vector<16xi32>, vector<16xi1>
      %shift_right_arithmetic3A_694 = arith.constant 7 : i32
      %shift_right_arithmetic3A_695 = vector.broadcast %shift_right_arithmetic3A_694 : i32 to vector<16xi32>
      %shift_right_arithmetic3A_696 = arith.shrsi %select_n3A_687, %shift_right_arithmetic3A_695 : vector<16xi32>
      %and3A_697 = arith.constant 127 : i32
      %and3A_698 = vector.broadcast %and3A_697 : i32 to vector<16xi32>
      %and3A_699 = arith.andi %select_n3A_687, %and3A_698 : vector<16xi32>
      tpu.vector_store_idx %arg16[%shift_right_arithmetic3A_696, %and3A_699], %get3A_604 masked %and3A_684 : memref<100x128xf32, #tpu.memory_space<vmem>>[vector<16xi32>, vector<16xi32>], vector<16xf32>, vector<16xi1>
      %gt3A_700 = arith.constant 0 : i32
      %gt3A_701 = arith.cmpi sgt, %reduce_sum3A_675, %gt3A_700 : i32
      %add3A_702 = arith.addi %scan3A_594, %reduce_sum3A_675 : i32
      %select_n3A_703 = arith.select %gt3A_701, %add3A_662, %scan3A_595 : vector<16xi32>
      %select_n3A_704 = arith.select %gt3A_701, %get3A_604, %scan3A_596 : vector<16xf32>
      %select_n3A_705 = arith.select %gt3A_701, %convert_element_type3A, %scan3A_597 : vector<16xi32>
      %mul3A_706 = arith.constant 64 : i32
      %mul3A_707 = arith.muli %scan3A_593, %mul3A_706 : i32
      %add3A_708 = arith.constant 16 : i32
      %add3A_709 = arith.addi %mul3A_707, %add3A_708 : i32
      %get3A_710 = arith.index_cast %add3A_709 : i32 to index
      %get3A_711 = tpu.vector_load %arg12[%get3A_710] {strides = array<i32>} : memref<5120xi32, #tpu.memory_space<vmem>>, vector<16xi32>,
      %get3A_712 = arith.index_cast %add3A_709 : i32 to index
      %get3A_713 = tpu.vector_load %arg14[%get3A_712] {strides = array<i32>} : memref<5120xf32, #tpu.memory_space<vmem>>, vector<16xf32>,
      %add3A_714 = arith.constant 199680 : i32
      %add3A_715 = arith.addi %add3A_714, %add3A_709 : i32
      %add3A_716 = vector.broadcast %add3A_715 : i32 to vector<16xi32>
      %add3A_717 = arith.addi %add3A_716, %iota3A : vector<16xi32>
      %jit3A_718 = arith.constant 200 : i32
      %div3A_719 = vector.broadcast %jit3A_718 : i32 to vector<16xi32>
      %div3A_720 = arith.divsi %add3A_717, %div3A_719 : vector<16xi32>
      %sign3A_721 = arith.constant 0 : i32
      %sign3A_722 = vector.broadcast %sign3A_721 : i32 to vector<16xi32>
      %sign3A_723 = arith.cmpi sgt, %add3A_717, %sign3A_722 : vector<16xi32>
      %sign3A_724 = arith.extui %sign3A_723 : vector<16xi1> to vector<16xi32>
      %sign3A_725 = arith.constant 0 : i32
      %sign3A_726 = vector.broadcast %sign3A_725 : i32 to vector<16xi32>
      %sign3A_727 = arith.cmpi slt, %add3A_717, %sign3A_726 : vector<16xi32>
      %sign3A_728 = arith.extui %sign3A_727 : vector<16xi1> to vector<16xi32>
      %sign3A_729 = arith.subi %sign3A_724, %sign3A_728 : vector<16xi32>
      %sign3A_730 = arith.constant 0 : i32
      %sign3A_731 = arith.cmpi sgt, %jit3A_718, %sign3A_730 : i32
      %sign3A_732 = arith.extui %sign3A_731 : i1 to i32
      %sign3A_733 = arith.constant 0 : i32
      %sign3A_734 = arith.cmpi slt, %jit3A_718, %sign3A_733 : i32
      %sign3A_735 = arith.extui %sign3A_734 : i1 to i32
      %sign3A_736 = arith.subi %sign3A_732, %sign3A_735 : i32
      %ne3A_737 = vector.broadcast %sign3A_736 : i32 to vector<16xi32>
      %ne3A_738 = arith.cmpi ne, %sign3A_729, %ne3A_737 : vector<16xi32>
      %rem3A_739 = vector.broadcast %jit3A_718 : i32 to vector<16xi32>
      %rem3A_740 = arith.remsi %add3A_717, %rem3A_739 : vector<16xi32>
      %ne3A_741 = arith.constant 0 : i32
      %ne3A_742 = vector.broadcast %ne3A_741 : i32 to vector<16xi32>
      %ne3A_743 = arith.cmpi ne, %rem3A_740, %ne3A_742 : vector<16xi32>
      %and3A_744 = arith.andi %ne3A_738, %ne3A_743 : vector<16xi1>
      %sub3A_745 = arith.constant 1 : i32
      %sub3A_746 = vector.broadcast %sub3A_745 : i32 to vector<16xi32>
      %sub3A_747 = arith.subi %div3A_720, %sub3A_746 : vector<16xi32>
      %select_n3A_748 = arith.select %and3A_744, %sub3A_747, %div3A_720 : vector<16xi1>, vector<16xi32>
      %shift_right_arithmetic3A_749 = arith.constant 3 : i32
      %shift_right_arithmetic3A_750 = vector.broadcast %shift_right_arithmetic3A_749 : i32 to vector<16xi32>
      %shift_right_arithmetic3A_751 = arith.shrsi %get3A_711, %shift_right_arithmetic3A_750 : vector<16xi32>
      %mul3A_752 = arith.constant 8192 : i32
      %mul3A_753 = vector.broadcast %mul3A_752 : i32 to vector<16xi32>
      %mul3A_754 = arith.muli %shift_right_arithmetic3A_751, %mul3A_753 : vector<16xi32>
      %shift_right_arithmetic3A_755 = arith.constant 7 : i32
      %shift_right_arithmetic3A_756 = vector.broadcast %shift_right_arithmetic3A_755 : i32 to vector<16xi32>
      %shift_right_arithmetic3A_757 = arith.shrsi %select_n3A_748, %shift_right_arithmetic3A_756 : vector<16xi32>
      %shift_left3A_758 = arith.constant 10 : i32
      %shift_left3A_759 = vector.broadcast %shift_left3A_758 : i32 to vector<16xi32>
      %shift_left3A_760 = arith.shli %shift_right_arithmetic3A_757, %shift_left3A_759 : vector<16xi32>
      %add3A_761 = arith.addi %mul3A_754, %shift_left3A_760 : vector<16xi32>
      %and3A_762 = arith.constant 7 : i32
      %and3A_763 = vector.broadcast %and3A_762 : i32 to vector<16xi32>
      %and3A_764 = arith.andi %get3A_711, %and3A_763 : vector<16xi32>
      %shift_left3A_765 = arith.constant 7 : i32
      %shift_left3A_766 = vector.broadcast %shift_left3A_765 : i32 to vector<16xi32>
      %shift_left3A_767 = arith.shli %and3A_764, %shift_left3A_766 : vector<16xi32>
      %add3A_768 = arith.addi %add3A_761, %shift_left3A_767 : vector<16xi32>
      %and3A_769 = arith.constant 127 : i32
      %and3A_770 = vector.broadcast %and3A_769 : i32 to vector<16xi32>
      %and3A_771 = arith.andi %select_n3A_748, %and3A_770 : vector<16xi32>
      %add3A_772 = arith.addi %add3A_768, %and3A_771 : vector<16xi32>
      %ge3A_773 = vector.broadcast %mul3A_2 : i32 to vector<16xi32>
      %ge3A_774 = arith.cmpi sge, %add3A_772, %ge3A_773 : vector<16xi32>
      %add3A_775 = arith.constant 3200000 : i32
      %add3A_776 = arith.addi %mul3A_2, %add3A_775 : i32
      %lt3A_777 = vector.broadcast %add3A_776 : i32 to vector<16xi32>
      %lt3A_778 = arith.cmpi slt, %add3A_772, %lt3A_777 : vector<16xi32>
      %and3A_779 = arith.andi %ge3A_774, %lt3A_778 : vector<16xi1>
      %convert_element_type3A_780 = arith.extui %and3A_779 : vector<16xi1> to vector<16xi32>
      %broadcast_in_dim3A_781 = arith.constant true
      %broadcast_in_dim3A_782 = vector.broadcast %broadcast_in_dim3A_781 : i1 to vector<16xi1>
      %masked_cumsum3A_783 = tpu.scan <sum>, %convert_element_type3A_780 masked %broadcast_in_dim3A_782 : vector<16xi32>, vector<16xi1> -> vector<16xi32>
      %reduce_sum3A_784 = arith.constant true
      %reduce_sum3A_785 = vector.broadcast %reduce_sum3A_784 : i1 to vector<16xi1>
      %reduce_sum3A_786 = tpu.scan <sum>, %convert_element_type3A_780 masked %reduce_sum3A_785 : vector<16xi32>, vector<16xi1> -> vector<16xi32>
      %reduce_sum3A_787 = vector.extract %reduce_sum3A_786[15] : i32 from vector<16xi32>
      %add3A_788 = vector.broadcast %add3A_702 : i32 to vector<16xi32>
      %add3A_789 = arith.addi %add3A_788, %masked_cumsum3A_783 : vector<16xi32>
      %sub3A_790 = arith.constant 1 : i32
      %sub3A_791 = vector.broadcast %sub3A_790 : i32 to vector<16xi32>
      %sub3A_792 = arith.subi %add3A_789, %sub3A_791 : vector<16xi32>
      %lt3A_793 = arith.constant 12800 : i32
      %lt3A_794 = vector.broadcast %lt3A_793 : i32 to vector<16xi32>
      %lt3A_795 = arith.cmpi slt, %sub3A_792, %lt3A_794 : vector<16xi32>
      %and3A_796 = arith.andi %and3A_779, %lt3A_795 : vector<16xi1>
      %jit3A_797 = arith.constant 0 : i32
      %broadcast_in_dim3A_798 = vector.broadcast %jit3A_797 : i32 to vector<16xi32>
      %select_n3A_799 = arith.select %and3A_796, %sub3A_792, %broadcast_in_dim3A_798 : vector<16xi1>, vector<16xi32>
      %shift_right_arithmetic3A_800 = arith.constant 7 : i32
      %shift_right_arithmetic3A_801 = vector.broadcast %shift_right_arithmetic3A_800 : i32 to vector<16xi32>
      %shift_right_arithmetic3A_802 = arith.shrsi %select_n3A_799, %shift_right_arithmetic3A_801 : vector<16xi32>
      %and3A_803 = arith.constant 127 : i32
      %and3A_804 = vector.broadcast %and3A_803 : i32 to vector<16xi32>
      %and3A_805 = arith.andi %select_n3A_799, %and3A_804 : vector<16xi32>
      tpu.vector_store_idx %arg15[%shift_right_arithmetic3A_802, %and3A_805], %add3A_772 masked %and3A_796 : memref<100x128xi32, #tpu.memory_space<vmem>>[vector<16xi32>, vector<16xi32>], vector<16xi32>, vector<16xi1>
      %shift_right_arithmetic3A_806 = arith.constant 7 : i32
      %shift_right_arithmetic3A_807 = vector.broadcast %shift_right_arithmetic3A_806 : i32 to vector<16xi32>
      %shift_right_arithmetic3A_808 = arith.shrsi %select_n3A_799, %shift_right_arithmetic3A_807 : vector<16xi32>
      %and3A_809 = arith.constant 127 : i32
      %and3A_810 = vector.broadcast %and3A_809 : i32 to vector<16xi32>
      %and3A_811 = arith.andi %select_n3A_799, %and3A_810 : vector<16xi32>
      tpu.vector_store_idx %arg16[%shift_right_arithmetic3A_808, %and3A_811], %get3A_713 masked %and3A_796 : memref<100x128xf32, #tpu.memory_space<vmem>>[vector<16xi32>, vector<16xi32>], vector<16xf32>, vector<16xi1>
      %gt3A_812 = arith.constant 0 : i32
      %gt3A_813 = arith.cmpi sgt, %reduce_sum3A_787, %gt3A_812 : i32
      %add3A_814 = arith.addi %add3A_702, %reduce_sum3A_787 : i32
      %select_n3A_815 = arith.select %gt3A_813, %add3A_772, %select_n3A_703 : vector<16xi32>
      %select_n3A_816 = arith.select %gt3A_813, %get3A_713, %select_n3A_704 : vector<16xf32>
      %select_n3A_817 = arith.select %gt3A_813, %convert_element_type3A_780, %select_n3A_705 : vector<16xi32>
      %mul3A_818 = arith.constant 64 : i32
      %mul3A_819 = arith.muli %scan3A_593, %mul3A_818 : i32
      %add3A_820 = arith.constant 32 : i32
      %add3A_821 = arith.addi %mul3A_819, %add3A_820 : i32
      %get3A_822 = arith.index_cast %add3A_821 : i32 to index
      %get3A_823 = tpu.vector_load %arg12[%get3A_822] {strides = array<i32>} : memref<5120xi32, #tpu.memory_space<vmem>>, vector<16xi32>,
      %get3A_824 = arith.index_cast %add3A_821 : i32 to index
      %get3A_825 = tpu.vector_load %arg14[%get3A_824] {strides = array<i32>} : memref<5120xf32, #tpu.memory_space<vmem>>, vector<16xf32>,
      %add3A_826 = arith.constant 199680 : i32
      %add3A_827 = arith.addi %add3A_826, %add3A_821 : i32
      %add3A_828 = vector.broadcast %add3A_827 : i32 to vector<16xi32>
      %add3A_829 = arith.addi %add3A_828, %iota3A : vector<16xi32>
      %jit3A_830 = arith.constant 200 : i32
      %div3A_831 = vector.broadcast %jit3A_830 : i32 to vector<16xi32>
      %div3A_832 = arith.divsi %add3A_829, %div3A_831 : vector<16xi32>
      %sign3A_833 = arith.constant 0 : i32
      %sign3A_834 = vector.broadcast %sign3A_833 : i32 to vector<16xi32>
      %sign3A_835 = arith.cmpi sgt, %add3A_829, %sign3A_834 : vector<16xi32>
      %sign3A_836 = arith.extui %sign3A_835 : vector<16xi1> to vector<16xi32>
      %sign3A_837 = arith.constant 0 : i32
      %sign3A_838 = vector.broadcast %sign3A_837 : i32 to vector<16xi32>
      %sign3A_839 = arith.cmpi slt, %add3A_829, %sign3A_838 : vector<16xi32>
      %sign3A_840 = arith.extui %sign3A_839 : vector<16xi1> to vector<16xi32>
      %sign3A_841 = arith.subi %sign3A_836, %sign3A_840 : vector<16xi32>
      %sign3A_842 = arith.constant 0 : i32
      %sign3A_843 = arith.cmpi sgt, %jit3A_830, %sign3A_842 : i32
      %sign3A_844 = arith.extui %sign3A_843 : i1 to i32
      %sign3A_845 = arith.constant 0 : i32
      %sign3A_846 = arith.cmpi slt, %jit3A_830, %sign3A_845 : i32
      %sign3A_847 = arith.extui %sign3A_846 : i1 to i32
      %sign3A_848 = arith.subi %sign3A_844, %sign3A_847 : i32
      %ne3A_849 = vector.broadcast %sign3A_848 : i32 to vector<16xi32>
      %ne3A_850 = arith.cmpi ne, %sign3A_841, %ne3A_849 : vector<16xi32>
      %rem3A_851 = vector.broadcast %jit3A_830 : i32 to vector<16xi32>
      %rem3A_852 = arith.remsi %add3A_829, %rem3A_851 : vector<16xi32>
      %ne3A_853 = arith.constant 0 : i32
      %ne3A_854 = vector.broadcast %ne3A_853 : i32 to vector<16xi32>
      %ne3A_855 = arith.cmpi ne, %rem3A_852, %ne3A_854 : vector<16xi32>
      %and3A_856 = arith.andi %ne3A_850, %ne3A_855 : vector<16xi1>
      %sub3A_857 = arith.constant 1 : i32
      %sub3A_858 = vector.broadcast %sub3A_857 : i32 to vector<16xi32>
      %sub3A_859 = arith.subi %div3A_832, %sub3A_858 : vector<16xi32>
      %select_n3A_860 = arith.select %and3A_856, %sub3A_859, %div3A_832 : vector<16xi1>, vector<16xi32>
      %shift_right_arithmetic3A_861 = arith.constant 3 : i32
      %shift_right_arithmetic3A_862 = vector.broadcast %shift_right_arithmetic3A_861 : i32 to vector<16xi32>
      %shift_right_arithmetic3A_863 = arith.shrsi %get3A_823, %shift_right_arithmetic3A_862 : vector<16xi32>
      %mul3A_864 = arith.constant 8192 : i32
      %mul3A_865 = vector.broadcast %mul3A_864 : i32 to vector<16xi32>
      %mul3A_866 = arith.muli %shift_right_arithmetic3A_863, %mul3A_865 : vector<16xi32>
      %shift_right_arithmetic3A_867 = arith.constant 7 : i32
      %shift_right_arithmetic3A_868 = vector.broadcast %shift_right_arithmetic3A_867 : i32 to vector<16xi32>
      %shift_right_arithmetic3A_869 = arith.shrsi %select_n3A_860, %shift_right_arithmetic3A_868 : vector<16xi32>
      %shift_left3A_870 = arith.constant 10 : i32
      %shift_left3A_871 = vector.broadcast %shift_left3A_870 : i32 to vector<16xi32>
      %shift_left3A_872 = arith.shli %shift_right_arithmetic3A_869, %shift_left3A_871 : vector<16xi32>
      %add3A_873 = arith.addi %mul3A_866, %shift_left3A_872 : vector<16xi32>
      %and3A_874 = arith.constant 7 : i32
      %and3A_875 = vector.broadcast %and3A_874 : i32 to vector<16xi32>
      %and3A_876 = arith.andi %get3A_823, %and3A_875 : vector<16xi32>
      %shift_left3A_877 = arith.constant 7 : i32
      %shift_left3A_878 = vector.broadcast %shift_left3A_877 : i32 to vector<16xi32>
      %shift_left3A_879 = arith.shli %and3A_876, %shift_left3A_878 : vector<16xi32>
      %add3A_880 = arith.addi %add3A_873, %shift_left3A_879 : vector<16xi32>
      %and3A_881 = arith.constant 127 : i32
      %and3A_882 = vector.broadcast %and3A_881 : i32 to vector<16xi32>
      %and3A_883 = arith.andi %select_n3A_860, %and3A_882 : vector<16xi32>
      %add3A_884 = arith.addi %add3A_880, %and3A_883 : vector<16xi32>
      %ge3A_885 = vector.broadcast %mul3A_2 : i32 to vector<16xi32>
      %ge3A_886 = arith.cmpi sge, %add3A_884, %ge3A_885 : vector<16xi32>
      %add3A_887 = arith.constant 3200000 : i32
      %add3A_888 = arith.addi %mul3A_2, %add3A_887 : i32
      %lt3A_889 = vector.broadcast %add3A_888 : i32 to vector<16xi32>
      %lt3A_890 = arith.cmpi slt, %add3A_884, %lt3A_889 : vector<16xi32>
      %and3A_891 = arith.andi %ge3A_886, %lt3A_890 : vector<16xi1>
      %convert_element_type3A_892 = arith.extui %and3A_891 : vector<16xi1> to vector<16xi32>
      %broadcast_in_dim3A_893 = arith.constant true
      %broadcast_in_dim3A_894 = vector.broadcast %broadcast_in_dim3A_893 : i1 to vector<16xi1>
      %masked_cumsum3A_895 = tpu.scan <sum>, %convert_element_type3A_892 masked %broadcast_in_dim3A_894 : vector<16xi32>, vector<16xi1> -> vector<16xi32>
      %reduce_sum3A_896 = arith.constant true
      %reduce_sum3A_897 = vector.broadcast %reduce_sum3A_896 : i1 to vector<16xi1>
      %reduce_sum3A_898 = tpu.scan <sum>, %convert_element_type3A_892 masked %reduce_sum3A_897 : vector<16xi32>, vector<16xi1> -> vector<16xi32>
      %reduce_sum3A_899 = vector.extract %reduce_sum3A_898[15] : i32 from vector<16xi32>
      %add3A_900 = vector.broadcast %add3A_814 : i32 to vector<16xi32>
      %add3A_901 = arith.addi %add3A_900, %masked_cumsum3A_895 : vector<16xi32>
      %sub3A_902 = arith.constant 1 : i32
      %sub3A_903 = vector.broadcast %sub3A_902 : i32 to vector<16xi32>
      %sub3A_904 = arith.subi %add3A_901, %sub3A_903 : vector<16xi32>
      %lt3A_905 = arith.constant 12800 : i32
      %lt3A_906 = vector.broadcast %lt3A_905 : i32 to vector<16xi32>
      %lt3A_907 = arith.cmpi slt, %sub3A_904, %lt3A_906 : vector<16xi32>
      %and3A_908 = arith.andi %and3A_891, %lt3A_907 : vector<16xi1>
      %jit3A_909 = arith.constant 0 : i32
      %broadcast_in_dim3A_910 = vector.broadcast %jit3A_909 : i32 to vector<16xi32>
      %select_n3A_911 = arith.select %and3A_908, %sub3A_904, %broadcast_in_dim3A_910 : vector<16xi1>, vector<16xi32>
      %shift_right_arithmetic3A_912 = arith.constant 7 : i32
      %shift_right_arithmetic3A_913 = vector.broadcast %shift_right_arithmetic3A_912 : i32 to vector<16xi32>
      %shift_right_arithmetic3A_914 = arith.shrsi %select_n3A_911, %shift_right_arithmetic3A_913 : vector<16xi32>
      %and3A_915 = arith.constant 127 : i32
      %and3A_916 = vector.broadcast %and3A_915 : i32 to vector<16xi32>
      %and3A_917 = arith.andi %select_n3A_911, %and3A_916 : vector<16xi32>
      tpu.vector_store_idx %arg15[%shift_right_arithmetic3A_914, %and3A_917], %add3A_884 masked %and3A_908 : memref<100x128xi32, #tpu.memory_space<vmem>>[vector<16xi32>, vector<16xi32>], vector<16xi32>, vector<16xi1>
      %shift_right_arithmetic3A_918 = arith.constant 7 : i32
      %shift_right_arithmetic3A_919 = vector.broadcast %shift_right_arithmetic3A_918 : i32 to vector<16xi32>
      %shift_right_arithmetic3A_920 = arith.shrsi %select_n3A_911, %shift_right_arithmetic3A_919 : vector<16xi32>
      %and3A_921 = arith.constant 127 : i32
      %and3A_922 = vector.broadcast %and3A_921 : i32 to vector<16xi32>
      %and3A_923 = arith.andi %select_n3A_911, %and3A_922 : vector<16xi32>
      tpu.vector_store_idx %arg16[%shift_right_arithmetic3A_920, %and3A_923], %get3A_825 masked %and3A_908 : memref<100x128xf32, #tpu.memory_space<vmem>>[vector<16xi32>, vector<16xi32>], vector<16xf32>, vector<16xi1>
      %gt3A_924 = arith.constant 0 : i32
      %gt3A_925 = arith.cmpi sgt, %reduce_sum3A_899, %gt3A_924 : i32
      %add3A_926 = arith.addi %add3A_814, %reduce_sum3A_899 : i32
      %select_n3A_927 = arith.select %gt3A_925, %add3A_884, %select_n3A_815 : vector<16xi32>
      %select_n3A_928 = arith.select %gt3A_925, %get3A_825, %select_n3A_816 : vector<16xf32>
      %select_n3A_929 = arith.select %gt3A_925, %convert_element_type3A_892, %select_n3A_817 : vector<16xi32>
      %mul3A_930 = arith.constant 64 : i32
      %mul3A_931 = arith.muli %scan3A_593, %mul3A_930 : i32
      %add3A_932 = arith.constant 48 : i32
      %add3A_933 = arith.addi %mul3A_931, %add3A_932 : i32
      %get3A_934 = arith.index_cast %add3A_933 : i32 to index
      %get3A_935 = tpu.vector_load %arg12[%get3A_934] {strides = array<i32>} : memref<5120xi32, #tpu.memory_space<vmem>>, vector<16xi32>,
      %get3A_936 = arith.index_cast %add3A_933 : i32 to index
      %get3A_937 = tpu.vector_load %arg14[%get3A_936] {strides = array<i32>} : memref<5120xf32, #tpu.memory_space<vmem>>, vector<16xf32>,
      %add3A_938 = arith.constant 199680 : i32
      %add3A_939 = arith.addi %add3A_938, %add3A_933 : i32
      %add3A_940 = vector.broadcast %add3A_939 : i32 to vector<16xi32>
      %add3A_941 = arith.addi %add3A_940, %iota3A : vector<16xi32>
      %jit3A_942 = arith.constant 200 : i32
      %div3A_943 = vector.broadcast %jit3A_942 : i32 to vector<16xi32>
      %div3A_944 = arith.divsi %add3A_941, %div3A_943 : vector<16xi32>
      %sign3A_945 = arith.constant 0 : i32
      %sign3A_946 = vector.broadcast %sign3A_945 : i32 to vector<16xi32>
      %sign3A_947 = arith.cmpi sgt, %add3A_941, %sign3A_946 : vector<16xi32>
      %sign3A_948 = arith.extui %sign3A_947 : vector<16xi1> to vector<16xi32>
      %sign3A_949 = arith.constant 0 : i32
      %sign3A_950 = vector.broadcast %sign3A_949 : i32 to vector<16xi32>
      %sign3A_951 = arith.cmpi slt, %add3A_941, %sign3A_950 : vector<16xi32>
      %sign3A_952 = arith.extui %sign3A_951 : vector<16xi1> to vector<16xi32>
      %sign3A_953 = arith.subi %sign3A_948, %sign3A_952 : vector<16xi32>
      %sign3A_954 = arith.constant 0 : i32
      %sign3A_955 = arith.cmpi sgt, %jit3A_942, %sign3A_954 : i32
      %sign3A_956 = arith.extui %sign3A_955 : i1 to i32
      %sign3A_957 = arith.constant 0 : i32
      %sign3A_958 = arith.cmpi slt, %jit3A_942, %sign3A_957 : i32
      %sign3A_959 = arith.extui %sign3A_958 : i1 to i32
      %sign3A_960 = arith.subi %sign3A_956, %sign3A_959 : i32
      %ne3A_961 = vector.broadcast %sign3A_960 : i32 to vector<16xi32>
      %ne3A_962 = arith.cmpi ne, %sign3A_953, %ne3A_961 : vector<16xi32>
      %rem3A_963 = vector.broadcast %jit3A_942 : i32 to vector<16xi32>
      %rem3A_964 = arith.remsi %add3A_941, %rem3A_963 : vector<16xi32>
      %ne3A_965 = arith.constant 0 : i32
      %ne3A_966 = vector.broadcast %ne3A_965 : i32 to vector<16xi32>
      %ne3A_967 = arith.cmpi ne, %rem3A_964, %ne3A_966 : vector<16xi32>
      %and3A_968 = arith.andi %ne3A_962, %ne3A_967 : vector<16xi1>
      %sub3A_969 = arith.constant 1 : i32
      %sub3A_970 = vector.broadcast %sub3A_969 : i32 to vector<16xi32>
      %sub3A_971 = arith.subi %div3A_944, %sub3A_970 : vector<16xi32>
      %select_n3A_972 = arith.select %and3A_968, %sub3A_971, %div3A_944 : vector<16xi1>, vector<16xi32>
      %shift_right_arithmetic3A_973 = arith.constant 3 : i32
      %shift_right_arithmetic3A_974 = vector.broadcast %shift_right_arithmetic3A_973 : i32 to vector<16xi32>
      %shift_right_arithmetic3A_975 = arith.shrsi %get3A_935, %shift_right_arithmetic3A_974 : vector<16xi32>
      %mul3A_976 = arith.constant 8192 : i32
      %mul3A_977 = vector.broadcast %mul3A_976 : i32 to vector<16xi32>
      %mul3A_978 = arith.muli %shift_right_arithmetic3A_975, %mul3A_977 : vector<16xi32>
      %shift_right_arithmetic3A_979 = arith.constant 7 : i32
      %shift_right_arithmetic3A_980 = vector.broadcast %shift_right_arithmetic3A_979 : i32 to vector<16xi32>
      %shift_right_arithmetic3A_981 = arith.shrsi %select_n3A_972, %shift_right_arithmetic3A_980 : vector<16xi32>
      %shift_left3A_982 = arith.constant 10 : i32
      %shift_left3A_983 = vector.broadcast %shift_left3A_982 : i32 to vector<16xi32>
      %shift_left3A_984 = arith.shli %shift_right_arithmetic3A_981, %shift_left3A_983 : vector<16xi32>
      %add3A_985 = arith.addi %mul3A_978, %shift_left3A_984 : vector<16xi32>
      %and3A_986 = arith.constant 7 : i32
      %and3A_987 = vector.broadcast %and3A_986 : i32 to vector<16xi32>
      %and3A_988 = arith.andi %get3A_935, %and3A_987 : vector<16xi32>
      %shift_left3A_989 = arith.constant 7 : i32
      %shift_left3A_990 = vector.broadcast %shift_left3A_989 : i32 to vector<16xi32>
      %shift_left3A_991 = arith.shli %and3A_988, %shift_left3A_990 : vector<16xi32>
      %add3A_992 = arith.addi %add3A_985, %shift_left3A_991 : vector<16xi32>
      %and3A_993 = arith.constant 127 : i32
      %and3A_994 = vector.broadcast %and3A_993 : i32 to vector<16xi32>
      %and3A_995 = arith.andi %select_n3A_972, %and3A_994 : vector<16xi32>
      %add3A_996 = arith.addi %add3A_992, %and3A_995 : vector<16xi32>
      %ge3A_997 = vector.broadcast %mul3A_2 : i32 to vector<16xi32>
      %ge3A_998 = arith.cmpi sge, %add3A_996, %ge3A_997 : vector<16xi32>
      %add3A_999 = arith.constant 3200000 : i32
      %add3A_1000 = arith.addi %mul3A_2, %add3A_999 : i32
      %lt3A_1001 = vector.broadcast %add3A_1000 : i32 to vector<16xi32>
      %lt3A_1002 = arith.cmpi slt, %add3A_996, %lt3A_1001 : vector<16xi32>
      %and3A_1003 = arith.andi %ge3A_998, %lt3A_1002 : vector<16xi1>
      %convert_element_type3A_1004 = arith.extui %and3A_1003 : vector<16xi1> to vector<16xi32>
      %broadcast_in_dim3A_1005 = arith.constant true
      %broadcast_in_dim3A_1006 = vector.broadcast %broadcast_in_dim3A_1005 : i1 to vector<16xi1>
      %masked_cumsum3A_1007 = tpu.scan <sum>, %convert_element_type3A_1004 masked %broadcast_in_dim3A_1006 : vector<16xi32>, vector<16xi1> -> vector<16xi32>
      %reduce_sum3A_1008 = arith.constant true
      %reduce_sum3A_1009 = vector.broadcast %reduce_sum3A_1008 : i1 to vector<16xi1>
      %reduce_sum3A_1010 = tpu.scan <sum>, %convert_element_type3A_1004 masked %reduce_sum3A_1009 : vector<16xi32>, vector<16xi1> -> vector<16xi32>
      %reduce_sum3A_1011 = vector.extract %reduce_sum3A_1010[15] : i32 from vector<16xi32>
      %add3A_1012 = vector.broadcast %add3A_926 : i32 to vector<16xi32>
      %add3A_1013 = arith.addi %add3A_1012, %masked_cumsum3A_1007 : vector<16xi32>
      %sub3A_1014 = arith.constant 1 : i32
      %sub3A_1015 = vector.broadcast %sub3A_1014 : i32 to vector<16xi32>
      %sub3A_1016 = arith.subi %add3A_1013, %sub3A_1015 : vector<16xi32>
      %lt3A_1017 = arith.constant 12800 : i32
      %lt3A_1018 = vector.broadcast %lt3A_1017 : i32 to vector<16xi32>
      %lt3A_1019 = arith.cmpi slt, %sub3A_1016, %lt3A_1018 : vector<16xi32>
      %and3A_1020 = arith.andi %and3A_1003, %lt3A_1019 : vector<16xi1>
      %jit3A_1021 = arith.constant 0 : i32
      %broadcast_in_dim3A_1022 = vector.broadcast %jit3A_1021 : i32 to vector<16xi32>
      %select_n3A_1023 = arith.select %and3A_1020, %sub3A_1016, %broadcast_in_dim3A_1022 : vector<16xi1>, vector<16xi32>
      %shift_right_arithmetic3A_1024 = arith.constant 7 : i32
      %shift_right_arithmetic3A_1025 = vector.broadcast %shift_right_arithmetic3A_1024 : i32 to vector<16xi32>
      %shift_right_arithmetic3A_1026 = arith.shrsi %select_n3A_1023, %shift_right_arithmetic3A_1025 : vector<16xi32>
      %and3A_1027 = arith.constant 127 : i32
      %and3A_1028 = vector.broadcast %and3A_1027 : i32 to vector<16xi32>
      %and3A_1029 = arith.andi %select_n3A_1023, %and3A_1028 : vector<16xi32>
      tpu.vector_store_idx %arg15[%shift_right_arithmetic3A_1026, %and3A_1029], %add3A_996 masked %and3A_1020 : memref<100x128xi32, #tpu.memory_space<vmem>>[vector<16xi32>, vector<16xi32>], vector<16xi32>, vector<16xi1>
      %shift_right_arithmetic3A_1030 = arith.constant 7 : i32
      %shift_right_arithmetic3A_1031 = vector.broadcast %shift_right_arithmetic3A_1030 : i32 to vector<16xi32>
      %shift_right_arithmetic3A_1032 = arith.shrsi %select_n3A_1023, %shift_right_arithmetic3A_1031 : vector<16xi32>
      %and3A_1033 = arith.constant 127 : i32
      %and3A_1034 = vector.broadcast %and3A_1033 : i32 to vector<16xi32>
      %and3A_1035 = arith.andi %select_n3A_1023, %and3A_1034 : vector<16xi32>
      tpu.vector_store_idx %arg16[%shift_right_arithmetic3A_1032, %and3A_1035], %get3A_937 masked %and3A_1020 : memref<100x128xf32, #tpu.memory_space<vmem>>[vector<16xi32>, vector<16xi32>], vector<16xf32>, vector<16xi1>
      %gt3A_1036 = arith.constant 0 : i32
      %gt3A_1037 = arith.cmpi sgt, %reduce_sum3A_1011, %gt3A_1036 : i32
      %add3A_1038 = arith.addi %add3A_926, %reduce_sum3A_1011 : i32
      %select_n3A_1039 = arith.select %gt3A_1037, %add3A_996, %select_n3A_927 : vector<16xi32>
      %select_n3A_1040 = arith.select %gt3A_1037, %get3A_937, %select_n3A_928 : vector<16xf32>
      %select_n3A_1041 = arith.select %gt3A_1037, %convert_element_type3A_1004, %select_n3A_929 : vector<16xi32>
      scf.yield %add3A_1038, %select_n3A_1039, %select_n3A_1040, %select_n3A_1041 : i32, vector<16xi32>, vector<16xf32>, vector<16xi32>
    }
    %scan3A_250 = arith.constant 80 : i32
    %dma_wait3A_251 = arith.constant 0 : i32
    %dma_wait3A_252 = tpu.memref_slice %arg5[%dma_wait3A_251] : memref<102400000xf32, #tpu.memory_space<hbm>> -> memref<16000xf32, #tpu.memory_space<hbm>>
    %dma_wait3A_253 = arith.constant 0 : i32
    %dma_wait3A_254 = tpu.memref_slice %arg6[%arg1, %dma_wait3A_253] : memref<16x16000xf32, #tpu.memory_space<vmem_shared>> -> memref<1x16000xf32, #tpu.memory_space<vmem_shared>>
    %dma_wait3A_255 = tpu.memref_squeeze %dma_wait3A_254 : memref<1x16000xf32, #tpu.memory_space<vmem_shared>> -> memref<16000xf32, #tpu.memory_space<vmem_shared>>
    tpu.wait_dma2 semaphore(%arg22 : memref<!tpu.dma_semaphore, #tpu.memory_space<semaphore_mem>>) src(%dma_wait3A_255 : memref<16000xf32, #tpu.memory_space<vmem_shared>>) dst(%dma_wait3A_252 : memref<16000xf32, #tpu.memory_space<hbm>>)
    %dma_wait3A_256 = arith.constant 0 : i32
    %dma_wait3A_257 = tpu.memref_slice %arg5[%dma_wait3A_256] : memref<102400000xf32, #tpu.memory_space<hbm>> -> memref<16000xf32, #tpu.memory_space<hbm>>
    %dma_wait3A_258 = arith.constant 0 : i32
    %dma_wait3A_259 = tpu.memref_slice %arg7[%arg1, %dma_wait3A_258] : memref<16x16000xf32, #tpu.memory_space<vmem_shared>> -> memref<1x16000xf32, #tpu.memory_space<vmem_shared>>
    %dma_wait3A_260 = tpu.memref_squeeze %dma_wait3A_259 : memref<1x16000xf32, #tpu.memory_space<vmem_shared>> -> memref<16000xf32, #tpu.memory_space<vmem_shared>>
    tpu.wait_dma2 semaphore(%arg23 : memref<!tpu.dma_semaphore, #tpu.memory_space<semaphore_mem>>) src(%dma_wait3A_260 : memref<16000xf32, #tpu.memory_space<vmem_shared>>) dst(%dma_wait3A_257 : memref<16000xf32, #tpu.memory_space<hbm>>)
    %dma_wait3A_261 = arith.constant 0 : i32
    %dma_wait3A_262 = tpu.memref_slice %arg5[%dma_wait3A_261] : memref<102400000xf32, #tpu.memory_space<hbm>> -> memref<16000xf32, #tpu.memory_space<hbm>>
    %dma_wait3A_263 = arith.constant 0 : i32
    %dma_wait3A_264 = tpu.memref_slice %arg8[%arg1, %dma_wait3A_263] : memref<16x16000xf32, #tpu.memory_space<vmem_shared>> -> memref<1x16000xf32, #tpu.memory_space<vmem_shared>>
    %dma_wait3A_265 = tpu.memref_squeeze %dma_wait3A_264 : memref<1x16000xf32, #tpu.memory_space<vmem_shared>> -> memref<16000xf32, #tpu.memory_space<vmem_shared>>
    tpu.wait_dma2 semaphore(%arg24 : memref<!tpu.dma_semaphore, #tpu.memory_space<semaphore_mem>>) src(%dma_wait3A_265 : memref<16000xf32, #tpu.memory_space<vmem_shared>>) dst(%dma_wait3A_262 : memref<16000xf32, #tpu.memory_space<hbm>>)
    %dma_wait3A_266 = arith.constant 0 : i32
    %dma_wait3A_267 = tpu.memref_slice %arg5[%dma_wait3A_266] : memref<102400000xf32, #tpu.memory_space<hbm>> -> memref<16000xf32, #tpu.memory_space<hbm>>
    %dma_wait3A_268 = arith.constant 0 : i32
    %dma_wait3A_269 = tpu.memref_slice %arg9[%arg1, %dma_wait3A_268] : memref<16x16000xf32, #tpu.memory_space<vmem_shared>> -> memref<1x16000xf32, #tpu.memory_space<vmem_shared>>
    %dma_wait3A_270 = tpu.memref_squeeze %dma_wait3A_269 : memref<1x16000xf32, #tpu.memory_space<vmem_shared>> -> memref<16000xf32, #tpu.memory_space<vmem_shared>>
    tpu.wait_dma2 semaphore(%arg25 : memref<!tpu.dma_semaphore, #tpu.memory_space<semaphore_mem>>) src(%dma_wait3A_270 : memref<16000xf32, #tpu.memory_space<vmem_shared>>) dst(%dma_wait3A_267 : memref<16000xf32, #tpu.memory_space<hbm>>)
    %dma_wait3A_271 = arith.constant 0 : i32
    %dma_wait3A_272 = tpu.memref_slice %arg5[%dma_wait3A_271] : memref<102400000xf32, #tpu.memory_space<hbm>> -> memref<16000xf32, #tpu.memory_space<hbm>>
    %dma_wait3A_273 = arith.constant 0 : i32
    %dma_wait3A_274 = tpu.memref_slice %arg10[%arg1, %dma_wait3A_273] : memref<16x16000xf32, #tpu.memory_space<vmem_shared>> -> memref<1x16000xf32, #tpu.memory_space<vmem_shared>>
    %dma_wait3A_275 = tpu.memref_squeeze %dma_wait3A_274 : memref<1x16000xf32, #tpu.memory_space<vmem_shared>> -> memref<16000xf32, #tpu.memory_space<vmem_shared>>
    tpu.wait_dma2 semaphore(%arg26 : memref<!tpu.dma_semaphore, #tpu.memory_space<semaphore_mem>>) src(%dma_wait3A_275 : memref<16000xf32, #tpu.memory_space<vmem_shared>>) dst(%dma_wait3A_272 : memref<16000xf32, #tpu.memory_space<hbm>>)
    %min3A = arith.constant 12800 : i32
    %min3A_276 = arith.minsi %scan3A_249#0, %min3A : i32
    %broadcast_in_dim3A_277 = arith.constant true
    %broadcast_in_dim3A_278 = vector.broadcast %broadcast_in_dim3A_277 : i1 to vector<16xi1>
    %masked_cumsum3A = tpu.scan <sum>, %scan3A_249#3 masked %broadcast_in_dim3A_278 : vector<16xi32>, vector<16xi1> -> vector<16xi32>
    %gt3A = arith.constant 0 : i32
    %gt3A_279 = vector.broadcast %gt3A : i32 to vector<16xi32>
    %gt3A_280 = arith.cmpi sgt, %scan3A_249#3, %gt3A_279 : vector<16xi32>
    %reduce_sum3A = arith.constant true
    %reduce_sum3A_281 = vector.broadcast %reduce_sum3A : i1 to vector<16xi1>
    %reduce_sum3A_282 = tpu.scan <sum>, %scan3A_249#3 masked %reduce_sum3A_281 : vector<16xi32>, vector<16xi1> -> vector<16xi32>
    %reduce_sum3A_283 = vector.extract %reduce_sum3A_282[15] : i32 from vector<16xi32>
    %eq3A = vector.broadcast %reduce_sum3A_283 : i32 to vector<16xi32>
    %eq3A_284 = arith.cmpi eq, %masked_cumsum3A, %eq3A : vector<16xi32>
    %and3A = arith.andi %gt3A_280, %eq3A_284 : vector<16xi1>
    %jit3A = arith.constant 0 : i32
    %broadcast_in_dim3A_285 = vector.broadcast %jit3A : i32 to vector<16xi32>
    %select_n3A = arith.select %and3A, %scan3A_249#1, %broadcast_in_dim3A_285 : vector<16xi1>, vector<16xi32>
    %reduce_sum3A_286 = arith.constant true
    %reduce_sum3A_287 = vector.broadcast %reduce_sum3A_286 : i1 to vector<16xi1>
    %reduce_sum3A_288 = tpu.scan <sum>, %select_n3A masked %reduce_sum3A_287 : vector<16xi32>, vector<16xi1> -> vector<16xi32>
    %reduce_sum3A_289 = vector.extract %reduce_sum3A_288[15] : i32 from vector<16xi32>
    %jit3A_290 = arith.constant 0.000000e+00 : f32
    %broadcast_in_dim3A_291 = vector.broadcast %jit3A_290 : f32 to vector<16xf32>
    %select_n3A_292 = arith.select %and3A, %scan3A_249#2, %broadcast_in_dim3A_291 : vector<16xi1>, vector<16xf32>
    %reduce_sum3A_293 = arith.constant true
    %reduce_sum3A_294 = vector.broadcast %reduce_sum3A_293 : i1 to vector<16xi1>
    %reduce_sum3A_295 = tpu.scan <sum>, %select_n3A_292 masked %reduce_sum3A_294 : vector<16xf32>, vector<16xi1> -> vector<16xf32>
    %reduce_sum3A_296 = vector.extract %reduce_sum3A_295[15] : f32 from vector<16xf32>
    %add3A_297 = arith.constant 127 : i32
    %add3A_298 = arith.addi %min3A_276, %add3A_297 : i32
    %jit3A_299 = arith.constant 128 : i32
    %div3A = arith.divsi %add3A_298, %jit3A_299 : i32
    %sign3A = arith.constant 0 : i32
    %sign3A_300 = arith.cmpi sgt, %add3A_298, %sign3A : i32
    %sign3A_301 = arith.extui %sign3A_300 : i1 to i32
    %sign3A_302 = arith.constant 0 : i32
    %sign3A_303 = arith.cmpi slt, %add3A_298, %sign3A_302 : i32
    %sign3A_304 = arith.extui %sign3A_303 : i1 to i32
    %sign3A_305 = arith.subi %sign3A_301, %sign3A_304 : i32
    %sign3A_306 = arith.constant 0 : i32
    %sign3A_307 = arith.cmpi sgt, %jit3A_299, %sign3A_306 : i32
    %sign3A_308 = arith.extui %sign3A_307 : i1 to i32
    %sign3A_309 = arith.constant 0 : i32
    %sign3A_310 = arith.cmpi slt, %jit3A_299, %sign3A_309 : i32
    %sign3A_311 = arith.extui %sign3A_310 : i1 to i32
    %sign3A_312 = arith.subi %sign3A_308, %sign3A_311 : i32
    %ne3A = arith.cmpi ne, %sign3A_305, %sign3A_312 : i32
    %rem3A = arith.remsi %add3A_298, %jit3A_299 : i32
    %ne3A_313 = arith.constant 0 : i32
    %ne3A_314 = arith.cmpi ne, %rem3A, %ne3A_313 : i32
    %and3A_315 = arith.andi %ne3A, %ne3A_314 : i1
    %sub3A = arith.constant 1 : i32
    %sub3A_316 = arith.subi %div3A, %sub3A : i32
    %select_n3A_317 = arith.select %and3A_315, %sub3A_316, %div3A : i32
    %mul3A_318 = arith.constant 128 : i32
    %mul3A_319 = arith.muli %select_n3A_317, %mul3A_318 : i32
    %add3A_320 = arith.constant 0 : i32
    %add3A_321 = arith.addi %min3A_276, %add3A_320 : i32
    %add3A_322 = vector.broadcast %add3A_321 : i32 to vector<16xi32>
    %add3A_323 = arith.addi %add3A_322, %iota3A : vector<16xi32>
    %lt3A = vector.broadcast %mul3A_319 : i32 to vector<16xi32>
    %lt3A_324 = arith.cmpi slt, %add3A_323, %lt3A : vector<16xi32>
    %jit3A_325 = arith.constant 0 : i32
    %broadcast_in_dim3A_326 = vector.broadcast %jit3A_325 : i32 to vector<16xi32>
    %select_n3A_327 = arith.select %lt3A_324, %add3A_323, %broadcast_in_dim3A_326 : vector<16xi1>, vector<16xi32>
    %shift_right_arithmetic3A = arith.constant 7 : i32
    %shift_right_arithmetic3A_328 = vector.broadcast %shift_right_arithmetic3A : i32 to vector<16xi32>
    %shift_right_arithmetic3A_329 = arith.shrsi %select_n3A_327, %shift_right_arithmetic3A_328 : vector<16xi32>
    %and3A_330 = arith.constant 127 : i32
    %and3A_331 = vector.broadcast %and3A_330 : i32 to vector<16xi32>
    %and3A_332 = arith.andi %select_n3A_327, %and3A_331 : vector<16xi32>
    %broadcast_in_dim3A_333 = arith.constant 1 : i32
    %broadcast_in_dim3A_334 = vector.broadcast %broadcast_in_dim3A_333 : i32 to vector<16xi32>
    %mul3A_335 = vector.broadcast %reduce_sum3A_289 : i32 to vector<16xi32>
    %mul3A_336 = arith.muli %broadcast_in_dim3A_334, %mul3A_335 : vector<16xi32>
    tpu.vector_store_idx %arg15[%shift_right_arithmetic3A_329, %and3A_332], %mul3A_336 masked %lt3A_324 : memref<100x128xi32, #tpu.memory_space<vmem>>[vector<16xi32>, vector<16xi32>], vector<16xi32>, vector<16xi1>
    %shift_right_arithmetic3A_337 = arith.constant 7 : i32
    %shift_right_arithmetic3A_338 = vector.broadcast %shift_right_arithmetic3A_337 : i32 to vector<16xi32>
    %shift_right_arithmetic3A_339 = arith.shrsi %select_n3A_327, %shift_right_arithmetic3A_338 : vector<16xi32>
    %and3A_340 = arith.constant 127 : i32
    %and3A_341 = vector.broadcast %and3A_340 : i32 to vector<16xi32>
    %and3A_342 = arith.andi %select_n3A_327, %and3A_341 : vector<16xi32>
    %broadcast_in_dim3A_343 = arith.constant 1.000000e+00 : f32
    %broadcast_in_dim3A_344 = vector.broadcast %broadcast_in_dim3A_343 : f32 to vector<16xf32>
    %mul3A_345 = vector.broadcast %reduce_sum3A_296 : f32 to vector<16xf32>
    %mul3A_346 = arith.mulf %broadcast_in_dim3A_344, %mul3A_345 : vector<16xf32>
    tpu.vector_store_idx %arg16[%shift_right_arithmetic3A_339, %and3A_342], %mul3A_346 masked %lt3A_324 : memref<100x128xf32, #tpu.memory_space<vmem>>[vector<16xi32>, vector<16xi32>], vector<16xf32>, vector<16xi1>
    %add3A_347 = arith.constant 16 : i32
    %add3A_348 = arith.addi %min3A_276, %add3A_347 : i32
    %add3A_349 = vector.broadcast %add3A_348 : i32 to vector<16xi32>
    %add3A_350 = arith.addi %add3A_349, %iota3A : vector<16xi32>
    %lt3A_351 = vector.broadcast %mul3A_319 : i32 to vector<16xi32>
    %lt3A_352 = arith.cmpi slt, %add3A_350, %lt3A_351 : vector<16xi32>
    %jit3A_353 = arith.constant 0 : i32
    %broadcast_in_dim3A_354 = vector.broadcast %jit3A_353 : i32 to vector<16xi32>
    %select_n3A_355 = arith.select %lt3A_352, %add3A_350, %broadcast_in_dim3A_354 : vector<16xi1>, vector<16xi32>
    %shift_right_arithmetic3A_356 = arith.constant 7 : i32
    %shift_right_arithmetic3A_357 = vector.broadcast %shift_right_arithmetic3A_356 : i32 to vector<16xi32>
    %shift_right_arithmetic3A_358 = arith.shrsi %select_n3A_355, %shift_right_arithmetic3A_357 : vector<16xi32>
    %and3A_359 = arith.constant 127 : i32
    %and3A_360 = vector.broadcast %and3A_359 : i32 to vector<16xi32>
    %and3A_361 = arith.andi %select_n3A_355, %and3A_360 : vector<16xi32>
    %broadcast_in_dim3A_362 = arith.constant 1 : i32
    %broadcast_in_dim3A_363 = vector.broadcast %broadcast_in_dim3A_362 : i32 to vector<16xi32>
    %mul3A_364 = vector.broadcast %reduce_sum3A_289 : i32 to vector<16xi32>
    %mul3A_365 = arith.muli %broadcast_in_dim3A_363, %mul3A_364 : vector<16xi32>
    tpu.vector_store_idx %arg15[%shift_right_arithmetic3A_358, %and3A_361], %mul3A_365 masked %lt3A_352 : memref<100x128xi32, #tpu.memory_space<vmem>>[vector<16xi32>, vector<16xi32>], vector<16xi32>, vector<16xi1>
    %shift_right_arithmetic3A_366 = arith.constant 7 : i32
    %shift_right_arithmetic3A_367 = vector.broadcast %shift_right_arithmetic3A_366 : i32 to vector<16xi32>
    %shift_right_arithmetic3A_368 = arith.shrsi %select_n3A_355, %shift_right_arithmetic3A_367 : vector<16xi32>
    %and3A_369 = arith.constant 127 : i32
    %and3A_370 = vector.broadcast %and3A_369 : i32 to vector<16xi32>
    %and3A_371 = arith.andi %select_n3A_355, %and3A_370 : vector<16xi32>
    %broadcast_in_dim3A_372 = arith.constant 1.000000e+00 : f32
    %broadcast_in_dim3A_373 = vector.broadcast %broadcast_in_dim3A_372 : f32 to vector<16xf32>
    %mul3A_374 = vector.broadcast %reduce_sum3A_296 : f32 to vector<16xf32>
    %mul3A_375 = arith.mulf %broadcast_in_dim3A_373, %mul3A_374 : vector<16xf32>
    tpu.vector_store_idx %arg16[%shift_right_arithmetic3A_368, %and3A_371], %mul3A_375 masked %lt3A_352 : memref<100x128xf32, #tpu.memory_space<vmem>>[vector<16xi32>, vector<16xi32>], vector<16xf32>, vector<16xi1>
    %add3A_376 = arith.constant 32 : i32
    %add3A_377 = arith.addi %min3A_276, %add3A_376 : i32
    %add3A_378 = vector.broadcast %add3A_377 : i32 to vector<16xi32>
    %add3A_379 = arith.addi %add3A_378, %iota3A : vector<16xi32>
    %lt3A_380 = vector.broadcast %mul3A_319 : i32 to vector<16xi32>
    %lt3A_381 = arith.cmpi slt, %add3A_379, %lt3A_380 : vector<16xi32>
    %jit3A_382 = arith.constant 0 : i32
    %broadcast_in_dim3A_383 = vector.broadcast %jit3A_382 : i32 to vector<16xi32>
    %select_n3A_384 = arith.select %lt3A_381, %add3A_379, %broadcast_in_dim3A_383 : vector<16xi1>, vector<16xi32>
    %shift_right_arithmetic3A_385 = arith.constant 7 : i32
    %shift_right_arithmetic3A_386 = vector.broadcast %shift_right_arithmetic3A_385 : i32 to vector<16xi32>
    %shift_right_arithmetic3A_387 = arith.shrsi %select_n3A_384, %shift_right_arithmetic3A_386 : vector<16xi32>
    %and3A_388 = arith.constant 127 : i32
    %and3A_389 = vector.broadcast %and3A_388 : i32 to vector<16xi32>
    %and3A_390 = arith.andi %select_n3A_384, %and3A_389 : vector<16xi32>
    %broadcast_in_dim3A_391 = arith.constant 1 : i32
    %broadcast_in_dim3A_392 = vector.broadcast %broadcast_in_dim3A_391 : i32 to vector<16xi32>
    %mul3A_393 = vector.broadcast %reduce_sum3A_289 : i32 to vector<16xi32>
    %mul3A_394 = arith.muli %broadcast_in_dim3A_392, %mul3A_393 : vector<16xi32>
    tpu.vector_store_idx %arg15[%shift_right_arithmetic3A_387, %and3A_390], %mul3A_394 masked %lt3A_381 : memref<100x128xi32, #tpu.memory_space<vmem>>[vector<16xi32>, vector<16xi32>], vector<16xi32>, vector<16xi1>
    %shift_right_arithmetic3A_395 = arith.constant 7 : i32
    %shift_right_arithmetic3A_396 = vector.broadcast %shift_right_arithmetic3A_395 : i32 to vector<16xi32>
    %shift_right_arithmetic3A_397 = arith.shrsi %select_n3A_384, %shift_right_arithmetic3A_396 : vector<16xi32>
    %and3A_398 = arith.constant 127 : i32
    %and3A_399 = vector.broadcast %and3A_398 : i32 to vector<16xi32>
    %and3A_400 = arith.andi %select_n3A_384, %and3A_399 : vector<16xi32>
    %broadcast_in_dim3A_401 = arith.constant 1.000000e+00 : f32
    %broadcast_in_dim3A_402 = vector.broadcast %broadcast_in_dim3A_401 : f32 to vector<16xf32>
    %mul3A_403 = vector.broadcast %reduce_sum3A_296 : f32 to vector<16xf32>
    %mul3A_404 = arith.mulf %broadcast_in_dim3A_402, %mul3A_403 : vector<16xf32>
    tpu.vector_store_idx %arg16[%shift_right_arithmetic3A_397, %and3A_400], %mul3A_404 masked %lt3A_381 : memref<100x128xf32, #tpu.memory_space<vmem>>[vector<16xi32>, vector<16xi32>], vector<16xf32>, vector<16xi1>
    %add3A_405 = arith.constant 48 : i32
    %add3A_406 = arith.addi %min3A_276, %add3A_405 : i32
    %add3A_407 = vector.broadcast %add3A_406 : i32 to vector<16xi32>
    %add3A_408 = arith.addi %add3A_407, %iota3A : vector<16xi32>
    %lt3A_409 = vector.broadcast %mul3A_319 : i32 to vector<16xi32>
    %lt3A_410 = arith.cmpi slt, %add3A_408, %lt3A_409 : vector<16xi32>
    %jit3A_411 = arith.constant 0 : i32
    %broadcast_in_dim3A_412 = vector.broadcast %jit3A_411 : i32 to vector<16xi32>
    %select_n3A_413 = arith.select %lt3A_410, %add3A_408, %broadcast_in_dim3A_412 : vector<16xi1>, vector<16xi32>
    %shift_right_arithmetic3A_414 = arith.constant 7 : i32
    %shift_right_arithmetic3A_415 = vector.broadcast %shift_right_arithmetic3A_414 : i32 to vector<16xi32>
    %shift_right_arithmetic3A_416 = arith.shrsi %select_n3A_413, %shift_right_arithmetic3A_415 : vector<16xi32>
    %and3A_417 = arith.constant 127 : i32
    %and3A_418 = vector.broadcast %and3A_417 : i32 to vector<16xi32>
    %and3A_419 = arith.andi %select_n3A_413, %and3A_418 : vector<16xi32>
    %broadcast_in_dim3A_420 = arith.constant 1 : i32
    %broadcast_in_dim3A_421 = vector.broadcast %broadcast_in_dim3A_420 : i32 to vector<16xi32>
    %mul3A_422 = vector.broadcast %reduce_sum3A_289 : i32 to vector<16xi32>
    %mul3A_423 = arith.muli %broadcast_in_dim3A_421, %mul3A_422 : vector<16xi32>
    tpu.vector_store_idx %arg15[%shift_right_arithmetic3A_416, %and3A_419], %mul3A_423 masked %lt3A_410 : memref<100x128xi32, #tpu.memory_space<vmem>>[vector<16xi32>, vector<16xi32>], vector<16xi32>, vector<16xi1>
    %shift_right_arithmetic3A_424 = arith.constant 7 : i32
    %shift_right_arithmetic3A_425 = vector.broadcast %shift_right_arithmetic3A_424 : i32 to vector<16xi32>
    %shift_right_arithmetic3A_426 = arith.shrsi %select_n3A_413, %shift_right_arithmetic3A_425 : vector<16xi32>
    %and3A_427 = arith.constant 127 : i32
    %and3A_428 = vector.broadcast %and3A_427 : i32 to vector<16xi32>
    %and3A_429 = arith.andi %select_n3A_413, %and3A_428 : vector<16xi32>
    %broadcast_in_dim3A_430 = arith.constant 1.000000e+00 : f32
    %broadcast_in_dim3A_431 = vector.broadcast %broadcast_in_dim3A_430 : f32 to vector<16xf32>
    %mul3A_432 = vector.broadcast %reduce_sum3A_296 : f32 to vector<16xf32>
    %mul3A_433 = arith.mulf %broadcast_in_dim3A_431, %mul3A_432 : vector<16xf32>
    tpu.vector_store_idx %arg16[%shift_right_arithmetic3A_426, %and3A_429], %mul3A_433 masked %lt3A_410 : memref<100x128xf32, #tpu.memory_space<vmem>>[vector<16xi32>, vector<16xi32>], vector<16xf32>, vector<16xi1>
    %add3A_434 = arith.constant 64 : i32
    %add3A_435 = arith.addi %min3A_276, %add3A_434 : i32
    %add3A_436 = vector.broadcast %add3A_435 : i32 to vector<16xi32>
    %add3A_437 = arith.addi %add3A_436, %iota3A : vector<16xi32>
    %lt3A_438 = vector.broadcast %mul3A_319 : i32 to vector<16xi32>
    %lt3A_439 = arith.cmpi slt, %add3A_437, %lt3A_438 : vector<16xi32>
    %jit3A_440 = arith.constant 0 : i32
    %broadcast_in_dim3A_441 = vector.broadcast %jit3A_440 : i32 to vector<16xi32>
    %select_n3A_442 = arith.select %lt3A_439, %add3A_437, %broadcast_in_dim3A_441 : vector<16xi1>, vector<16xi32>
    %shift_right_arithmetic3A_443 = arith.constant 7 : i32
    %shift_right_arithmetic3A_444 = vector.broadcast %shift_right_arithmetic3A_443 : i32 to vector<16xi32>
    %shift_right_arithmetic3A_445 = arith.shrsi %select_n3A_442, %shift_right_arithmetic3A_444 : vector<16xi32>
    %and3A_446 = arith.constant 127 : i32
    %and3A_447 = vector.broadcast %and3A_446 : i32 to vector<16xi32>
    %and3A_448 = arith.andi %select_n3A_442, %and3A_447 : vector<16xi32>
    %broadcast_in_dim3A_449 = arith.constant 1 : i32
    %broadcast_in_dim3A_450 = vector.broadcast %broadcast_in_dim3A_449 : i32 to vector<16xi32>
    %mul3A_451 = vector.broadcast %reduce_sum3A_289 : i32 to vector<16xi32>
    %mul3A_452 = arith.muli %broadcast_in_dim3A_450, %mul3A_451 : vector<16xi32>
    tpu.vector_store_idx %arg15[%shift_right_arithmetic3A_445, %and3A_448], %mul3A_452 masked %lt3A_439 : memref<100x128xi32, #tpu.memory_space<vmem>>[vector<16xi32>, vector<16xi32>], vector<16xi32>, vector<16xi1>
    %shift_right_arithmetic3A_453 = arith.constant 7 : i32
    %shift_right_arithmetic3A_454 = vector.broadcast %shift_right_arithmetic3A_453 : i32 to vector<16xi32>
    %shift_right_arithmetic3A_455 = arith.shrsi %select_n3A_442, %shift_right_arithmetic3A_454 : vector<16xi32>
    %and3A_456 = arith.constant 127 : i32
    %and3A_457 = vector.broadcast %and3A_456 : i32 to vector<16xi32>
    %and3A_458 = arith.andi %select_n3A_442, %and3A_457 : vector<16xi32>
    %broadcast_in_dim3A_459 = arith.constant 1.000000e+00 : f32
    %broadcast_in_dim3A_460 = vector.broadcast %broadcast_in_dim3A_459 : f32 to vector<16xf32>
    %mul3A_461 = vector.broadcast %reduce_sum3A_296 : f32 to vector<16xf32>
    %mul3A_462 = arith.mulf %broadcast_in_dim3A_460, %mul3A_461 : vector<16xf32>
    tpu.vector_store_idx %arg16[%shift_right_arithmetic3A_455, %and3A_458], %mul3A_462 masked %lt3A_439 : memref<100x128xf32, #tpu.memory_space<vmem>>[vector<16xi32>, vector<16xi32>], vector<16xf32>, vector<16xi1>
    %add3A_463 = arith.constant 80 : i32
    %add3A_464 = arith.addi %min3A_276, %add3A_463 : i32
    %add3A_465 = vector.broadcast %add3A_464 : i32 to vector<16xi32>
    %add3A_466 = arith.addi %add3A_465, %iota3A : vector<16xi32>
    %lt3A_467 = vector.broadcast %mul3A_319 : i32 to vector<16xi32>
    %lt3A_468 = arith.cmpi slt, %add3A_466, %lt3A_467 : vector<16xi32>
    %jit3A_469 = arith.constant 0 : i32
    %broadcast_in_dim3A_470 = vector.broadcast %jit3A_469 : i32 to vector<16xi32>
    %select_n3A_471 = arith.select %lt3A_468, %add3A_466, %broadcast_in_dim3A_470 : vector<16xi1>, vector<16xi32>
    %shift_right_arithmetic3A_472 = arith.constant 7 : i32
    %shift_right_arithmetic3A_473 = vector.broadcast %shift_right_arithmetic3A_472 : i32 to vector<16xi32>
    %shift_right_arithmetic3A_474 = arith.shrsi %select_n3A_471, %shift_right_arithmetic3A_473 : vector<16xi32>
    %and3A_475 = arith.constant 127 : i32
    %and3A_476 = vector.broadcast %and3A_475 : i32 to vector<16xi32>
    %and3A_477 = arith.andi %select_n3A_471, %and3A_476 : vector<16xi32>
    %broadcast_in_dim3A_478 = arith.constant 1 : i32
    %broadcast_in_dim3A_479 = vector.broadcast %broadcast_in_dim3A_478 : i32 to vector<16xi32>
    %mul3A_480 = vector.broadcast %reduce_sum3A_289 : i32 to vector<16xi32>
    %mul3A_481 = arith.muli %broadcast_in_dim3A_479, %mul3A_480 : vector<16xi32>
    tpu.vector_store_idx %arg15[%shift_right_arithmetic3A_474, %and3A_477], %mul3A_481 masked %lt3A_468 : memref<100x128xi32, #tpu.memory_space<vmem>>[vector<16xi32>, vector<16xi32>], vector<16xi32>, vector<16xi1>
    %shift_right_arithmetic3A_482 = arith.constant 7 : i32
    %shift_right_arithmetic3A_483 = vector.broadcast %shift_right_arithmetic3A_482 : i32 to vector<16xi32>
    %shift_right_arithmetic3A_484 = arith.shrsi %select_n3A_471, %shift_right_arithmetic3A_483 : vector<16xi32>
    %and3A_485 = arith.constant 127 : i32
    %and3A_486 = vector.broadcast %and3A_485 : i32 to vector<16xi32>
    %and3A_487 = arith.andi %select_n3A_471, %and3A_486 : vector<16xi32>
    %broadcast_in_dim3A_488 = arith.constant 1.000000e+00 : f32
    %broadcast_in_dim3A_489 = vector.broadcast %broadcast_in_dim3A_488 : f32 to vector<16xf32>
    %mul3A_490 = vector.broadcast %reduce_sum3A_296 : f32 to vector<16xf32>
    %mul3A_491 = arith.mulf %broadcast_in_dim3A_489, %mul3A_490 : vector<16xf32>
    tpu.vector_store_idx %arg16[%shift_right_arithmetic3A_484, %and3A_487], %mul3A_491 masked %lt3A_468 : memref<100x128xf32, #tpu.memory_space<vmem>>[vector<16xi32>, vector<16xi32>], vector<16xf32>, vector<16xi1>
    %add3A_492 = arith.constant 96 : i32
    %add3A_493 = arith.addi %min3A_276, %add3A_492 : i32
    %add3A_494 = vector.broadcast %add3A_493 : i32 to vector<16xi32>
    %add3A_495 = arith.addi %add3A_494, %iota3A : vector<16xi32>
    %lt3A_496 = vector.broadcast %mul3A_319 : i32 to vector<16xi32>
    %lt3A_497 = arith.cmpi slt, %add3A_495, %lt3A_496 : vector<16xi32>
    %jit3A_498 = arith.constant 0 : i32
    %broadcast_in_dim3A_499 = vector.broadcast %jit3A_498 : i32 to vector<16xi32>
    %select_n3A_500 = arith.select %lt3A_497, %add3A_495, %broadcast_in_dim3A_499 : vector<16xi1>, vector<16xi32>
    %shift_right_arithmetic3A_501 = arith.constant 7 : i32
    %shift_right_arithmetic3A_502 = vector.broadcast %shift_right_arithmetic3A_501 : i32 to vector<16xi32>
    %shift_right_arithmetic3A_503 = arith.shrsi %select_n3A_500, %shift_right_arithmetic3A_502 : vector<16xi32>
    %and3A_504 = arith.constant 127 : i32
    %and3A_505 = vector.broadcast %and3A_504 : i32 to vector<16xi32>
    %and3A_506 = arith.andi %select_n3A_500, %and3A_505 : vector<16xi32>
    %broadcast_in_dim3A_507 = arith.constant 1 : i32
    %broadcast_in_dim3A_508 = vector.broadcast %broadcast_in_dim3A_507 : i32 to vector<16xi32>
    %mul3A_509 = vector.broadcast %reduce_sum3A_289 : i32 to vector<16xi32>
    %mul3A_510 = arith.muli %broadcast_in_dim3A_508, %mul3A_509 : vector<16xi32>
    tpu.vector_store_idx %arg15[%shift_right_arithmetic3A_503, %and3A_506], %mul3A_510 masked %lt3A_497 : memref<100x128xi32, #tpu.memory_space<vmem>>[vector<16xi32>, vector<16xi32>], vector<16xi32>, vector<16xi1>
    %shift_right_arithmetic3A_511 = arith.constant 7 : i32
    %shift_right_arithmetic3A_512 = vector.broadcast %shift_right_arithmetic3A_511 : i32 to vector<16xi32>
    %shift_right_arithmetic3A_513 = arith.shrsi %select_n3A_500, %shift_right_arithmetic3A_512 : vector<16xi32>
    %and3A_514 = arith.constant 127 : i32
    %and3A_515 = vector.broadcast %and3A_514 : i32 to vector<16xi32>
    %and3A_516 = arith.andi %select_n3A_500, %and3A_515 : vector<16xi32>
    %broadcast_in_dim3A_517 = arith.constant 1.000000e+00 : f32
    %broadcast_in_dim3A_518 = vector.broadcast %broadcast_in_dim3A_517 : f32 to vector<16xf32>
    %mul3A_519 = vector.broadcast %reduce_sum3A_296 : f32 to vector<16xf32>
    %mul3A_520 = arith.mulf %broadcast_in_dim3A_518, %mul3A_519 : vector<16xf32>
    tpu.vector_store_idx %arg16[%shift_right_arithmetic3A_513, %and3A_516], %mul3A_520 masked %lt3A_497 : memref<100x128xf32, #tpu.memory_space<vmem>>[vector<16xi32>, vector<16xi32>], vector<16xf32>, vector<16xi1>
    %add3A_521 = arith.constant 112 : i32
    %add3A_522 = arith.addi %min3A_276, %add3A_521 : i32
    %add3A_523 = vector.broadcast %add3A_522 : i32 to vector<16xi32>
    %add3A_524 = arith.addi %add3A_523, %iota3A : vector<16xi32>
    %lt3A_525 = vector.broadcast %mul3A_319 : i32 to vector<16xi32>
    %lt3A_526 = arith.cmpi slt, %add3A_524, %lt3A_525 : vector<16xi32>
    %jit3A_527 = arith.constant 0 : i32
    %broadcast_in_dim3A_528 = vector.broadcast %jit3A_527 : i32 to vector<16xi32>
    %select_n3A_529 = arith.select %lt3A_526, %add3A_524, %broadcast_in_dim3A_528 : vector<16xi1>, vector<16xi32>
    %shift_right_arithmetic3A_530 = arith.constant 7 : i32
    %shift_right_arithmetic3A_531 = vector.broadcast %shift_right_arithmetic3A_530 : i32 to vector<16xi32>
    %shift_right_arithmetic3A_532 = arith.shrsi %select_n3A_529, %shift_right_arithmetic3A_531 : vector<16xi32>
    %and3A_533 = arith.constant 127 : i32
    %and3A_534 = vector.broadcast %and3A_533 : i32 to vector<16xi32>
    %and3A_535 = arith.andi %select_n3A_529, %and3A_534 : vector<16xi32>
    %broadcast_in_dim3A_536 = arith.constant 1 : i32
    %broadcast_in_dim3A_537 = vector.broadcast %broadcast_in_dim3A_536 : i32 to vector<16xi32>
    %mul3A_538 = vector.broadcast %reduce_sum3A_289 : i32 to vector<16xi32>
    %mul3A_539 = arith.muli %broadcast_in_dim3A_537, %mul3A_538 : vector<16xi32>
    tpu.vector_store_idx %arg15[%shift_right_arithmetic3A_532, %and3A_535], %mul3A_539 masked %lt3A_526 : memref<100x128xi32, #tpu.memory_space<vmem>>[vector<16xi32>, vector<16xi32>], vector<16xi32>, vector<16xi1>
    %shift_right_arithmetic3A_540 = arith.constant 7 : i32
    %shift_right_arithmetic3A_541 = vector.broadcast %shift_right_arithmetic3A_540 : i32 to vector<16xi32>
    %shift_right_arithmetic3A_542 = arith.shrsi %select_n3A_529, %shift_right_arithmetic3A_541 : vector<16xi32>
    %and3A_543 = arith.constant 127 : i32
    %and3A_544 = vector.broadcast %and3A_543 : i32 to vector<16xi32>
    %and3A_545 = arith.andi %select_n3A_529, %and3A_544 : vector<16xi32>
    %broadcast_in_dim3A_546 = arith.constant 1.000000e+00 : f32
    %broadcast_in_dim3A_547 = vector.broadcast %broadcast_in_dim3A_546 : f32 to vector<16xf32>
    %mul3A_548 = vector.broadcast %reduce_sum3A_296 : f32 to vector<16xf32>
    %mul3A_549 = arith.mulf %broadcast_in_dim3A_547, %mul3A_548 : vector<16xf32>
    tpu.vector_store_idx %arg16[%shift_right_arithmetic3A_542, %and3A_545], %mul3A_549 masked %lt3A_526 : memref<100x128xf32, #tpu.memory_space<vmem>>[vector<16xi32>, vector<16xi32>], vector<16xf32>, vector<16xi1>
    %jit3A_550 = arith.constant 128 : i32
    %div3A_551 = arith.divsi %mul3A_319, %jit3A_550 : i32
    %sign3A_552 = arith.constant 0 : i32
    %sign3A_553 = arith.cmpi sgt, %mul3A_319, %sign3A_552 : i32
    %sign3A_554 = arith.extui %sign3A_553 : i1 to i32
    %sign3A_555 = arith.constant 0 : i32
    %sign3A_556 = arith.cmpi slt, %mul3A_319, %sign3A_555 : i32
    %sign3A_557 = arith.extui %sign3A_556 : i1 to i32
    %sign3A_558 = arith.subi %sign3A_554, %sign3A_557 : i32
    %sign3A_559 = arith.constant 0 : i32
    %sign3A_560 = arith.cmpi sgt, %jit3A_550, %sign3A_559 : i32
    %sign3A_561 = arith.extui %sign3A_560 : i1 to i32
    %sign3A_562 = arith.constant 0 : i32
    %sign3A_563 = arith.cmpi slt, %jit3A_550, %sign3A_562 : i32
    %sign3A_564 = arith.extui %sign3A_563 : i1 to i32
    %sign3A_565 = arith.subi %sign3A_561, %sign3A_564 : i32
    %ne3A_566 = arith.cmpi ne, %sign3A_558, %sign3A_565 : i32
    %rem3A_567 = arith.remsi %mul3A_319, %jit3A_550 : i32
    %ne3A_568 = arith.constant 0 : i32
    %ne3A_569 = arith.cmpi ne, %rem3A_567, %ne3A_568 : i32
    %and3A_570 = arith.andi %ne3A_566, %ne3A_569 : i1
    %sub3A_571 = arith.constant 1 : i32
    %sub3A_572 = arith.subi %div3A_551, %sub3A_571 : i32
    %select_n3A_573 = arith.select %and3A_570, %sub3A_572, %div3A_551 : i32
    %while3A = arith.constant 0 : i32
    %while3A_574 = arith.constant 0 : i32
    %while3A_575 = arith.subi %select_n3A_573, %while3A_574 : i32
    %while3A_576 = arith.addi %while3A_574, %while3A_575 : i32
    %while3A_577 = arith.constant 1 : i32
    %while3A_578 = arith.divsi %while3A_575, %while3A_577 : i32
    %while3A_579 = arith.muli %while3A_578, %while3A_577 : i32
    %while3A_580 = arith.addi %while3A_574, %while3A_579 : i32
    %while3A_581 = arith.constant 1 : i32
    scf.for %while3A_593 = %while3A_574 to %while3A_580 step %while3A_581  : i32 {
      %dma_start3A_594 = arith.constant 0 : i32
      %dma_start3A_595 = tpu.memref_slice %arg16[%while3A_593, %dma_start3A_594] : memref<100x128xf32, #tpu.memory_space<vmem>> -> memref<1x128xf32, #tpu.memory_space<vmem>>
      %dma_start3A_596 = tpu.memref_squeeze %dma_start3A_595 : memref<1x128xf32, #tpu.memory_space<vmem>> -> memref<128xf32, #tpu.memory_space<vmem>>
      %dma_start3A_597 = arith.constant 0 : i32
      %dma_start3A_598 = tpu.memref_slice %arg15[%while3A_593, %dma_start3A_597] : memref<100x128xi32, #tpu.memory_space<vmem>> -> memref<1x128xi32, #tpu.memory_space<vmem>>
      %dma_start3A_599 = tpu.memref_squeeze %dma_start3A_598 : memref<1x128xi32, #tpu.memory_space<vmem>> -> memref<128xi32, #tpu.memory_space<vmem>>
      %dma_start3A_600 = arith.constant 0 : i32
      %dma_start3A_601 = tpu.memref_slice %arg5[%dma_start3A_600] : memref<102400000xf32, #tpu.memory_space<hbm>> -> memref<102400000xf32, #tpu.memory_space<hbm>>
      tpu.enqueue_indirect_dma source(%dma_start3A_596 : memref<128xf32, #tpu.memory_space<vmem>>) target(%dma_start3A_601 : memref<102400000xf32, #tpu.memory_space<hbm>>) offsets(%dma_start3A_599 : memref<128xi32, #tpu.memory_space<vmem>>) semaphore(%arg31 : memref<!tpu.dma_semaphore, #tpu.memory_space<semaphore_mem>>)
    }
    %while3A_582 = arith.constant 1 : i32
    scf.for %while3A_593 = %while3A_580 to %while3A_576 step %while3A_582  : i32 {
      %dma_start3A_594 = arith.constant 0 : i32
      %dma_start3A_595 = tpu.memref_slice %arg16[%while3A_593, %dma_start3A_594] : memref<100x128xf32, #tpu.memory_space<vmem>> -> memref<1x128xf32, #tpu.memory_space<vmem>>
      %dma_start3A_596 = tpu.memref_squeeze %dma_start3A_595 : memref<1x128xf32, #tpu.memory_space<vmem>> -> memref<128xf32, #tpu.memory_space<vmem>>
      %dma_start3A_597 = arith.constant 0 : i32
      %dma_start3A_598 = tpu.memref_slice %arg15[%while3A_593, %dma_start3A_597] : memref<100x128xi32, #tpu.memory_space<vmem>> -> memref<1x128xi32, #tpu.memory_space<vmem>>
      %dma_start3A_599 = tpu.memref_squeeze %dma_start3A_598 : memref<1x128xi32, #tpu.memory_space<vmem>> -> memref<128xi32, #tpu.memory_space<vmem>>
      %dma_start3A_600 = arith.constant 0 : i32
      %dma_start3A_601 = tpu.memref_slice %arg5[%dma_start3A_600] : memref<102400000xf32, #tpu.memory_space<hbm>> -> memref<102400000xf32, #tpu.memory_space<hbm>>
      tpu.enqueue_indirect_dma source(%dma_start3A_596 : memref<128xf32, #tpu.memory_space<vmem>>) target(%dma_start3A_601 : memref<102400000xf32, #tpu.memory_space<hbm>>) offsets(%dma_start3A_599 : memref<128xi32, #tpu.memory_space<vmem>>) semaphore(%arg31 : memref<!tpu.dma_semaphore, #tpu.memory_space<semaphore_mem>>)
    }
    %while3A_583 = arith.constant 0 : i32
    %while3A_584 = arith.constant 0 : i32
    %while3A_585 = arith.subi %select_n3A_573, %while3A_584 : i32
    %while3A_586 = arith.addi %while3A_584, %while3A_585 : i32
    %while3A_587 = arith.constant 1 : i32
    %while3A_588 = arith.divsi %while3A_585, %while3A_587 : i32
    %while3A_589 = arith.muli %while3A_588, %while3A_587 : i32
    %while3A_590 = arith.addi %while3A_584, %while3A_589 : i32
    %while3A_591 = arith.constant 1 : i32
    scf.for %while3A_593 = %while3A_584 to %while3A_590 step %while3A_591  : i32 {
      %dma_wait3A_594 = arith.constant 0 : i32
      %dma_wait3A_595 = arith.constant 0 : i32
      %dma_wait3A_596 = arith.constant 0 : i32
      %dma_wait3A_597 = tpu.memref_slice %arg16[%dma_wait3A_594, %dma_wait3A_596] : memref<100x128xf32, #tpu.memory_space<vmem>> -> memref<1x128xf32, #tpu.memory_space<vmem>>
      %dma_wait3A_598 = tpu.memref_squeeze %dma_wait3A_597 : memref<1x128xf32, #tpu.memory_space<vmem>> -> memref<128xf32, #tpu.memory_space<vmem>>
      %dma_wait3A_599 = arith.constant 0 : i32
      %dma_wait3A_600 = tpu.memref_slice %arg15[%dma_wait3A_595, %dma_wait3A_599] : memref<100x128xi32, #tpu.memory_space<vmem>> -> memref<1x128xi32, #tpu.memory_space<vmem>>
      %dma_wait3A_601 = tpu.memref_squeeze %dma_wait3A_600 : memref<1x128xi32, #tpu.memory_space<vmem>> -> memref<128xi32, #tpu.memory_space<vmem>>
      %dma_wait3A_602 = arith.constant 0 : i32
      %dma_wait3A_603 = tpu.memref_slice %arg5[%dma_wait3A_602] : memref<102400000xf32, #tpu.memory_space<hbm>> -> memref<102400000xf32, #tpu.memory_space<hbm>>
      tpu.wait_indirect_dma semaphore(%arg31 : memref<!tpu.dma_semaphore, #tpu.memory_space<semaphore_mem>>) src(%dma_wait3A_598 : memref<128xf32, #tpu.memory_space<vmem>>) dst(%dma_wait3A_603 : memref<102400000xf32, #tpu.memory_space<hbm>>)
    }
    %while3A_592 = arith.constant 1 : i32
    scf.for %while3A_593 = %while3A_590 to %while3A_586 step %while3A_592  : i32 {
      %dma_wait3A_594 = arith.constant 0 : i32
      %dma_wait3A_595 = arith.constant 0 : i32
      %dma_wait3A_596 = arith.constant 0 : i32
      %dma_wait3A_597 = tpu.memref_slice %arg16[%dma_wait3A_594, %dma_wait3A_596] : memref<100x128xf32, #tpu.memory_space<vmem>> -> memref<1x128xf32, #tpu.memory_space<vmem>>
      %dma_wait3A_598 = tpu.memref_squeeze %dma_wait3A_597 : memref<1x128xf32, #tpu.memory_space<vmem>> -> memref<128xf32, #tpu.memory_space<vmem>>
      %dma_wait3A_599 = arith.constant 0 : i32
      %dma_wait3A_600 = tpu.memref_slice %arg15[%dma_wait3A_595, %dma_wait3A_599] : memref<100x128xi32, #tpu.memory_space<vmem>> -> memref<1x128xi32, #tpu.memory_space<vmem>>
      %dma_wait3A_601 = tpu.memref_squeeze %dma_wait3A_600 : memref<1x128xi32, #tpu.memory_space<vmem>> -> memref<128xi32, #tpu.memory_space<vmem>>
      %dma_wait3A_602 = arith.constant 0 : i32
      %dma_wait3A_603 = tpu.memref_slice %arg5[%dma_wait3A_602] : memref<102400000xf32, #tpu.memory_space<hbm>> -> memref<102400000xf32, #tpu.memory_space<hbm>>
      tpu.wait_indirect_dma semaphore(%arg31 : memref<!tpu.dma_semaphore, #tpu.memory_space<semaphore_mem>>) src(%dma_wait3A_598 : memref<128xf32, #tpu.memory_space<vmem>>) dst(%dma_wait3A_603 : memref<102400000xf32, #tpu.memory_space<hbm>>)
    }
    return
  }
}

</mosaic_0001>

<sc_bundles>
// kernel: kernel.3.cloned.1.call-start
scs
__scs_entry_jumppad:
0x0: {  	(pc) =	sbr.rel $0x88, $3  }
0x1: {  	(tag) =	ssettag $0x0;
	lr =	simm.s32 $0x1  }
0x2: {  	[smem:$0x3F9E] =	sst lr;
	_ =	strace $0xD0000000  }
0x3: {  	_ = 	snop  }
0x4: {  	_ = 	snop  }
0x5: {  	_ = 	snop  }
0x6: {  	_ = 	snop  }
0x7: {  	_ = 	snop  }
__scs_overlays_trampoline_lowered:
0x8: {  	[smem:$0x3FAD] =	sst s0  }
0x9: {  	[smem:$0x3FAE] =	sst s1  }
0xa: {  	[smem:$0x3FAF] =	sst s2  }
0xb: {  	[smem:$0x3FB0] =	sst s3  }
0xc: {  	[smem:$0x3FB1] =	sst s4  }
0xd: {  	[smem:$0x3FB2] =	sst s5  }
0xe: {  	[smem:$0x3FB3] =	sst s6  }
0xf: {  	[smem:$0x3FB4] =	sst s7  }
0x10: {  	[smem:$0x3FB5] =	sst s8  }
0x11: {  	[smem:$0x3FB6] =	sst s9;
	s0 =	simm.s32 @!p0 $0x0  }
0x12: {  	s1 =	sld [smem:$0x3F9C];
	s0 =	simm.s32 @p0 $0x1  }
0x13: {  	[smem:$0x3FB7] =	sst s0;
	s0 =	simm.s32 @!p1 $0x0  }
0x14: {  	s2 =	sld [smem:$0x3F9B];
	s0 =	simm.s32 @p1 $0x1  }
0x15: {  	[smem:$0x3FB8] =	sst s0;
	s0 =	simm.s32 @!p2 $0x0  }
0x16: {  	s3 =	sld [smem:$0x3FDB];
	s0 =	simm.s32 @p2 $0x1  }
0x17: {  	s4 =	simm.s32 $0x1BF5;
	[smem:$0x3FBA] =	sst s0  }
0x18: {  	s0 =	sld [smem:$0x3F9D];
	_ =	swait.ge [sflag:s4], $0x0  }
0x19: {  	s7 =	sld [smem:$0x3F9E]  }
0x1a: {  	s8 =	sadd.s32 $0xFFFFE003, lr  }
0x1b: {  	s9 =	sadd.s32 $0xFFFFFEF7, lr;
	s5 =	simm.s32 $0xFFFFFFFF;
	p2 =	slt.u32 s8, $0xFFFFF086  }
0x1c: {  	p1 =	slt.u32 s9, $0xF7A;
	s5 =	simm.s32 @!p2 $0x0  }
0x1d: {  	s5 =	simm.s32 @p1 $0x1;
	p0 =	seq.s32 s7, s2  }
0x1e: {  	s7 =	smul.u32 @!p0 $0xF7A, s2;
	p2 =	seq.s32 @!p0 s5, $0x0  }
0x1f: {  	s9 =	smul.u32 $0xF7A, s1;
	s8 =	simm.s32 @!p0 $0x1BF5;
	p2 =	por !p2, p0  }
0x20: {  	[sflag:s8] =	ssyncset.s32 @!p0 $0xFFFFF086;
	s6 =	sadd.s32 @!p0 s3, s7;
	s7 =	simm.s32 @!p0 $0x108  }
0x21: {  	s3 =	sadd.s32 s3, s9;
	s6 =	sadd.s32 @!p0 $0x88, s6;
	s7 =	simm.s32 @p2 $0x1082  }
0x22: {  	[simem:s7], [sflag:s8] =	dma.local @!p0 [hbm:s6], $0xF7A  }
0x23: {  	s9 =	sor.u32 $0xD0000000, s2;
	s6 =	simm.s32 $0x108;
	_ =	swait.ge @!p0 [sflag:s8], $0x0  }
0x24: {  	s3 =	sadd.s32 $0x88, s3;
	s6 =	simm.s32 @!p1 $0x1082;
	[sflag:s4] =	ssyncset.s32 $0xFFFFF086  }
0x25: {  	[simem:s6], [sflag:s4] =	dma.local [hbm:s3], $0xF7A  }
0x26: {  	[smem:$0x3F9E] =	sst s1;
	(tag) =	ssettag s2;
	_ =	strace s9  }
0x27: {  	s1 =	sld [smem:$0x3FAE]  }
0x28: {  	s2 =	sld [smem:$0x3FAF]  }
0x29: {  	s4 =	sld [smem:$0x3FB1]  }
0x2a: {  	p0 =	seq.s32 s5, $0x0;
	s5 =	sld [smem:$0x3FB2]  }
0x2b: {  	s6 =	sld [smem:$0x3FB3]  }
0x2c: {  	s7 =	sld [smem:$0x3FB4]  }
0x2d: {  	s3 =	simm.s32 $0x108;
	s8 =	sld [smem:$0x3FB5]  }
0x2e: {  	s3 =	simm.s32 @!p0 $0x1082;
	s9 =	sld [smem:$0x3FB6]  }
0x2f: {  	lr =	sadd.s32 s0, s3;
	s0 =	sld [smem:$0x3FAD]  }
0x30: {  	s3 =	sld [smem:$0x3FB0]  }
0x31: {  	[smem:$0x3FB9] =	sst s10  }
0x32: {  	s10 =	sld [smem:$0x3FB7];
	_ =	sdelay $0x3  }
0x33: {  	p0 =	seq.s32 s10, $0x1;
	s10 =	sld [smem:$0x3FB9];
	_ =	sdelay $0x3  }
0x34: {  	[smem:$0x3FB9] =	sst s10  }
0x35: {  	s10 =	sld [smem:$0x3FB8];
	_ =	sdelay $0x3  }
0x36: {  	p1 =	seq.s32 s10, $0x1;
	s10 =	sld [smem:$0x3FB9];
	_ =	sdelay $0x3  }
0x37: {  	[smem:$0x3FB9] =	sst s10  }
0x38: {  	s10 =	sld [smem:$0x3FBA]  }
0x39: {  	_ = 	snop;
	(pc) =	sbr.ind lr, $3  }
0x3a: {  	_ = 	snop  }
0x3b: {  	_ = 	snop  }
0x3c: {  	p2 =	seq.s32 s10, $0x1;
	s10 =	sld [smem:$0x3FB9]  }
0x3d: {  	_ =	shalt  }
0x3e: {  	_ =	shalt  }
0x3f: {  	_ =	shalt  }
0x40: {  	_ =	shalt  }
0x41: {  	_ =	shalt  }
0x42: {  	_ =	shalt  }
0x43: {  	_ =	shalt  }
0x44: {  	_ =	shalt  }
0x45: {  	_ =	shalt  }
0x46: {  	_ =	shalt  }
0x47: {  	_ =	shalt  }
0x48: {  	_ =	shalt  }
0x49: {  	_ =	shalt  }
0x4a: {  	_ =	shalt  }
0x4b: {  	_ =	shalt  }
0x4c: {  	_ =	shalt  }
0x4d: {  	_ =	shalt  }
0x4e: {  	_ =	shalt  }
0x4f: {  	_ =	shalt  }
0x50: {  	_ =	shalt  }
0x51: {  	_ =	shalt  }
0x52: {  	_ =	shalt  }
0x53: {  	_ =	shalt  }
0x54: {  	_ =	shalt  }
0x55: {  	_ =	shalt  }
0x56: {  	_ =	shalt  }
0x57: {  	_ =	shalt  }
0x58: {  	_ =	shalt  }
0x59: {  	_ =	shalt  }
0x5a: {  	_ =	shalt  }
0x5b: {  	_ =	shalt  }
0x5c: {  	_ =	shalt  }
0x5d: {  	_ =	shalt  }
0x5e: {  	_ =	shalt  }
0x5f: {  	_ =	shalt  }
0x60: {  	_ =	shalt  }
0x61: {  	_ =	shalt  }
0x62: {  	_ =	shalt  }
0x63: {  	_ =	shalt  }
0x64: {  	_ =	shalt  }
0x65: {  	_ =	shalt  }
0x66: {  	_ =	shalt  }
0x67: {  	_ =	shalt  }
0x68: {  	_ =	shalt  }
0x69: {  	_ =	shalt  }
0x6a: {  	_ =	shalt  }
0x6b: {  	_ =	shalt  }
0x6c: {  	_ =	shalt  }
0x6d: {  	_ =	shalt  }
0x6e: {  	_ =	shalt  }
0x6f: {  	_ =	shalt  }
0x70: {  	_ =	shalt  }
0x71: {  	_ =	shalt  }
0x72: {  	_ =	shalt  }
0x73: {  	_ =	shalt  }
0x74: {  	_ =	shalt  }
0x75: {  	_ =	shalt  }
0x76: {  	_ =	shalt  }
0x77: {  	_ =	shalt  }
0x78: {  	_ =	shalt  }
0x79: {  	_ =	shalt  }
0x7a: {  	_ =	shalt  }
0x7b: {  	_ =	shalt  }
0x7c: {  	_ =	shalt  }
0x7d: {  	_ =	shalt  }
0x7e: {  	_ =	shalt  }
0x7f: {  	_ =	shalt  }
0x80: {  	_ =	shalt  }
0x81: {  	_ =	shalt  }
0x82: {  	_ =	shalt  }
0x83: {  	_ =	shalt  }
0x84: {  	_ =	shalt  }
0x85: {  	_ =	shalt  }
0x86: {  	_ =	shalt  }
0x87: {  	_ =	shalt  }
.Lfunc_end0:
.L_simem_size_0:
called_computation_lowered:
.L_overlay_start_0:
0x88: {  	s2 =	sld [smem:$0x3FD9]  }
0x89: {  	s3 =	sld [smem:$0x3FFE];
	_ =	sdelay $0x1  }
0x8a: {  	s1 =	srdreg.scid  }
0x8b: {  	s0 =	sand.u32 $0x1, s1  }
0x8c: {  	s17 =	sshll.u32 s0, $0xA;
	s2 =	sadd.s32 s3, s2  }
0x8d: {  	s2 =	sadd.s32 s2, s17  }
0x8e: {  	[smem:$0x3FC5] =	sst s2  }
0x8f: {  	_ = 	snop  }
0x90: {  	s2 =	sld [smem:$0x3FC9]  }
0x91: {  	s18 =	sld [smem:$0x3FD0];
	(tm) =	ssettm $0x1  }
0x92: {  	s4 =	sld [smem:$0x3FFB];
	_ =	sdelay $0x3  }
0x93: {  	_ =	strace s4  }
0x94: {  	s4 =	sld [smem:$0x3FFC];
	_ =	sdelay $0x3  }
0x95: {  	_ =	strace s4  }
0x96: {  	s4 =	sld [smem:$0x3FFD];
	_ =	sdelay $0x3  }
0x97: {  	_ =	strace s4  }
0x98: {  	_ =	strace $0x8FFFFFFF  }
0x99: {  	s19 =	sld [smem:$0x3FDB];
	_ =	sdelay $0x1  }
0x9a: {  	s5 =	simm.s32 $_scs_section_size  }
0x9b: {  	s6 =	simm.s32 $_size__tile_overlayer_lowered;
	s7 =	simm.s32 $_tile_overlayer_lowered  }
0x9c: {  	s22 =	simm.s32 $0x1BFF;
	s21 =	sshll.u32 s7, $0x1;
	s4 =	sadd.s32 s5, s19  }
0x9d: {  	s8 =	simm.s32 $0x0;
	s20 =	sshll.u32 s6, $0x1;
	s6 =	sadd.s32 s21, s4  }
0x9e: {  	[timem:s8], [sflag:s22] =	dma.local [hbm:s6], s20  }
0x9f: {  	_ =	swait.ge [sflag:s22], s20  }
0xa0: {  	s5 =	ssub.s32 $0x0, s20;
	[sflag:s22] =	ssyncset.done $0x0  }
0xa1: {  	[sflag:s22] =	ssyncadd.s32 s5;
	_ =	sdelay $0x1  }
0xa2: {  	s23 =	simm.s32 $0x1B8B  }
0xa3: {  	_ =	swait.ge [sflag:s23], $0x1  }
0xa4: {  	[sflag:s23] =	ssyncset.done $0x0  }
0xa5: {  	s25 =	simm.s32 $0x1B8E;
	s24 =	sld [smem:$0x3FFE];
	[sflag:s23] =	ssyncadd.s32 $0xFFFFFFFF  }
0xa6: {  	s26 =	simm.s32 $execute0_lowered;
	[smem:$0x3FD2] =	sst s25  }
0xa7: {  	s6 =	sshll.u32 s26, $0x1;
	_ =	strace $0x80000046;
	[dreg:$0x1] =	wrdreg $0xFFFFFFFF  }
0xa8: {  	s28 =	simm.s32 $_size_execute0_lowered;
	s4 =	sadd.s32 s4, s6;
	[dreg:$0x0] =	wrdreg $0x0  }
0xa9: {  	s6 =	sshll.u32 s28, $0x1;
	[dreg:$0x2] =	wrdreg s4  }
0xaa: {  	[dreg:$0x3] =	wrdreg s6  }
0xab: {  	[dreg:$0x4] =	wrdreg $0xC0  }
0xac: {  	_ =	task [dreg:s8], $0x5FFFF  }
0xad: {  	[dreg:$0x1] =	wrdreg $0xFFFFFFFF  }
0xae: {  	[dreg:$0x0] =	wrdreg $0x60  }
0xaf: {  	[dreg:$0x2] =	wrdreg s2  }
0xb0: {  	[dreg:$0x3] =	wrdreg s24  }
0xb1: {  	[dreg:$0x4] =	wrdreg s18  }
0xb2: {  	[dreg:$0x5] =	wrdreg $0x0  }
0xb3: {  	[dreg:$0x6] =	wrdreg $0x3E800  }
0xb4: {  	[dreg:$0x7] =	wrdreg $0x7D000  }
0xb5: {  	[dreg:$0x8] =	wrdreg $0xBB800  }
0xb6: {  	[dreg:$0x9] =	wrdreg $0xFA000  }
0xb7: {  	[dreg:$0xa] =	wrdreg $0x9  }
0xb8: {  	_ =	task.clear_ibuf [dreg:s8], $0xBFFFF;
	_ =	strace $0x90000046  }
0xb9: {  	s29 =	simm.s32 $0x9;
	_ =	strace $0x80000048  }
0xba: {  	_ =	swait.ge [sflag:s29], $0x1  }
0xbb: {  	[sflag:s29] =	ssyncadd.s32 $0xFFFFFFFF  }
0xbc: {  	_ =	strace $0x90000048  }
0xbd: {  	_ =	sfence  }
0xbe: {  	s30 =	sld [smem:$0x0];
	_ =	sdelay $0x2  }
0xbf: {  	s31 =	sshll.u32 s1, $0xD;
	s1 =	sshrl.u32 s1, $0x2  }
0xc0: {  	s3 =	sand.u32 $0x4000, s31;
	s1 =	sadd.s32 s1, s30  }
0xc1: {  	s0 =	sor.u32 s3, s0;
	s1 =	sshll.u32 s1, $0x11  }
0xc2: {  	s0 =	sor.u32 s1, s0  }
0xc3: {  	s0 =	sadd.s32 $0x8F2B, s0  }
0xc4: {  	[sflag:s0] =	ssyncadd.remote.s32 $0x1  }
0xc5: {  	_ =	sfence.sel $0xFFFF  }
0xc6: {  	[dreg:$0x0] =	wrdreg $0xFFFFFFFF;
	(pc) =	sbr.abs _section_cstart, $3  }
0xc7: {  	[dreg:$0x1] =	wrdreg $0xFFFFFFFF  }
0xc8: {  	_ =	task.clear_ibuf [dreg:s8], $0x2FFFF;
	_ =	strace $0x9FFFFFFF  }
0xc9: {  	(tm) =	ssettm $0x7FFFFFFF  }
tec
execute0_lowered:
.L_overlay_start_1:
0x0: {  	(tag) =	ssettag $0x1  }
0x1: {  	s0 =	rddreg [dreg:$0x0]  }
0x2: {  	s1 =	rddreg [dreg:$0x1]  }
0x3: {  	s2 =	rddreg [dreg:$0x2]  }
0x4: {  	s3 =	rddreg [dreg:$0x3]  }
0x5: {  	s4 =	rddreg [dreg:$0x4]  }
0x6: {  	s5 =	rddreg [dreg:$0x5]  }
0x7: {  	s6 =	rddreg [dreg:$0x6]  }
0x8: {  	s8 =	srdreg.scid;
	s13 =	stileid.u32  }
0x9: {  	s7 =	rddreg [dreg:$0x7];
	s8 =	sand.u32 $0x1, s8;
	s11 =	sshrl.u32 s13, $0x3  }
0xa: {  	s10 =	sshll.u32 s13, $0x1;
	s31 =	sshll.u32 s13, $0x7;
	s28 =	smul.u32 $0x1F400, s11  }
0xb: {  	s26 =	ssub.s32 $0x2, s8;
	s8 =	sor.u32 s8, s10;
	s14 =	sand.u32 $0x380, s31  }
0xc: {  	s9 =	simm.s32 $0x0;
	s22 =	smul.u32 $0x30D400, s8;
	s8 =	sor.u32 s14, s28  }
0xd: {  	[smem:$0x7FF] =	sst s9;
	s3 =	sadd.s32 s8, s3  }
0xe: {  	_ =	strace $0x80000047;
	s4 =	sadd.s32 s8, s4;
	[dreg:$0x9] =	wrdreg s3  }
0xf: {  	s5 =	sadd.s32 s8, s5;
	[dreg:$0xa] =	wrdreg s4  }
0x10: {  	s18 =	sadd.s32 s8, s6;
	[dreg:$0xc] =	wrdreg s5  }
0x11: {  	s19 =	sadd.s32 s8, s7;
	[dreg:$0xe] =	wrdreg s18  }
0x12: {  	s6 =	sadd.s32 $0x6800, s1;
	[dreg:$0x10] =	wrdreg s19  }
0x13: {  	s25 =	sadd.s32 $0x3E80, s22;
	s7 =	sadd.s32 $0x6580, s1;
	[dreg:$0x18] =	wrdreg s6  }
0x14: {  	s29 =	sadd.s32 $0x7D00, s22;
	s5 =	sadd.s32 $0x400, s1;
	[dreg:$0x19] =	wrdreg s7  }
0x15: {  	s15 =	sshrl.u32 s25, $0x3;
	s1 =	sadd.s32 $0xC980, s1;
	[dreg:$0x17] =	wrdreg s5  }
0x16: {  	s3 =	sshrl.u32 s22, $0x3;
	s4 =	sadd.s32 s0, s15;
	[dreg:$0x1a] =	wrdreg s1  }
0x17: {  	s16 =	sshrl.u32 s29, $0x3;
	s8 =	sadd.s32 s0, s3;
	[dreg:$0xb] =	wrdreg s4  }
0x18: {  	s21 =	sadd.s32 s2, s3;
	s4 =	sadd.s32 s0, s16;
	[dreg:$0x1b] =	wrdreg s8  }
0x19: {  	s23 =	sadd.s32 $0x5CC60, s21;
	[dreg:$0xd] =	wrdreg s4  }
0x1a: {  	s12 =	sshrl.u32 s26, $0x1;
	s24 =	sadd.s32 $0x5D430, s21;
	[dreg:$0x12] =	wrdreg s23  }
0x1b: {  	s9 =	ssub.s32 s26, s12;
	s26 =	sadd.s32 $0x5DC00, s21;
	[dreg:$0x13] =	wrdreg s24  }
0x1c: {  	s28 =	sadd.s32 $0x5E3D0, s21;
	[dreg:$0x14] =	wrdreg s26  }
0x1d: {  	s10 =	sadd.s32 $0x5F370, s3;
	s31 =	sadd.s32 $0x5EBA0, s21;
	[dreg:$0x15] =	wrdreg s28  }
0x1e: {  	s30 =	sadd.s32 $0xBB80, s22;
	s15 =	sadd.s32 s0, s10;
	[dreg:$0x16] =	wrdreg s31  }
0x1f: {  	s11 =	sadd.s32 $0x5FB40, s3;
	s1 =	sadd.s32 s2, s10;
	[dreg:$0x1c] =	wrdreg s15  }
0x20: {  	s12 =	sadd.s32 $0x60310, s3;
	s16 =	sadd.s32 s0, s11;
	[dreg:$0x1d] =	wrdreg s1  }
0x21: {  	s14 =	sadd.s32 $0x60AE0, s3;
	s19 =	sadd.s32 s0, s12;
	[dreg:$0x1e] =	wrdreg s16  }
0x22: {  	s17 =	sshrl.u32 s30, $0x3;
	s21 =	sadd.s32 s0, s14;
	[smem:$0x7F5] =	sst s19  }
0x23: {  	s18 =	sadd.s32 $0xFA00, s22;
	s4 =	sadd.s32 s0, s17;
	[smem:$0x7F7] =	sst s21  }
0x24: {  	s6 =	simm.s32 $0x1BC80;
	s17 =	sadd.s32 s2, s11;
	[dreg:$0xf] =	wrdreg s4  }
0x25: {  	s3 =	sadd.s32 $0x612B0, s3;
	s23 =	sadd.s32 s2, s14;
	[dreg:$0x1f] =	wrdreg s17  }
0x26: {  	s20 =	sshrl.u32 s18, $0x3;
	s24 =	sadd.s32 s2, s3;
	[smem:$0x7F8] =	sst s23  }
0x27: {  	s10 =	simm.s32 $0xF;
	s28 =	smax.u32 s9, $0x1;
	[smem:$0x7FA] =	sst s24  }
0x28: {  	s26 =	sshll.u32 s13, $0x6;
	s31 =	sadd.s32 $0x30D400, s22;
	[smem:$0x7FB] =	sst s28  }
.Ltmp0:
0x29: {  	s4 =	sadd.s32 s0, s20;
	[smem:$0x7FC] =	sst s26;
	(pc) =	sbr.rel .LBB2_1-.Ltmp0, $4  }
0x2a: {  	s19 =	simm.s32 $0x1;
	s20 =	sadd.s32 s2, s12;
	[dreg:$0x11] =	wrdreg s4  }
0x2b: {  	s21 =	simm.s32 $0x10;
	s0 =	sadd.s32 s0, s3;
	[smem:$0x7F6] =	sst s20  }
0x2c: {  	v2 =	vlaneseq.u32;
	s3 =	simm.s32 $0x18880;
	[smem:$0x7F9] =	sst s0;
	s0 =	sor.u32 $0x1C01, s26  }
0x2d: {  	v3 =	vimm.s32 $0x0;
	v1 =	vmov s22;
	v0 =	vmov s31;
	s20 =	simm.s32 $0x80;
	s4 =	simm.s32 $0x0;
	[smem:$0x7FD] =	sst s0  }
.LBB2_16:
0x2e: {  	[sflag:s10] =	ssyncadd.s32 $0xFFFFFF80;
	s4 =	sld [smem:$0x7EF]  }
.LBB2_17:
0x2f: {  	s0 =	sld [smem:$0x7FB];
	_ =	sdelay $0x1  }
0x30: {  	s4 =	sadd.s32 $0x1, s4  }
0x31: {  	p0 =	sne.s32 s4, s0  }
.Ltmp1:
0x32: {  	_ = 	snop;
	(pc) =	sbr.rel @!p0 .LBB2_18-.Ltmp1, $1  }
0x33: {  	_ =	sdelay $0x3  }
.LBB2_1:
0x34: {  	[smem:$0x7EF] =	sst s4  }
0x35: {  	s7 =	sld [smem:$0x7FD]  }
0x36: {  	s1 =	rddreg [dreg:$0x9]  }
0x37: {  	s0 =	rddreg [dreg:$0x1b];
	s8 =	sshrl.u32 s1, $0x3  }
0x38: {  	[spmem:s8@s20], [sflag:s7] =	dma.strided [hbm:s0@s21], $0x7D0, s19, $0x10   }
0x39: {  	s9 =	sld [smem:$0x7FC];
	_ =	sdelay $0x1  }
0x3a: {  	s1 =	rddreg [dreg:$0xa]  }
0x3b: {  	s0 =	rddreg [dreg:$0xb];
	s5 =	sor.u32 $0x1C02, s9  }
0x3c: {  	s23 =	sshrl.u32 s1, $0x3;
	s11 =	sor.u32 $0x1C03, s9;
	[smem:$0x7F0] =	sst s5  }
0x3d: {  	[spmem:s23@s20], [sflag:s5] =	dma.strided [hbm:s0@s21], $0x7D0, s19, $0x10   }
0x3e: {  	[smem:$0x7F1] =	sst s11  }
0x3f: {  	s0 =	rddreg [dreg:$0xc]  }
0x40: {  	s13 =	sor.u32 $0x1C04, s9;
	s12 =	rddreg [dreg:$0xd];
	s1 =	sshrl.u32 s0, $0x3  }
0x41: {  	[spmem:s1@s20], [sflag:s11] =	dma.strided [hbm:s12@s21], $0x7D0, s19, $0x10   }
0x42: {  	[smem:$0x7F2] =	sst s13  }
0x43: {  	s0 =	rddreg [dreg:$0xe]  }
0x44: {  	s4 =	sor.u32 $0x1C05, s9;
	s14 =	rddreg [dreg:$0xf];
	s31 =	sshrl.u32 s0, $0x3  }
0x45: {  	[spmem:s31@s20], [sflag:s13] =	dma.strided [hbm:s14@s21], $0x7D0, s19, $0x10   }
0x46: {  	[smem:$0x7F3] =	sst s4  }
0x47: {  	s0 =	rddreg [dreg:$0x10]  }
0x48: {  	s15 =	rddreg [dreg:$0x11];
	s16 =	sshrl.u32 s0, $0x3  }
0x49: {  	[spmem:s16@s20], [sflag:s4] =	dma.strided [hbm:s15@s21], $0x7D0, s19, $0x10   }
0x4a: {  	s17 =	simm.s32 $0x0;
	s24 =	simm.s32 $0x13880;
	s0 =	rddreg [dreg:$0x17]  }
0x4b: {  	[tilespmem:s24], [sflag:$0xB] =	stream.linear.gather [hbm4b:s0+s17], $0x1400, $0x38;
	[tilespmem:$0x1F080] =	vst v63  }
0x4c: {  	s28 =	simm.s32 $0x16080;
	s9 =	simm.s32 $0x0;
	s26 =	rddreg [dreg:$0x18]  }
0x4d: {  	[tilespmem:s28], [sflag:$0xD] =	stream.linear.gather [hbm4b:s26+s17], $0x1400, $0x38;
	[tilespmem:$0x1F080] =	vst v63  }
0x4e: {  	v9 =	vimm.f32 $0.0e+00;
	v7 =	vimm.s32 $0x0;
	v8 =	vimm.s32 $0x0;
	s11 =	simm.s32 $0x0;
	[smem:$0x7F4] =	sst s16;
	s26 =	simm.s32 $0x0  }
.LBB2_2:
0x4f: {  	_ =	swait.ge [sflag:s19], $0x7D0  }
0x50: {  	s7 =	smul.u32 $0x27100, s11;
	s13 =	sld [smem:$0x7FC]  }
0x51: {  	s12 =	simm.s32 $0x2;
	[sflag:s19] =	ssyncset.done $0x0  }
0x52: {  	s4 =	simm.s32 $0x3;
	s5 =	sadd.s32 s22, s7;
	[sflag:s19] =	ssyncadd.s32 $0xFFFFF830  }
0x53: {  	s14 =	sadd.s32 s7, s25;
	s5 =	sshrl.u32 s5, $0x3;
	s0 =	sor.u32 $0x1C06, s13  }
0x54: {  	s17 =	sadd.s32 s7, s29;
	s5 =	sadd.s32 s2, s5;
	[smem:$0x7EA] =	sst s0  }
0x55: {  	[hbm:s5@s21], [sflag:s0] =	dma.strided [spmem:s8@s20], $0x7D0, s19, $0x10   }
0x56: {  	s15 =	sor.u32 $0x1C07, s13;
	s24 =	sor.u32 $0x1C08, s13;
	_ =	swait.ge [sflag:s12], $0x7D0  }
0x57: {  	s5 =	sshrl.u32 s14, $0x3;
	s0 =	smov.u32 s29;
	[sflag:s12] =	ssyncset.done $0x0  }
0x58: {  	s5 =	sadd.s32 s2, s5;
	[smem:$0x7EB] =	sst s15;
	[sflag:s12] =	ssyncadd.s32 $0xFFFFF830  }
0x59: {  	[hbm:s5@s21], [sflag:s15] =	dma.strided [spmem:s23@s20], $0x7D0, s19, $0x10   }
0x5a: {  	s29 =	simm.s32 $0x4;
	s5 =	sshrl.u32 s17, $0x3;
	_ =	swait.ge [sflag:s4], $0x7D0  }
0x5b: {  	s15 =	smov.u32 s30;
	s30 =	sadd.s32 s7, s30;
	[sflag:s4] =	ssyncset.done $0x0  }
0x5c: {  	s5 =	sadd.s32 s2, s5;
	[smem:$0x7EC] =	sst s24;
	[sflag:s4] =	ssyncadd.s32 $0xFFFFF830  }
0x5d: {  	[hbm:s5@s21], [sflag:s24] =	dma.strided [spmem:s1@s20], $0x7D0, s19, $0x10   }
0x5e: {  	s5 =	sshrl.u32 s30, $0x3;
	_ =	swait.ge [sflag:s29], $0x7D0  }
0x5f: {  	s12 =	sadd.s32 s2, s5;
	s5 =	sor.u32 $0x1C09, s13;
	[sflag:s29] =	ssyncset.done $0x0  }
0x60: {  	[smem:$0x7ED] =	sst s5;
	[sflag:s29] =	ssyncadd.s32 $0xFFFFF830  }
0x61: {  	[hbm:s12@s21], [sflag:s5] =	dma.strided [spmem:s31@s20], $0x7D0, s19, $0x10   }
0x62: {  	s7 =	sadd.s32 s7, s18;
	s12 =	simm.s32 $0x5  }
0x63: {  	s17 =	sor.u32 $0x1C0A, s13;
	s7 =	sshrl.u32 s7, $0x3;
	_ =	swait.ge [sflag:s12], $0x7D0  }
0x64: {  	s14 =	sadd.s32 s2, s7;
	s4 =	smov.u32 s18;
	[sflag:s12] =	ssyncset.done $0x0  }
0x65: {  	s18 =	simm.s32 $0xB;
	[smem:$0x7EE] =	sst s17;
	[sflag:s12] =	ssyncadd.s32 $0xFFFFF830  }
0x66: {  	[hbm:s14@s21], [sflag:s17] =	dma.strided [spmem:s16@s20], $0x7D0, s19, $0x10   }
0x67: {  	s24 =	sadd.s32 $0x0, s9;
	_ =	swait.ge [sflag:s18], $0x1400  }
0x68: {  	v4 =	vor.u32 s24, v2;
	[sflag:s18] =	ssyncset.done $0x0  }
0x69: {  	v5 =	vmulhi.u32 $0x51EB851F, v4;
	s29 =	simm.s32 $0xD;
	[sflag:s18] =	ssyncadd.s32 $0xFFFFEC00  }
0x6a: {  	_ =	swait.ge [sflag:s29], $0x1400  }
0x6b: {  	v5 =	vshrl.u32 v5, $0x6;
	[sflag:s29] =	ssyncset.done $0x0  }
0x6c: {  	s28 =	simm.s32 $0x138A0;
	v6 =	vmul.u32 $0xFFFFFF38, v5;
	[sflag:s29] =	ssyncadd.s32 $0xFFFFEC00  }
0x6d: {  	v10 =	vmov s24;
	v4 =	vsub.s32 $0x0, v4;
	v11 =	vld [tilespmem:s28+$0xFFFFFFE0]  }
0x6e: {  	vm0 =	veq.s32 v10, v2;
	vm1 =	vne.s32 v6, v4  }
0x6f: {  	vm0 =	vmand vm0, vm1  }
0x70: {  	v4 =	vsel vm0, $0xFFFFFFFF, v3  }
0x71: {  	v4 =	vadd.s32 v4, v5  }
0x72: {  	v6 =	vshll.u32 v4, $0x3;
	v5 =	vshll.u32 v11, $0xA  }
0x73: {  	v6 =	vand.u32 $0xFFFFFC00, v6;
	v10 =	vshll.u32 v11, $0x7;
	v5 =	vand.u32 $0xFFFFE000, v5  }
0x74: {  	v10 =	vand.u32 $0x380, v10;
	v5 =	vadd.s32 v6, v5  }
0x75: {  	v4 =	vand.u32 $0x7F, v4;
	v5 =	vor.u32 v10, v5  }
0x76: {  	v4 =	vor.u32 v4, v5  }
0x77: {  	vm14 =	vge.s32 v4, v1;
	vm15 =	vlt.s32 v4, v0  }
0x78: {  	vm0 =	vmand vm14, vm15  }
0x79: {  	v10 =	vsel vm0, $0x1, v3  }
0x7a: {  	(xrf0) =	vadd.scan.msk.s32 $0xffff, v10;
	_ =	sdelay $0x2  }
0x7b: {  	v5 =	vmov s26  }
0x7c: {  	v5 =	vadd.s32 $0xFFFFFFFF, v5  }
0x7d: {  	v5 =	vbroadcast v5, $0x0  }
0x7e: {  	v6, _, _ =	vpop (xrf0)  }
0x7f: {  	v5 =	vadd.s32 v6, v5  }
0x80: {  	vm4 =	vlt.s32 v5, $0x3200  }
0x81: {  	vm0 =	vmand vm0, vm4  }
0x82: {  	s16 =	simm.s32 $0x160A0;
	v5 =	vnsel vm0, $0x0, v5  }
0x83: {  	v11 =	vld [tilespmem:s16+$0xFFFFFFE0];
	_ =	sdelay $0x3  }
0x84: {  	[tilespmem:v5+s3+$0x0] =	vst.idx.msk vm0, v4  }
0x85: {  	(v2sf) =	vpush v6, $0xF;
	[tilespmem:v5+s6+$0x0] =	vst.idx.msk vm0, v11  }
0x86: {  	v5 =	vld [tilespmem:s28+$0xFFFFFFF0]  }
0x87: {  	s30 =	sadd.s32 $0x10, s24  }
0x88: {  	v6 =	vor.u32 s30, v2  }
0x89: {  	v6 =	vmulhi.u32 $0x51EB851F, v6;
	_ =	sdelay $0x1  }
0x8a: {  	v12 =	vshrl.u32 v6, $0x3;
	v13 =	vshll.u32 v5, $0xA  }
0x8b: {  	v12 =	vand.u32 $0xFFFFC00, v12;
	v5 =	vshll.u32 v5, $0x7;
	v13 =	vand.u32 $0xFFFFE000, v13  }
0x8c: {  	v6 =	vshrl.u32 v6, $0x6;
	v5 =	vand.u32 $0x380, v5;
	v12 =	vadd.s32 v12, v13  }
0x8d: {  	v6 =	vand.u32 $0x7F, v6;
	v5 =	vor.u32 v5, v12  }
0x8e: {  	v12 =	vor.u32 v6, v5  }
0x8f: {  	vm5 =	vge.s32 v12, v1;
	vm6 =	vlt.s32 v12, v0  }
0x90: {  	vm0 =	vmand vm5, vm6  }
0x91: {  	v13 =	vsel vm0, $0x1, v3  }
0x92: {  	(xrf0) =	vadd.scan.msk.s32 $0xffff, v13  }
0x93: {  	s5 =	spop (v2sf)  }
0x94: {  	s14 =	sadd.s32 s26, s5  }
0x95: {  	v5 =	vmov s14  }
0x96: {  	v5 =	vadd.s32 $0xFFFFFFFF, v5  }
0x97: {  	v5 =	vbroadcast v5, $0x0  }
0x98: {  	v6, _, _ =	vpop (xrf0)  }
0x99: {  	v5 =	vadd.s32 v6, v5  }
0x9a: {  	vm7 =	vlt.s32 v5, $0x3200  }
0x9b: {  	vm0 =	vmand vm0, vm7  }
0x9c: {  	v5 =	vnsel vm0, $0x0, v5  }
0x9d: {  	v14 =	vld [tilespmem:s16+$0xFFFFFFF0];
	_ =	sdelay $0x3  }
0x9e: {  	[tilespmem:v5+s3+$0x0] =	vst.idx.msk vm0, v12  }
0x9f: {  	(v2sf) =	vpush v6, $0xF;
	[tilespmem:v5+s6+$0x0] =	vst.idx.msk vm0, v14  }
0xa0: {  	v5 =	vld [tilespmem:s28+$0x0]  }
0xa1: {  	s17 =	sadd.s32 $0x20, s24  }
0xa2: {  	v6 =	vor.u32 s17, v2  }
0xa3: {  	v6 =	vmulhi.u32 $0x51EB851F, v6;
	_ =	sdelay $0x1  }
0xa4: {  	v15 =	vshrl.u32 v6, $0x3;
	v16 =	vshll.u32 v5, $0xA  }
0xa5: {  	v15 =	vand.u32 $0xFFFFC00, v15;
	v5 =	vshll.u32 v5, $0x7;
	v16 =	vand.u32 $0xFFFFE000, v16  }
0xa6: {  	v6 =	vshrl.u32 v6, $0x6;
	v5 =	vand.u32 $0x380, v5;
	v15 =	vadd.s32 v15, v16  }
0xa7: {  	v6 =	vand.u32 $0x7F, v6;
	v5 =	vor.u32 v5, v15  }
0xa8: {  	v15 =	vor.u32 v6, v5  }
0xa9: {  	vm8 =	vge.s32 v15, v1;
	vm9 =	vlt.s32 v15, v0  }
0xaa: {  	vm0 =	vmand vm8, vm9  }
0xab: {  	v16 =	vsel vm0, $0x1, v3  }
0xac: {  	(xrf0) =	vadd.scan.msk.s32 $0xffff, v16  }
0xad: {  	s7 =	spop (v2sf)  }
0xae: {  	s14 =	sadd.s32 s14, s7  }
0xaf: {  	v5 =	vmov s14  }
0xb0: {  	v5 =	vadd.s32 $0xFFFFFFFF, v5  }
0xb1: {  	v5 =	vbroadcast v5, $0x0  }
0xb2: {  	v6, _, _ =	vpop (xrf0)  }
0xb3: {  	v5 =	vadd.s32 v6, v5  }
0xb4: {  	vm10 =	vlt.s32 v5, $0x3200  }
0xb5: {  	vm0 =	vmand vm0, vm10  }
0xb6: {  	v5 =	vnsel vm0, $0x0, v5  }
0xb7: {  	v17 =	vld [tilespmem:s16+$0x0];
	_ =	sdelay $0x3  }
0xb8: {  	[tilespmem:v5+s3+$0x0] =	vst.idx.msk vm0, v15  }
0xb9: {  	(v2sf) =	vpush v6, $0xF;
	[tilespmem:v5+s6+$0x0] =	vst.idx.msk vm0, v17  }
0xba: {  	v5 =	vld [tilespmem:s28+$0x10]  }
0xbb: {  	s12 =	sadd.s32 $0x30, s24  }
0xbc: {  	v6 =	vor.u32 s12, v2  }
0xbd: {  	v6 =	vmulhi.u32 $0x51EB851F, v6;
	_ =	sdelay $0x1  }
0xbe: {  	v18 =	vshrl.u32 v6, $0x3;
	v19 =	vshll.u32 v5, $0xA  }
0xbf: {  	v18 =	vand.u32 $0xFFFFC00, v18;
	v5 =	vshll.u32 v5, $0x7;
	v19 =	vand.u32 $0xFFFFE000, v19  }
0xc0: {  	v6 =	vshrl.u32 v6, $0x6;
	v5 =	vand.u32 $0x380, v5;
	v18 =	vadd.s32 v18, v19  }
0xc1: {  	v6 =	vand.u32 $0x7F, v6;
	v5 =	vor.u32 v5, v18  }
0xc2: {  	v5 =	vor.u32 v6, v5  }
0xc3: {  	vm11 =	vge.s32 v5, v1;
	vm12 =	vlt.s32 v5, v0  }
0xc4: {  	vm0 =	vmand vm11, vm12  }
0xc5: {  	v6 =	vsel vm0, $0x1, v3  }
0xc6: {  	(xrf0) =	vadd.scan.msk.s32 $0xffff, v6  }
0xc7: {  	s18 =	spop (v2sf)  }
0xc8: {  	s14 =	sadd.s32 s14, s18  }
0xc9: {  	v18 =	vmov s14  }
0xca: {  	v18 =	vadd.s32 $0xFFFFFFFF, v18  }
0xcb: {  	v18 =	vbroadcast v18, $0x0  }
0xcc: {  	v19, _, _ =	vpop (xrf0)  }
0xcd: {  	v18 =	vadd.s32 v19, v18;
	(v2sf) =	vpush v19, $0xF  }
0xce: {  	vm13 =	vlt.s32 v18, $0x3200  }
0xcf: {  	vm0 =	vmand vm0, vm13  }
0xd0: {  	p0 =	sgt.s32 s5, $0x0;
	v18 =	vnsel vm0, $0x0, v18  }
0xd1: {  	s24 =	sadd.s32 $0x40, s9;
	v8 =	vpsel p0, v4, v8;
	v9 =	vpsel p0, v11, v9;
	p1 =	sgt.s32 s7, $0x0;
	v4 =	vld [tilespmem:s16+$0x10]  }
0xd2: {  	s26 =	sadd.s32 $0x10, s24;
	v7 =	vpsel p0, v10, v7;
	v11 =	vor.u32 s24, v2;
	v10 =	vpsel p1, v12, v8  }
0xd3: {  	s29 =	sadd.s32 $0x20, s24;
	v7 =	vpsel p1, v13, v7;
	v12 =	vmulhi.u32 $0x51EB851F, v11;
	v13 =	vor.u32 s26, v2  }
0xd4: {  	v8 =	vpsel p1, v14, v9;
	v14 =	vor.u32 s29, v2;
	v13 =	vmulhi.u32 $0x51EB851F, v13  }
0xd5: {  	v11 =	vsub.s32 $0x0, v11;
	v14 =	vmulhi.u32 $0x51EB851F, v14;
	v12 =	vshrl.u32 v12, $0x6;
	p6 =	sgt.s32 s18, $0x0;
	[tilespmem:v18+s3+$0x0] =	vst.idx.msk vm0, v5  }
0xd6: {  	s13 =	sadd.s32 $0x30, s24;
	s26 =	simm.s32 $0x138E0;
	v8 =	vpsel p6, v17, v8;
	v7 =	vpsel p6, v16, v7;
	v16 =	vmul.u32 $0xFFFFFF38, v12;
	[tilespmem:v18+s6+$0x0] =	vst.idx.msk vm0, v4  }
0xd7: {  	v9 =	vpsel p6, v15, v10;
	v10 =	vmov s24;
	v17 =	vor.u32 s13, v2;
	v20 =	vld [tilespmem:s26+$0xFFFFFFE0]  }
0xd8: {  	vm14 =	veq.s32 v10, v2;
	v10 =	vmulhi.u32 $0x51EB851F, v17;
	vm15 =	vne.s32 v16, v11  }
0xd9: {  	v15 =	vshrl.u32 v13, $0x6;
	v16 =	vshrl.u32 v13, $0x3;
	vm0 =	vmand vm14, vm15  }
0xda: {  	v13 =	vshrl.u32 v10, $0x6;
	v19 =	vshrl.u32 v14, $0x3;
	v11 =	vsel vm0, $0xFFFFFFFF, v3  }
0xdb: {  	v18 =	vshrl.u32 v14, $0x6;
	v14 =	vshrl.u32 v10, $0x3;
	v10 =	vadd.s32 v11, v12  }
0xdc: {  	v17 =	vshll.u32 v10, $0x3;
	v11 =	vshll.u32 v20, $0xA;
	v20 =	vshll.u32 v20, $0x7;
	s30 =	spop (v2sf)  }
0xdd: {  	s28 =	simm.s32 $0x80;
	v17 =	vand.u32 $0xFFFFFC00, v17;
	p0 =	sgt.s32 s30, $0x0;
	s12 =	sadd.s32 s14, s30;
	v12 =	vand.u32 $0xFFFFE000, v11;
	v11 =	vand.u32 $0x380, v20  }
.LBB2_3:
0xde: {  	p1 =	sne.s32 s28, $0x13C0  }
0xdf: {  	v12 =	vadd.s32 v17, v12;
	v5 =	vpsel p0, v5, v9;
	v4 =	vpsel p0, v4, v8;
	s16 =	sadd.s32 $0x40, s16;
	s29 =	smov.u32 s28;
	s28 =	sadd.s32 $0x40, s28  }
0xe0: {  	v9 =	vand.u32 $0x7F, v10;
	v6 =	vpsel p0, v6, v7;
	v8 =	vor.u32 v11, v12  }
0xe1: {  	v7 =	vor.u32 v9, v8  }
0xe2: {  	vm0 =	vge.s32 v7, v1;
	vm1 =	vlt.s32 v7, v0  }
0xe3: {  	vm0 =	vmand vm0, vm1  }
0xe4: {  	v8 =	vsel vm0, $0x1, v3  }
0xe5: {  	(xrf0) =	vadd.scan.msk.s32 $0xffff, v8;
	_ =	sdelay $0x2  }
0xe6: {  	v9 =	vmov s12  }
0xe7: {  	v9 =	vadd.s32 $0xFFFFFFFF, v9  }
0xe8: {  	v9 =	vbroadcast v9, $0x0  }
0xe9: {  	v10, _, _ =	vpop (xrf0)  }
0xea: {  	v9 =	vadd.s32 v10, v9;
	(v2sf) =	vpush v10, $0xF  }
0xeb: {  	vm1 =	vlt.s32 v9, $0x3200  }
0xec: {  	vm0 =	vmand vm0, vm1  }
0xed: {  	v9 =	vnsel vm0, $0x0, v9  }
0xee: {  	v10 =	vld [tilespmem:s16+$0xFFFFFFE0];
	_ =	sdelay $0x3  }
0xef: {  	[tilespmem:v9+s3+$0x0] =	vst.idx.msk vm0, v7  }
0xf0: {  	[tilespmem:v9+s6+$0x0] =	vst.idx.msk vm0, v10  }
0xf1: {  	v9 =	vld [tilespmem:s26+$0xFFFFFFF0];
	_ =	sdelay $0x4  }
0xf2: {  	v11 =	vshll.u32 v9, $0xA;
	v9 =	vshll.u32 v9, $0x7;
	s13 =	spop (v2sf)  }
0xf3: {  	v12 =	vand.u32 $0xFFFFC00, v16;
	p0 =	sgt.s32 s13, $0x0;
	s12 =	sadd.s32 s12, s13;
	v11 =	vand.u32 $0xFFFFE000, v11  }
0xf4: {  	v9 =	vand.u32 $0x380, v9;
	v11 =	vadd.s32 v12, v11;
	v12 =	vmov s12  }
0xf5: {  	v9 =	vor.u32 v9, v11;
	v11 =	vand.u32 $0x7F, v15;
	v12 =	vadd.s32 $0xFFFFFFFF, v12  }
0xf6: {  	v5 =	vpsel p0, v7, v5;
	v7 =	vpsel p0, v10, v4;
	v9 =	vor.u32 v11, v9  }
0xf7: {  	v6 =	vpsel p0, v8, v6;
	vm0 =	vge.s32 v9, v1;
	vm1 =	vlt.s32 v9, v0  }
0xf8: {  	vm0 =	vmand vm0, vm1  }
0xf9: {  	v8 =	vsel vm0, $0x1, v3  }
0xfa: {  	(xrf0) =	vadd.scan.msk.s32 $0xffff, v8;
	_ =	sdelay $0x4  }
0xfb: {  	v4 =	vbroadcast v12, $0x0  }
0xfc: {  	v10, _, _ =	vpop (xrf0)  }
0xfd: {  	v4 =	vadd.s32 v10, v4;
	(v2sf) =	vpush v10, $0xF  }
0xfe: {  	vm1 =	vlt.s32 v4, $0x3200  }
0xff: {  	vm0 =	vmand vm0, vm1  }
0x100: {  	v4 =	vnsel vm0, $0x0, v4  }
0x101: {  	v10 =	vld [tilespmem:s16+$0xFFFFFFF0];
	_ =	sdelay $0x3  }
0x102: {  	[tilespmem:v4+s3+$0x0] =	vst.idx.msk vm0, v9  }
0x103: {  	[tilespmem:v4+s6+$0x0] =	vst.idx.msk vm0, v10  }
0x104: {  	v4 =	vld [tilespmem:s26+$0x0];
	_ =	sdelay $0x4  }
0x105: {  	v11 =	vshll.u32 v4, $0xA;
	v4 =	vshll.u32 v4, $0x7;
	s13 =	spop (v2sf)  }
0x106: {  	v12 =	vand.u32 $0xFFFFC00, v19;
	s12 =	sadd.s32 s12, s13;
	v11 =	vand.u32 $0xFFFFE000, v11  }
0x107: {  	v4 =	vand.u32 $0x380, v4;
	v11 =	vadd.s32 v12, v11;
	v12 =	vmov s12  }
0x108: {  	v4 =	vor.u32 v4, v11;
	v11 =	vand.u32 $0x7F, v18;
	v12 =	vadd.s32 $0xFFFFFFFF, v12  }
0x109: {  	v11 =	vor.u32 v11, v4  }
0x10a: {  	vm0 =	vge.s32 v11, v1;
	vm1 =	vlt.s32 v11, v0  }
0x10b: {  	vm0 =	vmand vm0, vm1  }
0x10c: {  	v15 =	vsel vm0, $0x1, v3  }
0x10d: {  	(xrf0) =	vadd.scan.msk.s32 $0xffff, v15;
	_ =	sdelay $0x4  }
0x10e: {  	v4 =	vbroadcast v12, $0x0  }
0x10f: {  	v12, _, _ =	vpop (xrf0)  }
0x110: {  	v4 =	vadd.s32 v12, v4;
	(v2sf) =	vpush v12, $0xF  }
0x111: {  	vm1 =	vlt.s32 v4, $0x3200  }
0x112: {  	vm0 =	vmand vm0, vm1  }
0x113: {  	v4 =	vnsel vm0, $0x0, v4  }
0x114: {  	v12 =	vld [tilespmem:s16+$0x0];
	_ =	sdelay $0x3  }
0x115: {  	[tilespmem:v4+s3+$0x0] =	vst.idx.msk vm0, v11  }
0x116: {  	[tilespmem:v4+s6+$0x0] =	vst.idx.msk vm0, v12  }
0x117: {  	v16 =	vld [tilespmem:s26+$0x10]  }
0x118: {  	v4 =	vld [tilespmem:s16+$0x10];
	_ =	sdelay $0x2  }
0x119: {  	v13 =	vand.u32 $0x7F, v13  }
0x11a: {  	v14 =	vand.u32 $0xFFFFC00, v14;
	p0 =	sgt.s32 s13, $0x0;
	v17 =	vshll.u32 v16, $0xA;
	v16 =	vshll.u32 v16, $0x7;
	s13 =	spop (v2sf)  }
0x11b: {  	v9 =	vpsel p0, v9, v5;
	v5 =	vpsel p0, v10, v7;
	p2 =	sgt.s32 s13, $0x0;
	s12 =	sadd.s32 s12, s13;
	v7 =	vand.u32 $0xFFFFE000, v17  }
0x11c: {  	v10 =	vand.u32 $0x380, v16;
	v7 =	vadd.s32 v14, v7;
	v14 =	vmov s12  }
0x11d: {  	v6 =	vpsel p0, v8, v6;
	v10 =	vor.u32 v10, v7;
	v14 =	vadd.s32 $0xFFFFFFFF, v14  }
0x11e: {  	v8 =	vpsel p2, v12, v5;
	v7 =	vpsel p2, v15, v6;
	v5 =	vor.u32 v13, v10  }
0x11f: {  	v9 =	vpsel p2, v11, v9;
	vm0 =	vge.s32 v5, v1;
	vm1 =	vlt.s32 v5, v0  }
0x120: {  	vm0 =	vmand vm0, vm1  }
0x121: {  	v6 =	vsel vm0, $0x1, v3  }
0x122: {  	(xrf0) =	vadd.scan.msk.s32 $0xffff, v6;
	_ =	sdelay $0x4  }
0x123: {  	v10 =	vbroadcast v14, $0x0  }
0x124: {  	v11, _, _ =	vpop (xrf0)  }
0x125: {  	v10 =	vadd.s32 v11, v10;
	(v2sf) =	vpush v11, $0xF  }
0x126: {  	vm1 =	vlt.s32 v10, $0x3200  }
0x127: {  	vm0 =	vmand vm0, vm1  }
0x128: {  	v10 =	vnsel vm0, $0x0, v10  }
0x129: {  	s13 =	sadd.s32 s29, s9  }
0x12a: {  	v12 =	vor.u32 s13, v2;
	s14 =	sadd.s32 $0x10, s13;
	s17 =	sadd.s32 $0x20, s13;
	v11 =	vmov s13;
	s13 =	sadd.s32 $0x30, s13  }
0x12b: {  	v15 =	vor.u32 s17, v2;
	v13 =	vmulhi.u32 $0x51EB851F, v12;
	v14 =	vor.u32 s14, v2  }
0x12c: {  	v14 =	vmulhi.u32 $0x51EB851F, v14;
	v17 =	vor.u32 s13, v2  }
0x12d: {  	v20 =	vshrl.u32 v13, $0x6;
	v13 =	vmulhi.u32 $0x51EB851F, v15;
	[tilespmem:v10+s3+$0x0] =	vst.idx.msk vm0, v5  }
0x12e: {  	s26 =	sadd.s32 $0x40, s26;
	v21 =	vmul.u32 $0xFFFFFF38, v20;
	v15 =	vshrl.u32 v14, $0x6;
	v16 =	vshrl.u32 v14, $0x3;
	[tilespmem:v10+s6+$0x0] =	vst.idx.msk vm0, v4  }
0x12f: {  	v18 =	vshrl.u32 v13, $0x6;
	v19 =	vshrl.u32 v13, $0x3;
	v10 =	vsub.s32 $0x0, v12;
	v22 =	vld [tilespmem:s26+$0xFFFFFFE0]  }
0x130: {  	vm0 =	veq.s32 v11, v2;
	vm1 =	vne.s32 v21, v10;
	v10 =	vmulhi.u32 $0x51EB851F, v17  }
.Ltmp2:
0x131: {  	vm0 =	vmand vm0, vm1;
	(pc) =	sbr.rel @p1 .LBB2_3-.Ltmp2, $4  }
0x132: {  	v11 =	vsel vm0, $0xFFFFFFFF, v3;
	v13 =	vshrl.u32 v10, $0x6;
	v14 =	vshrl.u32 v10, $0x3  }
0x133: {  	v10 =	vadd.s32 v11, v20  }
0x134: {  	v17 =	vshll.u32 v10, $0x3;
	v11 =	vshll.u32 v22, $0xA;
	v20 =	vshll.u32 v22, $0x7;
	s13 =	spop (v2sf)  }
0x135: {  	v17 =	vand.u32 $0xFFFFFC00, v17;
	v12 =	vand.u32 $0xFFFFE000, v11;
	v11 =	vand.u32 $0x380, v20;
	p0 =	sgt.s32 s13, $0x0;
	s12 =	sadd.s32 s12, s13  }
0x136: {  	v12 =	vadd.s32 v17, v12  }
0x137: {  	v10 =	vand.u32 $0x7F, v10;
	v11 =	vor.u32 v11, v12  }
0x138: {  	v10 =	vor.u32 v10, v11  }
0x139: {  	vm0 =	vge.s32 v10, v1;
	vm1 =	vlt.s32 v10, v0  }
0x13a: {  	vm0 =	vmand vm0, vm1  }
0x13b: {  	v11 =	vsel vm0, $0x1, v3  }
0x13c: {  	(xrf0) =	vadd.scan.msk.s32 $0xffff, v11;
	_ =	sdelay $0x2  }
0x13d: {  	v12 =	vmov s12  }
0x13e: {  	v12 =	vadd.s32 $0xFFFFFFFF, v12  }
0x13f: {  	v12 =	vbroadcast v12, $0x0  }
0x140: {  	v17, _, _ =	vpop (xrf0)  }
0x141: {  	v12 =	vadd.s32 v17, v12  }
0x142: {  	vm6 =	vlt.s32 v12, $0x3200  }
0x143: {  	vm0 =	vmand vm0, vm6  }
0x144: {  	s13 =	sadd.s32 $0x40, s16;
	v20 =	vnsel vm0, $0x0, v12  }
0x145: {  	v12 =	vld [tilespmem:s13+$0xFFFFFFE0];
	_ =	sdelay $0x3  }
0x146: {  	[tilespmem:v20+s3+$0x0] =	vst.idx.msk vm0, v10  }
0x147: {  	(v2sf) =	vpush v17, $0xF;
	[tilespmem:v20+s6+$0x0] =	vst.idx.msk vm0, v12  }
0x148: {  	v17 =	vld [tilespmem:s26+$0xFFFFFFF0];
	_ =	sdelay $0x4  }
0x149: {  	v49 =	vshll.u32 v17, $0xA  }
0x14a: {  	v16 =	vand.u32 $0xFFFFC00, v16;
	v17 =	vshll.u32 v17, $0x7;
	v20 =	vand.u32 $0xFFFFE000, v49  }
0x14b: {  	v17 =	vand.u32 $0x380, v17;
	v16 =	vadd.s32 v16, v20  }
0x14c: {  	v15 =	vand.u32 $0x7F, v15;
	v16 =	vor.u32 v17, v16  }
0x14d: {  	v15 =	vor.u32 v15, v16  }
0x14e: {  	vm7 =	vge.s32 v15, v1;
	vm8 =	vlt.s32 v15, v0  }
0x14f: {  	vm0 =	vmand vm7, vm8  }
0x150: {  	v16 =	vsel vm0, $0x1, v3  }
0x151: {  	(xrf0) =	vadd.scan.msk.s32 $0xffff, v16  }
0x152: {  	s28 =	spop (v2sf)  }
0x153: {  	s5 =	sadd.s32 s12, s28  }
0x154: {  	v17 =	vmov s5  }
0x155: {  	v17 =	vadd.s32 $0xFFFFFFFF, v17  }
0x156: {  	v17 =	vbroadcast v17, $0x0  }
0x157: {  	v50, _, _ =	vpop (xrf0)  }
0x158: {  	v17 =	vadd.s32 v50, v17  }
0x159: {  	vm9 =	vlt.s32 v17, $0x3200  }
0x15a: {  	vm0 =	vmand vm0, vm9  }
0x15b: {  	v21 =	vnsel vm0, $0x0, v17  }
0x15c: {  	v17 =	vld [tilespmem:s13+$0xFFFFFFF0];
	_ =	sdelay $0x3  }
0x15d: {  	[tilespmem:v21+s3+$0x0] =	vst.idx.msk vm0, v15  }
0x15e: {  	(v2sf) =	vpush v50, $0xF;
	[tilespmem:v21+s6+$0x0] =	vst.idx.msk vm0, v17  }
0x15f: {  	v51 =	vld [tilespmem:s26+$0x0];
	_ =	sdelay $0x4  }
0x160: {  	v52 =	vshll.u32 v51, $0xA  }
0x161: {  	v19 =	vand.u32 $0xFFFFC00, v19;
	v20 =	vshll.u32 v51, $0x7;
	v21 =	vand.u32 $0xFFFFE000, v52  }
0x162: {  	v20 =	vand.u32 $0x380, v20;
	v19 =	vadd.s32 v19, v21  }
0x163: {  	v18 =	vand.u32 $0x7F, v18;
	v19 =	vor.u32 v20, v19  }
0x164: {  	v18 =	vor.u32 v18, v19  }
0x165: {  	vm10 =	vge.s32 v18, v1;
	vm11 =	vlt.s32 v18, v0  }
0x166: {  	vm0 =	vmand vm10, vm11  }
0x167: {  	v19 =	vsel vm0, $0x1, v3  }
0x168: {  	(xrf0) =	vadd.scan.msk.s32 $0xffff, v19  }
0x169: {  	s29 =	spop (v2sf)  }
0x16a: {  	s12 =	sadd.s32 s5, s29  }
0x16b: {  	v53 =	vmov s12  }
0x16c: {  	v20 =	vadd.s32 $0xFFFFFFFF, v53  }
0x16d: {  	v20 =	vbroadcast v20, $0x0  }
0x16e: {  	v54, _, _ =	vpop (xrf0)  }
0x16f: {  	v20 =	vadd.s32 v54, v20  }
0x170: {  	vm12 =	vlt.s32 v20, $0x3200  }
0x171: {  	vm0 =	vmand vm0, vm12  }
0x172: {  	v22 =	vnsel vm0, $0x0, v20  }
0x173: {  	v55 =	vld [tilespmem:s13+$0x0];
	_ =	sdelay $0x3  }
0x174: {  	[tilespmem:v22+s3+$0x0] =	vst.idx.msk vm0, v18  }
0x175: {  	[tilespmem:v22+s6+$0x0] =	vst.idx.msk vm0, v55  }
0x176: {  	v22 =	vld [tilespmem:s26+$0x10]  }
0x177: {  	(v2sf) =	vpush v54, $0xF;
	_ =	sdelay $0x3  }
0x178: {  	v56 =	vshll.u32 v22, $0xA  }
0x179: {  	v14 =	vand.u32 $0xFFFFC00, v14;
	v22 =	vshll.u32 v22, $0x7;
	v21 =	vand.u32 $0xFFFFE000, v56  }
0x17a: {  	v57 =	vand.u32 $0x380, v22;
	v14 =	vadd.s32 v14, v21  }
0x17b: {  	v13 =	vand.u32 $0x7F, v13;
	v14 =	vor.u32 v57, v14  }
0x17c: {  	v21 =	vor.u32 v13, v14  }
0x17d: {  	vm13 =	vge.s32 v21, v1;
	vm14 =	vlt.s32 v21, v0  }
0x17e: {  	vm0 =	vmand vm13, vm14  }
0x17f: {  	v58 =	vsel vm0, $0x1, v3  }
0x180: {  	(xrf0) =	vadd.scan.msk.s32 $0xffff, v58;
	_ =	sdelay $0x2  }
0x181: {  	s26 =	spop (v2sf)  }
0x182: {  	s12 =	sadd.s32 s12, s26  }
0x183: {  	v14 =	vmov s12  }
0x184: {  	v14 =	vadd.s32 $0xFFFFFFFF, v14;
	v13, _, _ =	vpop (xrf0)  }
0x185: {  	v14 =	vbroadcast v14, $0x0;
	(v2sf) =	vpush v13, $0xF;
	_ =	sdelay $0x1  }
0x186: {  	v13 =	vadd.s32 v13, v14  }
0x187: {  	vm15 =	vlt.s32 v13, $0x3200  }
0x188: {  	vm0 =	vmand vm0, vm15  }
0x189: {  	v13 =	vnsel vm0, $0x0, v13  }
0x18a: {  	v23 =	vld [tilespmem:s13+$0x10]  }
0x18b: {  	s13 =	sshllo.u32 s11, $0x1  }
0x18c: {  	s14 =	smul.u32 $0x1400, s13;
	_ =	sdelay $0x1  }
0x18d: {  	s17 =	simm.s32 $0x0;
	s5 =	rddreg [dreg:$0x17];
	s14 =	sshrl.u32 s14, $0x3;
	[tilespmem:v13+s3+$0x0] =	vst.idx.msk vm0, v21  }
0x18e: {  	s18 =	simm.s32 $0x14C80;
	s24 =	rddreg [dreg:$0x18];
	s7 =	sadd.s32 s5, s14;
	[tilespmem:v13+s6+$0x0] =	vst.idx.msk vm0, v23  }
0x18f: {  	[tilespmem:s18], [sflag:$0xC] =	stream.linear.gather [hbm4b:s7+s17], $0x1400, $0x38;
	[tilespmem:$0x1F080] =	vst v63  }
0x190: {  	s14 =	sadd.s32 s24, s14;
	s7 =	simm.s32 $0x17480  }
0x191: {  	[tilespmem:s7], [sflag:$0xE] =	stream.linear.gather [hbm4b:s14+s17], $0x1400, $0x38;
	[tilespmem:$0x1F080] =	vst v63  }
0x192: {  	s16 =	simm.s32 $0x6;
	s30 =	spop (v2sf)  }
0x193: {  	s13 =	smul.u32 $0x13880, s13;
	_ =	swait.ge [sflag:s16], $0x7D0  }
0x194: {  	[sflag:s16] =	ssyncset.done $0x0  }
0x195: {  	s17 =	sadd.s32 s22, s13;
	s24 =	sld [smem:$0x7FD];
	[sflag:s16] =	ssyncadd.s32 $0xFFFFF830  }
0x196: {  	s14 =	sshrl.u32 s17, $0x3;
	s5 =	rddreg [dreg:$0x0]  }
0x197: {  	s18 =	smov.u32 s22;
	s7 =	simm.s32 $0x7;
	s22 =	sadd.s32 s5, s14  }
0x198: {  	[spmem:s8@s20], [sflag:s24] =	dma.strided [hbm:s22@s21], $0x7D0, s19, $0x10   }
0x199: {  	_ =	swait.ge [sflag:s7], $0x7D0  }
0x19a: {  	[sflag:s7] =	ssyncset.done $0x0  }
0x19b: {  	s22 =	sadd.s32 s13, s25;
	[sflag:s7] =	ssyncadd.s32 $0xFFFFF830;
	s7 =	sld [smem:$0x7F0]  }
0x19c: {  	s16 =	sshrl.u32 s22, $0x3  }
0x19d: {  	s24 =	smov.u32 s25;
	s25 =	sadd.s32 s5, s16  }
0x19e: {  	[spmem:s23@s20], [sflag:s7] =	dma.strided [hbm:s25@s21], $0x7D0, s19, $0x10   }
0x19f: {  	s7 =	simm.s32 $0x8  }
0x1a0: {  	s25 =	sadd.s32 s13, s0;
	_ =	swait.ge [sflag:s7], $0x7D0  }
0x1a1: {  	s17 =	sshrl.u32 s25, $0x3;
	s25 =	sld [smem:$0x7F1]  }
0x1a2: {  	[sflag:s7] =	ssyncset.done $0x0  }
0x1a3: {  	[sflag:s7] =	ssyncadd.s32 $0xFFFFF830;
	s7 =	sadd.s32 s5, s17  }
0x1a4: {  	[spmem:s1@s20], [sflag:s25] =	dma.strided [hbm:s7@s21], $0x7D0, s19, $0x10   }
0x1a5: {  	s25 =	simm.s32 $0x9  }
0x1a6: {  	s7 =	sadd.s32 s13, s15;
	_ =	swait.ge [sflag:s25], $0x7D0  }
0x1a7: {  	s22 =	sshrl.u32 s7, $0x3;
	s7 =	sld [smem:$0x7F2]  }
0x1a8: {  	[sflag:s25] =	ssyncset.done $0x0  }
0x1a9: {  	[sflag:s25] =	ssyncadd.s32 $0xFFFFF830;
	s25 =	sadd.s32 s5, s22  }
0x1aa: {  	[spmem:s31@s20], [sflag:s7] =	dma.strided [hbm:s25@s21], $0x7D0, s19, $0x10   }
0x1ab: {  	s13 =	sadd.s32 s13, s4;
	s7 =	simm.s32 $0xA  }
0x1ac: {  	s13 =	sshrl.u32 s13, $0x3;
	_ =	swait.ge [sflag:s7], $0x7D0  }
0x1ad: {  	s25 =	sadd.s32 s5, s13;
	[sflag:s7] =	ssyncset.done $0x0;
	s5 =	sld [smem:$0x7F3]  }
0x1ae: {  	[sflag:s7] =	ssyncadd.s32 $0xFFFFF830;
	s7 =	sld [smem:$0x7F4];
	_ =	sdelay $0x2  }
0x1af: {  	[spmem:s7@s20], [sflag:s5] =	dma.strided [hbm:s25@s21], $0x7D0, s19, $0x10   }
0x1b0: {  	_ =	swait.ge [sflag:s19], $0x7D0  }
0x1b1: {  	s25 =	sld [smem:$0x7EA]  }
0x1b2: {  	[sflag:s19] =	ssyncset.done $0x0  }
0x1b3: {  	s14 =	sadd.s32 s2, s14;
	[sflag:s19] =	ssyncadd.s32 $0xFFFFF830  }
0x1b4: {  	[hbm:s14@s21], [sflag:s25] =	dma.strided [spmem:s8@s20], $0x7D0, s19, $0x10   }
0x1b5: {  	s14 =	simm.s32 $0x2  }
0x1b6: {  	_ =	swait.ge [sflag:s14], $0x7D0  }
0x1b7: {  	s25 =	sld [smem:$0x7EB]  }
0x1b8: {  	[sflag:s14] =	ssyncset.done $0x0  }
0x1b9: {  	s16 =	sadd.s32 s2, s16;
	[sflag:s14] =	ssyncadd.s32 $0xFFFFF830  }
0x1ba: {  	[hbm:s16@s21], [sflag:s25] =	dma.strided [spmem:s23@s20], $0x7D0, s19, $0x10   }
0x1bb: {  	s16 =	simm.s32 $0x3  }
0x1bc: {  	_ =	swait.ge [sflag:s16], $0x7D0  }
0x1bd: {  	s25 =	sld [smem:$0x7EC]  }
0x1be: {  	[sflag:s16] =	ssyncset.done $0x0  }
0x1bf: {  	s17 =	sadd.s32 s2, s17;
	s14 =	simm.s32 $0x4;
	[sflag:s16] =	ssyncadd.s32 $0xFFFFF830  }
0x1c0: {  	[hbm:s17@s21], [sflag:s25] =	dma.strided [spmem:s1@s20], $0x7D0, s19, $0x10   }
0x1c1: {  	_ =	swait.ge [sflag:s14], $0x7D0  }
0x1c2: {  	s17 =	sld [smem:$0x7ED]  }
0x1c3: {  	[sflag:s14] =	ssyncset.done $0x0  }
0x1c4: {  	s16 =	sadd.s32 s2, s22;
	s22 =	simm.s32 $0x5;
	[sflag:s14] =	ssyncadd.s32 $0xFFFFF830  }
0x1c5: {  	[hbm:s16@s21], [sflag:s17] =	dma.strided [spmem:s31@s20], $0x7D0, s19, $0x10   }
0x1c6: {  	_ =	swait.ge [sflag:s22], $0x7D0  }
0x1c7: {  	s25 =	sld [smem:$0x7EE]  }
0x1c8: {  	[sflag:s22] =	ssyncset.done $0x0  }
0x1c9: {  	s13 =	sadd.s32 s2, s13;
	s14 =	simm.s32 $0xC;
	[sflag:s22] =	ssyncadd.s32 $0xFFFFF830  }
0x1ca: {  	[hbm:s13@s21], [sflag:s25] =	dma.strided [spmem:s7@s20], $0x7D0, s19, $0x10   }
0x1cb: {  	_ =	swait.ge [sflag:s14], $0x1400  }
0x1cc: {  	[sflag:s14] =	ssyncset.done $0x0  }
0x1cd: {  	s16 =	simm.s32 $0xE;
	[sflag:s14] =	ssyncadd.s32 $0xFFFFEC00  }
0x1ce: {  	_ =	swait.ge [sflag:s16], $0x1400  }
0x1cf: {  	[sflag:s16] =	ssyncset.done $0x0  }
0x1d0: {  	s13 =	simm.s32 $0x14CA0;
	[sflag:s16] =	ssyncadd.s32 $0xFFFFEC00  }
0x1d1: {  	s14 =	sadd.s32 $0x0, s9;
	v13 =	vld [tilespmem:s13+$0xFFFFFFE0]  }
0x1d2: {  	s17 =	sadd.s32 $0x1400, s14  }
0x1d3: {  	v14 =	vor.u32 s17, v2  }
0x1d4: {  	v14 =	vmulhi.u32 $0x51EB851F, v14;
	_ =	sdelay $0x1  }
0x1d5: {  	v25 =	vshrl.u32 v14, $0x3;
	v24 =	vshll.u32 v13, $0xA  }
0x1d6: {  	v25 =	vand.u32 $0xFFFFC00, v25;
	v13 =	vshll.u32 v13, $0x7;
	v24 =	vand.u32 $0xFFFFE000, v24  }
0x1d7: {  	v14 =	vshrl.u32 v14, $0x6;
	v13 =	vand.u32 $0x380, v13;
	v24 =	vadd.s32 v25, v24  }
0x1d8: {  	v14 =	vand.u32 $0x7F, v14;
	v13 =	vor.u32 v13, v24  }
0x1d9: {  	v24 =	vor.u32 v14, v13  }
0x1da: {  	vm4 =	vge.s32 v24, v1;
	vm5 =	vlt.s32 v24, v0  }
0x1db: {  	vm0 =	vmand vm4, vm5  }
0x1dc: {  	v59 =	vsel vm0, $0x1, v3  }
0x1dd: {  	(xrf0) =	vadd.scan.msk.s32 $0xffff, v59;
	_ =	sdelay $0x1  }
0x1de: {  	s22 =	sadd.s32 s12, s30  }
0x1df: {  	v13 =	vmov s22  }
0x1e0: {  	v13 =	vadd.s32 $0xFFFFFFFF, v13  }
0x1e1: {  	v13 =	vbroadcast v13, $0x0  }
0x1e2: {  	v14, _, _ =	vpop (xrf0)  }
0x1e3: {  	v13 =	vadd.s32 v14, v13  }
0x1e4: {  	vm6 =	vlt.s32 v13, $0x3200  }
0x1e5: {  	vm0 =	vmand vm0, vm6  }
0x1e6: {  	s16 =	simm.s32 $0x174A0;
	v13 =	vnsel vm0, $0x0, v13  }
0x1e7: {  	v26 =	vld [tilespmem:s16+$0xFFFFFFE0];
	_ =	sdelay $0x3  }
0x1e8: {  	[tilespmem:v13+s3+$0x0] =	vst.idx.msk vm0, v24  }
0x1e9: {  	(v2sf) =	vpush v14, $0xF;
	[tilespmem:v13+s6+$0x0] =	vst.idx.msk vm0, v26  }
0x1ea: {  	v13 =	vld [tilespmem:s13+$0xFFFFFFF0]  }
0x1eb: {  	s25 =	sadd.s32 $0x1410, s14  }
0x1ec: {  	v14 =	vor.u32 s25, v2  }
0x1ed: {  	v14 =	vmulhi.u32 $0x51EB851F, v14;
	_ =	sdelay $0x1  }
0x1ee: {  	v27 =	vshrl.u32 v14, $0x3;
	v28 =	vshll.u32 v13, $0xA  }
0x1ef: {  	v27 =	vand.u32 $0xFFFFC00, v27;
	v13 =	vshll.u32 v13, $0x7;
	v28 =	vand.u32 $0xFFFFE000, v28  }
0x1f0: {  	v14 =	vshrl.u32 v14, $0x6;
	v13 =	vand.u32 $0x380, v13;
	v27 =	vadd.s32 v27, v28  }
0x1f1: {  	v14 =	vand.u32 $0x7F, v14;
	v13 =	vor.u32 v13, v27  }
0x1f2: {  	v27 =	vor.u32 v14, v13  }
0x1f3: {  	vm7 =	vge.s32 v27, v1;
	vm8 =	vlt.s32 v27, v0  }
0x1f4: {  	vm0 =	vmand vm7, vm8  }
0x1f5: {  	v60 =	vsel vm0, $0x1, v3  }
0x1f6: {  	(xrf0) =	vadd.scan.msk.s32 $0xffff, v60  }
0x1f7: {  	s12 =	spop (v2sf)  }
0x1f8: {  	s5 =	sadd.s32 s22, s12  }
0x1f9: {  	v13 =	vmov s5  }
0x1fa: {  	v13 =	vadd.s32 $0xFFFFFFFF, v13  }
0x1fb: {  	v13 =	vbroadcast v13, $0x0  }
0x1fc: {  	v14, _, _ =	vpop (xrf0)  }
0x1fd: {  	v13 =	vadd.s32 v14, v13  }
0x1fe: {  	vm9 =	vlt.s32 v13, $0x3200  }
0x1ff: {  	vm0 =	vmand vm0, vm9  }
0x200: {  	v13 =	vnsel vm0, $0x0, v13  }
0x201: {  	v29 =	vld [tilespmem:s16+$0xFFFFFFF0];
	_ =	sdelay $0x3  }
0x202: {  	[tilespmem:v13+s3+$0x0] =	vst.idx.msk vm0, v27  }
0x203: {  	(v2sf) =	vpush v14, $0xF;
	[tilespmem:v13+s6+$0x0] =	vst.idx.msk vm0, v29  }
0x204: {  	v13 =	vld [tilespmem:s13+$0x0]  }
0x205: {  	s7 =	sadd.s32 $0x1420, s14  }
0x206: {  	v14 =	vor.u32 s7, v2  }
0x207: {  	v14 =	vmulhi.u32 $0x51EB851F, v14;
	_ =	sdelay $0x1  }
0x208: {  	v30 =	vshrl.u32 v14, $0x3;
	v31 =	vshll.u32 v13, $0xA  }
0x209: {  	v30 =	vand.u32 $0xFFFFC00, v30;
	v13 =	vshll.u32 v13, $0x7;
	v31 =	vand.u32 $0xFFFFE000, v31  }
0x20a: {  	v14 =	vshrl.u32 v14, $0x6;
	v13 =	vand.u32 $0x380, v13;
	v30 =	vadd.s32 v30, v31  }
0x20b: {  	v14 =	vand.u32 $0x7F, v14;
	v13 =	vor.u32 v13, v30  }
0x20c: {  	v30 =	vor.u32 v14, v13  }
0x20d: {  	vm10 =	vge.s32 v30, v1;
	vm11 =	vlt.s32 v30, v0  }
0x20e: {  	vm0 =	vmand vm10, vm11  }
0x20f: {  	v61 =	vsel vm0, $0x1, v3  }
0x210: {  	(xrf0) =	vadd.scan.msk.s32 $0xffff, v61  }
0x211: {  	s17 =	spop (v2sf)  }
0x212: {  	s22 =	sadd.s32 s5, s17  }
0x213: {  	v13 =	vmov s22  }
0x214: {  	v13 =	vadd.s32 $0xFFFFFFFF, v13  }
0x215: {  	v13 =	vbroadcast v13, $0x0  }
0x216: {  	v14, _, _ =	vpop (xrf0)  }
0x217: {  	v13 =	vadd.s32 v14, v13  }
0x218: {  	vm12 =	vlt.s32 v13, $0x3200  }
0x219: {  	vm0 =	vmand vm0, vm12  }
0x21a: {  	v13 =	vnsel vm0, $0x0, v13  }
0x21b: {  	v32 =	vld [tilespmem:s16+$0x0];
	_ =	sdelay $0x3  }
0x21c: {  	[tilespmem:v13+s3+$0x0] =	vst.idx.msk vm0, v30  }
0x21d: {  	(v2sf) =	vpush v14, $0xF;
	[tilespmem:v13+s6+$0x0] =	vst.idx.msk vm0, v32  }
0x21e: {  	v13 =	vld [tilespmem:s13+$0x10]  }
0x21f: {  	s25 =	sadd.s32 $0x1430, s14  }
0x220: {  	v14 =	vor.u32 s25, v2  }
0x221: {  	v14 =	vmulhi.u32 $0x51EB851F, v14;
	_ =	sdelay $0x1  }
0x222: {  	v33 =	vshrl.u32 v14, $0x3;
	v34 =	vshll.u32 v13, $0xA  }
0x223: {  	v33 =	vand.u32 $0xFFFFC00, v33;
	v13 =	vshll.u32 v13, $0x7;
	v34 =	vand.u32 $0xFFFFE000, v34  }
0x224: {  	v14 =	vshrl.u32 v14, $0x6;
	v13 =	vand.u32 $0x380, v13;
	v33 =	vadd.s32 v33, v34  }
0x225: {  	v14 =	vand.u32 $0x7F, v14;
	v13 =	vor.u32 v13, v33  }
0x226: {  	v14 =	vor.u32 v14, v13  }
0x227: {  	vm13 =	vge.s32 v14, v1;
	vm14 =	vlt.s32 v14, v0  }
0x228: {  	vm0 =	vmand vm13, vm14  }
0x229: {  	v13 =	vsel vm0, $0x1, v3  }
0x22a: {  	(xrf0) =	vadd.scan.msk.s32 $0xffff, v13  }
0x22b: {  	s5 =	spop (v2sf)  }
0x22c: {  	s7 =	sadd.s32 s22, s5  }
0x22d: {  	v62 =	vmov s7  }
0x22e: {  	v33 =	vadd.s32 $0xFFFFFFFF, v62  }
0x22f: {  	v33 =	vbroadcast v33, $0x0  }
0x230: {  	v63, _, _ =	vpop (xrf0)  }
0x231: {  	v33 =	vadd.s32 v63, v33;
	(v2sf) =	vpush v63, $0xF  }
0x232: {  	vm15 =	vlt.s32 v33, $0x3200  }
0x233: {  	vm0 =	vmand vm0, vm15  }
0x234: {  	v33 =	vnsel vm0, $0x0, v33  }
0x235: {  	v5 =	vpsel p0, v5, v9;
	v8 =	vpsel p0, v4, v8;
	p1 =	sgt.s32 s28, $0x0;
	v4 =	vld [tilespmem:s16+$0x10]  }
0x236: {  	v6 =	vpsel p0, v6, v7;
	v5 =	vpsel p1, v10, v5;
	v7 =	vpsel p1, v12, v8;
	p2 =	sgt.s32 s29, $0x0  }
0x237: {  	v6 =	vpsel p1, v11, v6;
	v5 =	vpsel p2, v15, v5;
	v7 =	vpsel p2, v17, v7;
	p6 =	sgt.s32 s26, $0x0  }
0x238: {  	v6 =	vpsel p2, v16, v6;
	v7 =	vpsel p6, v55, v7;
	v5 =	vpsel p6, v18, v5;
	p3 =	sgt.s32 s30, $0x0  }
0x239: {  	v6 =	vpsel p6, v19, v6;
	v5 =	vpsel p3, v21, v5;
	[tilespmem:v33+s3+$0x0] =	vst.idx.msk vm0, v14  }
0x23a: {  	s28 =	simm.s32 $0x14CE0;
	v7 =	vpsel p3, v23, v7;
	v6 =	vpsel p3, v58, v6;
	p4 =	sgt.s32 s12, $0x0;
	[tilespmem:v33+s6+$0x0] =	vst.idx.msk vm0, v4  }
0x23b: {  	v5 =	vpsel p4, v24, v5;
	v7 =	vpsel p4, v26, v7;
	v6 =	vpsel p4, v59, v6;
	p5 =	sgt.s32 s17, $0x0;
	s17 =	sadd.s32 $0x40, s9;
	v9 =	vld [tilespmem:s28+$0xFFFFFFE0]  }
0x23c: {  	v8 =	vpsel p5, v27, v5;
	v5 =	vpsel p5, v29, v7;
	v7 =	vpsel p5, v60, v6;
	s25 =	sadd.s32 $0x1410, s17;
	p6 =	sgt.s32 s5, $0x0;
	s22 =	sadd.s32 $0x1400, s17  }
0x23d: {  	v12 =	vor.u32 s25, v2;
	v6 =	vpsel p6, v32, v5;
	v10 =	vor.u32 s22, v2  }
0x23e: {  	s26 =	sadd.s32 $0x1420, s17;
	s12 =	sadd.s32 $0x1430, s17;
	v5 =	vpsel p6, v61, v7;
	v7 =	vpsel p6, v30, v8;
	v8 =	vmulhi.u32 $0x51EB851F, v10  }
0x23f: {  	v16 =	vor.u32 s26, v2;
	v11 =	vor.u32 s12, v2;
	v12 =	vmulhi.u32 $0x51EB851F, v12  }
0x240: {  	s29 =	simm.s32 $0x80;
	v15 =	vshrl.u32 v8, $0x3;
	v10 =	vshll.u32 v9, $0xA;
	v9 =	vshll.u32 v9, $0x7;
	s30 =	spop (v2sf)  }
0x241: {  	s26 =	sshll.u32 s11, $0x1;
	v15 =	vand.u32 $0xFFFFC00, v15;
	p1 =	sgt.s32 s30, $0x0;
	s12 =	sadd.s32 s7, s30;
	v10 =	vand.u32 $0xFFFFE000, v10;
	v9 =	vand.u32 $0x380, v9  }
.LBB2_5:
0x242: {  	p0 =	sne.s32 s29, $0x13C0  }
0x243: {  	v8 =	vshrl.u32 v8, $0x6;
	v10 =	vadd.s32 v15, v10;
	v7 =	vpsel p1, v14, v7;
	s16 =	sadd.s32 $0x40, s16;
	s30 =	smov.u32 s29;
	s29 =	sadd.s32 $0x40, s29  }
0x244: {  	v4 =	vpsel p1, v4, v6;
	v9 =	vor.u32 v9, v10;
	v8 =	vand.u32 $0x7F, v8  }
0x245: {  	v10 =	vpsel p1, v13, v5;
	v8 =	vor.u32 v8, v9;
	v9 =	vshrl.u32 v12, $0x3  }
0x246: {  	v12 =	vshrl.u32 v12, $0x6;
	vm0 =	vge.s32 v8, v1;
	vm1 =	vlt.s32 v8, v0  }
0x247: {  	v5 =	vmulhi.u32 $0x51EB851F, v16;
	vm0 =	vmand vm0, vm1  }
0x248: {  	v11 =	vmulhi.u32 $0x51EB851F, v11;
	v13 =	vsel vm0, $0x1, v3  }
0x249: {  	v14 =	vshrl.u32 v5, $0x6;
	v15 =	vshrl.u32 v5, $0x3;
	(xrf0) =	vadd.scan.msk.s32 $0xffff, v13  }
0x24a: {  	v6 =	vshrl.u32 v11, $0x6;
	v5 =	vshrl.u32 v11, $0x3;
	_ =	sdelay $0x1  }
0x24b: {  	v11 =	vmov s12  }
0x24c: {  	v11 =	vadd.s32 $0xFFFFFFFF, v11  }
0x24d: {  	v11 =	vbroadcast v11, $0x0  }
0x24e: {  	v16, _, _ =	vpop (xrf0)  }
0x24f: {  	v11 =	vadd.s32 v16, v11;
	(v2sf) =	vpush v16, $0xF  }
0x250: {  	vm1 =	vlt.s32 v11, $0x3200  }
0x251: {  	vm0 =	vmand vm0, vm1  }
0x252: {  	v11 =	vnsel vm0, $0x0, v11  }
0x253: {  	v16 =	vld [tilespmem:s16+$0xFFFFFFE0];
	_ =	sdelay $0x3  }
0x254: {  	[tilespmem:v11+s3+$0x0] =	vst.idx.msk vm0, v8  }
0x255: {  	[tilespmem:v11+s6+$0x0] =	vst.idx.msk vm0, v16  }
0x256: {  	v11 =	vld [tilespmem:s28+$0xFFFFFFF0];
	_ =	sdelay $0x4  }
0x257: {  	v17 =	vshll.u32 v11, $0xA;
	v11 =	vshll.u32 v11, $0x7;
	s13 =	spop (v2sf)  }
0x258: {  	v9 =	vand.u32 $0xFFFFC00, v9;
	p1 =	sgt.s32 s13, $0x0;
	s12 =	sadd.s32 s12, s13;
	v17 =	vand.u32 $0xFFFFE000, v17  }
0x259: {  	v11 =	vand.u32 $0x380, v11;
	v9 =	vadd.s32 v9, v17;
	v17 =	vmov s12  }
0x25a: {  	v9 =	vor.u32 v11, v9;
	v11 =	vand.u32 $0x7F, v12;
	v12 =	vadd.s32 $0xFFFFFFFF, v17  }
0x25b: {  	v7 =	vpsel p1, v8, v7;
	v8 =	vpsel p1, v16, v4;
	v9 =	vor.u32 v11, v9  }
0x25c: {  	v10 =	vpsel p1, v13, v10;
	vm0 =	vge.s32 v9, v1;
	vm1 =	vlt.s32 v9, v0  }
0x25d: {  	vm0 =	vmand vm0, vm1  }
0x25e: {  	v11 =	vsel vm0, $0x1, v3  }
0x25f: {  	(xrf0) =	vadd.scan.msk.s32 $0xffff, v11;
	_ =	sdelay $0x4  }
0x260: {  	v4 =	vbroadcast v12, $0x0  }
0x261: {  	v12, _, _ =	vpop (xrf0)  }
0x262: {  	v4 =	vadd.s32 v12, v4;
	(v2sf) =	vpush v12, $0xF  }
0x263: {  	vm1 =	vlt.s32 v4, $0x3200  }
0x264: {  	vm0 =	vmand vm0, vm1  }
0x265: {  	v4 =	vnsel vm0, $0x0, v4  }
0x266: {  	v12 =	vld [tilespmem:s16+$0xFFFFFFF0];
	_ =	sdelay $0x3  }
0x267: {  	[tilespmem:v4+s3+$0x0] =	vst.idx.msk vm0, v9  }
0x268: {  	[tilespmem:v4+s6+$0x0] =	vst.idx.msk vm0, v12  }
0x269: {  	v4 =	vld [tilespmem:s28+$0x0];
	_ =	sdelay $0x4  }
0x26a: {  	v13 =	vshll.u32 v4, $0xA;
	v4 =	vshll.u32 v4, $0x7;
	s13 =	spop (v2sf)  }
0x26b: {  	v15 =	vand.u32 $0xFFFFC00, v15;
	s12 =	sadd.s32 s12, s13;
	v13 =	vand.u32 $0xFFFFE000, v13  }
0x26c: {  	v4 =	vand.u32 $0x380, v4;
	v13 =	vadd.s32 v15, v13;
	v15 =	vmov s12  }
0x26d: {  	v4 =	vor.u32 v4, v13;
	v13 =	vand.u32 $0x7F, v14;
	v14 =	vadd.s32 $0xFFFFFFFF, v15  }
0x26e: {  	v13 =	vor.u32 v13, v4  }
0x26f: {  	vm0 =	vge.s32 v13, v1;
	vm1 =	vlt.s32 v13, v0  }
0x270: {  	vm0 =	vmand vm0, vm1  }
0x271: {  	v15 =	vsel vm0, $0x1, v3  }
0x272: {  	(xrf0) =	vadd.scan.msk.s32 $0xffff, v15;
	_ =	sdelay $0x4  }
0x273: {  	v4 =	vbroadcast v14, $0x0  }
0x274: {  	v14, _, _ =	vpop (xrf0)  }
0x275: {  	v4 =	vadd.s32 v14, v4;
	(v2sf) =	vpush v14, $0xF  }
0x276: {  	vm1 =	vlt.s32 v4, $0x3200  }
0x277: {  	vm0 =	vmand vm0, vm1  }
0x278: {  	v4 =	vnsel vm0, $0x0, v4  }
0x279: {  	v14 =	vld [tilespmem:s16+$0x0];
	_ =	sdelay $0x3  }
0x27a: {  	[tilespmem:v4+s3+$0x0] =	vst.idx.msk vm0, v13  }
0x27b: {  	[tilespmem:v4+s6+$0x0] =	vst.idx.msk vm0, v14  }
0x27c: {  	v16 =	vld [tilespmem:s28+$0x10]  }
0x27d: {  	v4 =	vld [tilespmem:s16+$0x10];
	_ =	sdelay $0x2  }
0x27e: {  	v17 =	vand.u32 $0x7F, v6  }
0x27f: {  	v5 =	vand.u32 $0xFFFFC00, v5;
	p1 =	sgt.s32 s13, $0x0;
	v6 =	vshll.u32 v16, $0xA;
	v16 =	vshll.u32 v16, $0x7;
	s13 =	spop (v2sf)  }
0x280: {  	v7 =	vpsel p1, v9, v7;
	v8 =	vpsel p1, v12, v8;
	p2 =	sgt.s32 s13, $0x0;
	s12 =	sadd.s32 s12, s13;
	v6 =	vand.u32 $0xFFFFE000, v6  }
0x281: {  	v5 =	vadd.s32 v5, v6;
	v6 =	vand.u32 $0x380, v16;
	v9 =	vmov s12  }
0x282: {  	v10 =	vpsel p1, v11, v10;
	v11 =	vor.u32 v6, v5;
	v9 =	vadd.s32 $0xFFFFFFFF, v9  }
0x283: {  	v6 =	vpsel p2, v14, v8;
	v5 =	vpsel p2, v15, v10;
	v14 =	vor.u32 v17, v11  }
0x284: {  	v7 =	vpsel p2, v13, v7;
	vm0 =	vge.s32 v14, v1;
	vm1 =	vlt.s32 v14, v0  }
0x285: {  	vm0 =	vmand vm0, vm1  }
0x286: {  	v13 =	vsel vm0, $0x1, v3  }
0x287: {  	(xrf0) =	vadd.scan.msk.s32 $0xffff, v13;
	_ =	sdelay $0x4  }
0x288: {  	v8 =	vbroadcast v9, $0x0  }
0x289: {  	v9, _, _ =	vpop (xrf0)  }
0x28a: {  	v8 =	vadd.s32 v9, v8;
	(v2sf) =	vpush v9, $0xF  }
0x28b: {  	vm1 =	vlt.s32 v8, $0x3200  }
0x28c: {  	vm0 =	vmand vm0, vm1  }
0x28d: {  	v8 =	vnsel vm0, $0x0, v8;
	_ =	sdelay $0x4  }
0x28e: {  	[tilespmem:v8+s3+$0x0] =	vst.idx.msk vm0, v14  }
0x28f: {  	s28 =	sadd.s32 $0x40, s28;
	[tilespmem:v8+s6+$0x0] =	vst.idx.msk vm0, v4  }
0x290: {  	s13 =	sadd.s32 s30, s9;
	v9 =	vld [tilespmem:s28+$0xFFFFFFE0]  }
0x291: {  	s14 =	sadd.s32 $0x1400, s13;
	s17 =	sadd.s32 $0x1410, s13;
	s22 =	sadd.s32 $0x1420, s13  }
.Ltmp3:
0x292: {  	s13 =	sadd.s32 $0x1430, s13;
	v10 =	vor.u32 s17, v2;
	v16 =	vor.u32 s22, v2;
	v8 =	vor.u32 s14, v2;
	(pc) =	sbr.rel @p0 .LBB2_5-.Ltmp3, $4  }
0x293: {  	v11 =	vor.u32 s13, v2;
	v8 =	vmulhi.u32 $0x51EB851F, v8  }
0x294: {  	v12 =	vmulhi.u32 $0x51EB851F, v10  }
0x295: {  	v15 =	vshrl.u32 v8, $0x3;
	v10 =	vshll.u32 v9, $0xA;
	v9 =	vshll.u32 v9, $0x7;
	s13 =	spop (v2sf)  }
0x296: {  	v15 =	vand.u32 $0xFFFFC00, v15;
	v10 =	vand.u32 $0xFFFFE000, v10;
	v9 =	vand.u32 $0x380, v9;
	p1 =	sgt.s32 s13, $0x0;
	s12 =	sadd.s32 s12, s13  }
0x297: {  	v8 =	vshrl.u32 v8, $0x6;
	v10 =	vadd.s32 v15, v10  }
0x298: {  	v9 =	vor.u32 v9, v10;
	v8 =	vand.u32 $0x7F, v8  }
0x299: {  	v8 =	vor.u32 v8, v9  }
0x29a: {  	vm0 =	vge.s32 v8, v1;
	vm1 =	vlt.s32 v8, v0  }
0x29b: {  	vm0 =	vmand vm0, vm1  }
0x29c: {  	v9 =	vsel vm0, $0x1, v3  }
0x29d: {  	(xrf0) =	vadd.scan.msk.s32 $0xffff, v9;
	_ =	sdelay $0x2  }
0x29e: {  	v10 =	vmov s12  }
0x29f: {  	v10 =	vadd.s32 $0xFFFFFFFF, v10  }
0x2a0: {  	v10 =	vbroadcast v10, $0x0  }
0x2a1: {  	v48, _, _ =	vpop (xrf0)  }
0x2a2: {  	v10 =	vadd.s32 v48, v10  }
0x2a3: {  	vm6 =	vlt.s32 v10, $0x3200  }
0x2a4: {  	vm0 =	vmand vm0, vm6  }
0x2a5: {  	s13 =	sadd.s32 $0x40, s16;
	v17 =	vnsel vm0, $0x0, v10  }
0x2a6: {  	v10 =	vld [tilespmem:s13+$0xFFFFFFE0];
	_ =	sdelay $0x3  }
0x2a7: {  	[tilespmem:v17+s3+$0x0] =	vst.idx.msk vm0, v8  }
0x2a8: {  	(v2sf) =	vpush v48, $0xF;
	[tilespmem:v17+s6+$0x0] =	vst.idx.msk vm0, v10  }
0x2a9: {  	v49 =	vld [tilespmem:s28+$0xFFFFFFF0];
	_ =	sdelay $0x4  }
0x2aa: {  	v50 =	vshrl.u32 v12, $0x3;
	v18 =	vshll.u32 v49, $0xA  }
0x2ab: {  	v17 =	vand.u32 $0xFFFFC00, v50;
	v15 =	vshll.u32 v49, $0x7;
	v18 =	vand.u32 $0xFFFFE000, v18  }
0x2ac: {  	v51 =	vshrl.u32 v12, $0x6;
	v15 =	vand.u32 $0x380, v15;
	v17 =	vadd.s32 v17, v18  }
0x2ad: {  	v12 =	vand.u32 $0x7F, v51;
	v15 =	vor.u32 v15, v17  }
0x2ae: {  	v12 =	vor.u32 v12, v15  }
0x2af: {  	vm7 =	vge.s32 v12, v1;
	vm8 =	vlt.s32 v12, v0  }
0x2b0: {  	vm0 =	vmand vm7, vm8  }
0x2b1: {  	v52 =	vsel vm0, $0x1, v3  }
0x2b2: {  	(xrf0) =	vadd.scan.msk.s32 $0xffff, v52  }
0x2b3: {  	s16 =	spop (v2sf)  }
0x2b4: {  	s14 =	sadd.s32 s12, s16  }
0x2b5: {  	v53 =	vmov s14  }
0x2b6: {  	v17 =	vadd.s32 $0xFFFFFFFF, v53  }
0x2b7: {  	v17 =	vbroadcast v17, $0x0  }
0x2b8: {  	v54, _, _ =	vpop (xrf0)  }
0x2b9: {  	v17 =	vadd.s32 v54, v17  }
0x2ba: {  	vm9 =	vlt.s32 v17, $0x3200  }
0x2bb: {  	vm0 =	vmand vm0, vm9  }
0x2bc: {  	v17 =	vnsel vm0, $0x0, v17  }
0x2bd: {  	v19 =	vld [tilespmem:s13+$0xFFFFFFF0];
	_ =	sdelay $0x3  }
0x2be: {  	[tilespmem:v17+s3+$0x0] =	vst.idx.msk vm0, v12  }
0x2bf: {  	(v2sf) =	vpush v54, $0xF;
	[tilespmem:v17+s6+$0x0] =	vst.idx.msk vm0, v19  }
0x2c0: {  	v17 =	vld [tilespmem:s28+$0x0];
	_ =	sdelay $0x2  }
0x2c1: {  	v16 =	vmulhi.u32 $0x51EB851F, v16;
	_ =	sdelay $0x1  }
0x2c2: {  	v55 =	vshrl.u32 v16, $0x3;
	v20 =	vshll.u32 v17, $0xA  }
0x2c3: {  	v18 =	vand.u32 $0xFFFFC00, v55;
	v17 =	vshll.u32 v17, $0x7;
	v20 =	vand.u32 $0xFFFFE000, v20  }
0x2c4: {  	v16 =	vshrl.u32 v16, $0x6;
	v17 =	vand.u32 $0x380, v17;
	v18 =	vadd.s32 v18, v20  }
0x2c5: {  	v16 =	vand.u32 $0x7F, v16;
	v17 =	vor.u32 v17, v18  }
0x2c6: {  	v16 =	vor.u32 v16, v17  }
0x2c7: {  	vm10 =	vge.s32 v16, v1;
	vm11 =	vlt.s32 v16, v0  }
0x2c8: {  	vm0 =	vmand vm10, vm11  }
0x2c9: {  	v56 =	vsel vm0, $0x1, v3  }
0x2ca: {  	(xrf0) =	vadd.scan.msk.s32 $0xffff, v56  }
0x2cb: {  	s12 =	spop (v2sf)  }
0x2cc: {  	s14 =	sadd.s32 s14, s12  }
0x2cd: {  	v57 =	vmov s14  }
0x2ce: {  	v18 =	vadd.s32 $0xFFFFFFFF, v57  }
0x2cf: {  	v18 =	vbroadcast v18, $0x0  }
0x2d0: {  	v58, _, _ =	vpop (xrf0)  }
0x2d1: {  	v18 =	vadd.s32 v58, v18  }
0x2d2: {  	vm12 =	vlt.s32 v18, $0x3200  }
0x2d3: {  	vm0 =	vmand vm0, vm12  }
0x2d4: {  	v18 =	vnsel vm0, $0x0, v18  }
0x2d5: {  	v21 =	vld [tilespmem:s13+$0x0];
	_ =	sdelay $0x3  }
0x2d6: {  	[tilespmem:v18+s3+$0x0] =	vst.idx.msk vm0, v16  }
0x2d7: {  	[tilespmem:v18+s6+$0x0] =	vst.idx.msk vm0, v21  }
0x2d8: {  	v18 =	vld [tilespmem:s28+$0x10]  }
0x2d9: {  	(v2sf) =	vpush v58, $0xF;
	_ =	sdelay $0x1  }
0x2da: {  	v11 =	vmulhi.u32 $0x51EB851F, v11;
	_ =	sdelay $0x1  }
0x2db: {  	v59 =	vshrl.u32 v11, $0x3;
	v22 =	vshll.u32 v18, $0xA  }
0x2dc: {  	v20 =	vand.u32 $0xFFFFC00, v59;
	v18 =	vshll.u32 v18, $0x7;
	v22 =	vand.u32 $0xFFFFE000, v22  }
0x2dd: {  	v11 =	vshrl.u32 v11, $0x6;
	v18 =	vand.u32 $0x380, v18;
	v20 =	vadd.s32 v20, v22  }
0x2de: {  	v11 =	vand.u32 $0x7F, v11;
	v18 =	vor.u32 v18, v20  }
0x2df: {  	v11 =	vor.u32 v11, v18  }
0x2e0: {  	vm13 =	vge.s32 v11, v1;
	vm14 =	vlt.s32 v11, v0  }
0x2e1: {  	vm0 =	vmand vm13, vm14  }
0x2e2: {  	v60 =	vsel vm0, $0x1, v3  }
0x2e3: {  	(xrf0) =	vadd.scan.msk.s32 $0xffff, v60;
	_ =	sdelay $0x2  }
0x2e4: {  	s17 =	spop (v2sf)  }
0x2e5: {  	s14 =	sadd.s32 s14, s17  }
0x2e6: {  	v62 =	vmov s14  }
0x2e7: {  	v22 =	vadd.s32 $0xFFFFFFFF, v62;
	v61, _, _ =	vpop (xrf0)  }
0x2e8: {  	v22 =	vbroadcast v22, $0x0;
	(v2sf) =	vpush v61, $0xF;
	_ =	sdelay $0x1  }
0x2e9: {  	v20 =	vadd.s32 v61, v22  }
0x2ea: {  	vm15 =	vlt.s32 v20, $0x3200  }
0x2eb: {  	vm0 =	vmand vm0, vm15  }
0x2ec: {  	v20 =	vnsel vm0, $0x0, v20  }
0x2ed: {  	v63 =	vld [tilespmem:s13+$0x10];
	_ =	sdelay $0x1  }
0x2ee: {  	s13 =	sadd.s32 $0x2, s26  }
0x2ef: {  	s22 =	smul.u32 $0x280, s13  }
0x2f0: {  	s5 =	rddreg [dreg:$0x17];
	s7 =	simm.s32 $0x13880;
	[tilespmem:v20+s3+$0x0] =	vst.idx.msk vm0, v11  }
0x2f1: {  	s26 =	simm.s32 $0x0;
	s28 =	rddreg [dreg:$0x18];
	s25 =	sadd.s32 s5, s22;
	[tilespmem:v20+s6+$0x0] =	vst.idx.msk vm0, v63  }
0x2f2: {  	[tilespmem:s7], [sflag:$0xB] =	stream.linear.gather [hbm4b:s25+s26], $0x1400, $0x38;
	[tilespmem:$0x1F080] =	vst v63  }
0x2f3: {  	s22 =	sadd.s32 s28, s22;
	s7 =	simm.s32 $0x16080  }
0x2f4: {  	[tilespmem:s7], [sflag:$0xD] =	stream.linear.gather [hbm4b:s22+s26], $0x1400, $0x38;
	[tilespmem:$0x1F080] =	vst v63  }
0x2f5: {  	s26 =	simm.s32 $0x6;
	s25 =	spop (v2sf)  }
0x2f6: {  	s13 =	smul.u32 $0x13880, s13;
	_ =	swait.ge [sflag:s26], $0x7D0  }
0x2f7: {  	[sflag:s26] =	ssyncset.done $0x0  }
0x2f8: {  	s28 =	sadd.s32 s18, s13;
	s7 =	sld [smem:$0x7FD];
	[sflag:s26] =	ssyncadd.s32 $0xFFFFF830  }
0x2f9: {  	s22 =	sshrl.u32 s28, $0x3;
	s5 =	rddreg [dreg:$0x0]  }
0x2fa: {  	s28 =	simm.s32 $0x7;
	s22 =	sadd.s32 s5, s22  }
0x2fb: {  	[spmem:s8@s20], [sflag:s7] =	dma.strided [hbm:s22@s21], $0x7D0, s19, $0x10   }
0x2fc: {  	s7 =	sadd.s32 s13, s24;
	_ =	swait.ge [sflag:s28], $0x7D0  }
0x2fd: {  	s22 =	sshrl.u32 s7, $0x3;
	s7 =	sld [smem:$0x7F0]  }
0x2fe: {  	[sflag:s28] =	ssyncset.done $0x0  }
0x2ff: {  	s22 =	sadd.s32 s5, s22;
	[sflag:s28] =	ssyncadd.s32 $0xFFFFF830;
	s28 =	simm.s32 $0x8  }
0x300: {  	[spmem:s23@s20], [sflag:s7] =	dma.strided [hbm:s22@s21], $0x7D0, s19, $0x10   }
0x301: {  	_ =	swait.ge [sflag:s28], $0x7D0  }
0x302: {  	s29 =	smov.u32 s0;
	s0 =	sadd.s32 s13, s0;
	s7 =	sld [smem:$0x7F1]  }
0x303: {  	s22 =	sshrl.u32 s0, $0x3;
	[sflag:s28] =	ssyncset.done $0x0  }
0x304: {  	s26 =	simm.s32 $0x9;
	s22 =	sadd.s32 s5, s22;
	[sflag:s28] =	ssyncadd.s32 $0xFFFFF830  }
0x305: {  	[spmem:s1@s20], [sflag:s7] =	dma.strided [hbm:s22@s21], $0x7D0, s19, $0x10   }
0x306: {  	s30 =	smov.u32 s15;
	_ =	swait.ge [sflag:s26], $0x7D0  }
0x307: {  	s11 =	sadd.s32 $0x1, s11;
	s28 =	sadd.s32 s13, s15;
	s7 =	sld [smem:$0x7F2]  }
0x308: {  	s9 =	sadd.s32 $0x2800, s9;
	s22 =	sshrl.u32 s28, $0x3;
	[sflag:s26] =	ssyncset.done $0x0  }
0x309: {  	s15 =	simm.s32 $0xA;
	s22 =	sadd.s32 s5, s22;
	[sflag:s26] =	ssyncadd.s32 $0xFFFFF830  }
0x30a: {  	[spmem:s31@s20], [sflag:s7] =	dma.strided [hbm:s22@s21], $0x7D0, s19, $0x10   }
0x30b: {  	v7 =	vpsel p1, v14, v7;
	v4 =	vpsel p1, v4, v6;
	v5 =	vpsel p1, v13, v5;
	p1 =	sne.s32 s11, $0x13;
	p0 =	sgt.s32 s16, $0x0;
	_ =	swait.ge [sflag:s15], $0x7D0  }
0x30c: {  	p2 =	sgt.s32 s12, $0x0;
	p5 =	sgt.s32 s17, $0x0;
	s16 =	sld [smem:$0x7F4]  }
.Ltmp4:
0x30d: {  	s13 =	sadd.s32 s13, s4;
	s28 =	sld [smem:$0x7F3];
	(pc) =	sbr.rel @p1 .LBB2_2-.Ltmp4, $4  }
0x30e: {  	v6 =	vpsel p0, v8, v7;
	v4 =	vpsel p0, v10, v4;
	v5 =	vpsel p0, v9, v5;
	p6 =	sgt.s32 s25, $0x0;
	s13 =	sshrl.u32 s13, $0x3;
	[sflag:s15] =	ssyncset.done $0x0  }
0x30f: {  	v6 =	vpsel p2, v12, v6;
	v4 =	vpsel p2, v19, v4;
	v5 =	vpsel p2, v52, v5;
	s26 =	sadd.s32 s5, s13;
	s22 =	smov.u32 s18;
	[sflag:s15] =	ssyncadd.s32 $0xFFFFF830  }
0x310: {  	v4 =	vpsel p5, v21, v4;
	v5 =	vpsel p5, v56, v5;
	v6 =	vpsel p5, v16, v6;
	[spmem:s16@s20], [sflag:s28] =	dma.strided [hbm:s26@s21], $0x7D0, s19, $0x10   }
0x311: {  	v8 =	vpsel p6, v11, v6;
	v9 =	vpsel p6, v63, v4;
	v7 =	vpsel p6, v60, v5;
	s18 =	smov.u32 s4;
	s26 =	sadd.s32 s14, s25;
	s25 =	smov.u32 s24  }
0x312: {  	_ =	swait.ge [sflag:s19], $0x7D0  }
0x313: {  	s4 =	sld [smem:$0x7EA]  }
0x314: {  	[sflag:s19] =	ssyncset.done $0x0  }
0x315: {  	s13 =	simm.s32 $0x2;
	s0 =	rddreg [dreg:$0x12];
	[sflag:s19] =	ssyncadd.s32 $0xFFFFF830  }
0x316: {  	[hbm:s0@s21], [sflag:s4] =	dma.strided [spmem:s8@s20], $0x7D0, s19, $0x10   }
0x317: {  	_ =	swait.ge [sflag:s13], $0x7D0  }
0x318: {  	s15 =	sld [smem:$0x7EB]  }
0x319: {  	[sflag:s13] =	ssyncset.done $0x0  }
0x31a: {  	s17 =	simm.s32 $0x3;
	s14 =	rddreg [dreg:$0x13];
	[sflag:s13] =	ssyncadd.s32 $0xFFFFF830  }
0x31b: {  	[hbm:s14@s21], [sflag:s15] =	dma.strided [spmem:s23@s20], $0x7D0, s19, $0x10   }
0x31c: {  	_ =	swait.ge [sflag:s17], $0x7D0  }
0x31d: {  	s28 =	sld [smem:$0x7EC]  }
0x31e: {  	[sflag:s17] =	ssyncset.done $0x0  }
0x31f: {  	s5 =	simm.s32 $0x4;
	s24 =	rddreg [dreg:$0x14];
	[sflag:s17] =	ssyncadd.s32 $0xFFFFF830  }
0x320: {  	[hbm:s24@s21], [sflag:s28] =	dma.strided [spmem:s1@s20], $0x7D0, s19, $0x10   }
0x321: {  	_ =	swait.ge [sflag:s5], $0x7D0  }
0x322: {  	s9 =	sld [smem:$0x7ED]  }
0x323: {  	[sflag:s5] =	ssyncset.done $0x0  }
0x324: {  	s11 =	simm.s32 $0x5;
	s7 =	rddreg [dreg:$0x15];
	[sflag:s5] =	ssyncadd.s32 $0xFFFFF830  }
0x325: {  	[hbm:s7@s21], [sflag:s9] =	dma.strided [spmem:s31@s20], $0x7D0, s19, $0x10   }
0x326: {  	_ =	swait.ge [sflag:s11], $0x7D0  }
0x327: {  	s13 =	sld [smem:$0x7EE]  }
0x328: {  	[sflag:s11] =	ssyncset.done $0x0  }
0x329: {  	s14 =	simm.s32 $0xB;
	s12 =	rddreg [dreg:$0x16];
	[sflag:s11] =	ssyncadd.s32 $0xFFFFF830  }
0x32a: {  	[hbm:s12@s21], [sflag:s13] =	dma.strided [spmem:s16@s20], $0x7D0, s19, $0x10   }
0x32b: {  	_ =	swait.ge [sflag:s14], $0x1400  }
0x32c: {  	[sflag:s14] =	ssyncset.done $0x0  }
0x32d: {  	s15 =	simm.s32 $0xD;
	[sflag:s14] =	ssyncadd.s32 $0xFFFFEC00  }
0x32e: {  	_ =	swait.ge [sflag:s15], $0x1400  }
0x32f: {  	[sflag:s15] =	ssyncset.done $0x0  }
0x330: {  	s11 =	simm.s32 $0x138A0;
	[sflag:s15] =	ssyncadd.s32 $0xFFFFEC00  }
0x331: {  	v4 =	vld [tilespmem:s11+$0xFFFFFFE0]  }
0x332: {  	s9 =	simm.s32 $0x2F800  }
0x333: {  	v5 =	vor.u32 s9, v2  }
0x334: {  	v5 =	vmulhi.u32 $0x51EB851F, v5;
	_ =	sdelay $0x1  }
0x335: {  	v10 =	vshrl.u32 v5, $0x3;
	v6 =	vshll.u32 v4, $0xA  }
0x336: {  	v10 =	vand.u32 $0xFFFFC00, v10;
	v4 =	vshll.u32 v4, $0x7;
	v6 =	vand.u32 $0xFFFFE000, v6  }
0x337: {  	v5 =	vshrl.u32 v5, $0x6;
	v4 =	vand.u32 $0x380, v4;
	v6 =	vadd.s32 v10, v6  }
0x338: {  	v5 =	vand.u32 $0x7F, v5;
	v4 =	vor.u32 v4, v6  }
0x339: {  	v10 =	vor.u32 v5, v4  }
0x33a: {  	vm0 =	vge.s32 v10, v1;
	vm1 =	vlt.s32 v10, v0  }
0x33b: {  	vm0 =	vmand vm0, vm1  }
0x33c: {  	v11 =	vsel vm0, $0x1, v3  }
0x33d: {  	(xrf0) =	vadd.scan.msk.s32 $0xffff, v11;
	_ =	sdelay $0x2  }
0x33e: {  	v4 =	vmov s26  }
0x33f: {  	v4 =	vadd.s32 $0xFFFFFFFF, v4  }
0x340: {  	v4 =	vbroadcast v4, $0x0  }
0x341: {  	v5, _, _ =	vpop (xrf0)  }
0x342: {  	v4 =	vadd.s32 v5, v4  }
0x343: {  	vm6 =	vlt.s32 v4, $0x3200  }
0x344: {  	vm0 =	vmand vm0, vm6  }
0x345: {  	s9 =	simm.s32 $0x160A0;
	v4 =	vnsel vm0, $0x0, v4  }
0x346: {  	v12 =	vld [tilespmem:s9+$0xFFFFFFE0];
	_ =	sdelay $0x3  }
0x347: {  	[tilespmem:v4+s3+$0x0] =	vst.idx.msk vm0, v10  }
0x348: {  	(v2sf) =	vpush v5, $0xF;
	[tilespmem:v4+s6+$0x0] =	vst.idx.msk vm0, v12  }
0x349: {  	v4 =	vld [tilespmem:s11+$0xFFFFFFF0]  }
0x34a: {  	s12 =	simm.s32 $0x2F810  }
0x34b: {  	v5 =	vor.u32 s12, v2  }
0x34c: {  	v5 =	vmulhi.u32 $0x51EB851F, v5;
	_ =	sdelay $0x1  }
0x34d: {  	v13 =	vshrl.u32 v5, $0x3;
	v6 =	vshll.u32 v4, $0xA  }
0x34e: {  	v13 =	vand.u32 $0xFFFFC00, v13;
	v4 =	vshll.u32 v4, $0x7;
	v6 =	vand.u32 $0xFFFFE000, v6  }
0x34f: {  	v5 =	vshrl.u32 v5, $0x6;
	v4 =	vand.u32 $0x380, v4;
	v6 =	vadd.s32 v13, v6  }
0x350: {  	v5 =	vand.u32 $0x7F, v5;
	v4 =	vor.u32 v4, v6  }
0x351: {  	v13 =	vor.u32 v5, v4  }
0x352: {  	vm7 =	vge.s32 v13, v1;
	vm8 =	vlt.s32 v13, v0  }
0x353: {  	vm0 =	vmand vm7, vm8  }
0x354: {  	v14 =	vsel vm0, $0x1, v3  }
0x355: {  	(xrf0) =	vadd.scan.msk.s32 $0xffff, v14  }
0x356: {  	s16 =	spop (v2sf)  }
0x357: {  	s13 =	sadd.s32 s26, s16  }
0x358: {  	v4 =	vmov s13  }
0x359: {  	v4 =	vadd.s32 $0xFFFFFFFF, v4  }
0x35a: {  	v4 =	vbroadcast v4, $0x0  }
0x35b: {  	v5, _, _ =	vpop (xrf0)  }
0x35c: {  	v4 =	vadd.s32 v5, v4  }
0x35d: {  	vm9 =	vlt.s32 v4, $0x3200  }
0x35e: {  	vm0 =	vmand vm0, vm9  }
0x35f: {  	v4 =	vnsel vm0, $0x0, v4  }
0x360: {  	v15 =	vld [tilespmem:s9+$0xFFFFFFF0];
	_ =	sdelay $0x3  }
0x361: {  	[tilespmem:v4+s3+$0x0] =	vst.idx.msk vm0, v13  }
0x362: {  	(v2sf) =	vpush v5, $0xF;
	[tilespmem:v4+s6+$0x0] =	vst.idx.msk vm0, v15  }
0x363: {  	v4 =	vld [tilespmem:s11+$0x0]  }
0x364: {  	s14 =	simm.s32 $0x2F820  }
0x365: {  	v5 =	vor.u32 s14, v2  }
0x366: {  	v5 =	vmulhi.u32 $0x51EB851F, v5;
	_ =	sdelay $0x1  }
0x367: {  	v16 =	vshrl.u32 v5, $0x3;
	v6 =	vshll.u32 v4, $0xA  }
0x368: {  	v16 =	vand.u32 $0xFFFFC00, v16;
	v4 =	vshll.u32 v4, $0x7;
	v6 =	vand.u32 $0xFFFFE000, v6  }
0x369: {  	v5 =	vshrl.u32 v5, $0x6;
	v4 =	vand.u32 $0x380, v4;
	v6 =	vadd.s32 v16, v6  }
0x36a: {  	v5 =	vand.u32 $0x7F, v5;
	v4 =	vor.u32 v4, v6  }
0x36b: {  	v61 =	vor.u32 v5, v4  }
0x36c: {  	vm10 =	vge.s32 v61, v1;
	vm11 =	vlt.s32 v61, v0  }
0x36d: {  	vm0 =	vmand vm10, vm11  }
0x36e: {  	v17 =	vsel vm0, $0x1, v3  }
0x36f: {  	(xrf0) =	vadd.scan.msk.s32 $0xffff, v17  }
0x370: {  	s24 =	spop (v2sf)  }
0x371: {  	s13 =	sadd.s32 s13, s24  }
0x372: {  	v4 =	vmov s13  }
0x373: {  	v4 =	vadd.s32 $0xFFFFFFFF, v4  }
0x374: {  	v4 =	vbroadcast v4, $0x0  }
0x375: {  	v5, _, _ =	vpop (xrf0)  }
0x376: {  	v4 =	vadd.s32 v5, v4  }
0x377: {  	vm12 =	vlt.s32 v4, $0x3200  }
0x378: {  	vm0 =	vmand vm0, vm12  }
0x379: {  	v4 =	vnsel vm0, $0x0, v4  }
0x37a: {  	v18 =	vld [tilespmem:s9+$0x0];
	_ =	sdelay $0x3  }
0x37b: {  	[tilespmem:v4+s3+$0x0] =	vst.idx.msk vm0, v61  }
0x37c: {  	(v2sf) =	vpush v5, $0xF;
	[tilespmem:v4+s6+$0x0] =	vst.idx.msk vm0, v18  }
0x37d: {  	v4 =	vld [tilespmem:s11+$0x10]  }
0x37e: {  	s26 =	simm.s32 $0x2F830  }
0x37f: {  	v5 =	vor.u32 s26, v2  }
0x380: {  	v5 =	vmulhi.u32 $0x51EB851F, v5;
	_ =	sdelay $0x1  }
0x381: {  	v19 =	vshrl.u32 v5, $0x3;
	v6 =	vshll.u32 v4, $0xA  }
0x382: {  	v19 =	vand.u32 $0xFFFFC00, v19;
	v4 =	vshll.u32 v4, $0x7;
	v6 =	vand.u32 $0xFFFFE000, v6  }
0x383: {  	v5 =	vshrl.u32 v5, $0x6;
	v4 =	vand.u32 $0x380, v4;
	v6 =	vadd.s32 v19, v6  }
0x384: {  	v5 =	vand.u32 $0x7F, v5;
	v4 =	vor.u32 v4, v6  }
0x385: {  	v5 =	vor.u32 v5, v4  }
0x386: {  	vm13 =	vge.s32 v5, v1;
	vm14 =	vlt.s32 v5, v0  }
0x387: {  	vm0 =	vmand vm13, vm14  }
0x388: {  	v6 =	vsel vm0, $0x1, v3  }
0x389: {  	(xrf0) =	vadd.scan.msk.s32 $0xffff, v6  }
0x38a: {  	s17 =	spop (v2sf)  }
0x38b: {  	s13 =	sadd.s32 s13, s17  }
0x38c: {  	v4 =	vmov s13  }
0x38d: {  	v4 =	vadd.s32 $0xFFFFFFFF, v4  }
0x38e: {  	v4 =	vbroadcast v4, $0x0  }
0x38f: {  	v62, _, _ =	vpop (xrf0)  }
0x390: {  	v4 =	vadd.s32 v62, v4;
	(v2sf) =	vpush v62, $0xF  }
0x391: {  	vm15 =	vlt.s32 v4, $0x3200  }
0x392: {  	vm0 =	vmand vm0, vm15  }
0x393: {  	v63 =	vnsel vm0, $0x0, v4  }
0x394: {  	v4 =	vld [tilespmem:s9+$0x10];
	_ =	sdelay $0x3  }
0x395: {  	[tilespmem:v63+s3+$0x0] =	vst.idx.msk vm0, v5  }
0x396: {  	p0 =	sgt.s32 s16, $0x0;
	s16 =	simm.s32 $0x2F840;
	s11 =	simm.s32 $0x138E0;
	[tilespmem:v63+s6+$0x0] =	vst.idx.msk vm0, v4  }
0x397: {  	v8 =	vpsel p0, v10, v8;
	v10 =	vor.u32 s16, v2;
	v19 =	vld [tilespmem:s11+$0xFFFFFFE0]  }
0x398: {  	v10 =	vmulhi.u32 $0x51EB851F, v10  }
0x399: {  	v9 =	vpsel p0, v12, v9;
	v7 =	vpsel p0, v11, v7;
	p1 =	sgt.s32 s24, $0x0  }
0x39a: {  	v9 =	vpsel p1, v15, v9;
	v11 =	vpsel p1, v13, v8;
	v13 =	vshrl.u32 v10, $0x3;
	p6 =	sgt.s32 s17, $0x0  }
0x39b: {  	v7 =	vpsel p1, v14, v7;
	v13 =	vand.u32 $0xFFFFC00, v13;
	v8 =	vpsel p6, v18, v9  }
0x39c: {  	v9 =	vpsel p6, v61, v11;
	v11 =	vshll.u32 v19, $0xA;
	v14 =	vshll.u32 v19, $0x7;
	s28 =	spop (v2sf)  }
0x39d: {  	s26 =	simm.s32 $0x2F880;
	v7 =	vpsel p6, v17, v7;
	p0 =	sgt.s32 s28, $0x0;
	s12 =	sadd.s32 s13, s28;
	v12 =	vand.u32 $0xFFFFE000, v11;
	v11 =	vand.u32 $0x380, v14  }
.LBB2_8:
0x39e: {  	p1 =	sne.s32 s26, $0x30BC0  }
0x39f: {  	v10 =	vshrl.u32 v10, $0x6;
	v12 =	vadd.s32 v13, v12;
	v5 =	vpsel p0, v5, v9;
	s9 =	sadd.s32 $0x40, s9;
	s28 =	smov.u32 s26;
	s26 =	sadd.s32 $0x40, s26  }
0x3a0: {  	v4 =	vpsel p0, v4, v8;
	v9 =	vor.u32 v11, v12;
	v10 =	vand.u32 $0x7F, v10  }
0x3a1: {  	v6 =	vpsel p0, v6, v7;
	v8 =	vor.u32 v10, v9  }
0x3a2: {  	vm0 =	vge.s32 v8, v1;
	vm1 =	vlt.s32 v8, v0  }
0x3a3: {  	vm0 =	vmand vm0, vm1  }
0x3a4: {  	v7 =	vsel vm0, $0x1, v3  }
0x3a5: {  	(xrf0) =	vadd.scan.msk.s32 $0xffff, v7;
	_ =	sdelay $0x2  }
0x3a6: {  	v9 =	vmov s12  }
0x3a7: {  	v9 =	vadd.s32 $0xFFFFFFFF, v9  }
0x3a8: {  	v9 =	vbroadcast v9, $0x0  }
0x3a9: {  	v10, _, _ =	vpop (xrf0)  }
0x3aa: {  	v9 =	vadd.s32 v10, v9;
	(v2sf) =	vpush v10, $0xF  }
0x3ab: {  	vm1 =	vlt.s32 v9, $0x3200  }
0x3ac: {  	vm0 =	vmand vm0, vm1  }
0x3ad: {  	v9 =	vnsel vm0, $0x0, v9  }
0x3ae: {  	v10 =	vld [tilespmem:s9+$0xFFFFFFE0];
	_ =	sdelay $0x3  }
0x3af: {  	[tilespmem:v9+s3+$0x0] =	vst.idx.msk vm0, v8  }
0x3b0: {  	[tilespmem:v9+s6+$0x0] =	vst.idx.msk vm0, v10  }
0x3b1: {  	v9 =	vld [tilespmem:s11+$0xFFFFFFF0]  }
0x3b2: {  	s13 =	sadd.s32 $0x10, s16  }
0x3b3: {  	v11 =	vor.u32 s13, v2  }
0x3b4: {  	v11 =	vmulhi.u32 $0x51EB851F, v11;
	_ =	sdelay $0x1  }
0x3b5: {  	v13 =	vshrl.u32 v11, $0x3;
	v12 =	vshll.u32 v9, $0xA;
	v9 =	vshll.u32 v9, $0x7;
	s13 =	spop (v2sf)  }
0x3b6: {  	v11 =	vshrl.u32 v11, $0x6;
	v13 =	vand.u32 $0xFFFFC00, v13;
	p0 =	sgt.s32 s13, $0x0;
	s12 =	sadd.s32 s12, s13;
	v12 =	vand.u32 $0xFFFFE000, v12  }
0x3b7: {  	v9 =	vand.u32 $0x380, v9;
	v12 =	vadd.s32 v13, v12;
	v13 =	vmov s12  }
0x3b8: {  	v11 =	vand.u32 $0x7F, v11;
	v9 =	vor.u32 v9, v12;
	v12 =	vadd.s32 $0xFFFFFFFF, v13  }
0x3b9: {  	v4 =	vpsel p0, v10, v4;
	v6 =	vpsel p0, v7, v6;
	v7 =	vor.u32 v11, v9  }
0x3ba: {  	v5 =	vpsel p0, v8, v5;
	vm0 =	vge.s32 v7, v1;
	vm1 =	vlt.s32 v7, v0  }
0x3bb: {  	vm0 =	vmand vm0, vm1  }
0x3bc: {  	v8 =	vsel vm0, $0x1, v3  }
0x3bd: {  	(xrf0) =	vadd.scan.msk.s32 $0xffff, v8;
	_ =	sdelay $0x4  }
0x3be: {  	v9 =	vbroadcast v12, $0x0  }
0x3bf: {  	v10, _, _ =	vpop (xrf0)  }
0x3c0: {  	v9 =	vadd.s32 v10, v9;
	(v2sf) =	vpush v10, $0xF  }
0x3c1: {  	vm1 =	vlt.s32 v9, $0x3200  }
0x3c2: {  	vm0 =	vmand vm0, vm1  }
0x3c3: {  	v9 =	vnsel vm0, $0x0, v9  }
0x3c4: {  	v10 =	vld [tilespmem:s9+$0xFFFFFFF0];
	_ =	sdelay $0x3  }
0x3c5: {  	[tilespmem:v9+s3+$0x0] =	vst.idx.msk vm0, v7  }
0x3c6: {  	[tilespmem:v9+s6+$0x0] =	vst.idx.msk vm0, v10  }
0x3c7: {  	v9 =	vld [tilespmem:s11+$0x0]  }
0x3c8: {  	s13 =	sadd.s32 $0x20, s16  }
0x3c9: {  	v11 =	vor.u32 s13, v2  }
0x3ca: {  	v11 =	vmulhi.u32 $0x51EB851F, v11;
	_ =	sdelay $0x1  }
0x3cb: {  	v13 =	vshrl.u32 v11, $0x3;
	v12 =	vshll.u32 v9, $0xA;
	v9 =	vshll.u32 v9, $0x7;
	s13 =	spop (v2sf)  }
0x3cc: {  	v11 =	vshrl.u32 v11, $0x6;
	v13 =	vand.u32 $0xFFFFC00, v13;
	p0 =	sgt.s32 s13, $0x0;
	s12 =	sadd.s32 s12, s13;
	v12 =	vand.u32 $0xFFFFE000, v12  }
0x3cd: {  	v9 =	vand.u32 $0x380, v9;
	v12 =	vadd.s32 v13, v12;
	v13 =	vmov s12  }
0x3ce: {  	v11 =	vand.u32 $0x7F, v11;
	v9 =	vor.u32 v9, v12;
	v12 =	vadd.s32 $0xFFFFFFFF, v13  }
0x3cf: {  	v10 =	vpsel p0, v10, v4;
	v6 =	vpsel p0, v8, v6;
	v9 =	vor.u32 v11, v9  }
0x3d0: {  	v11 =	vpsel p0, v7, v5;
	vm0 =	vge.s32 v9, v1;
	vm1 =	vlt.s32 v9, v0  }
0x3d1: {  	vm0 =	vmand vm0, vm1  }
0x3d2: {  	v5 =	vsel vm0, $0x1, v3  }
0x3d3: {  	(xrf0) =	vadd.scan.msk.s32 $0xffff, v5;
	_ =	sdelay $0x4  }
0x3d4: {  	v4 =	vbroadcast v12, $0x0  }
0x3d5: {  	v7, _, _ =	vpop (xrf0)  }
0x3d6: {  	v4 =	vadd.s32 v7, v4;
	(v2sf) =	vpush v7, $0xF  }
0x3d7: {  	vm1 =	vlt.s32 v4, $0x3200  }
0x3d8: {  	vm0 =	vmand vm0, vm1  }
0x3d9: {  	v4 =	vnsel vm0, $0x0, v4  }
0x3da: {  	v7 =	vld [tilespmem:s9+$0x0];
	_ =	sdelay $0x3  }
0x3db: {  	[tilespmem:v4+s3+$0x0] =	vst.idx.msk vm0, v9  }
0x3dc: {  	[tilespmem:v4+s6+$0x0] =	vst.idx.msk vm0, v7  }
0x3dd: {  	v8 =	vld [tilespmem:s11+$0x10]  }
0x3de: {  	s13 =	sadd.s32 $0x30, s16;
	s16 =	smov.u32 s28;
	v4 =	vld [tilespmem:s9+$0x10]  }
0x3df: {  	v12 =	vor.u32 s13, v2  }
0x3e0: {  	v12 =	vmulhi.u32 $0x51EB851F, v12;
	_ =	sdelay $0x1  }
0x3e1: {  	v14 =	vshrl.u32 v12, $0x3;
	v13 =	vshll.u32 v8, $0xA;
	v8 =	vshll.u32 v8, $0x7;
	s13 =	spop (v2sf)  }
0x3e2: {  	v12 =	vshrl.u32 v12, $0x6;
	v14 =	vand.u32 $0xFFFFC00, v14;
	p0 =	sgt.s32 s13, $0x0;
	s12 =	sadd.s32 s12, s13;
	v13 =	vand.u32 $0xFFFFE000, v13  }
0x3e3: {  	v8 =	vand.u32 $0x380, v8;
	v13 =	vadd.s32 v14, v13;
	v14 =	vmov s12  }
0x3e4: {  	v12 =	vand.u32 $0x7F, v12;
	v13 =	vor.u32 v8, v13;
	v14 =	vadd.s32 $0xFFFFFFFF, v14  }
0x3e5: {  	v8 =	vpsel p0, v7, v10;
	v7 =	vpsel p0, v5, v6;
	v5 =	vor.u32 v12, v13  }
0x3e6: {  	v9 =	vpsel p0, v9, v11;
	vm0 =	vge.s32 v5, v1;
	vm1 =	vlt.s32 v5, v0  }
0x3e7: {  	vm0 =	vmand vm0, vm1  }
0x3e8: {  	v6 =	vsel vm0, $0x1, v3  }
0x3e9: {  	(xrf0) =	vadd.scan.msk.s32 $0xffff, v6;
	_ =	sdelay $0x4  }
0x3ea: {  	v10 =	vbroadcast v14, $0x0  }
0x3eb: {  	v11, _, _ =	vpop (xrf0)  }
0x3ec: {  	v10 =	vadd.s32 v11, v10;
	(v2sf) =	vpush v11, $0xF  }
0x3ed: {  	vm1 =	vlt.s32 v10, $0x3200  }
0x3ee: {  	vm0 =	vmand vm0, vm1  }
0x3ef: {  	v10 =	vnsel vm0, $0x0, v10;
	_ =	sdelay $0x4  }
0x3f0: {  	[tilespmem:v10+s3+$0x0] =	vst.idx.msk vm0, v5  }
0x3f1: {  	s11 =	sadd.s32 $0x40, s11;
	[tilespmem:v10+s6+$0x0] =	vst.idx.msk vm0, v4  }
0x3f2: {  	v11 =	vld [tilespmem:s11+$0xFFFFFFE0];
	_ =	sdelay $0x1  }
.Ltmp5:
0x3f3: {  	v10 =	vor.u32 s16, v2;
	(pc) =	sbr.rel @p1 .LBB2_8-.Ltmp5, $3  }
0x3f4: {  	v10 =	vmulhi.u32 $0x51EB851F, v10;
	_ =	sdelay $0x1  }
0x3f5: {  	v13 =	vshrl.u32 v10, $0x3;
	v12 =	vshll.u32 v11, $0xA;
	v11 =	vshll.u32 v11, $0x7;
	s13 =	spop (v2sf)  }
0x3f6: {  	v13 =	vand.u32 $0xFFFFC00, v13;
	v12 =	vand.u32 $0xFFFFE000, v12;
	v11 =	vand.u32 $0x380, v11;
	p0 =	sgt.s32 s13, $0x0;
	s12 =	sadd.s32 s12, s13  }
0x3f7: {  	v10 =	vshrl.u32 v10, $0x6;
	v12 =	vadd.s32 v13, v12  }
0x3f8: {  	v11 =	vor.u32 v11, v12;
	v10 =	vand.u32 $0x7F, v10  }
0x3f9: {  	v10 =	vor.u32 v10, v11  }
0x3fa: {  	vm0 =	vge.s32 v10, v1;
	vm1 =	vlt.s32 v10, v0  }
0x3fb: {  	vm0 =	vmand vm0, vm1  }
0x3fc: {  	v11 =	vsel vm0, $0x1, v3  }
0x3fd: {  	(xrf0) =	vadd.scan.msk.s32 $0xffff, v11;
	_ =	sdelay $0x2  }
0x3fe: {  	v12 =	vmov s12  }
0x3ff: {  	v12 =	vadd.s32 $0xFFFFFFFF, v12  }
0x400: {  	v12 =	vbroadcast v12, $0x0  }
0x401: {  	v14, _, _ =	vpop (xrf0)  }
0x402: {  	v12 =	vadd.s32 v14, v12  }
0x403: {  	vm6 =	vlt.s32 v12, $0x3200  }
0x404: {  	vm0 =	vmand vm0, vm6  }
0x405: {  	s28 =	sadd.s32 $0x40, s9;
	v12 =	vnsel vm0, $0x0, v12  }
0x406: {  	v13 =	vld [tilespmem:s28+$0xFFFFFFE0];
	_ =	sdelay $0x3  }
0x407: {  	[tilespmem:v12+s3+$0x0] =	vst.idx.msk vm0, v10  }
0x408: {  	(v2sf) =	vpush v14, $0xF;
	[tilespmem:v12+s6+$0x0] =	vst.idx.msk vm0, v13  }
0x409: {  	v12 =	vld [tilespmem:s11+$0xFFFFFFF0]  }
0x40a: {  	s5 =	sadd.s32 $0x10, s16  }
0x40b: {  	v14 =	vor.u32 s5, v2  }
0x40c: {  	v14 =	vmulhi.u32 $0x51EB851F, v14;
	_ =	sdelay $0x1  }
0x40d: {  	v16 =	vshrl.u32 v14, $0x3;
	v15 =	vshll.u32 v12, $0xA  }
0x40e: {  	v16 =	vand.u32 $0xFFFFC00, v16;
	v12 =	vshll.u32 v12, $0x7;
	v15 =	vand.u32 $0xFFFFE000, v15  }
0x40f: {  	v14 =	vshrl.u32 v14, $0x6;
	v12 =	vand.u32 $0x380, v12;
	v15 =	vadd.s32 v16, v15  }
0x410: {  	v14 =	vand.u32 $0x7F, v14;
	v12 =	vor.u32 v12, v15  }
0x411: {  	v15 =	vor.u32 v14, v12  }
0x412: {  	vm7 =	vge.s32 v15, v1;
	vm8 =	vlt.s32 v15, v0  }
0x413: {  	vm0 =	vmand vm7, vm8  }
0x414: {  	v16 =	vsel vm0, $0x1, v3  }
0x415: {  	(xrf0) =	vadd.scan.msk.s32 $0xffff, v16  }
0x416: {  	s9 =	spop (v2sf)  }
0x417: {  	s7 =	sadd.s32 s12, s9  }
0x418: {  	v12 =	vmov s7  }
0x419: {  	v12 =	vadd.s32 $0xFFFFFFFF, v12  }
0x41a: {  	v12 =	vbroadcast v12, $0x0  }
0x41b: {  	v14, _, _ =	vpop (xrf0)  }
0x41c: {  	v12 =	vadd.s32 v14, v12  }
0x41d: {  	vm9 =	vlt.s32 v12, $0x3200  }
0x41e: {  	vm0 =	vmand vm0, vm9  }
0x41f: {  	v12 =	vnsel vm0, $0x0, v12  }
0x420: {  	v17 =	vld [tilespmem:s28+$0xFFFFFFF0];
	_ =	sdelay $0x3  }
0x421: {  	[tilespmem:v12+s3+$0x0] =	vst.idx.msk vm0, v15  }
0x422: {  	(v2sf) =	vpush v14, $0xF;
	[tilespmem:v12+s6+$0x0] =	vst.idx.msk vm0, v17  }
0x423: {  	v12 =	vld [tilespmem:s11+$0x0]  }
0x424: {  	s13 =	sadd.s32 $0x20, s16  }
0x425: {  	v14 =	vor.u32 s13, v2  }
0x426: {  	v14 =	vmulhi.u32 $0x51EB851F, v14;
	_ =	sdelay $0x1  }
0x427: {  	v19 =	vshrl.u32 v14, $0x3;
	v18 =	vshll.u32 v12, $0xA  }
0x428: {  	v19 =	vand.u32 $0xFFFFC00, v19;
	v12 =	vshll.u32 v12, $0x7;
	v18 =	vand.u32 $0xFFFFE000, v18  }
0x429: {  	v14 =	vshrl.u32 v14, $0x6;
	v12 =	vand.u32 $0x380, v12;
	v18 =	vadd.s32 v19, v18  }
0x42a: {  	v14 =	vand.u32 $0x7F, v14;
	v12 =	vor.u32 v12, v18  }
0x42b: {  	v19 =	vor.u32 v14, v12  }
0x42c: {  	vm10 =	vge.s32 v19, v1;
	vm11 =	vlt.s32 v19, v0  }
0x42d: {  	vm0 =	vmand vm10, vm11  }
0x42e: {  	v20 =	vsel vm0, $0x1, v3  }
0x42f: {  	(xrf0) =	vadd.scan.msk.s32 $0xffff, v20  }
0x430: {  	s26 =	spop (v2sf)  }
0x431: {  	s12 =	sadd.s32 s7, s26  }
0x432: {  	v12 =	vmov s12  }
0x433: {  	v12 =	vadd.s32 $0xFFFFFFFF, v12  }
0x434: {  	v12 =	vbroadcast v12, $0x0  }
0x435: {  	v14, _, _ =	vpop (xrf0)  }
0x436: {  	v12 =	vadd.s32 v14, v12  }
0x437: {  	vm12 =	vlt.s32 v12, $0x3200  }
0x438: {  	vm0 =	vmand vm0, vm12  }
0x439: {  	v12 =	vnsel vm0, $0x0, v12  }
0x43a: {  	v21 =	vld [tilespmem:s28+$0x0];
	_ =	sdelay $0x3  }
0x43b: {  	[tilespmem:v12+s3+$0x0] =	vst.idx.msk vm0, v19  }
0x43c: {  	[tilespmem:v12+s6+$0x0] =	vst.idx.msk vm0, v21  }
0x43d: {  	v12 =	vld [tilespmem:s11+$0x10]  }
0x43e: {  	s14 =	sadd.s32 $0x30, s16;
	(v2sf) =	vpush v14, $0xF  }
0x43f: {  	v18 =	vor.u32 s14, v2  }
0x440: {  	v14 =	vmulhi.u32 $0x51EB851F, v18;
	_ =	sdelay $0x1  }
0x441: {  	v22 =	vshrl.u32 v14, $0x3;
	v18 =	vshll.u32 v12, $0xA  }
0x442: {  	v22 =	vand.u32 $0xFFFFC00, v22;
	v12 =	vshll.u32 v12, $0x7;
	v18 =	vand.u32 $0xFFFFE000, v18  }
0x443: {  	v14 =	vshrl.u32 v14, $0x6;
	v12 =	vand.u32 $0x380, v12;
	v18 =	vadd.s32 v22, v18  }
0x444: {  	v14 =	vand.u32 $0x7F, v14;
	v12 =	vor.u32 v12, v18  }
0x445: {  	v58 =	vor.u32 v14, v12  }
0x446: {  	vm13 =	vge.s32 v58, v1;
	vm14 =	vlt.s32 v58, v0  }
0x447: {  	vm0 =	vmand vm13, vm14  }
0x448: {  	v23 =	vsel vm0, $0x1, v3  }
0x449: {  	(xrf0) =	vadd.scan.msk.s32 $0xffff, v23;
	_ =	sdelay $0x2  }
0x44a: {  	s11 =	spop (v2sf)  }
0x44b: {  	s12 =	sadd.s32 s12, s11  }
0x44c: {  	v14 =	vmov s12  }
0x44d: {  	v14 =	vadd.s32 $0xFFFFFFFF, v14;
	v12, _, _ =	vpop (xrf0)  }
0x44e: {  	v14 =	vbroadcast v14, $0x0;
	(v2sf) =	vpush v12, $0xF;
	_ =	sdelay $0x1  }
0x44f: {  	v12 =	vadd.s32 v12, v14  }
0x450: {  	vm15 =	vlt.s32 v12, $0x3200  }
0x451: {  	vm0 =	vmand vm0, vm15  }
0x452: {  	v12 =	vnsel vm0, $0x0, v12  }
0x453: {  	v24 =	vld [tilespmem:s28+$0x10];
	_ =	sdelay $0x3  }
0x454: {  	[tilespmem:v12+s3+$0x0] =	vst.idx.msk vm0, v58  }
0x455: {  	s15 =	simm.s32 $0x0;
	s0 =	rddreg [dreg:$0x19];
	s4 =	simm.s32 $0x14C80;
	[tilespmem:v12+s6+$0x0] =	vst.idx.msk vm0, v24  }
0x456: {  	[tilespmem:s4], [sflag:$0xC] =	stream.linear.gather [hbm4b:s0+s15], $0x1400, $0x38;
	[tilespmem:$0x1F080] =	vst v63  }
0x457: {  	s17 =	rddreg [dreg:$0x1a];
	s24 =	simm.s32 $0x17480  }
0x458: {  	[tilespmem:s24], [sflag:$0xE] =	stream.linear.gather [hbm4b:s17+s15], $0x1400, $0x38;
	[tilespmem:$0x1F080] =	vst v63  }
0x459: {  	s28 =	simm.s32 $0x6;
	s16 =	spop (v2sf)  }
0x45a: {  	_ =	swait.ge [sflag:s28], $0x7D0  }
0x45b: {  	s5 =	sld [smem:$0x7FD]  }
0x45c: {  	[sflag:s28] =	ssyncset.done $0x0  }
0x45d: {  	s7 =	simm.s32 $0x7;
	s4 =	rddreg [dreg:$0x1c];
	[sflag:s28] =	ssyncadd.s32 $0xFFFFF830  }
0x45e: {  	[spmem:s8@s20], [sflag:s5] =	dma.strided [hbm:s4@s21], $0x7D0, s19, $0x10   }
0x45f: {  	_ =	swait.ge [sflag:s7], $0x7D0  }
0x460: {  	s14 =	sld [smem:$0x7F0]  }
0x461: {  	[sflag:s7] =	ssyncset.done $0x0  }
0x462: {  	s15 =	simm.s32 $0x8;
	s13 =	rddreg [dreg:$0x1e];
	[sflag:s7] =	ssyncadd.s32 $0xFFFFF830  }
0x463: {  	[spmem:s23@s20], [sflag:s14] =	dma.strided [hbm:s13@s21], $0x7D0, s19, $0x10   }
0x464: {  	_ =	swait.ge [sflag:s15], $0x7D0  }
0x465: {  	s17 =	sld [smem:$0x7F5]  }
0x466: {  	s24 =	sld [smem:$0x7F1]  }
0x467: {  	[sflag:s15] =	ssyncset.done $0x0  }
0x468: {  	s28 =	simm.s32 $0x9;
	[sflag:s15] =	ssyncadd.s32 $0xFFFFF830  }
0x469: {  	[spmem:s1@s20], [sflag:s24] =	dma.strided [hbm:s17@s21], $0x7D0, s19, $0x10   }
0x46a: {  	_ =	swait.ge [sflag:s28], $0x7D0  }
0x46b: {  	s4 =	sld [smem:$0x7F7]  }
0x46c: {  	s5 =	sld [smem:$0x7F2]  }
0x46d: {  	[sflag:s28] =	ssyncset.done $0x0  }
0x46e: {  	s7 =	simm.s32 $0xA;
	[sflag:s28] =	ssyncadd.s32 $0xFFFFF830  }
0x46f: {  	[spmem:s31@s20], [sflag:s5] =	dma.strided [hbm:s4@s21], $0x7D0, s19, $0x10   }
0x470: {  	_ =	swait.ge [sflag:s7], $0x7D0  }
0x471: {  	s13 =	sld [smem:$0x7F9]  }
0x472: {  	s4 =	sld [smem:$0x7F4]  }
0x473: {  	s5 =	sld [smem:$0x7F3]  }
0x474: {  	[sflag:s7] =	ssyncset.done $0x0  }
0x475: {  	[sflag:s7] =	ssyncadd.s32 $0xFFFFF830  }
0x476: {  	[spmem:s4@s20], [sflag:s5] =	dma.strided [hbm:s13@s21], $0x7D0, s19, $0x10   }
0x477: {  	_ =	swait.ge [sflag:s19], $0x7D0  }
0x478: {  	s15 =	sld [smem:$0x7EA]  }
0x479: {  	[sflag:s19] =	ssyncset.done $0x0  }
0x47a: {  	s17 =	simm.s32 $0x2;
	s14 =	rddreg [dreg:$0x1d];
	[sflag:s19] =	ssyncadd.s32 $0xFFFFF830  }
0x47b: {  	[hbm:s14@s21], [sflag:s15] =	dma.strided [spmem:s8@s20], $0x7D0, s19, $0x10   }
0x47c: {  	_ =	swait.ge [sflag:s17], $0x7D0  }
0x47d: {  	s28 =	sld [smem:$0x7EB]  }
0x47e: {  	[sflag:s17] =	ssyncset.done $0x0  }
0x47f: {  	s5 =	simm.s32 $0x3;
	s24 =	rddreg [dreg:$0x1f];
	[sflag:s17] =	ssyncadd.s32 $0xFFFFF830  }
0x480: {  	[hbm:s24@s21], [sflag:s28] =	dma.strided [spmem:s23@s20], $0x7D0, s19, $0x10   }
0x481: {  	_ =	swait.ge [sflag:s5], $0x7D0  }
0x482: {  	s7 =	sld [smem:$0x7F6]  }
0x483: {  	s8 =	sld [smem:$0x7EC]  }
0x484: {  	[sflag:s5] =	ssyncset.done $0x0  }
0x485: {  	s13 =	simm.s32 $0x4;
	[sflag:s5] =	ssyncadd.s32 $0xFFFFF830  }
0x486: {  	[hbm:s7@s21], [sflag:s8] =	dma.strided [spmem:s1@s20], $0x7D0, s19, $0x10   }
0x487: {  	_ =	swait.ge [sflag:s13], $0x7D0  }
0x488: {  	s14 =	sld [smem:$0x7F8]  }
0x489: {  	s15 =	sld [smem:$0x7ED]  }
0x48a: {  	[sflag:s13] =	ssyncset.done $0x0  }
0x48b: {  	s17 =	simm.s32 $0x5;
	[sflag:s13] =	ssyncadd.s32 $0xFFFFF830  }
0x48c: {  	[hbm:s14@s21], [sflag:s15] =	dma.strided [spmem:s31@s20], $0x7D0, s19, $0x10   }
0x48d: {  	_ =	swait.ge [sflag:s17], $0x7D0  }
0x48e: {  	s23 =	sld [smem:$0x7FA]  }
0x48f: {  	s24 =	sld [smem:$0x7EE]  }
0x490: {  	[sflag:s17] =	ssyncset.done $0x0  }
0x491: {  	s28 =	simm.s32 $0xC;
	[sflag:s17] =	ssyncadd.s32 $0xFFFFF830  }
0x492: {  	[hbm:s23@s21], [sflag:s24] =	dma.strided [spmem:s4@s20], $0x7D0, s19, $0x10   }
0x493: {  	_ =	swait.ge [sflag:s28], $0x1400  }
0x494: {  	[sflag:s28] =	ssyncset.done $0x0  }
0x495: {  	s31 =	simm.s32 $0xE;
	[sflag:s28] =	ssyncadd.s32 $0xFFFFEC00  }
0x496: {  	_ =	swait.ge [sflag:s31], $0x1400  }
0x497: {  	[sflag:s31] =	ssyncset.done $0x0  }
0x498: {  	s0 =	simm.s32 $0x14CA0;
	[sflag:s31] =	ssyncadd.s32 $0xFFFFEC00  }
0x499: {  	v12 =	vld [tilespmem:s0+$0xFFFFFFE0]  }
0x49a: {  	s8 =	simm.s32 $0x30C00  }
0x49b: {  	v14 =	vor.u32 s8, v2  }
0x49c: {  	v14 =	vmulhi.u32 $0x51EB851F, v14;
	_ =	sdelay $0x1  }
0x49d: {  	v25 =	vshrl.u32 v14, $0x3;
	v18 =	vshll.u32 v12, $0xA  }
0x49e: {  	v25 =	vand.u32 $0xFFFFC00, v25;
	v12 =	vshll.u32 v12, $0x7;
	v18 =	vand.u32 $0xFFFFE000, v18  }
0x49f: {  	v14 =	vshrl.u32 v14, $0x6;
	v12 =	vand.u32 $0x380, v12;
	v18 =	vadd.s32 v25, v18  }
0x4a0: {  	v14 =	vand.u32 $0x7F, v14;
	v12 =	vor.u32 v12, v18  }
0x4a1: {  	v59 =	vor.u32 v14, v12  }
0x4a2: {  	vm4 =	vge.s32 v59, v1;
	vm5 =	vlt.s32 v59, v0  }
0x4a3: {  	vm0 =	vmand vm4, vm5  }
0x4a4: {  	v26 =	vsel vm0, $0x1, v3  }
0x4a5: {  	(xrf0) =	vadd.scan.msk.s32 $0xffff, v26;
	_ =	sdelay $0x1  }
0x4a6: {  	s7 =	sadd.s32 s12, s16  }
0x4a7: {  	v12 =	vmov s7  }
0x4a8: {  	v12 =	vadd.s32 $0xFFFFFFFF, v12  }
0x4a9: {  	v12 =	vbroadcast v12, $0x0  }
0x4aa: {  	v14, _, _ =	vpop (xrf0)  }
0x4ab: {  	v12 =	vadd.s32 v14, v12  }
0x4ac: {  	vm6 =	vlt.s32 v12, $0x3200  }
0x4ad: {  	vm0 =	vmand vm0, vm6  }
0x4ae: {  	s1 =	simm.s32 $0x174A0;
	v12 =	vnsel vm0, $0x0, v12  }
0x4af: {  	v27 =	vld [tilespmem:s1+$0xFFFFFFE0];
	_ =	sdelay $0x3  }
0x4b0: {  	[tilespmem:v12+s3+$0x0] =	vst.idx.msk vm0, v59  }
0x4b1: {  	(v2sf) =	vpush v14, $0xF;
	[tilespmem:v12+s6+$0x0] =	vst.idx.msk vm0, v27  }
0x4b2: {  	v12 =	vld [tilespmem:s0+$0xFFFFFFF0]  }
0x4b3: {  	s13 =	simm.s32 $0x30C10  }
0x4b4: {  	v14 =	vor.u32 s13, v2  }
0x4b5: {  	v14 =	vmulhi.u32 $0x51EB851F, v14;
	_ =	sdelay $0x1  }
0x4b6: {  	v28 =	vshrl.u32 v14, $0x3;
	v18 =	vshll.u32 v12, $0xA  }
0x4b7: {  	v28 =	vand.u32 $0xFFFFC00, v28;
	v12 =	vshll.u32 v12, $0x7;
	v18 =	vand.u32 $0xFFFFE000, v18  }
0x4b8: {  	v14 =	vshrl.u32 v14, $0x6;
	v12 =	vand.u32 $0x380, v12;
	v18 =	vadd.s32 v28, v18  }
0x4b9: {  	v14 =	vand.u32 $0x7F, v14;
	v12 =	vor.u32 v12, v18  }
0x4ba: {  	v60 =	vor.u32 v14, v12  }
0x4bb: {  	vm7 =	vge.s32 v60, v1;
	vm8 =	vlt.s32 v60, v0  }
0x4bc: {  	vm0 =	vmand vm7, vm8  }
0x4bd: {  	v29 =	vsel vm0, $0x1, v3  }
0x4be: {  	(xrf0) =	vadd.scan.msk.s32 $0xffff, v29  }
0x4bf: {  	s14 =	spop (v2sf)  }
0x4c0: {  	s15 =	sadd.s32 s7, s14  }
0x4c1: {  	v12 =	vmov s15  }
0x4c2: {  	v12 =	vadd.s32 $0xFFFFFFFF, v12  }
0x4c3: {  	v12 =	vbroadcast v12, $0x0  }
0x4c4: {  	v14, _, _ =	vpop (xrf0)  }
0x4c5: {  	v12 =	vadd.s32 v14, v12  }
0x4c6: {  	vm9 =	vlt.s32 v12, $0x3200  }
0x4c7: {  	vm0 =	vmand vm0, vm9  }
0x4c8: {  	v12 =	vnsel vm0, $0x0, v12  }
0x4c9: {  	v30 =	vld [tilespmem:s1+$0xFFFFFFF0];
	_ =	sdelay $0x3  }
0x4ca: {  	[tilespmem:v12+s3+$0x0] =	vst.idx.msk vm0, v60  }
0x4cb: {  	(v2sf) =	vpush v14, $0xF;
	[tilespmem:v12+s6+$0x0] =	vst.idx.msk vm0, v30  }
0x4cc: {  	v12 =	vld [tilespmem:s0+$0x0]  }
0x4cd: {  	s17 =	simm.s32 $0x30C20  }
0x4ce: {  	v14 =	vor.u32 s17, v2  }
0x4cf: {  	v14 =	vmulhi.u32 $0x51EB851F, v14;
	_ =	sdelay $0x1  }
0x4d0: {  	v31 =	vshrl.u32 v14, $0x3;
	v18 =	vshll.u32 v12, $0xA  }
0x4d1: {  	v31 =	vand.u32 $0xFFFFC00, v31;
	v12 =	vshll.u32 v12, $0x7;
	v18 =	vand.u32 $0xFFFFE000, v18  }
0x4d2: {  	v14 =	vshrl.u32 v14, $0x6;
	v12 =	vand.u32 $0x380, v12;
	v18 =	vadd.s32 v31, v18  }
0x4d3: {  	v14 =	vand.u32 $0x7F, v14;
	v12 =	vor.u32 v12, v18  }
0x4d4: {  	v61 =	vor.u32 v14, v12  }
0x4d5: {  	vm10 =	vge.s32 v61, v1;
	vm11 =	vlt.s32 v61, v0  }
0x4d6: {  	vm0 =	vmand vm10, vm11  }
0x4d7: {  	v32 =	vsel vm0, $0x1, v3  }
0x4d8: {  	(xrf0) =	vadd.scan.msk.s32 $0xffff, v32  }
0x4d9: {  	s23 =	spop (v2sf)  }
0x4da: {  	s8 =	sadd.s32 s15, s23  }
0x4db: {  	v12 =	vmov s8  }
0x4dc: {  	v12 =	vadd.s32 $0xFFFFFFFF, v12  }
0x4dd: {  	v12 =	vbroadcast v12, $0x0  }
0x4de: {  	v14, _, _ =	vpop (xrf0)  }
0x4df: {  	v12 =	vadd.s32 v14, v12  }
0x4e0: {  	vm12 =	vlt.s32 v12, $0x3200  }
0x4e1: {  	vm0 =	vmand vm0, vm12  }
0x4e2: {  	v12 =	vnsel vm0, $0x0, v12  }
0x4e3: {  	v33 =	vld [tilespmem:s1+$0x0];
	_ =	sdelay $0x3  }
0x4e4: {  	[tilespmem:v12+s3+$0x0] =	vst.idx.msk vm0, v61  }
0x4e5: {  	(v2sf) =	vpush v14, $0xF;
	[tilespmem:v12+s6+$0x0] =	vst.idx.msk vm0, v33  }
0x4e6: {  	v12 =	vld [tilespmem:s0+$0x10]  }
0x4e7: {  	s24 =	simm.s32 $0x30C30  }
0x4e8: {  	v14 =	vor.u32 s24, v2  }
0x4e9: {  	v14 =	vmulhi.u32 $0x51EB851F, v14;
	_ =	sdelay $0x1  }
0x4ea: {  	v34 =	vshrl.u32 v14, $0x3;
	v18 =	vshll.u32 v12, $0xA  }
0x4eb: {  	v34 =	vand.u32 $0xFFFFC00, v34;
	v12 =	vshll.u32 v12, $0x7;
	v18 =	vand.u32 $0xFFFFE000, v18  }
0x4ec: {  	v14 =	vshrl.u32 v14, $0x6;
	v12 =	vand.u32 $0x380, v12;
	v18 =	vadd.s32 v34, v18  }
0x4ed: {  	v14 =	vand.u32 $0x7F, v14;
	v12 =	vor.u32 v12, v18  }
0x4ee: {  	v14 =	vor.u32 v14, v12  }
0x4ef: {  	vm13 =	vge.s32 v14, v1;
	vm14 =	vlt.s32 v14, v0  }
0x4f0: {  	vm0 =	vmand vm13, vm14  }
0x4f1: {  	v18 =	vsel vm0, $0x1, v3  }
0x4f2: {  	(xrf0) =	vadd.scan.msk.s32 $0xffff, v18  }
0x4f3: {  	s28 =	spop (v2sf)  }
0x4f4: {  	s8 =	sadd.s32 s8, s28  }
0x4f5: {  	v12 =	vmov s8  }
0x4f6: {  	v12 =	vadd.s32 $0xFFFFFFFF, v12  }
0x4f7: {  	v12 =	vbroadcast v12, $0x0  }
0x4f8: {  	v62, _, _ =	vpop (xrf0)  }
0x4f9: {  	v12 =	vadd.s32 v62, v12;
	(v2sf) =	vpush v62, $0xF  }
0x4fa: {  	vm15 =	vlt.s32 v12, $0x3200  }
0x4fb: {  	vm0 =	vmand vm0, vm15  }
0x4fc: {  	v63 =	vnsel vm0, $0x0, v12  }
0x4fd: {  	v12 =	vld [tilespmem:s1+$0x10];
	_ =	sdelay $0x1  }
0x4fe: {  	v4 =	vpsel p0, v4, v8;
	v6 =	vpsel p0, v6, v7;
	p1 =	sgt.s32 s9, $0x0  }
0x4ff: {  	v5 =	vpsel p0, v5, v9;
	v4 =	vpsel p1, v13, v4;
	v6 =	vpsel p1, v11, v6;
	p2 =	sgt.s32 s26, $0x0;
	s5 =	simm.s32 $0x30C40  }
0x500: {  	v5 =	vpsel p1, v10, v5;
	v4 =	vpsel p2, v17, v4;
	v7 =	vor.u32 s5, v2;
	[tilespmem:v63+s3+$0x0] =	vst.idx.msk vm0, v14  }
0x501: {  	v6 =	vpsel p2, v16, v6;
	v5 =	vpsel p2, v15, v5;
	p1 =	sgt.s32 s11, $0x0;
	v7 =	vmulhi.u32 $0x51EB851F, v7;
	s4 =	simm.s32 $0x14CE0;
	[tilespmem:v63+s6+$0x0] =	vst.idx.msk vm0, v12  }
0x502: {  	v4 =	vpsel p1, v21, v4;
	v6 =	vpsel p1, v20, v6;
	v5 =	vpsel p1, v19, v5;
	p3 =	sgt.s32 s16, $0x0;
	v8 =	vld [tilespmem:s4+$0xFFFFFFE0]  }
0x503: {  	v4 =	vpsel p3, v24, v4;
	v6 =	vpsel p3, v23, v6;
	v10 =	vshrl.u32 v7, $0x3;
	p4 =	sgt.s32 s14, $0x0  }
0x504: {  	v5 =	vpsel p3, v58, v5;
	v10 =	vand.u32 $0xFFFFC00, v10;
	v4 =	vpsel p4, v27, v4;
	p5 =	sgt.s32 s23, $0x0  }
0x505: {  	v6 =	vpsel p4, v26, v6;
	v5 =	vpsel p4, v59, v5;
	v4 =	vpsel p5, v30, v4;
	p6 =	sgt.s32 s28, $0x0  }
0x506: {  	v6 =	vpsel p5, v29, v6;
	v5 =	vpsel p5, v60, v5;
	v4 =	vpsel p6, v33, v4  }
0x507: {  	v6 =	vpsel p6, v32, v6;
	v9 =	vshll.u32 v8, $0xA;
	v8 =	vshll.u32 v8, $0x7;
	s31 =	spop (v2sf)  }
0x508: {  	s7 =	simm.s32 $0x30C80;
	v5 =	vpsel p6, v61, v5;
	p1 =	sgt.s32 s31, $0x0;
	s9 =	sadd.s32 s8, s31;
	v9 =	vand.u32 $0xFFFFE000, v9;
	v8 =	vand.u32 $0x380, v8  }
.LBB2_10:
0x509: {  	p0 =	sne.s32 s7, $0x31FC0  }
0x50a: {  	v7 =	vshrl.u32 v7, $0x6;
	v9 =	vadd.s32 v10, v9;
	v5 =	vpsel p1, v14, v5;
	s1 =	sadd.s32 $0x40, s1;
	s8 =	smov.u32 s7;
	s7 =	sadd.s32 $0x40, s7  }
0x50b: {  	v4 =	vpsel p1, v12, v4;
	v8 =	vor.u32 v8, v9;
	v7 =	vand.u32 $0x7F, v7  }
0x50c: {  	v6 =	vpsel p1, v18, v6;
	v7 =	vor.u32 v7, v8  }
0x50d: {  	vm0 =	vge.s32 v7, v1;
	vm1 =	vlt.s32 v7, v0  }
0x50e: {  	vm0 =	vmand vm0, vm1  }
0x50f: {  	v8 =	vsel vm0, $0x1, v3  }
0x510: {  	(xrf0) =	vadd.scan.msk.s32 $0xffff, v8;
	_ =	sdelay $0x2  }
0x511: {  	v9 =	vmov s9  }
0x512: {  	v9 =	vadd.s32 $0xFFFFFFFF, v9  }
0x513: {  	v9 =	vbroadcast v9, $0x0  }
0x514: {  	v10, _, _ =	vpop (xrf0)  }
0x515: {  	v9 =	vadd.s32 v10, v9;
	(v2sf) =	vpush v10, $0xF  }
0x516: {  	vm1 =	vlt.s32 v9, $0x3200  }
0x517: {  	vm0 =	vmand vm0, vm1  }
0x518: {  	v9 =	vnsel vm0, $0x0, v9  }
0x519: {  	v10 =	vld [tilespmem:s1+$0xFFFFFFE0];
	_ =	sdelay $0x3  }
0x51a: {  	[tilespmem:v9+s3+$0x0] =	vst.idx.msk vm0, v7  }
0x51b: {  	[tilespmem:v9+s6+$0x0] =	vst.idx.msk vm0, v10  }
0x51c: {  	v9 =	vld [tilespmem:s4+$0xFFFFFFF0]  }
0x51d: {  	s11 =	sadd.s32 $0x10, s5  }
0x51e: {  	v11 =	vor.u32 s11, v2  }
0x51f: {  	v11 =	vmulhi.u32 $0x51EB851F, v11;
	_ =	sdelay $0x1  }
0x520: {  	v13 =	vshrl.u32 v11, $0x3;
	v12 =	vshll.u32 v9, $0xA;
	v9 =	vshll.u32 v9, $0x7;
	s11 =	spop (v2sf)  }
0x521: {  	v11 =	vshrl.u32 v11, $0x6;
	v13 =	vand.u32 $0xFFFFC00, v13;
	p1 =	sgt.s32 s11, $0x0;
	s9 =	sadd.s32 s9, s11;
	v12 =	vand.u32 $0xFFFFE000, v12  }
0x522: {  	v9 =	vand.u32 $0x380, v9;
	v12 =	vadd.s32 v13, v12;
	v13 =	vmov s9  }
0x523: {  	v11 =	vand.u32 $0x7F, v11;
	v9 =	vor.u32 v9, v12;
	v12 =	vadd.s32 $0xFFFFFFFF, v13  }
0x524: {  	v4 =	vpsel p1, v10, v4;
	v6 =	vpsel p1, v8, v6;
	v8 =	vor.u32 v11, v9  }
0x525: {  	v5 =	vpsel p1, v7, v5;
	vm0 =	vge.s32 v8, v1;
	vm1 =	vlt.s32 v8, v0  }
0x526: {  	vm0 =	vmand vm0, vm1  }
0x527: {  	v7 =	vsel vm0, $0x1, v3  }
0x528: {  	(xrf0) =	vadd.scan.msk.s32 $0xffff, v7;
	_ =	sdelay $0x4  }
0x529: {  	v9 =	vbroadcast v12, $0x0  }
0x52a: {  	v10, _, _ =	vpop (xrf0)  }
0x52b: {  	v9 =	vadd.s32 v10, v9;
	(v2sf) =	vpush v10, $0xF  }
0x52c: {  	vm1 =	vlt.s32 v9, $0x3200  }
0x52d: {  	vm0 =	vmand vm0, vm1  }
0x52e: {  	v9 =	vnsel vm0, $0x0, v9  }
0x52f: {  	v10 =	vld [tilespmem:s1+$0xFFFFFFF0];
	_ =	sdelay $0x3  }
0x530: {  	[tilespmem:v9+s3+$0x0] =	vst.idx.msk vm0, v8  }
0x531: {  	[tilespmem:v9+s6+$0x0] =	vst.idx.msk vm0, v10  }
0x532: {  	v9 =	vld [tilespmem:s4+$0x0]  }
0x533: {  	s11 =	sadd.s32 $0x20, s5  }
0x534: {  	v11 =	vor.u32 s11, v2  }
0x535: {  	v11 =	vmulhi.u32 $0x51EB851F, v11;
	_ =	sdelay $0x1  }
0x536: {  	v13 =	vshrl.u32 v11, $0x3;
	v12 =	vshll.u32 v9, $0xA;
	v9 =	vshll.u32 v9, $0x7;
	s11 =	spop (v2sf)  }
0x537: {  	v11 =	vshrl.u32 v11, $0x6;
	v13 =	vand.u32 $0xFFFFC00, v13;
	p1 =	sgt.s32 s11, $0x0;
	s9 =	sadd.s32 s9, s11;
	v12 =	vand.u32 $0xFFFFE000, v12  }
0x538: {  	v9 =	vand.u32 $0x380, v9;
	v12 =	vadd.s32 v13, v12;
	v13 =	vmov s9  }
0x539: {  	v11 =	vand.u32 $0x7F, v11;
	v9 =	vor.u32 v9, v12;
	v12 =	vadd.s32 $0xFFFFFFFF, v13  }
0x53a: {  	v4 =	vpsel p1, v10, v4;
	v6 =	vpsel p1, v7, v6;
	v7 =	vor.u32 v11, v9  }
0x53b: {  	v5 =	vpsel p1, v8, v5;
	vm0 =	vge.s32 v7, v1;
	vm1 =	vlt.s32 v7, v0  }
0x53c: {  	vm0 =	vmand vm0, vm1  }
0x53d: {  	v8 =	vsel vm0, $0x1, v3  }
0x53e: {  	(xrf0) =	vadd.scan.msk.s32 $0xffff, v8;
	_ =	sdelay $0x4  }
0x53f: {  	v9 =	vbroadcast v12, $0x0  }
0x540: {  	v10, _, _ =	vpop (xrf0)  }
0x541: {  	v9 =	vadd.s32 v10, v9;
	(v2sf) =	vpush v10, $0xF  }
0x542: {  	vm1 =	vlt.s32 v9, $0x3200  }
0x543: {  	vm0 =	vmand vm0, vm1  }
0x544: {  	v9 =	vnsel vm0, $0x0, v9  }
0x545: {  	v10 =	vld [tilespmem:s1+$0x0];
	_ =	sdelay $0x3  }
0x546: {  	[tilespmem:v9+s3+$0x0] =	vst.idx.msk vm0, v7  }
0x547: {  	[tilespmem:v9+s6+$0x0] =	vst.idx.msk vm0, v10  }
0x548: {  	v9 =	vld [tilespmem:s4+$0x10]  }
0x549: {  	s11 =	sadd.s32 $0x30, s5;
	s5 =	smov.u32 s8;
	v12 =	vld [tilespmem:s1+$0x10]  }
0x54a: {  	v11 =	vor.u32 s11, v2  }
0x54b: {  	v11 =	vmulhi.u32 $0x51EB851F, v11;
	_ =	sdelay $0x1  }
0x54c: {  	v14 =	vshrl.u32 v11, $0x3;
	v13 =	vshll.u32 v9, $0xA;
	v9 =	vshll.u32 v9, $0x7;
	s8 =	spop (v2sf)  }
0x54d: {  	v11 =	vshrl.u32 v11, $0x6;
	v14 =	vand.u32 $0xFFFFC00, v14;
	p1 =	sgt.s32 s8, $0x0;
	s8 =	sadd.s32 s9, s8;
	v13 =	vand.u32 $0xFFFFE000, v13  }
0x54e: {  	v9 =	vand.u32 $0x380, v9;
	v13 =	vadd.s32 v14, v13;
	v14 =	vmov s8  }
0x54f: {  	v11 =	vand.u32 $0x7F, v11;
	v9 =	vor.u32 v9, v13;
	v13 =	vadd.s32 $0xFFFFFFFF, v14  }
0x550: {  	v4 =	vpsel p1, v10, v4;
	v6 =	vpsel p1, v8, v6;
	v14 =	vor.u32 v11, v9  }
0x551: {  	v5 =	vpsel p1, v7, v5;
	vm0 =	vge.s32 v14, v1;
	vm1 =	vlt.s32 v14, v0  }
0x552: {  	vm0 =	vmand vm0, vm1  }
0x553: {  	v18 =	vsel vm0, $0x1, v3  }
0x554: {  	(xrf0) =	vadd.scan.msk.s32 $0xffff, v18;
	_ =	sdelay $0x4  }
0x555: {  	v7 =	vbroadcast v13, $0x0  }
0x556: {  	v8, _, _ =	vpop (xrf0)  }
0x557: {  	v7 =	vadd.s32 v8, v7;
	(v2sf) =	vpush v8, $0xF  }
0x558: {  	vm1 =	vlt.s32 v7, $0x3200  }
0x559: {  	vm0 =	vmand vm0, vm1  }
0x55a: {  	v7 =	vnsel vm0, $0x0, v7;
	_ =	sdelay $0x4  }
0x55b: {  	[tilespmem:v7+s3+$0x0] =	vst.idx.msk vm0, v14  }
0x55c: {  	s4 =	sadd.s32 $0x40, s4;
	[tilespmem:v7+s6+$0x0] =	vst.idx.msk vm0, v12  }
0x55d: {  	v8 =	vld [tilespmem:s4+$0xFFFFFFE0];
	_ =	sdelay $0x1  }
.Ltmp6:
0x55e: {  	v7 =	vor.u32 s5, v2;
	(pc) =	sbr.rel @p0 .LBB2_10-.Ltmp6, $3  }
0x55f: {  	v7 =	vmulhi.u32 $0x51EB851F, v7;
	_ =	sdelay $0x1  }
0x560: {  	v10 =	vshrl.u32 v7, $0x3;
	v9 =	vshll.u32 v8, $0xA;
	v8 =	vshll.u32 v8, $0x7;
	s9 =	spop (v2sf)  }
0x561: {  	v10 =	vand.u32 $0xFFFFC00, v10;
	v9 =	vand.u32 $0xFFFFE000, v9;
	v8 =	vand.u32 $0x380, v8;
	p1 =	sgt.s32 s9, $0x0;
	s9 =	sadd.s32 s8, s9  }
0x562: {  	v7 =	vshrl.u32 v7, $0x6;
	v9 =	vadd.s32 v10, v9  }
0x563: {  	v8 =	vor.u32 v8, v9;
	v7 =	vand.u32 $0x7F, v7  }
0x564: {  	v7 =	vor.u32 v7, v8  }
0x565: {  	vm0 =	vge.s32 v7, v1;
	vm1 =	vlt.s32 v7, v0  }
0x566: {  	vm0 =	vmand vm0, vm1  }
0x567: {  	v34 =	vsel vm0, $0x1, v3  }
0x568: {  	(xrf0) =	vadd.scan.msk.s32 $0xffff, v34;
	_ =	sdelay $0x2  }
0x569: {  	v35 =	vmov s9  }
0x56a: {  	v8 =	vadd.s32 $0xFFFFFFFF, v35  }
0x56b: {  	v8 =	vbroadcast v8, $0x0  }
0x56c: {  	v36, _, _ =	vpop (xrf0)  }
0x56d: {  	v8 =	vadd.s32 v36, v8  }
0x56e: {  	vm10 =	vlt.s32 v8, $0x3200  }
0x56f: {  	vm0 =	vmand vm0, vm10  }
0x570: {  	s1 =	sadd.s32 $0x40, s1;
	v11 =	vnsel vm0, $0x0, v8  }
0x571: {  	v37 =	vld [tilespmem:s1+$0xFFFFFFE0];
	_ =	sdelay $0x3  }
0x572: {  	[tilespmem:v11+s3+$0x0] =	vst.idx.msk vm0, v7  }
0x573: {  	(v2sf) =	vpush v36, $0xF;
	[tilespmem:v11+s6+$0x0] =	vst.idx.msk vm0, v37  }
0x574: {  	v38 =	vld [tilespmem:s4+$0xFFFFFFF0]  }
0x575: {  	s7 =	sadd.s32 $0x10, s5  }
0x576: {  	v39 =	vor.u32 s7, v2  }
0x577: {  	v11 =	vmulhi.u32 $0x51EB851F, v39;
	_ =	sdelay $0x1  }
0x578: {  	v15 =	vshrl.u32 v11, $0x3;
	v13 =	vshll.u32 v38, $0xA  }
0x579: {  	v15 =	vand.u32 $0xFFFFC00, v15;
	v10 =	vshll.u32 v38, $0x7;
	v13 =	vand.u32 $0xFFFFE000, v13  }
0x57a: {  	v11 =	vshrl.u32 v11, $0x6;
	v10 =	vand.u32 $0x380, v10;
	v13 =	vadd.s32 v15, v13  }
0x57b: {  	v11 =	vand.u32 $0x7F, v11;
	v10 =	vor.u32 v10, v13  }
0x57c: {  	v10 =	vor.u32 v11, v10  }
0x57d: {  	vm11 =	vge.s32 v10, v1;
	vm12 =	vlt.s32 v10, v0  }
0x57e: {  	vm0 =	vmand vm11, vm12  }
0x57f: {  	v40 =	vsel vm0, $0x1, v3  }
0x580: {  	(xrf0) =	vadd.scan.msk.s32 $0xffff, v40  }
0x581: {  	s15 =	spop (v2sf)  }
0x582: {  	s8 =	sadd.s32 s9, s15  }
0x583: {  	v41 =	vmov s8  }
0x584: {  	v13 =	vadd.s32 $0xFFFFFFFF, v41  }
0x585: {  	v13 =	vbroadcast v13, $0x0  }
0x586: {  	v42, _, _ =	vpop (xrf0)  }
0x587: {  	v13 =	vadd.s32 v42, v13  }
0x588: {  	vm13 =	vlt.s32 v13, $0x3200  }
0x589: {  	vm0 =	vmand vm0, vm13  }
0x58a: {  	v13 =	vnsel vm0, $0x0, v13  }
0x58b: {  	v16 =	vld [tilespmem:s1+$0xFFFFFFF0];
	_ =	sdelay $0x3  }
0x58c: {  	[tilespmem:v13+s3+$0x0] =	vst.idx.msk vm0, v10  }
0x58d: {  	(v2sf) =	vpush v42, $0xF;
	[tilespmem:v13+s6+$0x0] =	vst.idx.msk vm0, v16  }
0x58e: {  	v13 =	vld [tilespmem:s4+$0x0]  }
0x58f: {  	s16 =	sadd.s32 $0x20, s5  }
0x590: {  	v43 =	vor.u32 s16, v2  }
0x591: {  	v15 =	vmulhi.u32 $0x51EB851F, v43;
	_ =	sdelay $0x1  }
0x592: {  	v19 =	vshrl.u32 v15, $0x3;
	v17 =	vshll.u32 v13, $0xA  }
0x593: {  	v19 =	vand.u32 $0xFFFFC00, v19;
	v13 =	vshll.u32 v13, $0x7;
	v17 =	vand.u32 $0xFFFFE000, v17  }
0x594: {  	v15 =	vshrl.u32 v15, $0x6;
	v13 =	vand.u32 $0x380, v13;
	v17 =	vadd.s32 v19, v17  }
0x595: {  	v15 =	vand.u32 $0x7F, v15;
	v13 =	vor.u32 v13, v17  }
0x596: {  	v13 =	vor.u32 v15, v13  }
0x597: {  	vm14 =	vge.s32 v13, v1;
	vm15 =	vlt.s32 v13, v0  }
0x598: {  	vm0 =	vmand vm14, vm15  }
0x599: {  	v44 =	vsel vm0, $0x1, v3  }
0x59a: {  	(xrf0) =	vadd.scan.msk.s32 $0xffff, v44  }
0x59b: {  	s17 =	spop (v2sf)  }
0x59c: {  	s8 =	sadd.s32 s8, s17  }
0x59d: {  	v45 =	vmov s8  }
0x59e: {  	v17 =	vadd.s32 $0xFFFFFFFF, v45  }
0x59f: {  	v17 =	vbroadcast v17, $0x0  }
0x5a0: {  	v46, _, _ =	vpop (xrf0)  }
0x5a1: {  	v17 =	vadd.s32 v46, v17  }
0x5a2: {  	vm4 =	vlt.s32 v17, $0x3200  }
0x5a3: {  	vm0 =	vmand vm0, vm4  }
0x5a4: {  	v17 =	vnsel vm0, $0x0, v17  }
0x5a5: {  	v20 =	vld [tilespmem:s1+$0x0];
	_ =	sdelay $0x3  }
0x5a6: {  	[tilespmem:v17+s3+$0x0] =	vst.idx.msk vm0, v13  }
0x5a7: {  	[tilespmem:v17+s6+$0x0] =	vst.idx.msk vm0, v20  }
0x5a8: {  	v17 =	vld [tilespmem:s4+$0x10]  }
0x5a9: {  	s23 =	sadd.s32 $0x30, s5  }
0x5aa: {  	v21 =	vor.u32 s23, v2  }
0x5ab: {  	v21 =	vmulhi.u32 $0x51EB851F, v21;
	_ =	sdelay $0x1  }
0x5ac: {  	v22 =	vshrl.u32 v21, $0x3;
	(v2sf) =	vpush v46, $0xF;
	v47 =	vshll.u32 v17, $0xA  }
0x5ad: {  	v22 =	vand.u32 $0xFFFFC00, v22;
	v17 =	vshll.u32 v17, $0x7;
	v19 =	vand.u32 $0xFFFFE000, v47  }
0x5ae: {  	v21 =	vshrl.u32 v21, $0x6;
	v17 =	vand.u32 $0x380, v17;
	v19 =	vadd.s32 v22, v19  }
0x5af: {  	v48 =	vand.u32 $0x7F, v21;
	v17 =	vor.u32 v17, v19  }
0x5b0: {  	v17 =	vor.u32 v48, v17  }
0x5b1: {  	vm5 =	vge.s32 v17, v1;
	vm6 =	vlt.s32 v17, v0  }
0x5b2: {  	vm0 =	vmand vm5, vm6  }
0x5b3: {  	v49 =	vsel vm0, $0x1, v3  }
0x5b4: {  	(xrf0) =	vadd.scan.msk.s32 $0xffff, v49;
	_ =	sdelay $0x5  }
0x5b5: {  	v50, _, _ =	vpop (xrf0)  }
0x5b6: {  	s24 =	spop (v2sf);
	(v2sf) =	vpush v50, $0xF  }
0x5b7: {  	s26 =	sadd.s32 s8, s24  }
0x5b8: {  	v51 =	vmov s26  }
0x5b9: {  	v22 =	vadd.s32 $0xFFFFFFFF, v51  }
0x5ba: {  	v22 =	vbroadcast v22, $0x0;
	_ =	sdelay $0x1  }
0x5bb: {  	v21 =	vadd.s32 v50, v22  }
0x5bc: {  	vm7 =	vlt.s32 v21, $0x3200  }
0x5bd: {  	vm0 =	vmand vm0, vm7  }
0x5be: {  	v21 =	vnsel vm0, $0x0, v21  }
0x5bf: {  	v52 =	vld [tilespmem:s1+$0x10];
	_ =	sdelay $0x3  }
0x5c0: {  	[tilespmem:v21+s3+$0x0] =	vst.idx.msk vm0, v17  }
0x5c1: {  	s0 =	simm.s32 $0x6;
	[tilespmem:v21+s6+$0x0] =	vst.idx.msk vm0, v52;
	s28 =	spop (v2sf)  }
0x5c2: {  	_ =	swait.ge [sflag:s0], $0x7D0  }
0x5c3: {  	[sflag:s0] =	ssyncset.done $0x0  }
0x5c4: {  	s31 =	simm.s32 $0x7;
	[sflag:s0] =	ssyncadd.s32 $0xFFFFF830  }
0x5c5: {  	_ =	swait.ge [sflag:s31], $0x7D0  }
0x5c6: {  	[sflag:s31] =	ssyncset.done $0x0  }
0x5c7: {  	s8 =	simm.s32 $0x8;
	[sflag:s31] =	ssyncadd.s32 $0xFFFFF830  }
0x5c8: {  	_ =	swait.ge [sflag:s8], $0x7D0  }
0x5c9: {  	[sflag:s8] =	ssyncset.done $0x0  }
0x5ca: {  	v6 =	vpsel p1, v18, v6;
	p4 =	sgt.s32 s15, $0x0;
	s9 =	simm.s32 $0x9;
	[sflag:s8] =	ssyncadd.s32 $0xFFFFF830  }
0x5cb: {  	v6 =	vpsel p4, v34, v6;
	p2 =	sgt.s32 s17, $0x0;
	_ =	swait.ge [sflag:s9], $0x7D0  }
0x5cc: {  	v6 =	vpsel p2, v40, v6;
	p3 =	sgt.s32 s24, $0x0;
	[sflag:s9] =	ssyncset.done $0x0  }
0x5cd: {  	s11 =	simm.s32 $0xA;
	v6 =	vpsel p3, v44, v6;
	p0 =	sgt.s32 s28, $0x0;
	[sflag:s9] =	ssyncadd.s32 $0xFFFFF830  }
0x5ce: {  	v6 =	vpsel p0, v49, v6;
	_ =	swait.ge [sflag:s11], $0x7D0  }
0x5cf: {  	(xrf0) =	vadd.scan.msk.s32 $0xffff, v6;
	_ =	sdelay $0x5  }
0x5d0: {  	v4 =	vpsel p1, v12, v4;
	v53, _, _ =	vpop (xrf0)  }
0x5d1: {  	v4 =	vpsel p4, v37, v4;
	s1 =	sadd.s32 s26, s28;
	v54 =	vbroadcast v53, $0xF  }
0x5d2: {  	v5 =	vpsel p1, v14, v5;
	v4 =	vpsel p2, v16, v4;
	p1 =	slt.s32 s1, $0x3200;
	s4 =	smov.u32 s1  }
0x5d3: {  	v4 =	vpsel p3, v20, v4;
	s4 =	simm.s32 @!p1 $0x3200;
	vm8 =	vgt.s32 v6, $0x0;
	vm9 =	veq.s32 v53, v54  }
0x5d4: {  	v5 =	vpsel p4, v7, v5;
	v4 =	vpsel p0, v52, v4;
	s12 =	sadd.s32 $0x7F, s4;
	vm0 =	vmand vm8, vm9  }
0x5d5: {  	v5 =	vpsel p2, v10, v5;
	s13 =	sand.u32 $0x7F, s12;
	v4 =	vnsel vm0, $0x0, v4  }
0x5d6: {  	v5 =	vpsel p3, v13, v5;
	p4 =	slt.s32 s1, $0xFFFFFF82;
	s14 =	sshra.s32 s12, $0x1F;
	p5 =	sne.s32 s13, $0x0;
	(xrf2) =	vadd.scan.msk.f32 $0xffff, v4  }
0x5d7: {  	s15 =	sshrl.u32 s14, $0x19;
	p6 =	por !p4, !p5;
	v4 =	vpsel p0, v17, v5  }
0x5d8: {  	s5 =	simm.s32 $0x1;
	s1 =	sadd.s32 s15, s12;
	p0 =	por !p6, !p6;
	v4 =	vnsel vm0, $0x0, v4  }
0x5d9: {  	s1 =	sshra.s32 s1, $0x7;
	s5 =	simm.s32 @!p0 $0x0;
	(xrf0) =	vadd.scan.msk.s32 $0xffff, v4  }
0x5da: {  	s1 =	ssub.s32 s1, s5  }
0x5db: {  	v4 =	vadd.s32 s4, v2;
	s16 =	sshll.u32 s1, $0x7  }
0x5dc: {  	s17 =	sadd.s32 $0x10, s4;
	vm10 =	vlt.s32 v4, s16  }
0x5dd: {  	v5 =	vadd.s32 s17, v2;
	v4 =	vnsel vm10, $0x0, v4  }
0x5de: {  	s23 =	sadd.s32 $0x20, s4;
	vm11 =	vlt.s32 v5, s16  }
0x5df: {  	v56 =	vadd.s32 s23, v2;
	v5 =	vnsel vm11, $0x0, v5;
	v55, _, _ =	vpop (xrf0)  }
0x5e0: {  	s24 =	sadd.s32 $0x30, s4;
	[sflag:s11] =	ssyncset.done $0x0;
	vm2 =	vlt.s32 v56, s16;
	v6 =	vbroadcast v55, $0xF;
	v57, _, _ =	vpop (xrf2)  }
0x5e1: {  	v58 =	vadd.s32 s24, v2;
	[sflag:s11] =	ssyncadd.s32 $0xFFFFF830;
	s5 =	simm.s32 $0x18880;
	v7 =	vnsel vm2, $0x0, v56;
	v8 =	vbroadcast v57, $0xF  }
0x5e2: {  	s7 =	simm.s32 $0x1BC80;
	s26 =	sadd.s32 $0x40, s4;
	vm3 =	vlt.s32 v58, s16;
	[tilespmem:v4+s5+$0x0] =	vst.idx.msk vm10, v6  }
0x5e3: {  	v59 =	vadd.s32 s26, v2;
	[tilespmem:v4+s7+$0x0] =	vst.idx.msk vm10, v8;
	v4 =	vnsel vm3, $0x0, v58  }
0x5e4: {  	s28 =	sadd.s32 $0x50, s4;
	vm12 =	vlt.s32 v59, s16;
	[tilespmem:v5+s5+$0x0] =	vst.idx.msk vm11, v6  }
0x5e5: {  	v60 =	vadd.s32 s28, v2;
	[tilespmem:v5+s7+$0x0] =	vst.idx.msk vm11, v8;
	v5 =	vnsel vm12, $0x0, v59  }
0x5e6: {  	s31 =	sadd.s32 $0x60, s4;
	vm13 =	vlt.s32 v60, s16;
	[tilespmem:v7+s5+$0x0] =	vst.idx.msk vm2, v6  }
0x5e7: {  	v62 =	vadd.s32 s31, v2;
	v61 =	vnsel vm13, $0x0, v60;
	[tilespmem:v7+s7+$0x0] =	vst.idx.msk vm2, v8  }
0x5e8: {  	s4 =	sadd.s32 $0x70, s4;
	vm14 =	vlt.s32 v62, s16;
	[tilespmem:v4+s5+$0x0] =	vst.idx.msk vm3, v6  }
0x5e9: {  	v63 =	vadd.s32 s4, v2;
	[tilespmem:v4+s7+$0x0] =	vst.idx.msk vm3, v8;
	v4 =	vnsel vm14, $0x0, v62  }
0x5ea: {  	vm15 =	vlt.s32 v63, s16;
	[tilespmem:v5+s5+$0x0] =	vst.idx.msk vm12, v6  }
0x5eb: {  	[tilespmem:v5+s7+$0x0] =	vst.idx.msk vm12, v8;
	v5 =	vnsel vm15, $0x0, v63  }
0x5ec: {  	p0 =	slt.s32 s1, $0x1;
	[tilespmem:v61+s5+$0x0] =	vst.idx.msk vm13, v6  }
.Ltmp7:
0x5ed: {  	[tilespmem:v61+s7+$0x0] =	vst.idx.msk vm13, v8;
	(pc) =	sbr.rel @p0 .LBB2_17-.Ltmp7, $4  }
0x5ee: {  	[tilespmem:v4+s5+$0x0] =	vst.idx.msk vm14, v6  }
0x5ef: {  	[tilespmem:v4+s7+$0x0] =	vst.idx.msk vm14, v8  }
0x5f0: {  	[tilespmem:v5+s5+$0x0] =	vst.idx.msk vm15, v6  }
0x5f1: {  	s4 =	sld [smem:$0x7EF];
	[tilespmem:v5+s7+$0x0] =	vst.idx.msk vm15, v8  }
0x5f2: {  	p0 =	sne.s32 s1, $0x1  }
.Ltmp8:
0x5f3: {  	_ = 	snop;
	(pc) =	sbr.rel @!p0 .LBB2_14-.Ltmp8, $3  }
0x5f4: {  	_ =	sdelay $0x1  }
0x5f5: {  	[hbm4b:s2+s20] =	stream.indirect.scatter [tilespmem:s7], [sflag:$0xF], $0x1, s5, s20, $0xb8;
	[tilespmem:$0x1F080] =	vst v63  }
0x5f6: {  	s4 =	sadd.s32 $0xFFFFFFFF, s1  }
.LBB2_13:
0x5f7: {  	p0 =	sne.s32 s4, $0x1  }
.Ltmp9:
0x5f8: {  	_ = 	snop;
	(pc) =	sbr.rel @p0 .LBB2_13-.Ltmp9, $4  }
0x5f9: {  	_ = 	snop  }
0x5fa: {  	s7 =	sadd.s32 $0x80, s7;
	s5 =	sadd.s32 $0x80, s5  }
0x5fb: {  	s4 =	sadd.s32 $0xFFFFFFFF, s4  }
0x5fc: {  	[hbm4b:s2+s20] =	stream.indirect.scatter [tilespmem:s7], [sflag:$0xF], $0x1, s5, s20, $0xb8;
	[tilespmem:$0x1F080] =	vst v63  }
.LBB2_14:
0x5fd: {  	p0 =	sne.s32 s1, $0x1  }
.Ltmp10:
0x5fe: {  	_ = 	snop;
	(pc) =	sbr.rel @!p0 .LBB2_16-.Ltmp10, $3  }
0x5ff: {  	_ =	sdelay $0x1  }
0x600: {  	_ =	swait.ge [sflag:s10], $0x80  }
0x601: {  	s1 =	sadd.s32 $0xFFFFFFFF, s1;
	[sflag:s10] =	ssyncset.done $0x0  }
.LBB2_15:
0x602: {  	p0 =	sne.s32 s1, $0x1;
	s1 =	sadd.s32 $0xFFFFFFFF, s1;
	[sflag:s10] =	ssyncadd.s32 $0xFFFFFF80  }
.Ltmp11:
0x603: {  	(pc) =	sbr.rel @p0 .LBB2_15-.Ltmp11, $3  }
0x604: {  	_ =	sdelay $0x1  }
0x605: {  	_ =	swait.ge [sflag:s10], $0x80  }
0x606: {  	[sflag:s10] =	ssyncset.done $0x0  }
.Ltmp12:
0x607: {  	_ = 	snop;
	(pc) =	sbr.rel .LBB2_16-.Ltmp12, $1  }
0x608: {  	_ =	sdelay $0x3  }
.LBB2_18:
0x609: {  	_ =	sfence.sel $0x180000  }
0x60a: {  	[bflag:$0x0] =	sbarrier.arrive $0xFFFF  }
0x60b: {  	_ =	strace $0x90000047  }
0x60c: {  	s0 =	stileid.u32;
	[bflag:$0x2] =	sbarrier.arrive $0xFFFF  }
0x60d: {  	p0 =	sne.s32 s0, $0x0;
	s0 =	rddreg [dreg:$0x8]  }
0x60e: {  	s0 =	sadd.s32 @!p0 $0x100000, s0  }
0x60f: {  	[sflag:s0] =	ssyncadd.tile.s32 @!p0 $0x1;
	_ =	shalt  }
.Lfunc_end2:
_tile_overlayer_lowered:
.L_overlay_start_2:
0x610: {  	(tag) =	ssettag $0x2  }
0x611: {  	s0 =	rddreg [dreg:$0x0];
	s2 =	stileid.u32  }
0x612: {  	s1 =	rddreg [dreg:$0x1];
	p0 =	sne.s32 s2, $0x0  }
0x613: {  	s3 =	rddreg [dreg:$0x2];
	[bflag:$0x3] =	sbarrier.arrive $0xFFFF;
	s2 =	simm.s32 @!p0 $0x1C10  }
0x614: {  	[timem:s3], [sflag:s2] =	dma.local @!p0 [hbm:s0], s1  }
0x615: {  	s0 =	simm.s32 @!p0 $0x10  }
0x616: {  	_ =	swait.ge @!p0 [sflag:s0], s1  }
0x617: {  	s1 =	ssub.s32 @!p0 $0x0, s1;
	[sflag:s0] =	ssyncset.done @!p0 $0x0  }
0x618: {  	[sflag:s0] =	ssyncadd.s32 @!p0 s1  }
0x619: {  	[bflag:$0x3] =	sbarrier.arrive $0xFFFF  }
0x61a: {  	_ =	shalt  }

</sc_bundles>
